<compile_context>
chip_gen: v7x
topology: tpu7x:2x2x1
jax: 0.10.2.dev20260603
libtpu: 0.0.44.dev20260713+nightly
codegen_flags: <defaults>
</compile_context>

<pallas_src>
import functools

import jax
import jax.numpy as jnp
from jax import lax
from jax.experimental import pallas as pl
from jax.experimental.pallas import tpu as pltpu
from jax.experimental.pallas import tpu_sc as plsc

N_ATOMS = 10000
K_NBR = 16
H_A = 64
H_P = 2 * H_A
H_B = 101
H_BP = 128
N_LAYERS = 3
BATCH = 2
N_CLASSES = 5
STEP = 0.1
INV_STEP2 = 1.0 / (STEP * STEP)

ROWS = BATCH * N_ATOMS
EDGES = ROWS * K_NBR

BN = 400
NBN = N_ATOMS // BN

N_WORKERS = 32
PER_W = EDGES // N_WORKERS
CHUNK = 80
N_STEPS = PER_W // CHUNK


def _h0_body(emb_ref, w_ref, h_ref):
    h = jnp.dot(emb_ref[...], w_ref[...], preferred_element_type=jnp.float32)
    h_ref[...] = jnp.concatenate([h, h], axis=1)


def _make_h0(interpret=False):
    return pl.pallas_call(
        _h0_body,
        grid=(NBN,),
        in_specs=[
            pl.BlockSpec((BN, H_A), lambda i: (i, 0)),
            pl.BlockSpec((H_A, H_A), lambda i: (0, 0)),
        ],
        out_specs=pl.BlockSpec((BN, H_P), lambda i: (i, 0)),
        out_shape=jax.ShapeDtypeStruct((N_ATOMS, H_P), jnp.float32),
        interpret=interpret,
    )


N_PAIRS = N_STEPS // 2
TAIL_C = N_STEPS - 1


def _sc_gather_body(table_ref, idx_ref, out_ref, idx_a, idx_b, rows_a, rows_b,
                    si_a, si_b, sg_a, sg_b, so_a, so_b):
    wid = lax.axis_index("s") * 2 + lax.axis_index("c")
    base = wid * PER_W

    def idx_sl(c):
        return idx_ref.at[pl.ds(pl.multiple_of(base + c * CHUNK, 8), CHUNK)]

    def out_sl(c):
        return out_ref.at[pl.ds(pl.multiple_of(base + c * CHUNK, 8), CHUNK)]

    pltpu.async_copy(idx_sl(0), idx_a, si_a)
    pltpu.async_copy(idx_sl(1), idx_b, si_b)

    def pair(j, carry):
        c0 = 2 * j
        c1 = c0 + 1

        @pl.when(j > 0)
        def _wait_prev_out():
            pltpu.make_async_copy(rows_a, out_sl(c0), so_a).wait()
            pltpu.make_async_copy(rows_b, out_sl(c1), so_b).wait()

        pltpu.make_async_copy(idx_sl(c0), idx_a, si_a).wait()
        ga = pltpu.async_copy(table_ref.at[idx_a], rows_a, sg_a)
        pltpu.make_async_copy(idx_sl(c1), idx_b, si_b).wait()
        gb = pltpu.async_copy(table_ref.at[idx_b], rows_b, sg_b)
        ga.wait()
        pltpu.async_copy(rows_a, out_sl(c0), so_a)
        gb.wait()
        pltpu.async_copy(rows_b, out_sl(c1), so_b)

        @pl.when(j < N_PAIRS - 1)
        def _prefetch():
            pltpu.async_copy(idx_sl(c0 + 2), idx_a, si_a)
            pltpu.async_copy(idx_sl(c1 + 2), idx_b, si_b)

        @pl.when(j == N_PAIRS - 1)
        def _prefetch_tail():
            pltpu.async_copy(idx_sl(TAIL_C), idx_a, si_a)

        return carry

    lax.fori_loop(0, N_PAIRS, pair, 0)

    pltpu.make_async_copy(rows_a, out_sl(TAIL_C), so_a).wait()
    pltpu.make_async_copy(idx_sl(TAIL_C), idx_a, si_a).wait()
    pltpu.async_copy(table_ref.at[idx_a], rows_a, sg_a).wait()
    pltpu.async_copy(rows_a, out_sl(TAIL_C), so_a)
    pltpu.make_async_copy(rows_a, out_sl(TAIL_C), so_a).wait()
    pltpu.make_async_copy(rows_b, out_sl(TAIL_C - 1), so_b).wait()


def _make_sc_gather():
    mesh = plsc.VectorSubcoreMesh(core_axis_name="c", subcore_axis_name="s",
                                  num_cores=2, num_subcores=16)
    return pl.kernel(
        _sc_gather_body,
        out_type=jax.ShapeDtypeStruct((EDGES, H_P), jnp.float32),
        mesh=mesh,
        scratch_types=[
            pltpu.VMEM((CHUNK,), jnp.int32),
            pltpu.VMEM((CHUNK,), jnp.int32),
            pltpu.VMEM((CHUNK, H_P), jnp.float32),
            pltpu.VMEM((CHUNK, H_P), jnp.float32),
            pltpu.SemaphoreType.DMA,
            pltpu.SemaphoreType.DMA,
            pltpu.SemaphoreType.DMA,
            pltpu.SemaphoreType.DMA,
            pltpu.SemaphoreType.DMA,
            pltpu.SemaphoreType.DMA,
        ],
    )


def _fnet_body(d0_ref, d1_ref, wf1, bf1, wf2, bf2, f_ref):
    filt = STEP * lax.broadcasted_iota(jnp.int32, (1, H_BP), 1).astype(
        jnp.float32)
    d_parts = []
    for b, dist_ref in ((0, d0_ref), (1, d1_ref)):
        for k in range(K_NBR):
            d_parts.append(dist_ref[:, k:k + 1])
    d_all = jnp.concatenate(d_parts, axis=0)
    g = jnp.exp(-((d_all - filt) ** 2) * INV_STEP2)
    t1 = jnp.tanh(jnp.dot(g.astype(jnp.bfloat16), wf1[...],
                          preferred_element_type=jnp.float32) + bf1[...])
    f = jnp.dot(t1.astype(jnp.bfloat16), wf2[...],
                preferred_element_type=jnp.float32) + bf2[...]
    fb = f.astype(jnp.bfloat16)
    for b in range(2):
        for k in range(K_NBR):
            j = b * K_NBR + k
            f_ref[2 * k + b] = fb[j * BN:(j + 1) * BN]


def _make_fnet(interpret=False):
    full = lambda r, c: pl.BlockSpec((r, c), lambda i: (0, 0))
    return pl.pallas_call(
        _fnet_body,
        grid=(NBN,),
        in_specs=[
            pl.BlockSpec((BN, K_NBR), lambda i: (i, 0)),
            pl.BlockSpec((BN, K_NBR), lambda i: (i + NBN, 0)),
            full(H_BP, H_A),
            full(1, H_A),
            full(H_A, H_A),
            full(1, H_A),
        ],
        out_specs=pl.BlockSpec((2 * K_NBR, BN, H_A), lambda i: (0, i, 0)),
        out_shape=jax.ShapeDtypeStruct((2 * K_NBR, N_ATOMS, H_A),
                                       jnp.bfloat16),
        interpret=interpret,
    )


def _combine_body(layer0, has_next, *refs):
    if has_next:
        (nf_ref, f_ref, x_ref, wat,
         wo1, bo1, wo2, bo2, wnext, xo_ref, ho_ref) = refs
    else:
        (nf_ref, f_ref, x_ref, wat,
         wo1, bo1, wo2, bo2, xo_ref) = refs

    cf_parts = []
    for b in range(2):
        for k in range(K_NBR):
            nf_p = nf_ref[2 * k + b, :, H_A * b:H_A * (b + 1)]
            f_p = f_ref[2 * k + b].astype(jnp.float32)
            cf_parts.append(nf_p * f_p)
    cf = jnp.concatenate(cf_parts, axis=0)
    s = jnp.sum(cf * wat[...], axis=1, keepdims=True)

    aggs = []
    for b in range(2):
        sb = jnp.concatenate(
            [s[(b * K_NBR + k) * BN:(b * K_NBR + k + 1) * BN]
             for k in range(K_NBR)], axis=1)
        mx = jnp.max(sb, axis=1, keepdims=True)
        e = jnp.exp(sb - mx)
        attn = e / jnp.sum(e, axis=1, keepdims=True)
        agg = jnp.zeros((BN, H_A), dtype=jnp.float32)
        for k in range(K_NBR):
            j = b * K_NBR + k
            agg += attn[:, k:k + 1] * cf[j * BN:(j + 1) * BN]
        aggs.append(agg)
    agg2 = jnp.concatenate(aggs, axis=0)

    t2 = jnp.tanh(jnp.dot(agg2, wo1[...],
                          preferred_element_type=jnp.float32) + bo1[...])
    out = jnp.dot(t2, wo2[...],
                  preferred_element_type=jnp.float32) + bo2[...]
    if layer0:
        xv = x_ref[...]
        x2 = jnp.concatenate([xv, xv], axis=0)
    else:
        x2 = jnp.concatenate([x_ref[:, :H_A], x_ref[:, H_A:]], axis=0)
    xn = x2 + out
    xo_ref[...] = jnp.concatenate([xn[:BN], xn[BN:]], axis=1)
    if has_next:
        hn = jnp.dot(xn, wnext[...], preferred_element_type=jnp.float32)
        ho_ref[...] = jnp.concatenate([hn[:BN], hn[BN:]], axis=1)


def _make_combine(layer0, has_next, interpret=False):
    if layer0:
        x_spec = pl.BlockSpec((BN, H_A), lambda i: (i, 0))
    else:
        x_spec = pl.BlockSpec((BN, H_P), lambda i: (i, 0))
    full = lambda r, c: pl.BlockSpec((r, c), lambda i: (0, 0))
    in_specs = [
        pl.BlockSpec((2 * K_NBR, BN, H_P), lambda i: (0, i, 0)),
        pl.BlockSpec((2 * K_NBR, BN, H_A), lambda i: (0, i, 0)),
        x_spec,
        full(1, H_A),
        full(H_A, H_A),
        full(1, H_A),
        full(H_A, H_A),
        full(1, H_A),
    ]
    out_shapes = [jax.ShapeDtypeStruct((N_ATOMS, H_P), jnp.float32)]
    out_specs = [pl.BlockSpec((BN, H_P), lambda i: (i, 0))]
    if has_next:
        in_specs.append(full(H_A, H_A))
        out_shapes.append(jax.ShapeDtypeStruct((N_ATOMS, H_P), jnp.float32))
        out_specs.append(pl.BlockSpec((BN, H_P), lambda i: (i, 0)))
    return pl.pallas_call(
        functools.partial(_combine_body, layer0, has_next),
        grid=(NBN,),
        in_specs=in_specs,
        out_specs=out_specs,
        out_shape=out_shapes,
        interpret=interpret,
    )


def _head_body(x_ref, wa, ba, wc, bc, out_ref, acc_ref):
    i = pl.program_id(0)

    @pl.when(i == 0)
    def _init():
        acc_ref[...] = jnp.zeros_like(acc_ref)

    acc_ref[...] += jnp.sum(x_ref[...], axis=0, keepdims=True)

    @pl.when(i == NBN - 1)
    def _fin():
        accv = acc_ref[...] * (1.0 / N_ATOMS)
        pooled = jnp.concatenate([accv[:, :H_A], accv[:, H_A:]], axis=0)
        emb = jnp.dot(pooled, wa[...],
                      preferred_element_type=jnp.float32) + ba[...]
        logits = jnp.dot(emb, wc[...],
                         preferred_element_type=jnp.float32) + bc[...]
        mx = jnp.max(logits, axis=1, keepdims=True)
        e = jnp.exp(logits - mx)
        out_ref[...] = e / jnp.sum(e, axis=1, keepdims=True)


def _make_head(interpret=False):
    full = lambda r, c: pl.BlockSpec((r, c), lambda i: (0, 0))
    return pl.pallas_call(
        _head_body,
        grid=(NBN,),
        in_specs=[
            pl.BlockSpec((BN, H_P), lambda i: (i, 0)),
            full(H_A, 32),
            full(1, 32),
            full(32, N_CLASSES),
            full(1, N_CLASSES),
        ],
        out_specs=full(BATCH, N_CLASSES),
        out_shape=jax.ShapeDtypeStruct((BATCH, N_CLASSES), jnp.float32),
        scratch_shapes=[pltpu.VMEM((1, H_P), jnp.float32)],
        interpret=interpret,
    )


def kernel(data, atom_embeddings, conv_params, W_amino, b_amino, W_cls, b_cls):
    dist = data[:, :, :K_NBR].reshape(ROWS, K_NBR)
    idx = data[:, :, K_NBR:].astype(jnp.int32).transpose(2, 0, 1).reshape(
        EDGES)

    h = _make_h0()(atom_embeddings, conv_params[0]['W_init'])
    sc_gather = _make_sc_gather()

    fnet = _make_fnet()
    x = atom_embeddings
    for l in range(N_LAYERS):
        p = conv_params[l]
        wf1p = jnp.concatenate(
            [p['W_f1'], jnp.zeros((H_BP - H_B, H_A), jnp.float32)],
            axis=0).astype(jnp.bfloat16)
        f = fnet(dist, dist, wf1p, p['b_f1'].reshape(1, H_A),
                 p['W_f2'].astype(jnp.bfloat16), p['b_f2'].reshape(1, H_A))
        nf = sc_gather(h, idx).reshape(2 * K_NBR, N_ATOMS, H_P)
        args = [nf, f, x, p['w_attn'].reshape(1, H_A),
                p['W_o1'], p['b_o1'].reshape(1, H_A),
                p['W_o2'], p['b_o2'].reshape(1, H_A)]
        has_next = l < N_LAYERS - 1
        if has_next:
            args.append(conv_params[l + 1]['W_init'])
            x, h = _make_combine(l == 0, True)(*args)
        else:
            (x,) = _make_combine(l == 0, False)(*args)

    return _make_head()(x, W_amino, b_amino.reshape(1, 32),
                        W_cls, b_cls.reshape(1, N_CLASSES))

# --- scband reference (transcript-rebuilt; emitter-appended) ---
"""Pipeline reference for scband-graph-vamp-net-59742995087426 (READ-ONLY COPY).

The authoritative reference and input builder live on the scoring server;
editing this copy changes nothing except your own understanding.
"""

import jax, jax.numpy as jnp
import numpy as np

NUM_ATOMS = 10000
NUM_NEIGH = 16
H_A = 64
H_G = 32
N_CLASSES = 5
N_CONV = 3
DMIN, DMAX, STEP = 0.0, 10.0, 0.1
FILTERS = jnp.arange(DMIN, DMAX + STEP, STEP, dtype=jnp.float32)
H_B = int(FILTERS.shape[0])
B = 2


def setup_inputs(seed: int = 0) -> dict:
    key = jax.random.key(seed)
    ks = jax.random.split(key, 8 + N_CONV)
    dist = jax.random.uniform(ks[0], (B, NUM_ATOMS, NUM_NEIGH), dtype=jnp.float32, minval=0.0, maxval=10.0)
    nbr = jax.random.randint(ks[1], (B, NUM_ATOMS, NUM_NEIGH), 0, NUM_ATOMS).astype(jnp.float32)
    data = jnp.concatenate([dist, nbr], axis=-1)
    atom_embeddings = jax.random.normal(ks[2], (NUM_ATOMS, H_A), dtype=jnp.float32)
    s = 0.05
    conv_params = []
    for l in range(N_CONV):
        k = jax.random.split(ks[3 + l], 10)
        conv_params.append({
            'W_init': s * jax.random.normal(k[0], (H_A, H_A), dtype=jnp.float32),
            'W_f1': s * jax.random.normal(k[1], (H_B, H_A), dtype=jnp.float32),
            'b_f1': jnp.zeros((H_A,), dtype=jnp.float32),
            'W_f2': s * jax.random.normal(k[2], (H_A, H_A), dtype=jnp.float32),
            'b_f2': jnp.zeros((H_A,), dtype=jnp.float32),
            'w_attn': s * jax.random.normal(k[3], (H_A, 1), dtype=jnp.float32),
            'W_o1': s * jax.random.normal(k[4], (H_A, H_A), dtype=jnp.float32),
            'b_o1': jnp.zeros((H_A,), dtype=jnp.float32),
            'W_o2': s * jax.random.normal(k[5], (H_A, H_A), dtype=jnp.float32),
            'b_o2': jnp.zeros((H_A,), dtype=jnp.float32),
        })
    W_amino = s * jax.random.normal(ks[6], (H_A, H_G), dtype=jnp.float32)
    b_amino = jnp.zeros((H_G,), dtype=jnp.float32)
    W_cls = s * jax.random.normal(ks[7], (H_G, N_CLASSES), dtype=jnp.float32)
    b_cls = jnp.zeros((N_CLASSES,), dtype=jnp.float32)
    return {'data': data, 'atom_embeddings': atom_embeddings, 'conv_params': conv_params,
            'W_amino': W_amino, 'b_amino': b_amino, 'W_cls': W_cls, 'b_cls': b_cls}


def _forward(dist, nbr, atom_embeddings, conv_params, W_amino, b_amino, W_cls, b_cls):
    # Gaussian distance expansion: [B, N, K, H_B]
    g = jnp.exp(-((dist[..., None] - FILTERS) ** 2) / (STEP ** 2))
    # initial learned atom embeddings expanded over batch
    x = jnp.broadcast_to(atom_embeddings[None], (B, NUM_ATOMS, H_A))
    flat_nbr = nbr.reshape(B, NUM_ATOMS * NUM_NEIGH)[..., None]
    for p in conv_params:
        # GCNInteraction (SchNet-style) with attention-weighted cfconv, residual outside
        h = x @ p['W_init']
        # continuous-filter generator from gaussian-expanded distances
        f = jnp.tanh(g @ p['W_f1'] + p['b_f1']) @ p['W_f2'] + p['b_f2']  # [B,N,K,H_A]
        # gather neighbor features (SparseCore-style gather)
        nf = jnp.take_along_axis(h, flat_nbr, axis=1).reshape(B, NUM_ATOMS, NUM_NEIGH, H_A)
        cf = nf * f
        # attention over neighbors
        attn = jax.nn.softmax(cf @ p['w_attn'], axis=2)  # [B,N,K,1]
        agg = jnp.sum(attn * cf, axis=2)  # [B,N,H_A]
        out = jnp.tanh(agg @ p['W_o1'] + p['b_o1']) @ p['W_o2'] + p['b_o2']
        x = x + out  # residual
    pooled = jnp.mean(x, axis=1)  # global mean pool (attention_pool=False)
    emb = pooled @ W_amino + b_amino
    logits = emb @ W_cls + b_cls
    return jax.nn.softmax(logits, axis=-1)


def reference(data, atom_embeddings, conv_params, W_amino, b_amino, W_cls, b_cls):
    dist = data[:, :, :NUM_NEIGH]
    nbr = data[:, :, NUM_NEIGH:].astype(jnp.int32)
    return _forward(dist, nbr, atom_embeddings, conv_params, W_amino, b_amino, W_cls, b_cls)

if __name__ == "__main__":
    import jax
    _d = setup_inputs()
    print(jax.jit(kernel)(*tuple(_d.values())))

</pallas_src>

<mosaic_0001>
#map = affine_map<(d0, d1) -> (0, 0)>
#map1 = affine_map<(d0, d1) -> (0)>
module attributes {stable_mosaic.version = 14 : i64} {
  func.func @_sc_gather_body(%arg0: i32, %arg1: i32, %arg2: memref<10000x128xf32, #tpu.memory_space<hbm>>, %arg3: memref<320000xi32, #tpu.memory_space<hbm>>, %arg4: memref<320000x128xf32, #tpu.memory_space<hbm>>, %arg5: memref<80xi32, #tpu.memory_space<vmem>>, %arg6: memref<80xi32, #tpu.memory_space<vmem>>, %arg7: memref<80x128xf32, #tpu.memory_space<vmem>>, %arg8: memref<80x128xf32, #tpu.memory_space<vmem>>, %arg9: memref<!tpu.dma_semaphore, #tpu.memory_space<semaphore_mem>>, %arg10: memref<!tpu.dma_semaphore, #tpu.memory_space<semaphore_mem>>, %arg11: memref<!tpu.dma_semaphore, #tpu.memory_space<semaphore_mem>>, %arg12: memref<!tpu.dma_semaphore, #tpu.memory_space<semaphore_mem>>, %arg13: memref<!tpu.dma_semaphore, #tpu.memory_space<semaphore_mem>>, %arg14: memref<!tpu.dma_semaphore, #tpu.memory_space<semaphore_mem>>) attributes {dimension_semantics = [#tpu.dimension_semantics<core_parallel>, #tpu.dimension_semantics<subcore_parallel>], iteration_bounds = array<i64: 2, 16>, scalar_prefetch = 0 : i64, scratch_operands = 10 : i64, tpu.core_type = #tpu.core_type<sc_vector_subcore>, window_params = [{transform_indices = #map}, {transform_indices = #map1}, {transform_indices = #map}]} {
    %mul3A = arith.constant 2 : i32
    %mul3A_0 = arith.muli %arg1, %mul3A : i32
    %add3A = arith.addi %mul3A_0, %arg0 : i32
    %mul3A_1 = arith.constant 10000 : i32
    %mul3A_2 = arith.muli %add3A, %mul3A_1 : i32
    %add3A_3 = arith.constant 0 : i32
    %add3A_4 = arith.addi %mul3A_2, %add3A_3 : i32
    %multiple_of3A = tpu.assume_multiple %add3A_4, 8 : i32
    %dma_start3A = tpu.memref_slice %arg3[%multiple_of3A] : memref<320000xi32, #tpu.memory_space<hbm>> -> memref<80xi32, #tpu.memory_space<hbm>>
    %dma_start3A_5 = tpu.memref_slice %arg3[%multiple_of3A] : memref<320000xi32, #tpu.memory_space<hbm>> -> memref<80xi32, #tpu.memory_space<hbm>>
    tpu.enqueue_dma source(%dma_start3A_5 : memref<80xi32, #tpu.memory_space<hbm>>) target(%arg5 : memref<80xi32, #tpu.memory_space<vmem>>) target_semaphore(%arg9 : memref<!tpu.dma_semaphore, #tpu.memory_space<semaphore_mem>>)
    %add3A_6 = arith.constant 80 : i32
    %add3A_7 = arith.addi %mul3A_2, %add3A_6 : i32
    %multiple_of3A_8 = tpu.assume_multiple %add3A_7, 8 : i32
    %dma_start3A_9 = tpu.memref_slice %arg3[%multiple_of3A_8] : memref<320000xi32, #tpu.memory_space<hbm>> -> memref<80xi32, #tpu.memory_space<hbm>>
    %dma_start3A_10 = tpu.memref_slice %arg3[%multiple_of3A_8] : memref<320000xi32, #tpu.memory_space<hbm>> -> memref<80xi32, #tpu.memory_space<hbm>>
    tpu.enqueue_dma source(%dma_start3A_10 : memref<80xi32, #tpu.memory_space<hbm>>) target(%arg6 : memref<80xi32, #tpu.memory_space<vmem>>) target_semaphore(%arg10 : memref<!tpu.dma_semaphore, #tpu.memory_space<semaphore_mem>>)
    %scan3A = arith.constant 0 : i32
    %scan3A_11 = arith.constant 0 : i32
    %scan3A_12 = arith.constant 62 : i32
    %scan3A_13 = arith.addi %scan3A_11, %scan3A_12 : i32
    %scan3A_14 = arith.constant 1 : i32
    scf.for %scan3A_54 = %scan3A_11 to %scan3A_13 step %scan3A_14  : i32 {
      %mul3A_55 = arith.constant 2 : i32
      %mul3A_56 = arith.muli %mul3A_55, %scan3A_54 : i32
      %add3A_57 = arith.constant 1 : i32
      %add3A_58 = arith.addi %mul3A_56, %add3A_57 : i32
      %gt3A = arith.constant 0 : i32
      %gt3A_59 = arith.cmpi sgt, %scan3A_54, %gt3A : i32
      %convert_element_type3A = arith.extui %gt3A_59 : i1 to i32
      %cond3A = arith.constant 0 : i32
      %cond3A_60 = arith.cmpi ne, %convert_element_type3A, %cond3A : i32
      scf.if %cond3A_60 {
        %mul3A_109 = arith.constant 80 : i32
        %mul3A_110 = arith.muli %mul3A_56, %mul3A_109 : i32
        %add3A_111 = arith.addi %mul3A_2, %mul3A_110 : i32
        %multiple_of3A_112 = tpu.assume_multiple %add3A_111, 8 : i32
        %dma_wait3A_113 = arith.constant 0 : i32
        %dma_wait3A_114 = tpu.memref_slice %arg4[%multiple_of3A_112, %dma_wait3A_113] : memref<320000x128xf32, #tpu.memory_space<hbm>> -> memref<80x128xf32, #tpu.memory_space<hbm>>
        %dma_wait3A_115 = arith.constant 0 : i32
        %dma_wait3A_116 = tpu.memref_slice %arg4[%multiple_of3A_112, %dma_wait3A_115] : memref<320000x128xf32, #tpu.memory_space<hbm>> -> memref<80x128xf32, #tpu.memory_space<hbm>>
        tpu.wait_dma2 semaphore(%arg13 : memref<!tpu.dma_semaphore, #tpu.memory_space<semaphore_mem>>) src(%arg7 : memref<80x128xf32, #tpu.memory_space<vmem>>) dst(%dma_wait3A_116 : memref<80x128xf32, #tpu.memory_space<hbm>>)
        %mul3A_117 = arith.constant 80 : i32
        %mul3A_118 = arith.muli %add3A_58, %mul3A_117 : i32
        %add3A_119 = arith.addi %mul3A_2, %mul3A_118 : i32
        %multiple_of3A_120 = tpu.assume_multiple %add3A_119, 8 : i32
        %dma_wait3A_121 = arith.constant 0 : i32
        %dma_wait3A_122 = tpu.memref_slice %arg4[%multiple_of3A_120, %dma_wait3A_121] : memref<320000x128xf32, #tpu.memory_space<hbm>> -> memref<80x128xf32, #tpu.memory_space<hbm>>
        %dma_wait3A_123 = arith.constant 0 : i32
        %dma_wait3A_124 = tpu.memref_slice %arg4[%multiple_of3A_120, %dma_wait3A_123] : memref<320000x128xf32, #tpu.memory_space<hbm>> -> memref<80x128xf32, #tpu.memory_space<hbm>>
        tpu.wait_dma2 semaphore(%arg14 : memref<!tpu.dma_semaphore, #tpu.memory_space<semaphore_mem>>) src(%arg8 : memref<80x128xf32, #tpu.memory_space<vmem>>) dst(%dma_wait3A_124 : memref<80x128xf32, #tpu.memory_space<hbm>>)
      } else {
      }
      %mul3A_61 = arith.constant 80 : i32
      %mul3A_62 = arith.muli %mul3A_56, %mul3A_61 : i32
      %add3A_63 = arith.addi %mul3A_2, %mul3A_62 : i32
      %multiple_of3A_64 = tpu.assume_multiple %add3A_63, 8 : i32
      %dma_wait3A_65 = tpu.memref_slice %arg3[%multiple_of3A_64] : memref<320000xi32, #tpu.memory_space<hbm>> -> memref<80xi32, #tpu.memory_space<hbm>>
      %dma_wait3A_66 = tpu.memref_slice %arg3[%multiple_of3A_64] : memref<320000xi32, #tpu.memory_space<hbm>> -> memref<80xi32, #tpu.memory_space<hbm>>
      tpu.wait_dma2 semaphore(%arg9 : memref<!tpu.dma_semaphore, #tpu.memory_space<semaphore_mem>>) src(%dma_wait3A_66 : memref<80xi32, #tpu.memory_space<hbm>>) dst(%arg5 : memref<80xi32, #tpu.memory_space<vmem>>)
      %dma_start3A_67 = arith.constant 0 : i32
      %dma_start3A_68 = arith.constant 0 : i32
      %dma_start3A_69 = tpu.memref_slice %arg2[%dma_start3A_67, %dma_start3A_68] : memref<10000x128xf32, #tpu.memory_space<hbm>> -> memref<10000x128xf32, #tpu.memory_space<hbm>>
      tpu.enqueue_indirect_dma source(%dma_start3A_69 : memref<10000x128xf32, #tpu.memory_space<hbm>>) target(%arg7 : memref<80x128xf32, #tpu.memory_space<vmem>>) offsets(%arg5 : memref<80xi32, #tpu.memory_space<vmem>>) semaphore(%arg11 : memref<!tpu.dma_semaphore, #tpu.memory_space<semaphore_mem>>)
      %mul3A_70 = arith.constant 80 : i32
      %mul3A_71 = arith.muli %add3A_58, %mul3A_70 : i32
      %add3A_72 = arith.addi %mul3A_2, %mul3A_71 : i32
      %multiple_of3A_73 = tpu.assume_multiple %add3A_72, 8 : i32
      %dma_wait3A_74 = tpu.memref_slice %arg3[%multiple_of3A_73] : memref<320000xi32, #tpu.memory_space<hbm>> -> memref<80xi32, #tpu.memory_space<hbm>>
      %dma_wait3A_75 = tpu.memref_slice %arg3[%multiple_of3A_73] : memref<320000xi32, #tpu.memory_space<hbm>> -> memref<80xi32, #tpu.memory_space<hbm>>
      tpu.wait_dma2 semaphore(%arg10 : memref<!tpu.dma_semaphore, #tpu.memory_space<semaphore_mem>>) src(%dma_wait3A_75 : memref<80xi32, #tpu.memory_space<hbm>>) dst(%arg6 : memref<80xi32, #tpu.memory_space<vmem>>)
      %dma_start3A_76 = arith.constant 0 : i32
      %dma_start3A_77 = arith.constant 0 : i32
      %dma_start3A_78 = tpu.memref_slice %arg2[%dma_start3A_76, %dma_start3A_77] : memref<10000x128xf32, #tpu.memory_space<hbm>> -> memref<10000x128xf32, #tpu.memory_space<hbm>>
      tpu.enqueue_indirect_dma source(%dma_start3A_78 : memref<10000x128xf32, #tpu.memory_space<hbm>>) target(%arg8 : memref<80x128xf32, #tpu.memory_space<vmem>>) offsets(%arg6 : memref<80xi32, #tpu.memory_space<vmem>>) semaphore(%arg12 : memref<!tpu.dma_semaphore, #tpu.memory_space<semaphore_mem>>)
      %dma_wait3A_79 = arith.constant 0 : i32
      %dma_wait3A_80 = arith.constant 0 : i32
      %dma_wait3A_81 = tpu.memref_slice %arg2[%dma_wait3A_79, %dma_wait3A_80] : memref<10000x128xf32, #tpu.memory_space<hbm>> -> memref<10000x128xf32, #tpu.memory_space<hbm>>
      tpu.wait_indirect_dma semaphore(%arg11 : memref<!tpu.dma_semaphore, #tpu.memory_space<semaphore_mem>>) src(%dma_wait3A_81 : memref<10000x128xf32, #tpu.memory_space<hbm>>) dst(%arg7 : memref<80x128xf32, #tpu.memory_space<vmem>>)
      %mul3A_82 = arith.constant 80 : i32
      %mul3A_83 = arith.muli %mul3A_56, %mul3A_82 : i32
      %add3A_84 = arith.addi %mul3A_2, %mul3A_83 : i32
      %multiple_of3A_85 = tpu.assume_multiple %add3A_84, 8 : i32
      %dma_start3A_86 = arith.constant 0 : i32
      %dma_start3A_87 = tpu.memref_slice %arg4[%multiple_of3A_85, %dma_start3A_86] : memref<320000x128xf32, #tpu.memory_space<hbm>> -> memref<80x128xf32, #tpu.memory_space<hbm>>
      %dma_start3A_88 = arith.constant 0 : i32
      %dma_start3A_89 = tpu.memref_slice %arg4[%multiple_of3A_85, %dma_start3A_88] : memref<320000x128xf32, #tpu.memory_space<hbm>> -> memref<80x128xf32, #tpu.memory_space<hbm>>
      tpu.enqueue_dma source(%arg7 : memref<80x128xf32, #tpu.memory_space<vmem>>) target(%dma_start3A_89 : memref<80x128xf32, #tpu.memory_space<hbm>>) target_semaphore(%arg13 : memref<!tpu.dma_semaphore, #tpu.memory_space<semaphore_mem>>)
      %dma_wait3A_90 = arith.constant 0 : i32
      %dma_wait3A_91 = arith.constant 0 : i32
      %dma_wait3A_92 = tpu.memref_slice %arg2[%dma_wait3A_90, %dma_wait3A_91] : memref<10000x128xf32, #tpu.memory_space<hbm>> -> memref<10000x128xf32, #tpu.memory_space<hbm>>
      tpu.wait_indirect_dma semaphore(%arg12 : memref<!tpu.dma_semaphore, #tpu.memory_space<semaphore_mem>>) src(%dma_wait3A_92 : memref<10000x128xf32, #tpu.memory_space<hbm>>) dst(%arg8 : memref<80x128xf32, #tpu.memory_space<vmem>>)
      %mul3A_93 = arith.constant 80 : i32
      %mul3A_94 = arith.muli %add3A_58, %mul3A_93 : i32
      %add3A_95 = arith.addi %mul3A_2, %mul3A_94 : i32
      %multiple_of3A_96 = tpu.assume_multiple %add3A_95, 8 : i32
      %dma_start3A_97 = arith.constant 0 : i32
      %dma_start3A_98 = tpu.memref_slice %arg4[%multiple_of3A_96, %dma_start3A_97] : memref<320000x128xf32, #tpu.memory_space<hbm>> -> memref<80x128xf32, #tpu.memory_space<hbm>>
      %dma_start3A_99 = arith.constant 0 : i32
      %dma_start3A_100 = tpu.memref_slice %arg4[%multiple_of3A_96, %dma_start3A_99] : memref<320000x128xf32, #tpu.memory_space<hbm>> -> memref<80x128xf32, #tpu.memory_space<hbm>>
      tpu.enqueue_dma source(%arg8 : memref<80x128xf32, #tpu.memory_space<vmem>>) target(%dma_start3A_100 : memref<80x128xf32, #tpu.memory_space<hbm>>) target_semaphore(%arg14 : memref<!tpu.dma_semaphore, #tpu.memory_space<semaphore_mem>>)
      %lt3A = arith.constant 61 : i32
      %lt3A_101 = arith.cmpi slt, %scan3A_54, %lt3A : i32
      %convert_element_type3A_102 = arith.extui %lt3A_101 : i1 to i32
      %cond3A_103 = arith.constant 0 : i32
      %cond3A_104 = arith.cmpi ne, %convert_element_type3A_102, %cond3A_103 : i32
      scf.if %cond3A_104 {
        %add3A_109 = arith.constant 2 : i32
        %add3A_110 = arith.addi %mul3A_56, %add3A_109 : i32
        %mul3A_111 = arith.constant 80 : i32
        %mul3A_112 = arith.muli %add3A_110, %mul3A_111 : i32
        %add3A_113 = arith.addi %mul3A_2, %mul3A_112 : i32
        %multiple_of3A_114 = tpu.assume_multiple %add3A_113, 8 : i32
        %dma_start3A_115 = tpu.memref_slice %arg3[%multiple_of3A_114] : memref<320000xi32, #tpu.memory_space<hbm>> -> memref<80xi32, #tpu.memory_space<hbm>>
        %dma_start3A_116 = tpu.memref_slice %arg3[%multiple_of3A_114] : memref<320000xi32, #tpu.memory_space<hbm>> -> memref<80xi32, #tpu.memory_space<hbm>>
        tpu.enqueue_dma source(%dma_start3A_116 : memref<80xi32, #tpu.memory_space<hbm>>) target(%arg5 : memref<80xi32, #tpu.memory_space<vmem>>) target_semaphore(%arg9 : memref<!tpu.dma_semaphore, #tpu.memory_space<semaphore_mem>>)
        %add3A_117 = arith.constant 2 : i32
        %add3A_118 = arith.addi %add3A_58, %add3A_117 : i32
        %mul3A_119 = arith.constant 80 : i32
        %mul3A_120 = arith.muli %add3A_118, %mul3A_119 : i32
        %add3A_121 = arith.addi %mul3A_2, %mul3A_120 : i32
        %multiple_of3A_122 = tpu.assume_multiple %add3A_121, 8 : i32
        %dma_start3A_123 = tpu.memref_slice %arg3[%multiple_of3A_122] : memref<320000xi32, #tpu.memory_space<hbm>> -> memref<80xi32, #tpu.memory_space<hbm>>
        %dma_start3A_124 = tpu.memref_slice %arg3[%multiple_of3A_122] : memref<320000xi32, #tpu.memory_space<hbm>> -> memref<80xi32, #tpu.memory_space<hbm>>
        tpu.enqueue_dma source(%dma_start3A_124 : memref<80xi32, #tpu.memory_space<hbm>>) target(%arg6 : memref<80xi32, #tpu.memory_space<vmem>>) target_semaphore(%arg10 : memref<!tpu.dma_semaphore, #tpu.memory_space<semaphore_mem>>)
      } else {
      }
      %eq3A = arith.constant 61 : i32
      %eq3A_105 = arith.cmpi eq, %scan3A_54, %eq3A : i32
      %convert_element_type3A_106 = arith.extui %eq3A_105 : i1 to i32
      %cond3A_107 = arith.constant 0 : i32
      %cond3A_108 = arith.cmpi ne, %convert_element_type3A_106, %cond3A_107 : i32
      scf.if %cond3A_108 {
        %add3A_109 = arith.constant 9920 : i32
        %add3A_110 = arith.addi %mul3A_2, %add3A_109 : i32
        %multiple_of3A_111 = tpu.assume_multiple %add3A_110, 8 : i32
        %dma_start3A_112 = tpu.memref_slice %arg3[%multiple_of3A_111] : memref<320000xi32, #tpu.memory_space<hbm>> -> memref<80xi32, #tpu.memory_space<hbm>>
        %dma_start3A_113 = tpu.memref_slice %arg3[%multiple_of3A_111] : memref<320000xi32, #tpu.memory_space<hbm>> -> memref<80xi32, #tpu.memory_space<hbm>>
        tpu.enqueue_dma source(%dma_start3A_113 : memref<80xi32, #tpu.memory_space<hbm>>) target(%arg5 : memref<80xi32, #tpu.memory_space<vmem>>) target_semaphore(%arg9 : memref<!tpu.dma_semaphore, #tpu.memory_space<semaphore_mem>>)
      } else {
      }
    }
    %scan3A_15 = arith.constant 62 : i32
    %add3A_16 = arith.constant 9920 : i32
    %add3A_17 = arith.addi %mul3A_2, %add3A_16 : i32
    %multiple_of3A_18 = tpu.assume_multiple %add3A_17, 8 : i32
    %dma_wait3A = arith.constant 0 : i32
    %dma_wait3A_19 = tpu.memref_slice %arg4[%multiple_of3A_18, %dma_wait3A] : memref<320000x128xf32, #tpu.memory_space<hbm>> -> memref<80x128xf32, #tpu.memory_space<hbm>>
    %dma_wait3A_20 = arith.constant 0 : i32
    %dma_wait3A_21 = tpu.memref_slice %arg4[%multiple_of3A_18, %dma_wait3A_20] : memref<320000x128xf32, #tpu.memory_space<hbm>> -> memref<80x128xf32, #tpu.memory_space<hbm>>
    tpu.wait_dma2 semaphore(%arg13 : memref<!tpu.dma_semaphore, #tpu.memory_space<semaphore_mem>>) src(%arg7 : memref<80x128xf32, #tpu.memory_space<vmem>>) dst(%dma_wait3A_21 : memref<80x128xf32, #tpu.memory_space<hbm>>)
    %add3A_22 = arith.constant 9920 : i32
    %add3A_23 = arith.addi %mul3A_2, %add3A_22 : i32
    %multiple_of3A_24 = tpu.assume_multiple %add3A_23, 8 : i32
    %dma_wait3A_25 = tpu.memref_slice %arg3[%multiple_of3A_24] : memref<320000xi32, #tpu.memory_space<hbm>> -> memref<80xi32, #tpu.memory_space<hbm>>
    %dma_wait3A_26 = tpu.memref_slice %arg3[%multiple_of3A_24] : memref<320000xi32, #tpu.memory_space<hbm>> -> memref<80xi32, #tpu.memory_space<hbm>>
    tpu.wait_dma2 semaphore(%arg9 : memref<!tpu.dma_semaphore, #tpu.memory_space<semaphore_mem>>) src(%dma_wait3A_26 : memref<80xi32, #tpu.memory_space<hbm>>) dst(%arg5 : memref<80xi32, #tpu.memory_space<vmem>>)
    %dma_start3A_27 = arith.constant 0 : i32
    %dma_start3A_28 = arith.constant 0 : i32
    %dma_start3A_29 = tpu.memref_slice %arg2[%dma_start3A_27, %dma_start3A_28] : memref<10000x128xf32, #tpu.memory_space<hbm>> -> memref<10000x128xf32, #tpu.memory_space<hbm>>
    tpu.enqueue_indirect_dma source(%dma_start3A_29 : memref<10000x128xf32, #tpu.memory_space<hbm>>) target(%arg7 : memref<80x128xf32, #tpu.memory_space<vmem>>) offsets(%arg5 : memref<80xi32, #tpu.memory_space<vmem>>) semaphore(%arg11 : memref<!tpu.dma_semaphore, #tpu.memory_space<semaphore_mem>>)
    %dma_wait3A_30 = arith.constant 0 : i32
    %dma_wait3A_31 = arith.constant 0 : i32
    %dma_wait3A_32 = tpu.memref_slice %arg2[%dma_wait3A_30, %dma_wait3A_31] : memref<10000x128xf32, #tpu.memory_space<hbm>> -> memref<10000x128xf32, #tpu.memory_space<hbm>>
    tpu.wait_indirect_dma semaphore(%arg11 : memref<!tpu.dma_semaphore, #tpu.memory_space<semaphore_mem>>) src(%dma_wait3A_32 : memref<10000x128xf32, #tpu.memory_space<hbm>>) dst(%arg7 : memref<80x128xf32, #tpu.memory_space<vmem>>)
    %add3A_33 = arith.constant 9920 : i32
    %add3A_34 = arith.addi %mul3A_2, %add3A_33 : i32
    %multiple_of3A_35 = tpu.assume_multiple %add3A_34, 8 : i32
    %dma_start3A_36 = arith.constant 0 : i32
    %dma_start3A_37 = tpu.memref_slice %arg4[%multiple_of3A_35, %dma_start3A_36] : memref<320000x128xf32, #tpu.memory_space<hbm>> -> memref<80x128xf32, #tpu.memory_space<hbm>>
    %dma_start3A_38 = arith.constant 0 : i32
    %dma_start3A_39 = tpu.memref_slice %arg4[%multiple_of3A_35, %dma_start3A_38] : memref<320000x128xf32, #tpu.memory_space<hbm>> -> memref<80x128xf32, #tpu.memory_space<hbm>>
    tpu.enqueue_dma source(%arg7 : memref<80x128xf32, #tpu.memory_space<vmem>>) target(%dma_start3A_39 : memref<80x128xf32, #tpu.memory_space<hbm>>) target_semaphore(%arg13 : memref<!tpu.dma_semaphore, #tpu.memory_space<semaphore_mem>>)
    %add3A_40 = arith.constant 9920 : i32
    %add3A_41 = arith.addi %mul3A_2, %add3A_40 : i32
    %multiple_of3A_42 = tpu.assume_multiple %add3A_41, 8 : i32
    %dma_wait3A_43 = arith.constant 0 : i32
    %dma_wait3A_44 = tpu.memref_slice %arg4[%multiple_of3A_42, %dma_wait3A_43] : memref<320000x128xf32, #tpu.memory_space<hbm>> -> memref<80x128xf32, #tpu.memory_space<hbm>>
    %dma_wait3A_45 = arith.constant 0 : i32
    %dma_wait3A_46 = tpu.memref_slice %arg4[%multiple_of3A_42, %dma_wait3A_45] : memref<320000x128xf32, #tpu.memory_space<hbm>> -> memref<80x128xf32, #tpu.memory_space<hbm>>
    tpu.wait_dma2 semaphore(%arg13 : memref<!tpu.dma_semaphore, #tpu.memory_space<semaphore_mem>>) src(%arg7 : memref<80x128xf32, #tpu.memory_space<vmem>>) dst(%dma_wait3A_46 : memref<80x128xf32, #tpu.memory_space<hbm>>)
    %add3A_47 = arith.constant 9840 : i32
    %add3A_48 = arith.addi %mul3A_2, %add3A_47 : i32
    %multiple_of3A_49 = tpu.assume_multiple %add3A_48, 8 : i32
    %dma_wait3A_50 = arith.constant 0 : i32
    %dma_wait3A_51 = tpu.memref_slice %arg4[%multiple_of3A_49, %dma_wait3A_50] : memref<320000x128xf32, #tpu.memory_space<hbm>> -> memref<80x128xf32, #tpu.memory_space<hbm>>
    %dma_wait3A_52 = arith.constant 0 : i32
    %dma_wait3A_53 = tpu.memref_slice %arg4[%multiple_of3A_49, %dma_wait3A_52] : memref<320000x128xf32, #tpu.memory_space<hbm>> -> memref<80x128xf32, #tpu.memory_space<hbm>>
    tpu.wait_dma2 semaphore(%arg14 : memref<!tpu.dma_semaphore, #tpu.memory_space<semaphore_mem>>) src(%arg8 : memref<80x128xf32, #tpu.memory_space<vmem>>) dst(%dma_wait3A_53 : memref<80x128xf32, #tpu.memory_space<hbm>>)
    return
  }
}

#map = affine_map<(d0, d1) -> (0, 0)>
#map1 = affine_map<(d0, d1) -> (0)>
module attributes {stable_mosaic.version = 14 : i64} {
  func.func @_sc_gather_body(%arg0: i32, %arg1: i32, %arg2: memref<10000x128xf32, #tpu.memory_space<hbm>>, %arg3: memref<320000xi32, #tpu.memory_space<hbm>>, %arg4: memref<320000x128xf32, #tpu.memory_space<hbm>>, %arg5: memref<80xi32, #tpu.memory_space<vmem>>, %arg6: memref<80xi32, #tpu.memory_space<vmem>>, %arg7: memref<80x128xf32, #tpu.memory_space<vmem>>, %arg8: memref<80x128xf32, #tpu.memory_space<vmem>>, %arg9: memref<!tpu.dma_semaphore, #tpu.memory_space<semaphore_mem>>, %arg10: memref<!tpu.dma_semaphore, #tpu.memory_space<semaphore_mem>>, %arg11: memref<!tpu.dma_semaphore, #tpu.memory_space<semaphore_mem>>, %arg12: memref<!tpu.dma_semaphore, #tpu.memory_space<semaphore_mem>>, %arg13: memref<!tpu.dma_semaphore, #tpu.memory_space<semaphore_mem>>, %arg14: memref<!tpu.dma_semaphore, #tpu.memory_space<semaphore_mem>>) attributes {dimension_semantics = [#tpu.dimension_semantics<core_parallel>, #tpu.dimension_semantics<subcore_parallel>], iteration_bounds = array<i64: 2, 16>, scalar_prefetch = 0 : i64, scratch_operands = 10 : i64, tpu.core_type = #tpu.core_type<sc_vector_subcore>, window_params = [{transform_indices = #map}, {transform_indices = #map1}, {transform_indices = #map}]} {
    %mul3A = arith.constant 2 : i32
    %mul3A_0 = arith.muli %arg1, %mul3A : i32
    %add3A = arith.addi %mul3A_0, %arg0 : i32
    %mul3A_1 = arith.constant 10000 : i32
    %mul3A_2 = arith.muli %add3A, %mul3A_1 : i32
    %add3A_3 = arith.constant 0 : i32
    %add3A_4 = arith.addi %mul3A_2, %add3A_3 : i32
    %multiple_of3A = tpu.assume_multiple %add3A_4, 8 : i32
    %dma_start3A = tpu.memref_slice %arg3[%multiple_of3A] : memref<320000xi32, #tpu.memory_space<hbm>> -> memref<80xi32, #tpu.memory_space<hbm>>
    %dma_start3A_5 = tpu.memref_slice %arg3[%multiple_of3A] : memref<320000xi32, #tpu.memory_space<hbm>> -> memref<80xi32, #tpu.memory_space<hbm>>
    tpu.enqueue_dma source(%dma_start3A_5 : memref<80xi32, #tpu.memory_space<hbm>>) target(%arg5 : memref<80xi32, #tpu.memory_space<vmem>>) target_semaphore(%arg9 : memref<!tpu.dma_semaphore, #tpu.memory_space<semaphore_mem>>)
    %add3A_6 = arith.constant 80 : i32
    %add3A_7 = arith.addi %mul3A_2, %add3A_6 : i32
    %multiple_of3A_8 = tpu.assume_multiple %add3A_7, 8 : i32
    %dma_start3A_9 = tpu.memref_slice %arg3[%multiple_of3A_8] : memref<320000xi32, #tpu.memory_space<hbm>> -> memref<80xi32, #tpu.memory_space<hbm>>
    %dma_start3A_10 = tpu.memref_slice %arg3[%multiple_of3A_8] : memref<320000xi32, #tpu.memory_space<hbm>> -> memref<80xi32, #tpu.memory_space<hbm>>
    tpu.enqueue_dma source(%dma_start3A_10 : memref<80xi32, #tpu.memory_space<hbm>>) target(%arg6 : memref<80xi32, #tpu.memory_space<vmem>>) target_semaphore(%arg10 : memref<!tpu.dma_semaphore, #tpu.memory_space<semaphore_mem>>)
    %scan3A = arith.constant 0 : i32
    %scan3A_11 = arith.constant 0 : i32
    %scan3A_12 = arith.constant 62 : i32
    %scan3A_13 = arith.addi %scan3A_11, %scan3A_12 : i32
    %scan3A_14 = arith.constant 1 : i32
    scf.for %scan3A_54 = %scan3A_11 to %scan3A_13 step %scan3A_14  : i32 {
      %mul3A_55 = arith.constant 2 : i32
      %mul3A_56 = arith.muli %mul3A_55, %scan3A_54 : i32
      %add3A_57 = arith.constant 1 : i32
      %add3A_58 = arith.addi %mul3A_56, %add3A_57 : i32
      %gt3A = arith.constant 0 : i32
      %gt3A_59 = arith.cmpi sgt, %scan3A_54, %gt3A : i32
      %convert_element_type3A = arith.extui %gt3A_59 : i1 to i32
      %cond3A = arith.constant 0 : i32
      %cond3A_60 = arith.cmpi ne, %convert_element_type3A, %cond3A : i32
      scf.if %cond3A_60 {
        %mul3A_109 = arith.constant 80 : i32
        %mul3A_110 = arith.muli %mul3A_56, %mul3A_109 : i32
        %add3A_111 = arith.addi %mul3A_2, %mul3A_110 : i32
        %multiple_of3A_112 = tpu.assume_multiple %add3A_111, 8 : i32
        %dma_wait3A_113 = arith.constant 0 : i32
        %dma_wait3A_114 = tpu.memref_slice %arg4[%multiple_of3A_112, %dma_wait3A_113] : memref<320000x128xf32, #tpu.memory_space<hbm>> -> memref<80x128xf32, #tpu.memory_space<hbm>>
        %dma_wait3A_115 = arith.constant 0 : i32
        %dma_wait3A_116 = tpu.memref_slice %arg4[%multiple_of3A_112, %dma_wait3A_115] : memref<320000x128xf32, #tpu.memory_space<hbm>> -> memref<80x128xf32, #tpu.memory_space<hbm>>
        tpu.wait_dma2 semaphore(%arg13 : memref<!tpu.dma_semaphore, #tpu.memory_space<semaphore_mem>>) src(%arg7 : memref<80x128xf32, #tpu.memory_space<vmem>>) dst(%dma_wait3A_116 : memref<80x128xf32, #tpu.memory_space<hbm>>)
        %mul3A_117 = arith.constant 80 : i32
        %mul3A_118 = arith.muli %add3A_58, %mul3A_117 : i32
        %add3A_119 = arith.addi %mul3A_2, %mul3A_118 : i32
        %multiple_of3A_120 = tpu.assume_multiple %add3A_119, 8 : i32
        %dma_wait3A_121 = arith.constant 0 : i32
        %dma_wait3A_122 = tpu.memref_slice %arg4[%multiple_of3A_120, %dma_wait3A_121] : memref<320000x128xf32, #tpu.memory_space<hbm>> -> memref<80x128xf32, #tpu.memory_space<hbm>>
        %dma_wait3A_123 = arith.constant 0 : i32
        %dma_wait3A_124 = tpu.memref_slice %arg4[%multiple_of3A_120, %dma_wait3A_123] : memref<320000x128xf32, #tpu.memory_space<hbm>> -> memref<80x128xf32, #tpu.memory_space<hbm>>
        tpu.wait_dma2 semaphore(%arg14 : memref<!tpu.dma_semaphore, #tpu.memory_space<semaphore_mem>>) src(%arg8 : memref<80x128xf32, #tpu.memory_space<vmem>>) dst(%dma_wait3A_124 : memref<80x128xf32, #tpu.memory_space<hbm>>)
      } else {
      }
      %mul3A_61 = arith.constant 80 : i32
      %mul3A_62 = arith.muli %mul3A_56, %mul3A_61 : i32
      %add3A_63 = arith.addi %mul3A_2, %mul3A_62 : i32
      %multiple_of3A_64 = tpu.assume_multiple %add3A_63, 8 : i32
      %dma_wait3A_65 = tpu.memref_slice %arg3[%multiple_of3A_64] : memref<320000xi32, #tpu.memory_space<hbm>> -> memref<80xi32, #tpu.memory_space<hbm>>
      %dma_wait3A_66 = tpu.memref_slice %arg3[%multiple_of3A_64] : memref<320000xi32, #tpu.memory_space<hbm>> -> memref<80xi32, #tpu.memory_space<hbm>>
      tpu.wait_dma2 semaphore(%arg9 : memref<!tpu.dma_semaphore, #tpu.memory_space<semaphore_mem>>) src(%dma_wait3A_66 : memref<80xi32, #tpu.memory_space<hbm>>) dst(%arg5 : memref<80xi32, #tpu.memory_space<vmem>>)
      %dma_start3A_67 = arith.constant 0 : i32
      %dma_start3A_68 = arith.constant 0 : i32
      %dma_start3A_69 = tpu.memref_slice %arg2[%dma_start3A_67, %dma_start3A_68] : memref<10000x128xf32, #tpu.memory_space<hbm>> -> memref<10000x128xf32, #tpu.memory_space<hbm>>
      tpu.enqueue_indirect_dma source(%dma_start3A_69 : memref<10000x128xf32, #tpu.memory_space<hbm>>) target(%arg7 : memref<80x128xf32, #tpu.memory_space<vmem>>) offsets(%arg5 : memref<80xi32, #tpu.memory_space<vmem>>) semaphore(%arg11 : memref<!tpu.dma_semaphore, #tpu.memory_space<semaphore_mem>>)
      %mul3A_70 = arith.constant 80 : i32
      %mul3A_71 = arith.muli %add3A_58, %mul3A_70 : i32
      %add3A_72 = arith.addi %mul3A_2, %mul3A_71 : i32
      %multiple_of3A_73 = tpu.assume_multiple %add3A_72, 8 : i32
      %dma_wait3A_74 = tpu.memref_slice %arg3[%multiple_of3A_73] : memref<320000xi32, #tpu.memory_space<hbm>> -> memref<80xi32, #tpu.memory_space<hbm>>
      %dma_wait3A_75 = tpu.memref_slice %arg3[%multiple_of3A_73] : memref<320000xi32, #tpu.memory_space<hbm>> -> memref<80xi32, #tpu.memory_space<hbm>>
      tpu.wait_dma2 semaphore(%arg10 : memref<!tpu.dma_semaphore, #tpu.memory_space<semaphore_mem>>) src(%dma_wait3A_75 : memref<80xi32, #tpu.memory_space<hbm>>) dst(%arg6 : memref<80xi32, #tpu.memory_space<vmem>>)
      %dma_start3A_76 = arith.constant 0 : i32
      %dma_start3A_77 = arith.constant 0 : i32
      %dma_start3A_78 = tpu.memref_slice %arg2[%dma_start3A_76, %dma_start3A_77] : memref<10000x128xf32, #tpu.memory_space<hbm>> -> memref<10000x128xf32, #tpu.memory_space<hbm>>
      tpu.enqueue_indirect_dma source(%dma_start3A_78 : memref<10000x128xf32, #tpu.memory_space<hbm>>) target(%arg8 : memref<80x128xf32, #tpu.memory_space<vmem>>) offsets(%arg6 : memref<80xi32, #tpu.memory_space<vmem>>) semaphore(%arg12 : memref<!tpu.dma_semaphore, #tpu.memory_space<semaphore_mem>>)
      %dma_wait3A_79 = arith.constant 0 : i32
      %dma_wait3A_80 = arith.constant 0 : i32
      %dma_wait3A_81 = tpu.memref_slice %arg2[%dma_wait3A_79, %dma_wait3A_80] : memref<10000x128xf32, #tpu.memory_space<hbm>> -> memref<10000x128xf32, #tpu.memory_space<hbm>>
      tpu.wait_indirect_dma semaphore(%arg11 : memref<!tpu.dma_semaphore, #tpu.memory_space<semaphore_mem>>) src(%dma_wait3A_81 : memref<10000x128xf32, #tpu.memory_space<hbm>>) dst(%arg7 : memref<80x128xf32, #tpu.memory_space<vmem>>)
      %mul3A_82 = arith.constant 80 : i32
      %mul3A_83 = arith.muli %mul3A_56, %mul3A_82 : i32
      %add3A_84 = arith.addi %mul3A_2, %mul3A_83 : i32
      %multiple_of3A_85 = tpu.assume_multiple %add3A_84, 8 : i32
      %dma_start3A_86 = arith.constant 0 : i32
      %dma_start3A_87 = tpu.memref_slice %arg4[%multiple_of3A_85, %dma_start3A_86] : memref<320000x128xf32, #tpu.memory_space<hbm>> -> memref<80x128xf32, #tpu.memory_space<hbm>>
      %dma_start3A_88 = arith.constant 0 : i32
      %dma_start3A_89 = tpu.memref_slice %arg4[%multiple_of3A_85, %dma_start3A_88] : memref<320000x128xf32, #tpu.memory_space<hbm>> -> memref<80x128xf32, #tpu.memory_space<hbm>>
      tpu.enqueue_dma source(%arg7 : memref<80x128xf32, #tpu.memory_space<vmem>>) target(%dma_start3A_89 : memref<80x128xf32, #tpu.memory_space<hbm>>) target_semaphore(%arg13 : memref<!tpu.dma_semaphore, #tpu.memory_space<semaphore_mem>>)
      %dma_wait3A_90 = arith.constant 0 : i32
      %dma_wait3A_91 = arith.constant 0 : i32
      %dma_wait3A_92 = tpu.memref_slice %arg2[%dma_wait3A_90, %dma_wait3A_91] : memref<10000x128xf32, #tpu.memory_space<hbm>> -> memref<10000x128xf32, #tpu.memory_space<hbm>>
      tpu.wait_indirect_dma semaphore(%arg12 : memref<!tpu.dma_semaphore, #tpu.memory_space<semaphore_mem>>) src(%dma_wait3A_92 : memref<10000x128xf32, #tpu.memory_space<hbm>>) dst(%arg8 : memref<80x128xf32, #tpu.memory_space<vmem>>)
      %mul3A_93 = arith.constant 80 : i32
      %mul3A_94 = arith.muli %add3A_58, %mul3A_93 : i32
      %add3A_95 = arith.addi %mul3A_2, %mul3A_94 : i32
      %multiple_of3A_96 = tpu.assume_multiple %add3A_95, 8 : i32
      %dma_start3A_97 = arith.constant 0 : i32
      %dma_start3A_98 = tpu.memref_slice %arg4[%multiple_of3A_96, %dma_start3A_97] : memref<320000x128xf32, #tpu.memory_space<hbm>> -> memref<80x128xf32, #tpu.memory_space<hbm>>
      %dma_start3A_99 = arith.constant 0 : i32
      %dma_start3A_100 = tpu.memref_slice %arg4[%multiple_of3A_96, %dma_start3A_99] : memref<320000x128xf32, #tpu.memory_space<hbm>> -> memref<80x128xf32, #tpu.memory_space<hbm>>
      tpu.enqueue_dma source(%arg8 : memref<80x128xf32, #tpu.memory_space<vmem>>) target(%dma_start3A_100 : memref<80x128xf32, #tpu.memory_space<hbm>>) target_semaphore(%arg14 : memref<!tpu.dma_semaphore, #tpu.memory_space<semaphore_mem>>)
      %lt3A = arith.constant 61 : i32
      %lt3A_101 = arith.cmpi slt, %scan3A_54, %lt3A : i32
      %convert_element_type3A_102 = arith.extui %lt3A_101 : i1 to i32
      %cond3A_103 = arith.constant 0 : i32
      %cond3A_104 = arith.cmpi ne, %convert_element_type3A_102, %cond3A_103 : i32
      scf.if %cond3A_104 {
        %add3A_109 = arith.constant 2 : i32
        %add3A_110 = arith.addi %mul3A_56, %add3A_109 : i32
        %mul3A_111 = arith.constant 80 : i32
        %mul3A_112 = arith.muli %add3A_110, %mul3A_111 : i32
        %add3A_113 = arith.addi %mul3A_2, %mul3A_112 : i32
        %multiple_of3A_114 = tpu.assume_multiple %add3A_113, 8 : i32
        %dma_start3A_115 = tpu.memref_slice %arg3[%multiple_of3A_114] : memref<320000xi32, #tpu.memory_space<hbm>> -> memref<80xi32, #tpu.memory_space<hbm>>
        %dma_start3A_116 = tpu.memref_slice %arg3[%multiple_of3A_114] : memref<320000xi32, #tpu.memory_space<hbm>> -> memref<80xi32, #tpu.memory_space<hbm>>
        tpu.enqueue_dma source(%dma_start3A_116 : memref<80xi32, #tpu.memory_space<hbm>>) target(%arg5 : memref<80xi32, #tpu.memory_space<vmem>>) target_semaphore(%arg9 : memref<!tpu.dma_semaphore, #tpu.memory_space<semaphore_mem>>)
        %add3A_117 = arith.constant 2 : i32
        %add3A_118 = arith.addi %add3A_58, %add3A_117 : i32
        %mul3A_119 = arith.constant 80 : i32
        %mul3A_120 = arith.muli %add3A_118, %mul3A_119 : i32
        %add3A_121 = arith.addi %mul3A_2, %mul3A_120 : i32
        %multiple_of3A_122 = tpu.assume_multiple %add3A_121, 8 : i32
        %dma_start3A_123 = tpu.memref_slice %arg3[%multiple_of3A_122] : memref<320000xi32, #tpu.memory_space<hbm>> -> memref<80xi32, #tpu.memory_space<hbm>>
        %dma_start3A_124 = tpu.memref_slice %arg3[%multiple_of3A_122] : memref<320000xi32, #tpu.memory_space<hbm>> -> memref<80xi32, #tpu.memory_space<hbm>>
        tpu.enqueue_dma source(%dma_start3A_124 : memref<80xi32, #tpu.memory_space<hbm>>) target(%arg6 : memref<80xi32, #tpu.memory_space<vmem>>) target_semaphore(%arg10 : memref<!tpu.dma_semaphore, #tpu.memory_space<semaphore_mem>>)
      } else {
      }
      %eq3A = arith.constant 61 : i32
      %eq3A_105 = arith.cmpi eq, %scan3A_54, %eq3A : i32
      %convert_element_type3A_106 = arith.extui %eq3A_105 : i1 to i32
      %cond3A_107 = arith.constant 0 : i32
      %cond3A_108 = arith.cmpi ne, %convert_element_type3A_106, %cond3A_107 : i32
      scf.if %cond3A_108 {
        %add3A_109 = arith.constant 9920 : i32
        %add3A_110 = arith.addi %mul3A_2, %add3A_109 : i32
        %multiple_of3A_111 = tpu.assume_multiple %add3A_110, 8 : i32
        %dma_start3A_112 = tpu.memref_slice %arg3[%multiple_of3A_111] : memref<320000xi32, #tpu.memory_space<hbm>> -> memref<80xi32, #tpu.memory_space<hbm>>
        %dma_start3A_113 = tpu.memref_slice %arg3[%multiple_of3A_111] : memref<320000xi32, #tpu.memory_space<hbm>> -> memref<80xi32, #tpu.memory_space<hbm>>
        tpu.enqueue_dma source(%dma_start3A_113 : memref<80xi32, #tpu.memory_space<hbm>>) target(%arg5 : memref<80xi32, #tpu.memory_space<vmem>>) target_semaphore(%arg9 : memref<!tpu.dma_semaphore, #tpu.memory_space<semaphore_mem>>)
      } else {
      }
    }
    %scan3A_15 = arith.constant 62 : i32
    %add3A_16 = arith.constant 9920 : i32
    %add3A_17 = arith.addi %mul3A_2, %add3A_16 : i32
    %multiple_of3A_18 = tpu.assume_multiple %add3A_17, 8 : i32
    %dma_wait3A = arith.constant 0 : i32
    %dma_wait3A_19 = tpu.memref_slice %arg4[%multiple_of3A_18, %dma_wait3A] : memref<320000x128xf32, #tpu.memory_space<hbm>> -> memref<80x128xf32, #tpu.memory_space<hbm>>
    %dma_wait3A_20 = arith.constant 0 : i32
    %dma_wait3A_21 = tpu.memref_slice %arg4[%multiple_of3A_18, %dma_wait3A_20] : memref<320000x128xf32, #tpu.memory_space<hbm>> -> memref<80x128xf32, #tpu.memory_space<hbm>>
    tpu.wait_dma2 semaphore(%arg13 : memref<!tpu.dma_semaphore, #tpu.memory_space<semaphore_mem>>) src(%arg7 : memref<80x128xf32, #tpu.memory_space<vmem>>) dst(%dma_wait3A_21 : memref<80x128xf32, #tpu.memory_space<hbm>>)
    %add3A_22 = arith.constant 9920 : i32
    %add3A_23 = arith.addi %mul3A_2, %add3A_22 : i32
    %multiple_of3A_24 = tpu.assume_multiple %add3A_23, 8 : i32
    %dma_wait3A_25 = tpu.memref_slice %arg3[%multiple_of3A_24] : memref<320000xi32, #tpu.memory_space<hbm>> -> memref<80xi32, #tpu.memory_space<hbm>>
    %dma_wait3A_26 = tpu.memref_slice %arg3[%multiple_of3A_24] : memref<320000xi32, #tpu.memory_space<hbm>> -> memref<80xi32, #tpu.memory_space<hbm>>
    tpu.wait_dma2 semaphore(%arg9 : memref<!tpu.dma_semaphore, #tpu.memory_space<semaphore_mem>>) src(%dma_wait3A_26 : memref<80xi32, #tpu.memory_space<hbm>>) dst(%arg5 : memref<80xi32, #tpu.memory_space<vmem>>)
    %dma_start3A_27 = arith.constant 0 : i32
    %dma_start3A_28 = arith.constant 0 : i32
    %dma_start3A_29 = tpu.memref_slice %arg2[%dma_start3A_27, %dma_start3A_28] : memref<10000x128xf32, #tpu.memory_space<hbm>> -> memref<10000x128xf32, #tpu.memory_space<hbm>>
    tpu.enqueue_indirect_dma source(%dma_start3A_29 : memref<10000x128xf32, #tpu.memory_space<hbm>>) target(%arg7 : memref<80x128xf32, #tpu.memory_space<vmem>>) offsets(%arg5 : memref<80xi32, #tpu.memory_space<vmem>>) semaphore(%arg11 : memref<!tpu.dma_semaphore, #tpu.memory_space<semaphore_mem>>)
    %dma_wait3A_30 = arith.constant 0 : i32
    %dma_wait3A_31 = arith.constant 0 : i32
    %dma_wait3A_32 = tpu.memref_slice %arg2[%dma_wait3A_30, %dma_wait3A_31] : memref<10000x128xf32, #tpu.memory_space<hbm>> -> memref<10000x128xf32, #tpu.memory_space<hbm>>
    tpu.wait_indirect_dma semaphore(%arg11 : memref<!tpu.dma_semaphore, #tpu.memory_space<semaphore_mem>>) src(%dma_wait3A_32 : memref<10000x128xf32, #tpu.memory_space<hbm>>) dst(%arg7 : memref<80x128xf32, #tpu.memory_space<vmem>>)
    %add3A_33 = arith.constant 9920 : i32
    %add3A_34 = arith.addi %mul3A_2, %add3A_33 : i32
    %multiple_of3A_35 = tpu.assume_multiple %add3A_34, 8 : i32
    %dma_start3A_36 = arith.constant 0 : i32
    %dma_start3A_37 = tpu.memref_slice %arg4[%multiple_of3A_35, %dma_start3A_36] : memref<320000x128xf32, #tpu.memory_space<hbm>> -> memref<80x128xf32, #tpu.memory_space<hbm>>
    %dma_start3A_38 = arith.constant 0 : i32
    %dma_start3A_39 = tpu.memref_slice %arg4[%multiple_of3A_35, %dma_start3A_38] : memref<320000x128xf32, #tpu.memory_space<hbm>> -> memref<80x128xf32, #tpu.memory_space<hbm>>
    tpu.enqueue_dma source(%arg7 : memref<80x128xf32, #tpu.memory_space<vmem>>) target(%dma_start3A_39 : memref<80x128xf32, #tpu.memory_space<hbm>>) target_semaphore(%arg13 : memref<!tpu.dma_semaphore, #tpu.memory_space<semaphore_mem>>)
    %add3A_40 = arith.constant 9920 : i32
    %add3A_41 = arith.addi %mul3A_2, %add3A_40 : i32
    %multiple_of3A_42 = tpu.assume_multiple %add3A_41, 8 : i32
    %dma_wait3A_43 = arith.constant 0 : i32
    %dma_wait3A_44 = tpu.memref_slice %arg4[%multiple_of3A_42, %dma_wait3A_43] : memref<320000x128xf32, #tpu.memory_space<hbm>> -> memref<80x128xf32, #tpu.memory_space<hbm>>
    %dma_wait3A_45 = arith.constant 0 : i32
    %dma_wait3A_46 = tpu.memref_slice %arg4[%multiple_of3A_42, %dma_wait3A_45] : memref<320000x128xf32, #tpu.memory_space<hbm>> -> memref<80x128xf32, #tpu.memory_space<hbm>>
    tpu.wait_dma2 semaphore(%arg13 : memref<!tpu.dma_semaphore, #tpu.memory_space<semaphore_mem>>) src(%arg7 : memref<80x128xf32, #tpu.memory_space<vmem>>) dst(%dma_wait3A_46 : memref<80x128xf32, #tpu.memory_space<hbm>>)
    %add3A_47 = arith.constant 9840 : i32
    %add3A_48 = arith.addi %mul3A_2, %add3A_47 : i32
    %multiple_of3A_49 = tpu.assume_multiple %add3A_48, 8 : i32
    %dma_wait3A_50 = arith.constant 0 : i32
    %dma_wait3A_51 = tpu.memref_slice %arg4[%multiple_of3A_49, %dma_wait3A_50] : memref<320000x128xf32, #tpu.memory_space<hbm>> -> memref<80x128xf32, #tpu.memory_space<hbm>>
    %dma_wait3A_52 = arith.constant 0 : i32
    %dma_wait3A_53 = tpu.memref_slice %arg4[%multiple_of3A_49, %dma_wait3A_52] : memref<320000x128xf32, #tpu.memory_space<hbm>> -> memref<80x128xf32, #tpu.memory_space<hbm>>
    tpu.wait_dma2 semaphore(%arg14 : memref<!tpu.dma_semaphore, #tpu.memory_space<semaphore_mem>>) src(%arg8 : memref<80x128xf32, #tpu.memory_space<vmem>>) dst(%dma_wait3A_53 : memref<80x128xf32, #tpu.memory_space<hbm>>)
    return
  }
}

#map = affine_map<(d0, d1) -> (0, 0)>
#map1 = affine_map<(d0, d1) -> (0)>
module attributes {stable_mosaic.version = 14 : i64} {
  func.func @_sc_gather_body(%arg0: i32, %arg1: i32, %arg2: memref<10000x128xf32, #tpu.memory_space<hbm>>, %arg3: memref<320000xi32, #tpu.memory_space<hbm>>, %arg4: memref<320000x128xf32, #tpu.memory_space<hbm>>, %arg5: memref<80xi32, #tpu.memory_space<vmem>>, %arg6: memref<80xi32, #tpu.memory_space<vmem>>, %arg7: memref<80x128xf32, #tpu.memory_space<vmem>>, %arg8: memref<80x128xf32, #tpu.memory_space<vmem>>, %arg9: memref<!tpu.dma_semaphore, #tpu.memory_space<semaphore_mem>>, %arg10: memref<!tpu.dma_semaphore, #tpu.memory_space<semaphore_mem>>, %arg11: memref<!tpu.dma_semaphore, #tpu.memory_space<semaphore_mem>>, %arg12: memref<!tpu.dma_semaphore, #tpu.memory_space<semaphore_mem>>, %arg13: memref<!tpu.dma_semaphore, #tpu.memory_space<semaphore_mem>>, %arg14: memref<!tpu.dma_semaphore, #tpu.memory_space<semaphore_mem>>) attributes {dimension_semantics = [#tpu.dimension_semantics<core_parallel>, #tpu.dimension_semantics<subcore_parallel>], iteration_bounds = array<i64: 2, 16>, scalar_prefetch = 0 : i64, scratch_operands = 10 : i64, tpu.core_type = #tpu.core_type<sc_vector_subcore>, window_params = [{transform_indices = #map}, {transform_indices = #map1}, {transform_indices = #map}]} {
    %mul3A = arith.constant 2 : i32
    %mul3A_0 = arith.muli %arg1, %mul3A : i32
    %add3A = arith.addi %mul3A_0, %arg0 : i32
    %mul3A_1 = arith.constant 10000 : i32
    %mul3A_2 = arith.muli %add3A, %mul3A_1 : i32
    %add3A_3 = arith.constant 0 : i32
    %add3A_4 = arith.addi %mul3A_2, %add3A_3 : i32
    %multiple_of3A = tpu.assume_multiple %add3A_4, 8 : i32
    %dma_start3A = tpu.memref_slice %arg3[%multiple_of3A] : memref<320000xi32, #tpu.memory_space<hbm>> -> memref<80xi32, #tpu.memory_space<hbm>>
    %dma_start3A_5 = tpu.memref_slice %arg3[%multiple_of3A] : memref<320000xi32, #tpu.memory_space<hbm>> -> memref<80xi32, #tpu.memory_space<hbm>>
    tpu.enqueue_dma source(%dma_start3A_5 : memref<80xi32, #tpu.memory_space<hbm>>) target(%arg5 : memref<80xi32, #tpu.memory_space<vmem>>) target_semaphore(%arg9 : memref<!tpu.dma_semaphore, #tpu.memory_space<semaphore_mem>>)
    %add3A_6 = arith.constant 80 : i32
    %add3A_7 = arith.addi %mul3A_2, %add3A_6 : i32
    %multiple_of3A_8 = tpu.assume_multiple %add3A_7, 8 : i32
    %dma_start3A_9 = tpu.memref_slice %arg3[%multiple_of3A_8] : memref<320000xi32, #tpu.memory_space<hbm>> -> memref<80xi32, #tpu.memory_space<hbm>>
    %dma_start3A_10 = tpu.memref_slice %arg3[%multiple_of3A_8] : memref<320000xi32, #tpu.memory_space<hbm>> -> memref<80xi32, #tpu.memory_space<hbm>>
    tpu.enqueue_dma source(%dma_start3A_10 : memref<80xi32, #tpu.memory_space<hbm>>) target(%arg6 : memref<80xi32, #tpu.memory_space<vmem>>) target_semaphore(%arg10 : memref<!tpu.dma_semaphore, #tpu.memory_space<semaphore_mem>>)
    %scan3A = arith.constant 0 : i32
    %scan3A_11 = arith.constant 0 : i32
    %scan3A_12 = arith.constant 62 : i32
    %scan3A_13 = arith.addi %scan3A_11, %scan3A_12 : i32
    %scan3A_14 = arith.constant 1 : i32
    scf.for %scan3A_54 = %scan3A_11 to %scan3A_13 step %scan3A_14  : i32 {
      %mul3A_55 = arith.constant 2 : i32
      %mul3A_56 = arith.muli %mul3A_55, %scan3A_54 : i32
      %add3A_57 = arith.constant 1 : i32
      %add3A_58 = arith.addi %mul3A_56, %add3A_57 : i32
      %gt3A = arith.constant 0 : i32
      %gt3A_59 = arith.cmpi sgt, %scan3A_54, %gt3A : i32
      %convert_element_type3A = arith.extui %gt3A_59 : i1 to i32
      %cond3A = arith.constant 0 : i32
      %cond3A_60 = arith.cmpi ne, %convert_element_type3A, %cond3A : i32
      scf.if %cond3A_60 {
        %mul3A_109 = arith.constant 80 : i32
        %mul3A_110 = arith.muli %mul3A_56, %mul3A_109 : i32
        %add3A_111 = arith.addi %mul3A_2, %mul3A_110 : i32
        %multiple_of3A_112 = tpu.assume_multiple %add3A_111, 8 : i32
        %dma_wait3A_113 = arith.constant 0 : i32
        %dma_wait3A_114 = tpu.memref_slice %arg4[%multiple_of3A_112, %dma_wait3A_113] : memref<320000x128xf32, #tpu.memory_space<hbm>> -> memref<80x128xf32, #tpu.memory_space<hbm>>
        %dma_wait3A_115 = arith.constant 0 : i32
        %dma_wait3A_116 = tpu.memref_slice %arg4[%multiple_of3A_112, %dma_wait3A_115] : memref<320000x128xf32, #tpu.memory_space<hbm>> -> memref<80x128xf32, #tpu.memory_space<hbm>>
        tpu.wait_dma2 semaphore(%arg13 : memref<!tpu.dma_semaphore, #tpu.memory_space<semaphore_mem>>) src(%arg7 : memref<80x128xf32, #tpu.memory_space<vmem>>) dst(%dma_wait3A_116 : memref<80x128xf32, #tpu.memory_space<hbm>>)
        %mul3A_117 = arith.constant 80 : i32
        %mul3A_118 = arith.muli %add3A_58, %mul3A_117 : i32
        %add3A_119 = arith.addi %mul3A_2, %mul3A_118 : i32
        %multiple_of3A_120 = tpu.assume_multiple %add3A_119, 8 : i32
        %dma_wait3A_121 = arith.constant 0 : i32
        %dma_wait3A_122 = tpu.memref_slice %arg4[%multiple_of3A_120, %dma_wait3A_121] : memref<320000x128xf32, #tpu.memory_space<hbm>> -> memref<80x128xf32, #tpu.memory_space<hbm>>
        %dma_wait3A_123 = arith.constant 0 : i32
        %dma_wait3A_124 = tpu.memref_slice %arg4[%multiple_of3A_120, %dma_wait3A_123] : memref<320000x128xf32, #tpu.memory_space<hbm>> -> memref<80x128xf32, #tpu.memory_space<hbm>>
        tpu.wait_dma2 semaphore(%arg14 : memref<!tpu.dma_semaphore, #tpu.memory_space<semaphore_mem>>) src(%arg8 : memref<80x128xf32, #tpu.memory_space<vmem>>) dst(%dma_wait3A_124 : memref<80x128xf32, #tpu.memory_space<hbm>>)
      } else {
      }
      %mul3A_61 = arith.constant 80 : i32
      %mul3A_62 = arith.muli %mul3A_56, %mul3A_61 : i32
      %add3A_63 = arith.addi %mul3A_2, %mul3A_62 : i32
      %multiple_of3A_64 = tpu.assume_multiple %add3A_63, 8 : i32
      %dma_wait3A_65 = tpu.memref_slice %arg3[%multiple_of3A_64] : memref<320000xi32, #tpu.memory_space<hbm>> -> memref<80xi32, #tpu.memory_space<hbm>>
      %dma_wait3A_66 = tpu.memref_slice %arg3[%multiple_of3A_64] : memref<320000xi32, #tpu.memory_space<hbm>> -> memref<80xi32, #tpu.memory_space<hbm>>
      tpu.wait_dma2 semaphore(%arg9 : memref<!tpu.dma_semaphore, #tpu.memory_space<semaphore_mem>>) src(%dma_wait3A_66 : memref<80xi32, #tpu.memory_space<hbm>>) dst(%arg5 : memref<80xi32, #tpu.memory_space<vmem>>)
      %dma_start3A_67 = arith.constant 0 : i32
      %dma_start3A_68 = arith.constant 0 : i32
      %dma_start3A_69 = tpu.memref_slice %arg2[%dma_start3A_67, %dma_start3A_68] : memref<10000x128xf32, #tpu.memory_space<hbm>> -> memref<10000x128xf32, #tpu.memory_space<hbm>>
      tpu.enqueue_indirect_dma source(%dma_start3A_69 : memref<10000x128xf32, #tpu.memory_space<hbm>>) target(%arg7 : memref<80x128xf32, #tpu.memory_space<vmem>>) offsets(%arg5 : memref<80xi32, #tpu.memory_space<vmem>>) semaphore(%arg11 : memref<!tpu.dma_semaphore, #tpu.memory_space<semaphore_mem>>)
      %mul3A_70 = arith.constant 80 : i32
      %mul3A_71 = arith.muli %add3A_58, %mul3A_70 : i32
      %add3A_72 = arith.addi %mul3A_2, %mul3A_71 : i32
      %multiple_of3A_73 = tpu.assume_multiple %add3A_72, 8 : i32
      %dma_wait3A_74 = tpu.memref_slice %arg3[%multiple_of3A_73] : memref<320000xi32, #tpu.memory_space<hbm>> -> memref<80xi32, #tpu.memory_space<hbm>>
      %dma_wait3A_75 = tpu.memref_slice %arg3[%multiple_of3A_73] : memref<320000xi32, #tpu.memory_space<hbm>> -> memref<80xi32, #tpu.memory_space<hbm>>
      tpu.wait_dma2 semaphore(%arg10 : memref<!tpu.dma_semaphore, #tpu.memory_space<semaphore_mem>>) src(%dma_wait3A_75 : memref<80xi32, #tpu.memory_space<hbm>>) dst(%arg6 : memref<80xi32, #tpu.memory_space<vmem>>)
      %dma_start3A_76 = arith.constant 0 : i32
      %dma_start3A_77 = arith.constant 0 : i32
      %dma_start3A_78 = tpu.memref_slice %arg2[%dma_start3A_76, %dma_start3A_77] : memref<10000x128xf32, #tpu.memory_space<hbm>> -> memref<10000x128xf32, #tpu.memory_space<hbm>>
      tpu.enqueue_indirect_dma source(%dma_start3A_78 : memref<10000x128xf32, #tpu.memory_space<hbm>>) target(%arg8 : memref<80x128xf32, #tpu.memory_space<vmem>>) offsets(%arg6 : memref<80xi32, #tpu.memory_space<vmem>>) semaphore(%arg12 : memref<!tpu.dma_semaphore, #tpu.memory_space<semaphore_mem>>)
      %dma_wait3A_79 = arith.constant 0 : i32
      %dma_wait3A_80 = arith.constant 0 : i32
      %dma_wait3A_81 = tpu.memref_slice %arg2[%dma_wait3A_79, %dma_wait3A_80] : memref<10000x128xf32, #tpu.memory_space<hbm>> -> memref<10000x128xf32, #tpu.memory_space<hbm>>
      tpu.wait_indirect_dma semaphore(%arg11 : memref<!tpu.dma_semaphore, #tpu.memory_space<semaphore_mem>>) src(%dma_wait3A_81 : memref<10000x128xf32, #tpu.memory_space<hbm>>) dst(%arg7 : memref<80x128xf32, #tpu.memory_space<vmem>>)
      %mul3A_82 = arith.constant 80 : i32
      %mul3A_83 = arith.muli %mul3A_56, %mul3A_82 : i32
      %add3A_84 = arith.addi %mul3A_2, %mul3A_83 : i32
      %multiple_of3A_85 = tpu.assume_multiple %add3A_84, 8 : i32
      %dma_start3A_86 = arith.constant 0 : i32
      %dma_start3A_87 = tpu.memref_slice %arg4[%multiple_of3A_85, %dma_start3A_86] : memref<320000x128xf32, #tpu.memory_space<hbm>> -> memref<80x128xf32, #tpu.memory_space<hbm>>
      %dma_start3A_88 = arith.constant 0 : i32
      %dma_start3A_89 = tpu.memref_slice %arg4[%multiple_of3A_85, %dma_start3A_88] : memref<320000x128xf32, #tpu.memory_space<hbm>> -> memref<80x128xf32, #tpu.memory_space<hbm>>
      tpu.enqueue_dma source(%arg7 : memref<80x128xf32, #tpu.memory_space<vmem>>) target(%dma_start3A_89 : memref<80x128xf32, #tpu.memory_space<hbm>>) target_semaphore(%arg13 : memref<!tpu.dma_semaphore, #tpu.memory_space<semaphore_mem>>)
      %dma_wait3A_90 = arith.constant 0 : i32
      %dma_wait3A_91 = arith.constant 0 : i32
      %dma_wait3A_92 = tpu.memref_slice %arg2[%dma_wait3A_90, %dma_wait3A_91] : memref<10000x128xf32, #tpu.memory_space<hbm>> -> memref<10000x128xf32, #tpu.memory_space<hbm>>
      tpu.wait_indirect_dma semaphore(%arg12 : memref<!tpu.dma_semaphore, #tpu.memory_space<semaphore_mem>>) src(%dma_wait3A_92 : memref<10000x128xf32, #tpu.memory_space<hbm>>) dst(%arg8 : memref<80x128xf32, #tpu.memory_space<vmem>>)
      %mul3A_93 = arith.constant 80 : i32
      %mul3A_94 = arith.muli %add3A_58, %mul3A_93 : i32
      %add3A_95 = arith.addi %mul3A_2, %mul3A_94 : i32
      %multiple_of3A_96 = tpu.assume_multiple %add3A_95, 8 : i32
      %dma_start3A_97 = arith.constant 0 : i32
      %dma_start3A_98 = tpu.memref_slice %arg4[%multiple_of3A_96, %dma_start3A_97] : memref<320000x128xf32, #tpu.memory_space<hbm>> -> memref<80x128xf32, #tpu.memory_space<hbm>>
      %dma_start3A_99 = arith.constant 0 : i32
      %dma_start3A_100 = tpu.memref_slice %arg4[%multiple_of3A_96, %dma_start3A_99] : memref<320000x128xf32, #tpu.memory_space<hbm>> -> memref<80x128xf32, #tpu.memory_space<hbm>>
      tpu.enqueue_dma source(%arg8 : memref<80x128xf32, #tpu.memory_space<vmem>>) target(%dma_start3A_100 : memref<80x128xf32, #tpu.memory_space<hbm>>) target_semaphore(%arg14 : memref<!tpu.dma_semaphore, #tpu.memory_space<semaphore_mem>>)
      %lt3A = arith.constant 61 : i32
      %lt3A_101 = arith.cmpi slt, %scan3A_54, %lt3A : i32
      %convert_element_type3A_102 = arith.extui %lt3A_101 : i1 to i32
      %cond3A_103 = arith.constant 0 : i32
      %cond3A_104 = arith.cmpi ne, %convert_element_type3A_102, %cond3A_103 : i32
      scf.if %cond3A_104 {
        %add3A_109 = arith.constant 2 : i32
        %add3A_110 = arith.addi %mul3A_56, %add3A_109 : i32
        %mul3A_111 = arith.constant 80 : i32
        %mul3A_112 = arith.muli %add3A_110, %mul3A_111 : i32
        %add3A_113 = arith.addi %mul3A_2, %mul3A_112 : i32
        %multiple_of3A_114 = tpu.assume_multiple %add3A_113, 8 : i32
        %dma_start3A_115 = tpu.memref_slice %arg3[%multiple_of3A_114] : memref<320000xi32, #tpu.memory_space<hbm>> -> memref<80xi32, #tpu.memory_space<hbm>>
        %dma_start3A_116 = tpu.memref_slice %arg3[%multiple_of3A_114] : memref<320000xi32, #tpu.memory_space<hbm>> -> memref<80xi32, #tpu.memory_space<hbm>>
        tpu.enqueue_dma source(%dma_start3A_116 : memref<80xi32, #tpu.memory_space<hbm>>) target(%arg5 : memref<80xi32, #tpu.memory_space<vmem>>) target_semaphore(%arg9 : memref<!tpu.dma_semaphore, #tpu.memory_space<semaphore_mem>>)
        %add3A_117 = arith.constant 2 : i32
        %add3A_118 = arith.addi %add3A_58, %add3A_117 : i32
        %mul3A_119 = arith.constant 80 : i32
        %mul3A_120 = arith.muli %add3A_118, %mul3A_119 : i32
        %add3A_121 = arith.addi %mul3A_2, %mul3A_120 : i32
        %multiple_of3A_122 = tpu.assume_multiple %add3A_121, 8 : i32
        %dma_start3A_123 = tpu.memref_slice %arg3[%multiple_of3A_122] : memref<320000xi32, #tpu.memory_space<hbm>> -> memref<80xi32, #tpu.memory_space<hbm>>
        %dma_start3A_124 = tpu.memref_slice %arg3[%multiple_of3A_122] : memref<320000xi32, #tpu.memory_space<hbm>> -> memref<80xi32, #tpu.memory_space<hbm>>
        tpu.enqueue_dma source(%dma_start3A_124 : memref<80xi32, #tpu.memory_space<hbm>>) target(%arg6 : memref<80xi32, #tpu.memory_space<vmem>>) target_semaphore(%arg10 : memref<!tpu.dma_semaphore, #tpu.memory_space<semaphore_mem>>)
      } else {
      }
      %eq3A = arith.constant 61 : i32
      %eq3A_105 = arith.cmpi eq, %scan3A_54, %eq3A : i32
      %convert_element_type3A_106 = arith.extui %eq3A_105 : i1 to i32
      %cond3A_107 = arith.constant 0 : i32
      %cond3A_108 = arith.cmpi ne, %convert_element_type3A_106, %cond3A_107 : i32
      scf.if %cond3A_108 {
        %add3A_109 = arith.constant 9920 : i32
        %add3A_110 = arith.addi %mul3A_2, %add3A_109 : i32
        %multiple_of3A_111 = tpu.assume_multiple %add3A_110, 8 : i32
        %dma_start3A_112 = tpu.memref_slice %arg3[%multiple_of3A_111] : memref<320000xi32, #tpu.memory_space<hbm>> -> memref<80xi32, #tpu.memory_space<hbm>>
        %dma_start3A_113 = tpu.memref_slice %arg3[%multiple_of3A_111] : memref<320000xi32, #tpu.memory_space<hbm>> -> memref<80xi32, #tpu.memory_space<hbm>>
        tpu.enqueue_dma source(%dma_start3A_113 : memref<80xi32, #tpu.memory_space<hbm>>) target(%arg5 : memref<80xi32, #tpu.memory_space<vmem>>) target_semaphore(%arg9 : memref<!tpu.dma_semaphore, #tpu.memory_space<semaphore_mem>>)
      } else {
      }
    }
    %scan3A_15 = arith.constant 62 : i32
    %add3A_16 = arith.constant 9920 : i32
    %add3A_17 = arith.addi %mul3A_2, %add3A_16 : i32
    %multiple_of3A_18 = tpu.assume_multiple %add3A_17, 8 : i32
    %dma_wait3A = arith.constant 0 : i32
    %dma_wait3A_19 = tpu.memref_slice %arg4[%multiple_of3A_18, %dma_wait3A] : memref<320000x128xf32, #tpu.memory_space<hbm>> -> memref<80x128xf32, #tpu.memory_space<hbm>>
    %dma_wait3A_20 = arith.constant 0 : i32
    %dma_wait3A_21 = tpu.memref_slice %arg4[%multiple_of3A_18, %dma_wait3A_20] : memref<320000x128xf32, #tpu.memory_space<hbm>> -> memref<80x128xf32, #tpu.memory_space<hbm>>
    tpu.wait_dma2 semaphore(%arg13 : memref<!tpu.dma_semaphore, #tpu.memory_space<semaphore_mem>>) src(%arg7 : memref<80x128xf32, #tpu.memory_space<vmem>>) dst(%dma_wait3A_21 : memref<80x128xf32, #tpu.memory_space<hbm>>)
    %add3A_22 = arith.constant 9920 : i32
    %add3A_23 = arith.addi %mul3A_2, %add3A_22 : i32
    %multiple_of3A_24 = tpu.assume_multiple %add3A_23, 8 : i32
    %dma_wait3A_25 = tpu.memref_slice %arg3[%multiple_of3A_24] : memref<320000xi32, #tpu.memory_space<hbm>> -> memref<80xi32, #tpu.memory_space<hbm>>
    %dma_wait3A_26 = tpu.memref_slice %arg3[%multiple_of3A_24] : memref<320000xi32, #tpu.memory_space<hbm>> -> memref<80xi32, #tpu.memory_space<hbm>>
    tpu.wait_dma2 semaphore(%arg9 : memref<!tpu.dma_semaphore, #tpu.memory_space<semaphore_mem>>) src(%dma_wait3A_26 : memref<80xi32, #tpu.memory_space<hbm>>) dst(%arg5 : memref<80xi32, #tpu.memory_space<vmem>>)
    %dma_start3A_27 = arith.constant 0 : i32
    %dma_start3A_28 = arith.constant 0 : i32
    %dma_start3A_29 = tpu.memref_slice %arg2[%dma_start3A_27, %dma_start3A_28] : memref<10000x128xf32, #tpu.memory_space<hbm>> -> memref<10000x128xf32, #tpu.memory_space<hbm>>
    tpu.enqueue_indirect_dma source(%dma_start3A_29 : memref<10000x128xf32, #tpu.memory_space<hbm>>) target(%arg7 : memref<80x128xf32, #tpu.memory_space<vmem>>) offsets(%arg5 : memref<80xi32, #tpu.memory_space<vmem>>) semaphore(%arg11 : memref<!tpu.dma_semaphore, #tpu.memory_space<semaphore_mem>>)
    %dma_wait3A_30 = arith.constant 0 : i32
    %dma_wait3A_31 = arith.constant 0 : i32
    %dma_wait3A_32 = tpu.memref_slice %arg2[%dma_wait3A_30, %dma_wait3A_31] : memref<10000x128xf32, #tpu.memory_space<hbm>> -> memref<10000x128xf32, #tpu.memory_space<hbm>>
    tpu.wait_indirect_dma semaphore(%arg11 : memref<!tpu.dma_semaphore, #tpu.memory_space<semaphore_mem>>) src(%dma_wait3A_32 : memref<10000x128xf32, #tpu.memory_space<hbm>>) dst(%arg7 : memref<80x128xf32, #tpu.memory_space<vmem>>)
    %add3A_33 = arith.constant 9920 : i32
    %add3A_34 = arith.addi %mul3A_2, %add3A_33 : i32
    %multiple_of3A_35 = tpu.assume_multiple %add3A_34, 8 : i32
    %dma_start3A_36 = arith.constant 0 : i32
    %dma_start3A_37 = tpu.memref_slice %arg4[%multiple_of3A_35, %dma_start3A_36] : memref<320000x128xf32, #tpu.memory_space<hbm>> -> memref<80x128xf32, #tpu.memory_space<hbm>>
    %dma_start3A_38 = arith.constant 0 : i32
    %dma_start3A_39 = tpu.memref_slice %arg4[%multiple_of3A_35, %dma_start3A_38] : memref<320000x128xf32, #tpu.memory_space<hbm>> -> memref<80x128xf32, #tpu.memory_space<hbm>>
    tpu.enqueue_dma source(%arg7 : memref<80x128xf32, #tpu.memory_space<vmem>>) target(%dma_start3A_39 : memref<80x128xf32, #tpu.memory_space<hbm>>) target_semaphore(%arg13 : memref<!tpu.dma_semaphore, #tpu.memory_space<semaphore_mem>>)
    %add3A_40 = arith.constant 9920 : i32
    %add3A_41 = arith.addi %mul3A_2, %add3A_40 : i32
    %multiple_of3A_42 = tpu.assume_multiple %add3A_41, 8 : i32
    %dma_wait3A_43 = arith.constant 0 : i32
    %dma_wait3A_44 = tpu.memref_slice %arg4[%multiple_of3A_42, %dma_wait3A_43] : memref<320000x128xf32, #tpu.memory_space<hbm>> -> memref<80x128xf32, #tpu.memory_space<hbm>>
    %dma_wait3A_45 = arith.constant 0 : i32
    %dma_wait3A_46 = tpu.memref_slice %arg4[%multiple_of3A_42, %dma_wait3A_45] : memref<320000x128xf32, #tpu.memory_space<hbm>> -> memref<80x128xf32, #tpu.memory_space<hbm>>
    tpu.wait_dma2 semaphore(%arg13 : memref<!tpu.dma_semaphore, #tpu.memory_space<semaphore_mem>>) src(%arg7 : memref<80x128xf32, #tpu.memory_space<vmem>>) dst(%dma_wait3A_46 : memref<80x128xf32, #tpu.memory_space<hbm>>)
    %add3A_47 = arith.constant 9840 : i32
    %add3A_48 = arith.addi %mul3A_2, %add3A_47 : i32
    %multiple_of3A_49 = tpu.assume_multiple %add3A_48, 8 : i32
    %dma_wait3A_50 = arith.constant 0 : i32
    %dma_wait3A_51 = tpu.memref_slice %arg4[%multiple_of3A_49, %dma_wait3A_50] : memref<320000x128xf32, #tpu.memory_space<hbm>> -> memref<80x128xf32, #tpu.memory_space<hbm>>
    %dma_wait3A_52 = arith.constant 0 : i32
    %dma_wait3A_53 = tpu.memref_slice %arg4[%multiple_of3A_49, %dma_wait3A_52] : memref<320000x128xf32, #tpu.memory_space<hbm>> -> memref<80x128xf32, #tpu.memory_space<hbm>>
    tpu.wait_dma2 semaphore(%arg14 : memref<!tpu.dma_semaphore, #tpu.memory_space<semaphore_mem>>) src(%arg8 : memref<80x128xf32, #tpu.memory_space<vmem>>) dst(%dma_wait3A_53 : memref<80x128xf32, #tpu.memory_space<hbm>>)
    return
  }
}

module attributes {stable_mosaic.version = 14 : i64} {
  func.func @_h0_body(%arg0: i32, %arg1: memref<400x64xf32, #tpu.memory_space<vmem>>, %arg2: memref<64x64xf32, #tpu.memory_space<vmem>>, %arg3: memref<400x128xf32, #tpu.memory_space<vmem>>) attributes {dimension_semantics = [#tpu.dimension_semantics<arbitrary>], iteration_bounds = array<i64: 25>, scalar_prefetch = 0 : i64, scratch_operands = 0 : i64, tpu.core_type = #tpu.core_type<tc>, window_params = [{transform_indices = @transform_0, window_bounds = array<i64: 400, 64>}, {pipeline_mode = #tpu.pipeline_mode<synchronous>, transform_indices = @transform_1, window_bounds = array<i64: 64, 64>}, {transform_indices = @transform_2, window_bounds = array<i64: 400, 128>}]} {
    %get3A = arith.constant 0 : index
    %get3A_0 = arith.constant 0 : index
    %get3A_1 = vector.load %arg1[%get3A, %get3A_0] : memref<400x64xf32, #tpu.memory_space<vmem>>, vector<400x64xf32>
    %get3A_2 = arith.constant 0 : index
    %get3A_3 = arith.constant 0 : index
    %get3A_4 = vector.load %arg2[%get3A_2, %get3A_3] : memref<64x64xf32, #tpu.memory_space<vmem>>, vector<64x64xf32>
    %dot_general3A = arith.constant dense<0.000000e+00> : vector<400x64xf32>
    %dot_general3A_5 = tpu.matmul %get3A_1, %get3A_4, %dot_general3A {dimension_numbers = #tpu.dot_dimension_numbers<[1], [0], [0], [1], [0, 0, 1, 1], [], []>, transpose_lhs_hint = false} : vector<400x64xf32>, vector<64x64xf32>, vector<400x64xf32> -> vector<400x64xf32>
    %concatenate3A = tpu.concatenate %dot_general3A_5, %dot_general3A_5 in 1 : vector<400x64xf32>, vector<400x64xf32> -> vector<400x128xf32>
    %swap3A = arith.constant 0 : index
    %swap3A_6 = arith.constant 0 : index
    %swap3A_7 = vector.load %arg3[%swap3A, %swap3A_6] : memref<400x128xf32, #tpu.memory_space<vmem>>, vector<400x128xf32>
    tpu.vector_store %arg3[%swap3A, %swap3A_6], %concatenate3A {strides = array<i32>} : memref<400x128xf32, #tpu.memory_space<vmem>>, vector<400x128xf32>,
    return
  }
  func.func @transform_0(%arg0: i32) -> (i32, i32) {
    %c0_i32 = arith.constant 0 : i32
    %c0_i32_0 = arith.constant 0 : i32
    return %arg0, %c0_i32 : i32, i32
  }
  func.func @transform_1(%arg0: i32) -> (i32, i32) {
    %c0_i32 = arith.constant 0 : i32
    %c0_i32_0 = arith.constant 0 : i32
    %c0_i32_1 = arith.constant 0 : i32
    return %c0_i32, %c0_i32_0 : i32, i32
  }
  func.func @transform_2(%arg0: i32) -> (i32, i32) {
    %c0_i32 = arith.constant 0 : i32
    %c0_i32_0 = arith.constant 0 : i32
    return %arg0, %c0_i32 : i32, i32
  }
}

module attributes {stable_mosaic.version = 14 : i64} {
  func.func @_fnet_body(%arg0: i32, %arg1: memref<400x16xf32, #tpu.memory_space<vmem>>, %arg2: memref<400x16xf32, #tpu.memory_space<vmem>>, %arg3: memref<128x64xbf16, #tpu.memory_space<vmem>>, %arg4: memref<1x64xf32, #tpu.memory_space<vmem>>, %arg5: memref<64x64xbf16, #tpu.memory_space<vmem>>, %arg6: memref<1x64xf32, #tpu.memory_space<vmem>>, %arg7: memref<32x400x64xbf16, #tpu.memory_space<vmem>>) attributes {dimension_semantics = [#tpu.dimension_semantics<arbitrary>], iteration_bounds = array<i64: 25>, scalar_prefetch = 0 : i64, scratch_operands = 0 : i64, tpu.core_type = #tpu.core_type<tc>, window_params = [{transform_indices = @transform_0, window_bounds = array<i64: 400, 16>}, {transform_indices = @transform_1, window_bounds = array<i64: 400, 16>}, {pipeline_mode = #tpu.pipeline_mode<synchronous>, transform_indices = @transform_2, window_bounds = array<i64: 128, 64>}, {pipeline_mode = #tpu.pipeline_mode<synchronous>, transform_indices = @transform_3, window_bounds = array<i64: 1, 64>}, {pipeline_mode = #tpu.pipeline_mode<synchronous>, transform_indices = @transform_4, window_bounds = array<i64: 64, 64>}, {pipeline_mode = #tpu.pipeline_mode<synchronous>, transform_indices = @transform_5, window_bounds = array<i64: 1, 64>}, {transform_indices = @transform_6, window_bounds = array<i64: 32, 400, 64>}]} {
    %iota3A = tpu.iota {dimensions = array<i32: 1>} : vector<1x128xi32>
    %convert_element_type3A = arith.sitofp %iota3A : vector<1x128xi32> to vector<1x128xf32>
    %mul3A = arith.constant 1.000000e-01 : f32
    %mul3A_0 = vector.broadcast %mul3A : f32 to vector<1x128xf32>
    %mul3A_1 = arith.mulf %mul3A_0, %convert_element_type3A : vector<1x128xf32>
    %get3A = arith.constant 0 : index
    %get3A_2 = arith.constant 0 : index
    %get3A_3 = vector.load %arg1[%get3A, %get3A_2] : memref<400x16xf32, #tpu.memory_space<vmem>>, vector<400x1xf32>
    %get3A_4 = arith.constant 0 : index
    %get3A_5 = arith.constant 1 : index
    %get3A_6 = vector.load %arg1[%get3A_4, %get3A_5] : memref<400x16xf32, #tpu.memory_space<vmem>>, vector<400x1xf32>
    %get3A_7 = arith.constant 0 : index
    %get3A_8 = arith.constant 2 : index
    %get3A_9 = vector.load %arg1[%get3A_7, %get3A_8] : memref<400x16xf32, #tpu.memory_space<vmem>>, vector<400x1xf32>
    %get3A_10 = arith.constant 0 : index
    %get3A_11 = arith.constant 3 : index
    %get3A_12 = vector.load %arg1[%get3A_10, %get3A_11] : memref<400x16xf32, #tpu.memory_space<vmem>>, vector<400x1xf32>
    %get3A_13 = arith.constant 0 : index
    %get3A_14 = arith.constant 4 : index
    %get3A_15 = vector.load %arg1[%get3A_13, %get3A_14] : memref<400x16xf32, #tpu.memory_space<vmem>>, vector<400x1xf32>
    %get3A_16 = arith.constant 0 : index
    %get3A_17 = arith.constant 5 : index
    %get3A_18 = vector.load %arg1[%get3A_16, %get3A_17] : memref<400x16xf32, #tpu.memory_space<vmem>>, vector<400x1xf32>
    %get3A_19 = arith.constant 0 : index
    %get3A_20 = arith.constant 6 : index
    %get3A_21 = vector.load %arg1[%get3A_19, %get3A_20] : memref<400x16xf32, #tpu.memory_space<vmem>>, vector<400x1xf32>
    %get3A_22 = arith.constant 0 : index
    %get3A_23 = arith.constant 7 : index
    %get3A_24 = vector.load %arg1[%get3A_22, %get3A_23] : memref<400x16xf32, #tpu.memory_space<vmem>>, vector<400x1xf32>
    %get3A_25 = arith.constant 0 : index
    %get3A_26 = arith.constant 8 : index
    %get3A_27 = vector.load %arg1[%get3A_25, %get3A_26] : memref<400x16xf32, #tpu.memory_space<vmem>>, vector<400x1xf32>
    %get3A_28 = arith.constant 0 : index
    %get3A_29 = arith.constant 9 : index
    %get3A_30 = vector.load %arg1[%get3A_28, %get3A_29] : memref<400x16xf32, #tpu.memory_space<vmem>>, vector<400x1xf32>
    %get3A_31 = arith.constant 0 : index
    %get3A_32 = arith.constant 10 : index
    %get3A_33 = vector.load %arg1[%get3A_31, %get3A_32] : memref<400x16xf32, #tpu.memory_space<vmem>>, vector<400x1xf32>
    %get3A_34 = arith.constant 0 : index
    %get3A_35 = arith.constant 11 : index
    %get3A_36 = vector.load %arg1[%get3A_34, %get3A_35] : memref<400x16xf32, #tpu.memory_space<vmem>>, vector<400x1xf32>
    %get3A_37 = arith.constant 0 : index
    %get3A_38 = arith.constant 12 : index
    %get3A_39 = vector.load %arg1[%get3A_37, %get3A_38] : memref<400x16xf32, #tpu.memory_space<vmem>>, vector<400x1xf32>
    %get3A_40 = arith.constant 0 : index
    %get3A_41 = arith.constant 13 : index
    %get3A_42 = vector.load %arg1[%get3A_40, %get3A_41] : memref<400x16xf32, #tpu.memory_space<vmem>>, vector<400x1xf32>
    %get3A_43 = arith.constant 0 : index
    %get3A_44 = arith.constant 14 : index
    %get3A_45 = vector.load %arg1[%get3A_43, %get3A_44] : memref<400x16xf32, #tpu.memory_space<vmem>>, vector<400x1xf32>
    %get3A_46 = arith.constant 0 : index
    %get3A_47 = arith.constant 15 : index
    %get3A_48 = vector.load %arg1[%get3A_46, %get3A_47] : memref<400x16xf32, #tpu.memory_space<vmem>>, vector<400x1xf32>
    %get3A_49 = arith.constant 0 : index
    %get3A_50 = arith.constant 0 : index
    %get3A_51 = vector.load %arg2[%get3A_49, %get3A_50] : memref<400x16xf32, #tpu.memory_space<vmem>>, vector<400x1xf32>
    %get3A_52 = arith.constant 0 : index
    %get3A_53 = arith.constant 1 : index
    %get3A_54 = vector.load %arg2[%get3A_52, %get3A_53] : memref<400x16xf32, #tpu.memory_space<vmem>>, vector<400x1xf32>
    %get3A_55 = arith.constant 0 : index
    %get3A_56 = arith.constant 2 : index
    %get3A_57 = vector.load %arg2[%get3A_55, %get3A_56] : memref<400x16xf32, #tpu.memory_space<vmem>>, vector<400x1xf32>
    %get3A_58 = arith.constant 0 : index
    %get3A_59 = arith.constant 3 : index
    %get3A_60 = vector.load %arg2[%get3A_58, %get3A_59] : memref<400x16xf32, #tpu.memory_space<vmem>>, vector<400x1xf32>
    %get3A_61 = arith.constant 0 : index
    %get3A_62 = arith.constant 4 : index
    %get3A_63 = vector.load %arg2[%get3A_61, %get3A_62] : memref<400x16xf32, #tpu.memory_space<vmem>>, vector<400x1xf32>
    %get3A_64 = arith.constant 0 : index
    %get3A_65 = arith.constant 5 : index
    %get3A_66 = vector.load %arg2[%get3A_64, %get3A_65] : memref<400x16xf32, #tpu.memory_space<vmem>>, vector<400x1xf32>
    %get3A_67 = arith.constant 0 : index
    %get3A_68 = arith.constant 6 : index
    %get3A_69 = vector.load %arg2[%get3A_67, %get3A_68] : memref<400x16xf32, #tpu.memory_space<vmem>>, vector<400x1xf32>
    %get3A_70 = arith.constant 0 : index
    %get3A_71 = arith.constant 7 : index
    %get3A_72 = vector.load %arg2[%get3A_70, %get3A_71] : memref<400x16xf32, #tpu.memory_space<vmem>>, vector<400x1xf32>
    %get3A_73 = arith.constant 0 : index
    %get3A_74 = arith.constant 8 : index
    %get3A_75 = vector.load %arg2[%get3A_73, %get3A_74] : memref<400x16xf32, #tpu.memory_space<vmem>>, vector<400x1xf32>
    %get3A_76 = arith.constant 0 : index
    %get3A_77 = arith.constant 9 : index
    %get3A_78 = vector.load %arg2[%get3A_76, %get3A_77] : memref<400x16xf32, #tpu.memory_space<vmem>>, vector<400x1xf32>
    %get3A_79 = arith.constant 0 : index
    %get3A_80 = arith.constant 10 : index
    %get3A_81 = vector.load %arg2[%get3A_79, %get3A_80] : memref<400x16xf32, #tpu.memory_space<vmem>>, vector<400x1xf32>
    %get3A_82 = arith.constant 0 : index
    %get3A_83 = arith.constant 11 : index
    %get3A_84 = vector.load %arg2[%get3A_82, %get3A_83] : memref<400x16xf32, #tpu.memory_space<vmem>>, vector<400x1xf32>
    %get3A_85 = arith.constant 0 : index
    %get3A_86 = arith.constant 12 : index
    %get3A_87 = vector.load %arg2[%get3A_85, %get3A_86] : memref<400x16xf32, #tpu.memory_space<vmem>>, vector<400x1xf32>
    %get3A_88 = arith.constant 0 : index
    %get3A_89 = arith.constant 13 : index
    %get3A_90 = vector.load %arg2[%get3A_88, %get3A_89] : memref<400x16xf32, #tpu.memory_space<vmem>>, vector<400x1xf32>
    %get3A_91 = arith.constant 0 : index
    %get3A_92 = arith.constant 14 : index
    %get3A_93 = vector.load %arg2[%get3A_91, %get3A_92] : memref<400x16xf32, #tpu.memory_space<vmem>>, vector<400x1xf32>
    %get3A_94 = arith.constant 0 : index
    %get3A_95 = arith.constant 15 : index
    %get3A_96 = vector.load %arg2[%get3A_94, %get3A_95] : memref<400x16xf32, #tpu.memory_space<vmem>>, vector<400x1xf32>
    %concatenate3A = tpu.concatenate %get3A_3, %get3A_6, %get3A_9, %get3A_12, %get3A_15, %get3A_18, %get3A_21, %get3A_24, %get3A_27, %get3A_30, %get3A_33, %get3A_36, %get3A_39, %get3A_42, %get3A_45, %get3A_48, %get3A_51, %get3A_54, %get3A_57, %get3A_60, %get3A_63, %get3A_66, %get3A_69, %get3A_72, %get3A_75, %get3A_78, %get3A_81, %get3A_84, %get3A_87, %get3A_90, %get3A_93, %get3A_96 in 0 : vector<400x1xf32>, vector<400x1xf32>, vector<400x1xf32>, vector<400x1xf32>, vector<400x1xf32>, vector<400x1xf32>, vector<400x1xf32>, vector<400x1xf32>, vector<400x1xf32>, vector<400x1xf32>, vector<400x1xf32>, vector<400x1xf32>, vector<400x1xf32>, vector<400x1xf32>, vector<400x1xf32>, vector<400x1xf32>, vector<400x1xf32>, vector<400x1xf32>, vector<400x1xf32>, vector<400x1xf32>, vector<400x1xf32>, vector<400x1xf32>, vector<400x1xf32>, vector<400x1xf32>, vector<400x1xf32>, vector<400x1xf32>, vector<400x1xf32>, vector<400x1xf32>, vector<400x1xf32>, vector<400x1xf32>, vector<400x1xf32>, vector<400x1xf32> -> vector<12800x1xf32>
    %sub3A = vector.broadcast %concatenate3A : vector<12800x1xf32> to vector<12800x128xf32>
    %sub3A_97 = vector.broadcast %mul3A_1 : vector<1x128xf32> to vector<12800x128xf32>
    %sub3A_98 = arith.subf %sub3A, %sub3A_97 : vector<12800x128xf32>
    %integer_pow3A = arith.mulf %sub3A_98, %sub3A_98 : vector<12800x128xf32>
    %neg3A = arith.constant 0.000000e+00 : f32
    %neg3A_99 = vector.broadcast %neg3A : f32 to vector<12800x128xf32>
    %neg3A_100 = arith.subf %neg3A_99, %integer_pow3A : vector<12800x128xf32>
    %mul3A_101 = arith.constant 1.000000e+02 : f32
    %mul3A_102 = vector.broadcast %mul3A_101 : f32 to vector<12800x128xf32>
    %mul3A_103 = arith.mulf %neg3A_100, %mul3A_102 : vector<12800x128xf32>
    %exp3A = math.exp %mul3A_103 : vector<12800x128xf32>
    %convert_element_type3A_104 = arith.truncf %exp3A : vector<12800x128xf32> to vector<12800x128xbf16>
    %get3A_105 = arith.constant 0 : index
    %get3A_106 = arith.constant 0 : index
    %get3A_107 = vector.load %arg3[%get3A_105, %get3A_106] : memref<128x64xbf16, #tpu.memory_space<vmem>>, vector<128x64xbf16>
    %dot_general3A = arith.constant dense<0.000000e+00> : vector<12800x64xf32>
    %dot_general3A_108 = tpu.matmul %convert_element_type3A_104, %get3A_107, %dot_general3A {dimension_numbers = #tpu.dot_dimension_numbers<[1], [0], [0], [1], [0, 0, 1, 1], [], []>, transpose_lhs_hint = false} : vector<12800x128xbf16>, vector<128x64xbf16>, vector<12800x64xf32> -> vector<12800x64xf32>
    %get3A_109 = arith.constant 0 : index
    %get3A_110 = arith.constant 0 : index
    %get3A_111 = vector.load %arg4[%get3A_109, %get3A_110] : memref<1x64xf32, #tpu.memory_space<vmem>>, vector<1x64xf32>
    %add3A = vector.broadcast %get3A_111 : vector<1x64xf32> to vector<12800x64xf32>
    %add3A_112 = arith.addf %dot_general3A_108, %add3A : vector<12800x64xf32>
    %tanh3A = math.tanh %add3A_112 : vector<12800x64xf32>
    %convert_element_type3A_113 = arith.truncf %tanh3A : vector<12800x64xf32> to vector<12800x64xbf16>
    %get3A_114 = arith.constant 0 : index
    %get3A_115 = arith.constant 0 : index
    %get3A_116 = vector.load %arg5[%get3A_114, %get3A_115] : memref<64x64xbf16, #tpu.memory_space<vmem>>, vector<64x64xbf16>
    %dot_general3A_117 = arith.constant dense<0.000000e+00> : vector<12800x64xf32>
    %dot_general3A_118 = tpu.matmul %convert_element_type3A_113, %get3A_116, %dot_general3A_117 {dimension_numbers = #tpu.dot_dimension_numbers<[1], [0], [0], [1], [0, 0, 1, 1], [], []>, transpose_lhs_hint = false} : vector<12800x64xbf16>, vector<64x64xbf16>, vector<12800x64xf32> -> vector<12800x64xf32>
    %get3A_119 = arith.constant 0 : index
    %get3A_120 = arith.constant 0 : index
    %get3A_121 = vector.load %arg6[%get3A_119, %get3A_120] : memref<1x64xf32, #tpu.memory_space<vmem>>, vector<1x64xf32>
    %add3A_122 = vector.broadcast %get3A_121 : vector<1x64xf32> to vector<12800x64xf32>
    %add3A_123 = arith.addf %dot_general3A_118, %add3A_122 : vector<12800x64xf32>
    %convert_element_type3A_124 = arith.truncf %add3A_123 : vector<12800x64xf32> to vector<12800x64xbf16>
    %slice3A = vector.extract_strided_slice %convert_element_type3A_124 {offsets = [0, 0], sizes = [400, 64], strides = [1, 1]} : vector<12800x64xbf16> to vector<400x64xbf16>
    %swap3A = arith.constant 0 : index
    %swap3A_125 = arith.constant 0 : index
    %swap3A_126 = arith.constant 0 : index
    %swap3A_127 = vector.load %arg7[%swap3A, %swap3A_125, %swap3A_126] : memref<32x400x64xbf16, #tpu.memory_space<vmem>>, vector<1x400x64xbf16>
    %swap3A_128 = vector.shape_cast %swap3A_127 : vector<1x400x64xbf16> to vector<400x64xbf16>
    %swap3A_129 = vector.shape_cast %slice3A : vector<400x64xbf16> to vector<1x400x64xbf16>
    tpu.vector_store %arg7[%swap3A, %swap3A_125, %swap3A_126], %swap3A_129 {strides = array<i32>} : memref<32x400x64xbf16, #tpu.memory_space<vmem>>, vector<1x400x64xbf16>,
    %slice3A_130 = vector.extract_strided_slice %convert_element_type3A_124 {offsets = [400, 0], sizes = [400, 64], strides = [1, 1]} : vector<12800x64xbf16> to vector<400x64xbf16>
    %swap3A_131 = arith.constant 2 : index
    %swap3A_132 = arith.constant 0 : index
    %swap3A_133 = arith.constant 0 : index
    %swap3A_134 = vector.load %arg7[%swap3A_131, %swap3A_132, %swap3A_133] : memref<32x400x64xbf16, #tpu.memory_space<vmem>>, vector<1x400x64xbf16>
    %swap3A_135 = vector.shape_cast %swap3A_134 : vector<1x400x64xbf16> to vector<400x64xbf16>
    %swap3A_136 = vector.shape_cast %slice3A_130 : vector<400x64xbf16> to vector<1x400x64xbf16>
    tpu.vector_store %arg7[%swap3A_131, %swap3A_132, %swap3A_133], %swap3A_136 {strides = array<i32>} : memref<32x400x64xbf16, #tpu.memory_space<vmem>>, vector<1x400x64xbf16>,
    %slice3A_137 = vector.extract_strided_slice %convert_element_type3A_124 {offsets = [800, 0], sizes = [400, 64], strides = [1, 1]} : vector<12800x64xbf16> to vector<400x64xbf16>
    %swap3A_138 = arith.constant 4 : index
    %swap3A_139 = arith.constant 0 : index
    %swap3A_140 = arith.constant 0 : index
    %swap3A_141 = vector.load %arg7[%swap3A_138, %swap3A_139, %swap3A_140] : memref<32x400x64xbf16, #tpu.memory_space<vmem>>, vector<1x400x64xbf16>
    %swap3A_142 = vector.shape_cast %swap3A_141 : vector<1x400x64xbf16> to vector<400x64xbf16>
    %swap3A_143 = vector.shape_cast %slice3A_137 : vector<400x64xbf16> to vector<1x400x64xbf16>
    tpu.vector_store %arg7[%swap3A_138, %swap3A_139, %swap3A_140], %swap3A_143 {strides = array<i32>} : memref<32x400x64xbf16, #tpu.memory_space<vmem>>, vector<1x400x64xbf16>,
    %slice3A_144 = vector.extract_strided_slice %convert_element_type3A_124 {offsets = [1200, 0], sizes = [400, 64], strides = [1, 1]} : vector<12800x64xbf16> to vector<400x64xbf16>
    %swap3A_145 = arith.constant 6 : index
    %swap3A_146 = arith.constant 0 : index
    %swap3A_147 = arith.constant 0 : index
    %swap3A_148 = vector.load %arg7[%swap3A_145, %swap3A_146, %swap3A_147] : memref<32x400x64xbf16, #tpu.memory_space<vmem>>, vector<1x400x64xbf16>
    %swap3A_149 = vector.shape_cast %swap3A_148 : vector<1x400x64xbf16> to vector<400x64xbf16>
    %swap3A_150 = vector.shape_cast %slice3A_144 : vector<400x64xbf16> to vector<1x400x64xbf16>
    tpu.vector_store %arg7[%swap3A_145, %swap3A_146, %swap3A_147], %swap3A_150 {strides = array<i32>} : memref<32x400x64xbf16, #tpu.memory_space<vmem>>, vector<1x400x64xbf16>,
    %slice3A_151 = vector.extract_strided_slice %convert_element_type3A_124 {offsets = [1600, 0], sizes = [400, 64], strides = [1, 1]} : vector<12800x64xbf16> to vector<400x64xbf16>
    %swap3A_152 = arith.constant 8 : index
    %swap3A_153 = arith.constant 0 : index
    %swap3A_154 = arith.constant 0 : index
    %swap3A_155 = vector.load %arg7[%swap3A_152, %swap3A_153, %swap3A_154] : memref<32x400x64xbf16, #tpu.memory_space<vmem>>, vector<1x400x64xbf16>
    %swap3A_156 = vector.shape_cast %swap3A_155 : vector<1x400x64xbf16> to vector<400x64xbf16>
    %swap3A_157 = vector.shape_cast %slice3A_151 : vector<400x64xbf16> to vector<1x400x64xbf16>
    tpu.vector_store %arg7[%swap3A_152, %swap3A_153, %swap3A_154], %swap3A_157 {strides = array<i32>} : memref<32x400x64xbf16, #tpu.memory_space<vmem>>, vector<1x400x64xbf16>,
    %slice3A_158 = vector.extract_strided_slice %convert_element_type3A_124 {offsets = [2000, 0], sizes = [400, 64], strides = [1, 1]} : vector<12800x64xbf16> to vector<400x64xbf16>
    %swap3A_159 = arith.constant 10 : index
    %swap3A_160 = arith.constant 0 : index
    %swap3A_161 = arith.constant 0 : index
    %swap3A_162 = vector.load %arg7[%swap3A_159, %swap3A_160, %swap3A_161] : memref<32x400x64xbf16, #tpu.memory_space<vmem>>, vector<1x400x64xbf16>
    %swap3A_163 = vector.shape_cast %swap3A_162 : vector<1x400x64xbf16> to vector<400x64xbf16>
    %swap3A_164 = vector.shape_cast %slice3A_158 : vector<400x64xbf16> to vector<1x400x64xbf16>
    tpu.vector_store %arg7[%swap3A_159, %swap3A_160, %swap3A_161], %swap3A_164 {strides = array<i32>} : memref<32x400x64xbf16, #tpu.memory_space<vmem>>, vector<1x400x64xbf16>,
    %slice3A_165 = vector.extract_strided_slice %convert_element_type3A_124 {offsets = [2400, 0], sizes = [400, 64], strides = [1, 1]} : vector<12800x64xbf16> to vector<400x64xbf16>
    %swap3A_166 = arith.constant 12 : index
    %swap3A_167 = arith.constant 0 : index
    %swap3A_168 = arith.constant 0 : index
    %swap3A_169 = vector.load %arg7[%swap3A_166, %swap3A_167, %swap3A_168] : memref<32x400x64xbf16, #tpu.memory_space<vmem>>, vector<1x400x64xbf16>
    %swap3A_170 = vector.shape_cast %swap3A_169 : vector<1x400x64xbf16> to vector<400x64xbf16>
    %swap3A_171 = vector.shape_cast %slice3A_165 : vector<400x64xbf16> to vector<1x400x64xbf16>
    tpu.vector_store %arg7[%swap3A_166, %swap3A_167, %swap3A_168], %swap3A_171 {strides = array<i32>} : memref<32x400x64xbf16, #tpu.memory_space<vmem>>, vector<1x400x64xbf16>,
    %slice3A_172 = vector.extract_strided_slice %convert_element_type3A_124 {offsets = [2800, 0], sizes = [400, 64], strides = [1, 1]} : vector<12800x64xbf16> to vector<400x64xbf16>
    %swap3A_173 = arith.constant 14 : index
    %swap3A_174 = arith.constant 0 : index
    %swap3A_175 = arith.constant 0 : index
    %swap3A_176 = vector.load %arg7[%swap3A_173, %swap3A_174, %swap3A_175] : memref<32x400x64xbf16, #tpu.memory_space<vmem>>, vector<1x400x64xbf16>
    %swap3A_177 = vector.shape_cast %swap3A_176 : vector<1x400x64xbf16> to vector<400x64xbf16>
    %swap3A_178 = vector.shape_cast %slice3A_172 : vector<400x64xbf16> to vector<1x400x64xbf16>
    tpu.vector_store %arg7[%swap3A_173, %swap3A_174, %swap3A_175], %swap3A_178 {strides = array<i32>} : memref<32x400x64xbf16, #tpu.memory_space<vmem>>, vector<1x400x64xbf16>,
    %slice3A_179 = vector.extract_strided_slice %convert_element_type3A_124 {offsets = [3200, 0], sizes = [400, 64], strides = [1, 1]} : vector<12800x64xbf16> to vector<400x64xbf16>
    %swap3A_180 = arith.constant 16 : index
    %swap3A_181 = arith.constant 0 : index
    %swap3A_182 = arith.constant 0 : index
    %swap3A_183 = vector.load %arg7[%swap3A_180, %swap3A_181, %swap3A_182] : memref<32x400x64xbf16, #tpu.memory_space<vmem>>, vector<1x400x64xbf16>
    %swap3A_184 = vector.shape_cast %swap3A_183 : vector<1x400x64xbf16> to vector<400x64xbf16>
    %swap3A_185 = vector.shape_cast %slice3A_179 : vector<400x64xbf16> to vector<1x400x64xbf16>
    tpu.vector_store %arg7[%swap3A_180, %swap3A_181, %swap3A_182], %swap3A_185 {strides = array<i32>} : memref<32x400x64xbf16, #tpu.memory_space<vmem>>, vector<1x400x64xbf16>,
    %slice3A_186 = vector.extract_strided_slice %convert_element_type3A_124 {offsets = [3600, 0], sizes = [400, 64], strides = [1, 1]} : vector<12800x64xbf16> to vector<400x64xbf16>
    %swap3A_187 = arith.constant 18 : index
    %swap3A_188 = arith.constant 0 : index
    %swap3A_189 = arith.constant 0 : index
    %swap3A_190 = vector.load %arg7[%swap3A_187, %swap3A_188, %swap3A_189] : memref<32x400x64xbf16, #tpu.memory_space<vmem>>, vector<1x400x64xbf16>
    %swap3A_191 = vector.shape_cast %swap3A_190 : vector<1x400x64xbf16> to vector<400x64xbf16>
    %swap3A_192 = vector.shape_cast %slice3A_186 : vector<400x64xbf16> to vector<1x400x64xbf16>
    tpu.vector_store %arg7[%swap3A_187, %swap3A_188, %swap3A_189], %swap3A_192 {strides = array<i32>} : memref<32x400x64xbf16, #tpu.memory_space<vmem>>, vector<1x400x64xbf16>,
    %slice3A_193 = vector.extract_strided_slice %convert_element_type3A_124 {offsets = [4000, 0], sizes = [400, 64], strides = [1, 1]} : vector<12800x64xbf16> to vector<400x64xbf16>
    %swap3A_194 = arith.constant 20 : index
    %swap3A_195 = arith.constant 0 : index
    %swap3A_196 = arith.constant 0 : index
    %swap3A_197 = vector.load %arg7[%swap3A_194, %swap3A_195, %swap3A_196] : memref<32x400x64xbf16, #tpu.memory_space<vmem>>, vector<1x400x64xbf16>
    %swap3A_198 = vector.shape_cast %swap3A_197 : vector<1x400x64xbf16> to vector<400x64xbf16>
    %swap3A_199 = vector.shape_cast %slice3A_193 : vector<400x64xbf16> to vector<1x400x64xbf16>
    tpu.vector_store %arg7[%swap3A_194, %swap3A_195, %swap3A_196], %swap3A_199 {strides = array<i32>} : memref<32x400x64xbf16, #tpu.memory_space<vmem>>, vector<1x400x64xbf16>,
    %slice3A_200 = vector.extract_strided_slice %convert_element_type3A_124 {offsets = [4400, 0], sizes = [400, 64], strides = [1, 1]} : vector<12800x64xbf16> to vector<400x64xbf16>
    %swap3A_201 = arith.constant 22 : index
    %swap3A_202 = arith.constant 0 : index
    %swap3A_203 = arith.constant 0 : index
    %swap3A_204 = vector.load %arg7[%swap3A_201, %swap3A_202, %swap3A_203] : memref<32x400x64xbf16, #tpu.memory_space<vmem>>, vector<1x400x64xbf16>
    %swap3A_205 = vector.shape_cast %swap3A_204 : vector<1x400x64xbf16> to vector<400x64xbf16>
    %swap3A_206 = vector.shape_cast %slice3A_200 : vector<400x64xbf16> to vector<1x400x64xbf16>
    tpu.vector_store %arg7[%swap3A_201, %swap3A_202, %swap3A_203], %swap3A_206 {strides = array<i32>} : memref<32x400x64xbf16, #tpu.memory_space<vmem>>, vector<1x400x64xbf16>,
    %slice3A_207 = vector.extract_strided_slice %convert_element_type3A_124 {offsets = [4800, 0], sizes = [400, 64], strides = [1, 1]} : vector<12800x64xbf16> to vector<400x64xbf16>
    %swap3A_208 = arith.constant 24 : index
    %swap3A_209 = arith.constant 0 : index
    %swap3A_210 = arith.constant 0 : index
    %swap3A_211 = vector.load %arg7[%swap3A_208, %swap3A_209, %swap3A_210] : memref<32x400x64xbf16, #tpu.memory_space<vmem>>, vector<1x400x64xbf16>
    %swap3A_212 = vector.shape_cast %swap3A_211 : vector<1x400x64xbf16> to vector<400x64xbf16>
    %swap3A_213 = vector.shape_cast %slice3A_207 : vector<400x64xbf16> to vector<1x400x64xbf16>
    tpu.vector_store %arg7[%swap3A_208, %swap3A_209, %swap3A_210], %swap3A_213 {strides = array<i32>} : memref<32x400x64xbf16, #tpu.memory_space<vmem>>, vector<1x400x64xbf16>,
    %slice3A_214 = vector.extract_strided_slice %convert_element_type3A_124 {offsets = [5200, 0], sizes = [400, 64], strides = [1, 1]} : vector<12800x64xbf16> to vector<400x64xbf16>
    %swap3A_215 = arith.constant 26 : index
    %swap3A_216 = arith.constant 0 : index
    %swap3A_217 = arith.constant 0 : index
    %swap3A_218 = vector.load %arg7[%swap3A_215, %swap3A_216, %swap3A_217] : memref<32x400x64xbf16, #tpu.memory_space<vmem>>, vector<1x400x64xbf16>
    %swap3A_219 = vector.shape_cast %swap3A_218 : vector<1x400x64xbf16> to vector<400x64xbf16>
    %swap3A_220 = vector.shape_cast %slice3A_214 : vector<400x64xbf16> to vector<1x400x64xbf16>
    tpu.vector_store %arg7[%swap3A_215, %swap3A_216, %swap3A_217], %swap3A_220 {strides = array<i32>} : memref<32x400x64xbf16, #tpu.memory_space<vmem>>, vector<1x400x64xbf16>,
    %slice3A_221 = vector.extract_strided_slice %convert_element_type3A_124 {offsets = [5600, 0], sizes = [400, 64], strides = [1, 1]} : vector<12800x64xbf16> to vector<400x64xbf16>
    %swap3A_222 = arith.constant 28 : index
    %swap3A_223 = arith.constant 0 : index
    %swap3A_224 = arith.constant 0 : index
    %swap3A_225 = vector.load %arg7[%swap3A_222, %swap3A_223, %swap3A_224] : memref<32x400x64xbf16, #tpu.memory_space<vmem>>, vector<1x400x64xbf16>
    %swap3A_226 = vector.shape_cast %swap3A_225 : vector<1x400x64xbf16> to vector<400x64xbf16>
    %swap3A_227 = vector.shape_cast %slice3A_221 : vector<400x64xbf16> to vector<1x400x64xbf16>
    tpu.vector_store %arg7[%swap3A_222, %swap3A_223, %swap3A_224], %swap3A_227 {strides = array<i32>} : memref<32x400x64xbf16, #tpu.memory_space<vmem>>, vector<1x400x64xbf16>,
    %slice3A_228 = vector.extract_strided_slice %convert_element_type3A_124 {offsets = [6000, 0], sizes = [400, 64], strides = [1, 1]} : vector<12800x64xbf16> to vector<400x64xbf16>
    %swap3A_229 = arith.constant 30 : index
    %swap3A_230 = arith.constant 0 : index
    %swap3A_231 = arith.constant 0 : index
    %swap3A_232 = vector.load %arg7[%swap3A_229, %swap3A_230, %swap3A_231] : memref<32x400x64xbf16, #tpu.memory_space<vmem>>, vector<1x400x64xbf16>
    %swap3A_233 = vector.shape_cast %swap3A_232 : vector<1x400x64xbf16> to vector<400x64xbf16>
    %swap3A_234 = vector.shape_cast %slice3A_228 : vector<400x64xbf16> to vector<1x400x64xbf16>
    tpu.vector_store %arg7[%swap3A_229, %swap3A_230, %swap3A_231], %swap3A_234 {strides = array<i32>} : memref<32x400x64xbf16, #tpu.memory_space<vmem>>, vector<1x400x64xbf16>,
    %slice3A_235 = vector.extract_strided_slice %convert_element_type3A_124 {offsets = [6400, 0], sizes = [400, 64], strides = [1, 1]} : vector<12800x64xbf16> to vector<400x64xbf16>
    %swap3A_236 = arith.constant 1 : index
    %swap3A_237 = arith.constant 0 : index
    %swap3A_238 = arith.constant 0 : index
    %swap3A_239 = vector.load %arg7[%swap3A_236, %swap3A_237, %swap3A_238] : memref<32x400x64xbf16, #tpu.memory_space<vmem>>, vector<1x400x64xbf16>
    %swap3A_240 = vector.shape_cast %swap3A_239 : vector<1x400x64xbf16> to vector<400x64xbf16>
    %swap3A_241 = vector.shape_cast %slice3A_235 : vector<400x64xbf16> to vector<1x400x64xbf16>
    tpu.vector_store %arg7[%swap3A_236, %swap3A_237, %swap3A_238], %swap3A_241 {strides = array<i32>} : memref<32x400x64xbf16, #tpu.memory_space<vmem>>, vector<1x400x64xbf16>,
    %slice3A_242 = vector.extract_strided_slice %convert_element_type3A_124 {offsets = [6800, 0], sizes = [400, 64], strides = [1, 1]} : vector<12800x64xbf16> to vector<400x64xbf16>
    %swap3A_243 = arith.constant 3 : index
    %swap3A_244 = arith.constant 0 : index
    %swap3A_245 = arith.constant 0 : index
    %swap3A_246 = vector.load %arg7[%swap3A_243, %swap3A_244, %swap3A_245] : memref<32x400x64xbf16, #tpu.memory_space<vmem>>, vector<1x400x64xbf16>
    %swap3A_247 = vector.shape_cast %swap3A_246 : vector<1x400x64xbf16> to vector<400x64xbf16>
    %swap3A_248 = vector.shape_cast %slice3A_242 : vector<400x64xbf16> to vector<1x400x64xbf16>
    tpu.vector_store %arg7[%swap3A_243, %swap3A_244, %swap3A_245], %swap3A_248 {strides = array<i32>} : memref<32x400x64xbf16, #tpu.memory_space<vmem>>, vector<1x400x64xbf16>,
    %slice3A_249 = vector.extract_strided_slice %convert_element_type3A_124 {offsets = [7200, 0], sizes = [400, 64], strides = [1, 1]} : vector<12800x64xbf16> to vector<400x64xbf16>
    %swap3A_250 = arith.constant 5 : index
    %swap3A_251 = arith.constant 0 : index
    %swap3A_252 = arith.constant 0 : index
    %swap3A_253 = vector.load %arg7[%swap3A_250, %swap3A_251, %swap3A_252] : memref<32x400x64xbf16, #tpu.memory_space<vmem>>, vector<1x400x64xbf16>
    %swap3A_254 = vector.shape_cast %swap3A_253 : vector<1x400x64xbf16> to vector<400x64xbf16>
    %swap3A_255 = vector.shape_cast %slice3A_249 : vector<400x64xbf16> to vector<1x400x64xbf16>
    tpu.vector_store %arg7[%swap3A_250, %swap3A_251, %swap3A_252], %swap3A_255 {strides = array<i32>} : memref<32x400x64xbf16, #tpu.memory_space<vmem>>, vector<1x400x64xbf16>,
    %slice3A_256 = vector.extract_strided_slice %convert_element_type3A_124 {offsets = [7600, 0], sizes = [400, 64], strides = [1, 1]} : vector<12800x64xbf16> to vector<400x64xbf16>
    %swap3A_257 = arith.constant 7 : index
    %swap3A_258 = arith.constant 0 : index
    %swap3A_259 = arith.constant 0 : index
    %swap3A_260 = vector.load %arg7[%swap3A_257, %swap3A_258, %swap3A_259] : memref<32x400x64xbf16, #tpu.memory_space<vmem>>, vector<1x400x64xbf16>
    %swap3A_261 = vector.shape_cast %swap3A_260 : vector<1x400x64xbf16> to vector<400x64xbf16>
    %swap3A_262 = vector.shape_cast %slice3A_256 : vector<400x64xbf16> to vector<1x400x64xbf16>
    tpu.vector_store %arg7[%swap3A_257, %swap3A_258, %swap3A_259], %swap3A_262 {strides = array<i32>} : memref<32x400x64xbf16, #tpu.memory_space<vmem>>, vector<1x400x64xbf16>,
    %slice3A_263 = vector.extract_strided_slice %convert_element_type3A_124 {offsets = [8000, 0], sizes = [400, 64], strides = [1, 1]} : vector<12800x64xbf16> to vector<400x64xbf16>
    %swap3A_264 = arith.constant 9 : index
    %swap3A_265 = arith.constant 0 : index
    %swap3A_266 = arith.constant 0 : index
    %swap3A_267 = vector.load %arg7[%swap3A_264, %swap3A_265, %swap3A_266] : memref<32x400x64xbf16, #tpu.memory_space<vmem>>, vector<1x400x64xbf16>
    %swap3A_268 = vector.shape_cast %swap3A_267 : vector<1x400x64xbf16> to vector<400x64xbf16>
    %swap3A_269 = vector.shape_cast %slice3A_263 : vector<400x64xbf16> to vector<1x400x64xbf16>
    tpu.vector_store %arg7[%swap3A_264, %swap3A_265, %swap3A_266], %swap3A_269 {strides = array<i32>} : memref<32x400x64xbf16, #tpu.memory_space<vmem>>, vector<1x400x64xbf16>,
    %slice3A_270 = vector.extract_strided_slice %convert_element_type3A_124 {offsets = [8400, 0], sizes = [400, 64], strides = [1, 1]} : vector<12800x64xbf16> to vector<400x64xbf16>
    %swap3A_271 = arith.constant 11 : index
    %swap3A_272 = arith.constant 0 : index
    %swap3A_273 = arith.constant 0 : index
    %swap3A_274 = vector.load %arg7[%swap3A_271, %swap3A_272, %swap3A_273] : memref<32x400x64xbf16, #tpu.memory_space<vmem>>, vector<1x400x64xbf16>
    %swap3A_275 = vector.shape_cast %swap3A_274 : vector<1x400x64xbf16> to vector<400x64xbf16>
    %swap3A_276 = vector.shape_cast %slice3A_270 : vector<400x64xbf16> to vector<1x400x64xbf16>
    tpu.vector_store %arg7[%swap3A_271, %swap3A_272, %swap3A_273], %swap3A_276 {strides = array<i32>} : memref<32x400x64xbf16, #tpu.memory_space<vmem>>, vector<1x400x64xbf16>,
    %slice3A_277 = vector.extract_strided_slice %convert_element_type3A_124 {offsets = [8800, 0], sizes = [400, 64], strides = [1, 1]} : vector<12800x64xbf16> to vector<400x64xbf16>
    %swap3A_278 = arith.constant 13 : index
    %swap3A_279 = arith.constant 0 : index
    %swap3A_280 = arith.constant 0 : index
    %swap3A_281 = vector.load %arg7[%swap3A_278, %swap3A_279, %swap3A_280] : memref<32x400x64xbf16, #tpu.memory_space<vmem>>, vector<1x400x64xbf16>
    %swap3A_282 = vector.shape_cast %swap3A_281 : vector<1x400x64xbf16> to vector<400x64xbf16>
    %swap3A_283 = vector.shape_cast %slice3A_277 : vector<400x64xbf16> to vector<1x400x64xbf16>
    tpu.vector_store %arg7[%swap3A_278, %swap3A_279, %swap3A_280], %swap3A_283 {strides = array<i32>} : memref<32x400x64xbf16, #tpu.memory_space<vmem>>, vector<1x400x64xbf16>,
    %slice3A_284 = vector.extract_strided_slice %convert_element_type3A_124 {offsets = [9200, 0], sizes = [400, 64], strides = [1, 1]} : vector<12800x64xbf16> to vector<400x64xbf16>
    %swap3A_285 = arith.constant 15 : index
    %swap3A_286 = arith.constant 0 : index
    %swap3A_287 = arith.constant 0 : index
    %swap3A_288 = vector.load %arg7[%swap3A_285, %swap3A_286, %swap3A_287] : memref<32x400x64xbf16, #tpu.memory_space<vmem>>, vector<1x400x64xbf16>
    %swap3A_289 = vector.shape_cast %swap3A_288 : vector<1x400x64xbf16> to vector<400x64xbf16>
    %swap3A_290 = vector.shape_cast %slice3A_284 : vector<400x64xbf16> to vector<1x400x64xbf16>
    tpu.vector_store %arg7[%swap3A_285, %swap3A_286, %swap3A_287], %swap3A_290 {strides = array<i32>} : memref<32x400x64xbf16, #tpu.memory_space<vmem>>, vector<1x400x64xbf16>,
    %slice3A_291 = vector.extract_strided_slice %convert_element_type3A_124 {offsets = [9600, 0], sizes = [400, 64], strides = [1, 1]} : vector<12800x64xbf16> to vector<400x64xbf16>
    %swap3A_292 = arith.constant 17 : index
    %swap3A_293 = arith.constant 0 : index
    %swap3A_294 = arith.constant 0 : index
    %swap3A_295 = vector.load %arg7[%swap3A_292, %swap3A_293, %swap3A_294] : memref<32x400x64xbf16, #tpu.memory_space<vmem>>, vector<1x400x64xbf16>
    %swap3A_296 = vector.shape_cast %swap3A_295 : vector<1x400x64xbf16> to vector<400x64xbf16>
    %swap3A_297 = vector.shape_cast %slice3A_291 : vector<400x64xbf16> to vector<1x400x64xbf16>
    tpu.vector_store %arg7[%swap3A_292, %swap3A_293, %swap3A_294], %swap3A_297 {strides = array<i32>} : memref<32x400x64xbf16, #tpu.memory_space<vmem>>, vector<1x400x64xbf16>,
    %slice3A_298 = vector.extract_strided_slice %convert_element_type3A_124 {offsets = [10000, 0], sizes = [400, 64], strides = [1, 1]} : vector<12800x64xbf16> to vector<400x64xbf16>
    %swap3A_299 = arith.constant 19 : index
    %swap3A_300 = arith.constant 0 : index
    %swap3A_301 = arith.constant 0 : index
    %swap3A_302 = vector.load %arg7[%swap3A_299, %swap3A_300, %swap3A_301] : memref<32x400x64xbf16, #tpu.memory_space<vmem>>, vector<1x400x64xbf16>
    %swap3A_303 = vector.shape_cast %swap3A_302 : vector<1x400x64xbf16> to vector<400x64xbf16>
    %swap3A_304 = vector.shape_cast %slice3A_298 : vector<400x64xbf16> to vector<1x400x64xbf16>
    tpu.vector_store %arg7[%swap3A_299, %swap3A_300, %swap3A_301], %swap3A_304 {strides = array<i32>} : memref<32x400x64xbf16, #tpu.memory_space<vmem>>, vector<1x400x64xbf16>,
    %slice3A_305 = vector.extract_strided_slice %convert_element_type3A_124 {offsets = [10400, 0], sizes = [400, 64], strides = [1, 1]} : vector<12800x64xbf16> to vector<400x64xbf16>
    %swap3A_306 = arith.constant 21 : index
    %swap3A_307 = arith.constant 0 : index
    %swap3A_308 = arith.constant 0 : index
    %swap3A_309 = vector.load %arg7[%swap3A_306, %swap3A_307, %swap3A_308] : memref<32x400x64xbf16, #tpu.memory_space<vmem>>, vector<1x400x64xbf16>
    %swap3A_310 = vector.shape_cast %swap3A_309 : vector<1x400x64xbf16> to vector<400x64xbf16>
    %swap3A_311 = vector.shape_cast %slice3A_305 : vector<400x64xbf16> to vector<1x400x64xbf16>
    tpu.vector_store %arg7[%swap3A_306, %swap3A_307, %swap3A_308], %swap3A_311 {strides = array<i32>} : memref<32x400x64xbf16, #tpu.memory_space<vmem>>, vector<1x400x64xbf16>,
    %slice3A_312 = vector.extract_strided_slice %convert_element_type3A_124 {offsets = [10800, 0], sizes = [400, 64], strides = [1, 1]} : vector<12800x64xbf16> to vector<400x64xbf16>
    %swap3A_313 = arith.constant 23 : index
    %swap3A_314 = arith.constant 0 : index
    %swap3A_315 = arith.constant 0 : index
    %swap3A_316 = vector.load %arg7[%swap3A_313, %swap3A_314, %swap3A_315] : memref<32x400x64xbf16, #tpu.memory_space<vmem>>, vector<1x400x64xbf16>
    %swap3A_317 = vector.shape_cast %swap3A_316 : vector<1x400x64xbf16> to vector<400x64xbf16>
    %swap3A_318 = vector.shape_cast %slice3A_312 : vector<400x64xbf16> to vector<1x400x64xbf16>
    tpu.vector_store %arg7[%swap3A_313, %swap3A_314, %swap3A_315], %swap3A_318 {strides = array<i32>} : memref<32x400x64xbf16, #tpu.memory_space<vmem>>, vector<1x400x64xbf16>,
    %slice3A_319 = vector.extract_strided_slice %convert_element_type3A_124 {offsets = [11200, 0], sizes = [400, 64], strides = [1, 1]} : vector<12800x64xbf16> to vector<400x64xbf16>
    %swap3A_320 = arith.constant 25 : index
    %swap3A_321 = arith.constant 0 : index
    %swap3A_322 = arith.constant 0 : index
    %swap3A_323 = vector.load %arg7[%swap3A_320, %swap3A_321, %swap3A_322] : memref<32x400x64xbf16, #tpu.memory_space<vmem>>, vector<1x400x64xbf16>
    %swap3A_324 = vector.shape_cast %swap3A_323 : vector<1x400x64xbf16> to vector<400x64xbf16>
    %swap3A_325 = vector.shape_cast %slice3A_319 : vector<400x64xbf16> to vector<1x400x64xbf16>
    tpu.vector_store %arg7[%swap3A_320, %swap3A_321, %swap3A_322], %swap3A_325 {strides = array<i32>} : memref<32x400x64xbf16, #tpu.memory_space<vmem>>, vector<1x400x64xbf16>,
    %slice3A_326 = vector.extract_strided_slice %convert_element_type3A_124 {offsets = [11600, 0], sizes = [400, 64], strides = [1, 1]} : vector<12800x64xbf16> to vector<400x64xbf16>
    %swap3A_327 = arith.constant 27 : index
    %swap3A_328 = arith.constant 0 : index
    %swap3A_329 = arith.constant 0 : index
    %swap3A_330 = vector.load %arg7[%swap3A_327, %swap3A_328, %swap3A_329] : memref<32x400x64xbf16, #tpu.memory_space<vmem>>, vector<1x400x64xbf16>
    %swap3A_331 = vector.shape_cast %swap3A_330 : vector<1x400x64xbf16> to vector<400x64xbf16>
    %swap3A_332 = vector.shape_cast %slice3A_326 : vector<400x64xbf16> to vector<1x400x64xbf16>
    tpu.vector_store %arg7[%swap3A_327, %swap3A_328, %swap3A_329], %swap3A_332 {strides = array<i32>} : memref<32x400x64xbf16, #tpu.memory_space<vmem>>, vector<1x400x64xbf16>,
    %slice3A_333 = vector.extract_strided_slice %convert_element_type3A_124 {offsets = [12000, 0], sizes = [400, 64], strides = [1, 1]} : vector<12800x64xbf16> to vector<400x64xbf16>
    %swap3A_334 = arith.constant 29 : index
    %swap3A_335 = arith.constant 0 : index
    %swap3A_336 = arith.constant 0 : index
    %swap3A_337 = vector.load %arg7[%swap3A_334, %swap3A_335, %swap3A_336] : memref<32x400x64xbf16, #tpu.memory_space<vmem>>, vector<1x400x64xbf16>
    %swap3A_338 = vector.shape_cast %swap3A_337 : vector<1x400x64xbf16> to vector<400x64xbf16>
    %swap3A_339 = vector.shape_cast %slice3A_333 : vector<400x64xbf16> to vector<1x400x64xbf16>
    tpu.vector_store %arg7[%swap3A_334, %swap3A_335, %swap3A_336], %swap3A_339 {strides = array<i32>} : memref<32x400x64xbf16, #tpu.memory_space<vmem>>, vector<1x400x64xbf16>,
    %slice3A_340 = vector.extract_strided_slice %convert_element_type3A_124 {offsets = [12400, 0], sizes = [400, 64], strides = [1, 1]} : vector<12800x64xbf16> to vector<400x64xbf16>
    %swap3A_341 = arith.constant 31 : index
    %swap3A_342 = arith.constant 0 : index
    %swap3A_343 = arith.constant 0 : index
    %swap3A_344 = vector.load %arg7[%swap3A_341, %swap3A_342, %swap3A_343] : memref<32x400x64xbf16, #tpu.memory_space<vmem>>, vector<1x400x64xbf16>
    %swap3A_345 = vector.shape_cast %swap3A_344 : vector<1x400x64xbf16> to vector<400x64xbf16>
    %swap3A_346 = vector.shape_cast %slice3A_340 : vector<400x64xbf16> to vector<1x400x64xbf16>
    tpu.vector_store %arg7[%swap3A_341, %swap3A_342, %swap3A_343], %swap3A_346 {strides = array<i32>} : memref<32x400x64xbf16, #tpu.memory_space<vmem>>, vector<1x400x64xbf16>,
    return
  }
  func.func @transform_0(%arg0: i32) -> (i32, i32) {
    %c0_i32 = arith.constant 0 : i32
    %c0_i32_0 = arith.constant 0 : i32
    return %arg0, %c0_i32 : i32, i32
  }
  func.func @transform_1(%arg0: i32) -> (i32, i32) {
    %add3A = arith.constant 25 : i32
    %add3A_0 = arith.addi %arg0, %add3A : i32
    %c0_i32 = arith.constant 0 : i32
    %c0_i32_1 = arith.constant 0 : i32
    return %add3A_0, %c0_i32 : i32, i32
  }
  func.func @transform_2(%arg0: i32) -> (i32, i32) {
    %c0_i32 = arith.constant 0 : i32
    %c0_i32_0 = arith.constant 0 : i32
    %c0_i32_1 = arith.constant 0 : i32
    return %c0_i32, %c0_i32_0 : i32, i32
  }
  func.func @transform_3(%arg0: i32) -> (i32, i32) {
    %c0_i32 = arith.constant 0 : i32
    %c0_i32_0 = arith.constant 0 : i32
    %c0_i32_1 = arith.constant 0 : i32
    return %c0_i32, %c0_i32_0 : i32, i32
  }
  func.func @transform_4(%arg0: i32) -> (i32, i32) {
    %c0_i32 = arith.constant 0 : i32
    %c0_i32_0 = arith.constant 0 : i32
    %c0_i32_1 = arith.constant 0 : i32
    return %c0_i32, %c0_i32_0 : i32, i32
  }
  func.func @transform_5(%arg0: i32) -> (i32, i32) {
    %c0_i32 = arith.constant 0 : i32
    %c0_i32_0 = arith.constant 0 : i32
    %c0_i32_1 = arith.constant 0 : i32
    return %c0_i32, %c0_i32_0 : i32, i32
  }
  func.func @transform_6(%arg0: i32) -> (i32, i32, i32) {
    %c0_i32 = arith.constant 0 : i32
    %c0_i32_0 = arith.constant 0 : i32
    %c0_i32_1 = arith.constant 0 : i32
    return %c0_i32, %arg0, %c0_i32_0 : i32, i32, i32
  }
}

module attributes {stable_mosaic.version = 14 : i64} {
  func.func @_combine_body(%arg0: i32, %arg1: memref<32x400x128xf32, #tpu.memory_space<vmem>>, %arg2: memref<32x400x64xbf16, #tpu.memory_space<vmem>>, %arg3: memref<400x128xf32, #tpu.memory_space<vmem>>, %arg4: memref<1x64xf32, #tpu.memory_space<vmem>>, %arg5: memref<64x64xf32, #tpu.memory_space<vmem>>, %arg6: memref<1x64xf32, #tpu.memory_space<vmem>>, %arg7: memref<64x64xf32, #tpu.memory_space<vmem>>, %arg8: memref<1x64xf32, #tpu.memory_space<vmem>>, %arg9: memref<64x64xf32, #tpu.memory_space<vmem>>, %arg10: memref<400x128xf32, #tpu.memory_space<vmem>>, %arg11: memref<400x128xf32, #tpu.memory_space<vmem>>) attributes {dimension_semantics = [#tpu.dimension_semantics<arbitrary>], iteration_bounds = array<i64: 25>, scalar_prefetch = 0 : i64, scratch_operands = 0 : i64, tpu.core_type = #tpu.core_type<tc>, window_params = [{transform_indices = @transform_0, window_bounds = array<i64: 32, 400, 128>}, {transform_indices = @transform_1, window_bounds = array<i64: 32, 400, 64>}, {transform_indices = @transform_2, window_bounds = array<i64: 400, 128>}, {pipeline_mode = #tpu.pipeline_mode<synchronous>, transform_indices = @transform_3, window_bounds = array<i64: 1, 64>}, {pipeline_mode = #tpu.pipeline_mode<synchronous>, transform_indices = @transform_4, window_bounds = array<i64: 64, 64>}, {pipeline_mode = #tpu.pipeline_mode<synchronous>, transform_indices = @transform_5, window_bounds = array<i64: 1, 64>}, {pipeline_mode = #tpu.pipeline_mode<synchronous>, transform_indices = @transform_6, window_bounds = array<i64: 64, 64>}, {pipeline_mode = #tpu.pipeline_mode<synchronous>, transform_indices = @transform_7, window_bounds = array<i64: 1, 64>}, {pipeline_mode = #tpu.pipeline_mode<synchronous>, transform_indices = @transform_8, window_bounds = array<i64: 64, 64>}, {transform_indices = @transform_9, window_bounds = array<i64: 400, 128>}, {transform_indices = @transform_10, window_bounds = array<i64: 400, 128>}]} {
    %get3A = arith.constant 0 : index
    %get3A_0 = arith.constant 0 : index
    %get3A_1 = arith.constant 0 : index
    %get3A_2 = vector.load %arg1[%get3A, %get3A_0, %get3A_1] : memref<32x400x128xf32, #tpu.memory_space<vmem>>, vector<1x400x64xf32>
    %get3A_3 = vector.shape_cast %get3A_2 : vector<1x400x64xf32> to vector<400x64xf32>
    %get3A_4 = arith.constant 0 : index
    %get3A_5 = arith.constant 0 : index
    %get3A_6 = arith.constant 0 : index
    %get3A_7 = vector.load %arg2[%get3A_4, %get3A_5, %get3A_6] : memref<32x400x64xbf16, #tpu.memory_space<vmem>>, vector<1x400x64xbf16>
    %get3A_8 = vector.shape_cast %get3A_7 : vector<1x400x64xbf16> to vector<400x64xbf16>
    %convert_element_type3A = arith.extf %get3A_8 : vector<400x64xbf16> to vector<400x64xf32>
    %mul3A = arith.mulf %get3A_3, %convert_element_type3A : vector<400x64xf32>
    %get3A_9 = arith.constant 2 : index
    %get3A_10 = arith.constant 0 : index
    %get3A_11 = arith.constant 0 : index
    %get3A_12 = vector.load %arg1[%get3A_9, %get3A_10, %get3A_11] : memref<32x400x128xf32, #tpu.memory_space<vmem>>, vector<1x400x64xf32>
    %get3A_13 = vector.shape_cast %get3A_12 : vector<1x400x64xf32> to vector<400x64xf32>
    %get3A_14 = arith.constant 2 : index
    %get3A_15 = arith.constant 0 : index
    %get3A_16 = arith.constant 0 : index
    %get3A_17 = vector.load %arg2[%get3A_14, %get3A_15, %get3A_16] : memref<32x400x64xbf16, #tpu.memory_space<vmem>>, vector<1x400x64xbf16>
    %get3A_18 = vector.shape_cast %get3A_17 : vector<1x400x64xbf16> to vector<400x64xbf16>
    %convert_element_type3A_19 = arith.extf %get3A_18 : vector<400x64xbf16> to vector<400x64xf32>
    %mul3A_20 = arith.mulf %get3A_13, %convert_element_type3A_19 : vector<400x64xf32>
    %get3A_21 = arith.constant 4 : index
    %get3A_22 = arith.constant 0 : index
    %get3A_23 = arith.constant 0 : index
    %get3A_24 = vector.load %arg1[%get3A_21, %get3A_22, %get3A_23] : memref<32x400x128xf32, #tpu.memory_space<vmem>>, vector<1x400x64xf32>
    %get3A_25 = vector.shape_cast %get3A_24 : vector<1x400x64xf32> to vector<400x64xf32>
    %get3A_26 = arith.constant 4 : index
    %get3A_27 = arith.constant 0 : index
    %get3A_28 = arith.constant 0 : index
    %get3A_29 = vector.load %arg2[%get3A_26, %get3A_27, %get3A_28] : memref<32x400x64xbf16, #tpu.memory_space<vmem>>, vector<1x400x64xbf16>
    %get3A_30 = vector.shape_cast %get3A_29 : vector<1x400x64xbf16> to vector<400x64xbf16>
    %convert_element_type3A_31 = arith.extf %get3A_30 : vector<400x64xbf16> to vector<400x64xf32>
    %mul3A_32 = arith.mulf %get3A_25, %convert_element_type3A_31 : vector<400x64xf32>
    %get3A_33 = arith.constant 6 : index
    %get3A_34 = arith.constant 0 : index
    %get3A_35 = arith.constant 0 : index
    %get3A_36 = vector.load %arg1[%get3A_33, %get3A_34, %get3A_35] : memref<32x400x128xf32, #tpu.memory_space<vmem>>, vector<1x400x64xf32>
    %get3A_37 = vector.shape_cast %get3A_36 : vector<1x400x64xf32> to vector<400x64xf32>
    %get3A_38 = arith.constant 6 : index
    %get3A_39 = arith.constant 0 : index
    %get3A_40 = arith.constant 0 : index
    %get3A_41 = vector.load %arg2[%get3A_38, %get3A_39, %get3A_40] : memref<32x400x64xbf16, #tpu.memory_space<vmem>>, vector<1x400x64xbf16>
    %get3A_42 = vector.shape_cast %get3A_41 : vector<1x400x64xbf16> to vector<400x64xbf16>
    %convert_element_type3A_43 = arith.extf %get3A_42 : vector<400x64xbf16> to vector<400x64xf32>
    %mul3A_44 = arith.mulf %get3A_37, %convert_element_type3A_43 : vector<400x64xf32>
    %get3A_45 = arith.constant 8 : index
    %get3A_46 = arith.constant 0 : index
    %get3A_47 = arith.constant 0 : index
    %get3A_48 = vector.load %arg1[%get3A_45, %get3A_46, %get3A_47] : memref<32x400x128xf32, #tpu.memory_space<vmem>>, vector<1x400x64xf32>
    %get3A_49 = vector.shape_cast %get3A_48 : vector<1x400x64xf32> to vector<400x64xf32>
    %get3A_50 = arith.constant 8 : index
    %get3A_51 = arith.constant 0 : index
    %get3A_52 = arith.constant 0 : index
    %get3A_53 = vector.load %arg2[%get3A_50, %get3A_51, %get3A_52] : memref<32x400x64xbf16, #tpu.memory_space<vmem>>, vector<1x400x64xbf16>
    %get3A_54 = vector.shape_cast %get3A_53 : vector<1x400x64xbf16> to vector<400x64xbf16>
    %convert_element_type3A_55 = arith.extf %get3A_54 : vector<400x64xbf16> to vector<400x64xf32>
    %mul3A_56 = arith.mulf %get3A_49, %convert_element_type3A_55 : vector<400x64xf32>
    %get3A_57 = arith.constant 10 : index
    %get3A_58 = arith.constant 0 : index
    %get3A_59 = arith.constant 0 : index
    %get3A_60 = vector.load %arg1[%get3A_57, %get3A_58, %get3A_59] : memref<32x400x128xf32, #tpu.memory_space<vmem>>, vector<1x400x64xf32>
    %get3A_61 = vector.shape_cast %get3A_60 : vector<1x400x64xf32> to vector<400x64xf32>
    %get3A_62 = arith.constant 10 : index
    %get3A_63 = arith.constant 0 : index
    %get3A_64 = arith.constant 0 : index
    %get3A_65 = vector.load %arg2[%get3A_62, %get3A_63, %get3A_64] : memref<32x400x64xbf16, #tpu.memory_space<vmem>>, vector<1x400x64xbf16>
    %get3A_66 = vector.shape_cast %get3A_65 : vector<1x400x64xbf16> to vector<400x64xbf16>
    %convert_element_type3A_67 = arith.extf %get3A_66 : vector<400x64xbf16> to vector<400x64xf32>
    %mul3A_68 = arith.mulf %get3A_61, %convert_element_type3A_67 : vector<400x64xf32>
    %get3A_69 = arith.constant 12 : index
    %get3A_70 = arith.constant 0 : index
    %get3A_71 = arith.constant 0 : index
    %get3A_72 = vector.load %arg1[%get3A_69, %get3A_70, %get3A_71] : memref<32x400x128xf32, #tpu.memory_space<vmem>>, vector<1x400x64xf32>
    %get3A_73 = vector.shape_cast %get3A_72 : vector<1x400x64xf32> to vector<400x64xf32>
    %get3A_74 = arith.constant 12 : index
    %get3A_75 = arith.constant 0 : index
    %get3A_76 = arith.constant 0 : index
    %get3A_77 = vector.load %arg2[%get3A_74, %get3A_75, %get3A_76] : memref<32x400x64xbf16, #tpu.memory_space<vmem>>, vector<1x400x64xbf16>
    %get3A_78 = vector.shape_cast %get3A_77 : vector<1x400x64xbf16> to vector<400x64xbf16>
    %convert_element_type3A_79 = arith.extf %get3A_78 : vector<400x64xbf16> to vector<400x64xf32>
    %mul3A_80 = arith.mulf %get3A_73, %convert_element_type3A_79 : vector<400x64xf32>
    %get3A_81 = arith.constant 14 : index
    %get3A_82 = arith.constant 0 : index
    %get3A_83 = arith.constant 0 : index
    %get3A_84 = vector.load %arg1[%get3A_81, %get3A_82, %get3A_83] : memref<32x400x128xf32, #tpu.memory_space<vmem>>, vector<1x400x64xf32>
    %get3A_85 = vector.shape_cast %get3A_84 : vector<1x400x64xf32> to vector<400x64xf32>
    %get3A_86 = arith.constant 14 : index
    %get3A_87 = arith.constant 0 : index
    %get3A_88 = arith.constant 0 : index
    %get3A_89 = vector.load %arg2[%get3A_86, %get3A_87, %get3A_88] : memref<32x400x64xbf16, #tpu.memory_space<vmem>>, vector<1x400x64xbf16>
    %get3A_90 = vector.shape_cast %get3A_89 : vector<1x400x64xbf16> to vector<400x64xbf16>
    %convert_element_type3A_91 = arith.extf %get3A_90 : vector<400x64xbf16> to vector<400x64xf32>
    %mul3A_92 = arith.mulf %get3A_85, %convert_element_type3A_91 : vector<400x64xf32>
    %get3A_93 = arith.constant 16 : index
    %get3A_94 = arith.constant 0 : index
    %get3A_95 = arith.constant 0 : index
    %get3A_96 = vector.load %arg1[%get3A_93, %get3A_94, %get3A_95] : memref<32x400x128xf32, #tpu.memory_space<vmem>>, vector<1x400x64xf32>
    %get3A_97 = vector.shape_cast %get3A_96 : vector<1x400x64xf32> to vector<400x64xf32>
    %get3A_98 = arith.constant 16 : index
    %get3A_99 = arith.constant 0 : index
    %get3A_100 = arith.constant 0 : index
    %get3A_101 = vector.load %arg2[%get3A_98, %get3A_99, %get3A_100] : memref<32x400x64xbf16, #tpu.memory_space<vmem>>, vector<1x400x64xbf16>
    %get3A_102 = vector.shape_cast %get3A_101 : vector<1x400x64xbf16> to vector<400x64xbf16>
    %convert_element_type3A_103 = arith.extf %get3A_102 : vector<400x64xbf16> to vector<400x64xf32>
    %mul3A_104 = arith.mulf %get3A_97, %convert_element_type3A_103 : vector<400x64xf32>
    %get3A_105 = arith.constant 18 : index
    %get3A_106 = arith.constant 0 : index
    %get3A_107 = arith.constant 0 : index
    %get3A_108 = vector.load %arg1[%get3A_105, %get3A_106, %get3A_107] : memref<32x400x128xf32, #tpu.memory_space<vmem>>, vector<1x400x64xf32>
    %get3A_109 = vector.shape_cast %get3A_108 : vector<1x400x64xf32> to vector<400x64xf32>
    %get3A_110 = arith.constant 18 : index
    %get3A_111 = arith.constant 0 : index
    %get3A_112 = arith.constant 0 : index
    %get3A_113 = vector.load %arg2[%get3A_110, %get3A_111, %get3A_112] : memref<32x400x64xbf16, #tpu.memory_space<vmem>>, vector<1x400x64xbf16>
    %get3A_114 = vector.shape_cast %get3A_113 : vector<1x400x64xbf16> to vector<400x64xbf16>
    %convert_element_type3A_115 = arith.extf %get3A_114 : vector<400x64xbf16> to vector<400x64xf32>
    %mul3A_116 = arith.mulf %get3A_109, %convert_element_type3A_115 : vector<400x64xf32>
    %get3A_117 = arith.constant 20 : index
    %get3A_118 = arith.constant 0 : index
    %get3A_119 = arith.constant 0 : index
    %get3A_120 = vector.load %arg1[%get3A_117, %get3A_118, %get3A_119] : memref<32x400x128xf32, #tpu.memory_space<vmem>>, vector<1x400x64xf32>
    %get3A_121 = vector.shape_cast %get3A_120 : vector<1x400x64xf32> to vector<400x64xf32>
    %get3A_122 = arith.constant 20 : index
    %get3A_123 = arith.constant 0 : index
    %get3A_124 = arith.constant 0 : index
    %get3A_125 = vector.load %arg2[%get3A_122, %get3A_123, %get3A_124] : memref<32x400x64xbf16, #tpu.memory_space<vmem>>, vector<1x400x64xbf16>
    %get3A_126 = vector.shape_cast %get3A_125 : vector<1x400x64xbf16> to vector<400x64xbf16>
    %convert_element_type3A_127 = arith.extf %get3A_126 : vector<400x64xbf16> to vector<400x64xf32>
    %mul3A_128 = arith.mulf %get3A_121, %convert_element_type3A_127 : vector<400x64xf32>
    %get3A_129 = arith.constant 22 : index
    %get3A_130 = arith.constant 0 : index
    %get3A_131 = arith.constant 0 : index
    %get3A_132 = vector.load %arg1[%get3A_129, %get3A_130, %get3A_131] : memref<32x400x128xf32, #tpu.memory_space<vmem>>, vector<1x400x64xf32>
    %get3A_133 = vector.shape_cast %get3A_132 : vector<1x400x64xf32> to vector<400x64xf32>
    %get3A_134 = arith.constant 22 : index
    %get3A_135 = arith.constant 0 : index
    %get3A_136 = arith.constant 0 : index
    %get3A_137 = vector.load %arg2[%get3A_134, %get3A_135, %get3A_136] : memref<32x400x64xbf16, #tpu.memory_space<vmem>>, vector<1x400x64xbf16>
    %get3A_138 = vector.shape_cast %get3A_137 : vector<1x400x64xbf16> to vector<400x64xbf16>
    %convert_element_type3A_139 = arith.extf %get3A_138 : vector<400x64xbf16> to vector<400x64xf32>
    %mul3A_140 = arith.mulf %get3A_133, %convert_element_type3A_139 : vector<400x64xf32>
    %get3A_141 = arith.constant 24 : index
    %get3A_142 = arith.constant 0 : index
    %get3A_143 = arith.constant 0 : index
    %get3A_144 = vector.load %arg1[%get3A_141, %get3A_142, %get3A_143] : memref<32x400x128xf32, #tpu.memory_space<vmem>>, vector<1x400x64xf32>
    %get3A_145 = vector.shape_cast %get3A_144 : vector<1x400x64xf32> to vector<400x64xf32>
    %get3A_146 = arith.constant 24 : index
    %get3A_147 = arith.constant 0 : index
    %get3A_148 = arith.constant 0 : index
    %get3A_149 = vector.load %arg2[%get3A_146, %get3A_147, %get3A_148] : memref<32x400x64xbf16, #tpu.memory_space<vmem>>, vector<1x400x64xbf16>
    %get3A_150 = vector.shape_cast %get3A_149 : vector<1x400x64xbf16> to vector<400x64xbf16>
    %convert_element_type3A_151 = arith.extf %get3A_150 : vector<400x64xbf16> to vector<400x64xf32>
    %mul3A_152 = arith.mulf %get3A_145, %convert_element_type3A_151 : vector<400x64xf32>
    %get3A_153 = arith.constant 26 : index
    %get3A_154 = arith.constant 0 : index
    %get3A_155 = arith.constant 0 : index
    %get3A_156 = vector.load %arg1[%get3A_153, %get3A_154, %get3A_155] : memref<32x400x128xf32, #tpu.memory_space<vmem>>, vector<1x400x64xf32>
    %get3A_157 = vector.shape_cast %get3A_156 : vector<1x400x64xf32> to vector<400x64xf32>
    %get3A_158 = arith.constant 26 : index
    %get3A_159 = arith.constant 0 : index
    %get3A_160 = arith.constant 0 : index
    %get3A_161 = vector.load %arg2[%get3A_158, %get3A_159, %get3A_160] : memref<32x400x64xbf16, #tpu.memory_space<vmem>>, vector<1x400x64xbf16>
    %get3A_162 = vector.shape_cast %get3A_161 : vector<1x400x64xbf16> to vector<400x64xbf16>
    %convert_element_type3A_163 = arith.extf %get3A_162 : vector<400x64xbf16> to vector<400x64xf32>
    %mul3A_164 = arith.mulf %get3A_157, %convert_element_type3A_163 : vector<400x64xf32>
    %get3A_165 = arith.constant 28 : index
    %get3A_166 = arith.constant 0 : index
    %get3A_167 = arith.constant 0 : index
    %get3A_168 = vector.load %arg1[%get3A_165, %get3A_166, %get3A_167] : memref<32x400x128xf32, #tpu.memory_space<vmem>>, vector<1x400x64xf32>
    %get3A_169 = vector.shape_cast %get3A_168 : vector<1x400x64xf32> to vector<400x64xf32>
    %get3A_170 = arith.constant 28 : index
    %get3A_171 = arith.constant 0 : index
    %get3A_172 = arith.constant 0 : index
    %get3A_173 = vector.load %arg2[%get3A_170, %get3A_171, %get3A_172] : memref<32x400x64xbf16, #tpu.memory_space<vmem>>, vector<1x400x64xbf16>
    %get3A_174 = vector.shape_cast %get3A_173 : vector<1x400x64xbf16> to vector<400x64xbf16>
    %convert_element_type3A_175 = arith.extf %get3A_174 : vector<400x64xbf16> to vector<400x64xf32>
    %mul3A_176 = arith.mulf %get3A_169, %convert_element_type3A_175 : vector<400x64xf32>
    %get3A_177 = arith.constant 30 : index
    %get3A_178 = arith.constant 0 : index
    %get3A_179 = arith.constant 0 : index
    %get3A_180 = vector.load %arg1[%get3A_177, %get3A_178, %get3A_179] : memref<32x400x128xf32, #tpu.memory_space<vmem>>, vector<1x400x64xf32>
    %get3A_181 = vector.shape_cast %get3A_180 : vector<1x400x64xf32> to vector<400x64xf32>
    %get3A_182 = arith.constant 30 : index
    %get3A_183 = arith.constant 0 : index
    %get3A_184 = arith.constant 0 : index
    %get3A_185 = vector.load %arg2[%get3A_182, %get3A_183, %get3A_184] : memref<32x400x64xbf16, #tpu.memory_space<vmem>>, vector<1x400x64xbf16>
    %get3A_186 = vector.shape_cast %get3A_185 : vector<1x400x64xbf16> to vector<400x64xbf16>
    %convert_element_type3A_187 = arith.extf %get3A_186 : vector<400x64xbf16> to vector<400x64xf32>
    %mul3A_188 = arith.mulf %get3A_181, %convert_element_type3A_187 : vector<400x64xf32>
    %get3A_189 = arith.constant 1 : index
    %get3A_190 = arith.constant 0 : index
    %get3A_191 = arith.constant 64 : index
    %get3A_192 = vector.load %arg1[%get3A_189, %get3A_190, %get3A_191] : memref<32x400x128xf32, #tpu.memory_space<vmem>>, vector<1x400x64xf32>
    %get3A_193 = vector.shape_cast %get3A_192 : vector<1x400x64xf32> to vector<400x64xf32>
    %get3A_194 = arith.constant 1 : index
    %get3A_195 = arith.constant 0 : index
    %get3A_196 = arith.constant 0 : index
    %get3A_197 = vector.load %arg2[%get3A_194, %get3A_195, %get3A_196] : memref<32x400x64xbf16, #tpu.memory_space<vmem>>, vector<1x400x64xbf16>
    %get3A_198 = vector.shape_cast %get3A_197 : vector<1x400x64xbf16> to vector<400x64xbf16>
    %convert_element_type3A_199 = arith.extf %get3A_198 : vector<400x64xbf16> to vector<400x64xf32>
    %mul3A_200 = arith.mulf %get3A_193, %convert_element_type3A_199 : vector<400x64xf32>
    %get3A_201 = arith.constant 3 : index
    %get3A_202 = arith.constant 0 : index
    %get3A_203 = arith.constant 64 : index
    %get3A_204 = vector.load %arg1[%get3A_201, %get3A_202, %get3A_203] : memref<32x400x128xf32, #tpu.memory_space<vmem>>, vector<1x400x64xf32>
    %get3A_205 = vector.shape_cast %get3A_204 : vector<1x400x64xf32> to vector<400x64xf32>
    %get3A_206 = arith.constant 3 : index
    %get3A_207 = arith.constant 0 : index
    %get3A_208 = arith.constant 0 : index
    %get3A_209 = vector.load %arg2[%get3A_206, %get3A_207, %get3A_208] : memref<32x400x64xbf16, #tpu.memory_space<vmem>>, vector<1x400x64xbf16>
    %get3A_210 = vector.shape_cast %get3A_209 : vector<1x400x64xbf16> to vector<400x64xbf16>
    %convert_element_type3A_211 = arith.extf %get3A_210 : vector<400x64xbf16> to vector<400x64xf32>
    %mul3A_212 = arith.mulf %get3A_205, %convert_element_type3A_211 : vector<400x64xf32>
    %get3A_213 = arith.constant 5 : index
    %get3A_214 = arith.constant 0 : index
    %get3A_215 = arith.constant 64 : index
    %get3A_216 = vector.load %arg1[%get3A_213, %get3A_214, %get3A_215] : memref<32x400x128xf32, #tpu.memory_space<vmem>>, vector<1x400x64xf32>
    %get3A_217 = vector.shape_cast %get3A_216 : vector<1x400x64xf32> to vector<400x64xf32>
    %get3A_218 = arith.constant 5 : index
    %get3A_219 = arith.constant 0 : index
    %get3A_220 = arith.constant 0 : index
    %get3A_221 = vector.load %arg2[%get3A_218, %get3A_219, %get3A_220] : memref<32x400x64xbf16, #tpu.memory_space<vmem>>, vector<1x400x64xbf16>
    %get3A_222 = vector.shape_cast %get3A_221 : vector<1x400x64xbf16> to vector<400x64xbf16>
    %convert_element_type3A_223 = arith.extf %get3A_222 : vector<400x64xbf16> to vector<400x64xf32>
    %mul3A_224 = arith.mulf %get3A_217, %convert_element_type3A_223 : vector<400x64xf32>
    %get3A_225 = arith.constant 7 : index
    %get3A_226 = arith.constant 0 : index
    %get3A_227 = arith.constant 64 : index
    %get3A_228 = vector.load %arg1[%get3A_225, %get3A_226, %get3A_227] : memref<32x400x128xf32, #tpu.memory_space<vmem>>, vector<1x400x64xf32>
    %get3A_229 = vector.shape_cast %get3A_228 : vector<1x400x64xf32> to vector<400x64xf32>
    %get3A_230 = arith.constant 7 : index
    %get3A_231 = arith.constant 0 : index
    %get3A_232 = arith.constant 0 : index
    %get3A_233 = vector.load %arg2[%get3A_230, %get3A_231, %get3A_232] : memref<32x400x64xbf16, #tpu.memory_space<vmem>>, vector<1x400x64xbf16>
    %get3A_234 = vector.shape_cast %get3A_233 : vector<1x400x64xbf16> to vector<400x64xbf16>
    %convert_element_type3A_235 = arith.extf %get3A_234 : vector<400x64xbf16> to vector<400x64xf32>
    %mul3A_236 = arith.mulf %get3A_229, %convert_element_type3A_235 : vector<400x64xf32>
    %get3A_237 = arith.constant 9 : index
    %get3A_238 = arith.constant 0 : index
    %get3A_239 = arith.constant 64 : index
    %get3A_240 = vector.load %arg1[%get3A_237, %get3A_238, %get3A_239] : memref<32x400x128xf32, #tpu.memory_space<vmem>>, vector<1x400x64xf32>
    %get3A_241 = vector.shape_cast %get3A_240 : vector<1x400x64xf32> to vector<400x64xf32>
    %get3A_242 = arith.constant 9 : index
    %get3A_243 = arith.constant 0 : index
    %get3A_244 = arith.constant 0 : index
    %get3A_245 = vector.load %arg2[%get3A_242, %get3A_243, %get3A_244] : memref<32x400x64xbf16, #tpu.memory_space<vmem>>, vector<1x400x64xbf16>
    %get3A_246 = vector.shape_cast %get3A_245 : vector<1x400x64xbf16> to vector<400x64xbf16>
    %convert_element_type3A_247 = arith.extf %get3A_246 : vector<400x64xbf16> to vector<400x64xf32>
    %mul3A_248 = arith.mulf %get3A_241, %convert_element_type3A_247 : vector<400x64xf32>
    %get3A_249 = arith.constant 11 : index
    %get3A_250 = arith.constant 0 : index
    %get3A_251 = arith.constant 64 : index
    %get3A_252 = vector.load %arg1[%get3A_249, %get3A_250, %get3A_251] : memref<32x400x128xf32, #tpu.memory_space<vmem>>, vector<1x400x64xf32>
    %get3A_253 = vector.shape_cast %get3A_252 : vector<1x400x64xf32> to vector<400x64xf32>
    %get3A_254 = arith.constant 11 : index
    %get3A_255 = arith.constant 0 : index
    %get3A_256 = arith.constant 0 : index
    %get3A_257 = vector.load %arg2[%get3A_254, %get3A_255, %get3A_256] : memref<32x400x64xbf16, #tpu.memory_space<vmem>>, vector<1x400x64xbf16>
    %get3A_258 = vector.shape_cast %get3A_257 : vector<1x400x64xbf16> to vector<400x64xbf16>
    %convert_element_type3A_259 = arith.extf %get3A_258 : vector<400x64xbf16> to vector<400x64xf32>
    %mul3A_260 = arith.mulf %get3A_253, %convert_element_type3A_259 : vector<400x64xf32>
    %get3A_261 = arith.constant 13 : index
    %get3A_262 = arith.constant 0 : index
    %get3A_263 = arith.constant 64 : index
    %get3A_264 = vector.load %arg1[%get3A_261, %get3A_262, %get3A_263] : memref<32x400x128xf32, #tpu.memory_space<vmem>>, vector<1x400x64xf32>
    %get3A_265 = vector.shape_cast %get3A_264 : vector<1x400x64xf32> to vector<400x64xf32>
    %get3A_266 = arith.constant 13 : index
    %get3A_267 = arith.constant 0 : index
    %get3A_268 = arith.constant 0 : index
    %get3A_269 = vector.load %arg2[%get3A_266, %get3A_267, %get3A_268] : memref<32x400x64xbf16, #tpu.memory_space<vmem>>, vector<1x400x64xbf16>
    %get3A_270 = vector.shape_cast %get3A_269 : vector<1x400x64xbf16> to vector<400x64xbf16>
    %convert_element_type3A_271 = arith.extf %get3A_270 : vector<400x64xbf16> to vector<400x64xf32>
    %mul3A_272 = arith.mulf %get3A_265, %convert_element_type3A_271 : vector<400x64xf32>
    %get3A_273 = arith.constant 15 : index
    %get3A_274 = arith.constant 0 : index
    %get3A_275 = arith.constant 64 : index
    %get3A_276 = vector.load %arg1[%get3A_273, %get3A_274, %get3A_275] : memref<32x400x128xf32, #tpu.memory_space<vmem>>, vector<1x400x64xf32>
    %get3A_277 = vector.shape_cast %get3A_276 : vector<1x400x64xf32> to vector<400x64xf32>
    %get3A_278 = arith.constant 15 : index
    %get3A_279 = arith.constant 0 : index
    %get3A_280 = arith.constant 0 : index
    %get3A_281 = vector.load %arg2[%get3A_278, %get3A_279, %get3A_280] : memref<32x400x64xbf16, #tpu.memory_space<vmem>>, vector<1x400x64xbf16>
    %get3A_282 = vector.shape_cast %get3A_281 : vector<1x400x64xbf16> to vector<400x64xbf16>
    %convert_element_type3A_283 = arith.extf %get3A_282 : vector<400x64xbf16> to vector<400x64xf32>
    %mul3A_284 = arith.mulf %get3A_277, %convert_element_type3A_283 : vector<400x64xf32>
    %get3A_285 = arith.constant 17 : index
    %get3A_286 = arith.constant 0 : index
    %get3A_287 = arith.constant 64 : index
    %get3A_288 = vector.load %arg1[%get3A_285, %get3A_286, %get3A_287] : memref<32x400x128xf32, #tpu.memory_space<vmem>>, vector<1x400x64xf32>
    %get3A_289 = vector.shape_cast %get3A_288 : vector<1x400x64xf32> to vector<400x64xf32>
    %get3A_290 = arith.constant 17 : index
    %get3A_291 = arith.constant 0 : index
    %get3A_292 = arith.constant 0 : index
    %get3A_293 = vector.load %arg2[%get3A_290, %get3A_291, %get3A_292] : memref<32x400x64xbf16, #tpu.memory_space<vmem>>, vector<1x400x64xbf16>
    %get3A_294 = vector.shape_cast %get3A_293 : vector<1x400x64xbf16> to vector<400x64xbf16>
    %convert_element_type3A_295 = arith.extf %get3A_294 : vector<400x64xbf16> to vector<400x64xf32>
    %mul3A_296 = arith.mulf %get3A_289, %convert_element_type3A_295 : vector<400x64xf32>
    %get3A_297 = arith.constant 19 : index
    %get3A_298 = arith.constant 0 : index
    %get3A_299 = arith.constant 64 : index
    %get3A_300 = vector.load %arg1[%get3A_297, %get3A_298, %get3A_299] : memref<32x400x128xf32, #tpu.memory_space<vmem>>, vector<1x400x64xf32>
    %get3A_301 = vector.shape_cast %get3A_300 : vector<1x400x64xf32> to vector<400x64xf32>
    %get3A_302 = arith.constant 19 : index
    %get3A_303 = arith.constant 0 : index
    %get3A_304 = arith.constant 0 : index
    %get3A_305 = vector.load %arg2[%get3A_302, %get3A_303, %get3A_304] : memref<32x400x64xbf16, #tpu.memory_space<vmem>>, vector<1x400x64xbf16>
    %get3A_306 = vector.shape_cast %get3A_305 : vector<1x400x64xbf16> to vector<400x64xbf16>
    %convert_element_type3A_307 = arith.extf %get3A_306 : vector<400x64xbf16> to vector<400x64xf32>
    %mul3A_308 = arith.mulf %get3A_301, %convert_element_type3A_307 : vector<400x64xf32>
    %get3A_309 = arith.constant 21 : index
    %get3A_310 = arith.constant 0 : index
    %get3A_311 = arith.constant 64 : index
    %get3A_312 = vector.load %arg1[%get3A_309, %get3A_310, %get3A_311] : memref<32x400x128xf32, #tpu.memory_space<vmem>>, vector<1x400x64xf32>
    %get3A_313 = vector.shape_cast %get3A_312 : vector<1x400x64xf32> to vector<400x64xf32>
    %get3A_314 = arith.constant 21 : index
    %get3A_315 = arith.constant 0 : index
    %get3A_316 = arith.constant 0 : index
    %get3A_317 = vector.load %arg2[%get3A_314, %get3A_315, %get3A_316] : memref<32x400x64xbf16, #tpu.memory_space<vmem>>, vector<1x400x64xbf16>
    %get3A_318 = vector.shape_cast %get3A_317 : vector<1x400x64xbf16> to vector<400x64xbf16>
    %convert_element_type3A_319 = arith.extf %get3A_318 : vector<400x64xbf16> to vector<400x64xf32>
    %mul3A_320 = arith.mulf %get3A_313, %convert_element_type3A_319 : vector<400x64xf32>
    %get3A_321 = arith.constant 23 : index
    %get3A_322 = arith.constant 0 : index
    %get3A_323 = arith.constant 64 : index
    %get3A_324 = vector.load %arg1[%get3A_321, %get3A_322, %get3A_323] : memref<32x400x128xf32, #tpu.memory_space<vmem>>, vector<1x400x64xf32>
    %get3A_325 = vector.shape_cast %get3A_324 : vector<1x400x64xf32> to vector<400x64xf32>
    %get3A_326 = arith.constant 23 : index
    %get3A_327 = arith.constant 0 : index
    %get3A_328 = arith.constant 0 : index
    %get3A_329 = vector.load %arg2[%get3A_326, %get3A_327, %get3A_328] : memref<32x400x64xbf16, #tpu.memory_space<vmem>>, vector<1x400x64xbf16>
    %get3A_330 = vector.shape_cast %get3A_329 : vector<1x400x64xbf16> to vector<400x64xbf16>
    %convert_element_type3A_331 = arith.extf %get3A_330 : vector<400x64xbf16> to vector<400x64xf32>
    %mul3A_332 = arith.mulf %get3A_325, %convert_element_type3A_331 : vector<400x64xf32>
    %get3A_333 = arith.constant 25 : index
    %get3A_334 = arith.constant 0 : index
    %get3A_335 = arith.constant 64 : index
    %get3A_336 = vector.load %arg1[%get3A_333, %get3A_334, %get3A_335] : memref<32x400x128xf32, #tpu.memory_space<vmem>>, vector<1x400x64xf32>
    %get3A_337 = vector.shape_cast %get3A_336 : vector<1x400x64xf32> to vector<400x64xf32>
    %get3A_338 = arith.constant 25 : index
    %get3A_339 = arith.constant 0 : index
    %get3A_340 = arith.constant 0 : index
    %get3A_341 = vector.load %arg2[%get3A_338, %get3A_339, %get3A_340] : memref<32x400x64xbf16, #tpu.memory_space<vmem>>, vector<1x400x64xbf16>
    %get3A_342 = vector.shape_cast %get3A_341 : vector<1x400x64xbf16> to vector<400x64xbf16>
    %convert_element_type3A_343 = arith.extf %get3A_342 : vector<400x64xbf16> to vector<400x64xf32>
    %mul3A_344 = arith.mulf %get3A_337, %convert_element_type3A_343 : vector<400x64xf32>
    %get3A_345 = arith.constant 27 : index
    %get3A_346 = arith.constant 0 : index
    %get3A_347 = arith.constant 64 : index
    %get3A_348 = vector.load %arg1[%get3A_345, %get3A_346, %get3A_347] : memref<32x400x128xf32, #tpu.memory_space<vmem>>, vector<1x400x64xf32>
    %get3A_349 = vector.shape_cast %get3A_348 : vector<1x400x64xf32> to vector<400x64xf32>
    %get3A_350 = arith.constant 27 : index
    %get3A_351 = arith.constant 0 : index
    %get3A_352 = arith.constant 0 : index
    %get3A_353 = vector.load %arg2[%get3A_350, %get3A_351, %get3A_352] : memref<32x400x64xbf16, #tpu.memory_space<vmem>>, vector<1x400x64xbf16>
    %get3A_354 = vector.shape_cast %get3A_353 : vector<1x400x64xbf16> to vector<400x64xbf16>
    %convert_element_type3A_355 = arith.extf %get3A_354 : vector<400x64xbf16> to vector<400x64xf32>
    %mul3A_356 = arith.mulf %get3A_349, %convert_element_type3A_355 : vector<400x64xf32>
    %get3A_357 = arith.constant 29 : index
    %get3A_358 = arith.constant 0 : index
    %get3A_359 = arith.constant 64 : index
    %get3A_360 = vector.load %arg1[%get3A_357, %get3A_358, %get3A_359] : memref<32x400x128xf32, #tpu.memory_space<vmem>>, vector<1x400x64xf32>
    %get3A_361 = vector.shape_cast %get3A_360 : vector<1x400x64xf32> to vector<400x64xf32>
    %get3A_362 = arith.constant 29 : index
    %get3A_363 = arith.constant 0 : index
    %get3A_364 = arith.constant 0 : index
    %get3A_365 = vector.load %arg2[%get3A_362, %get3A_363, %get3A_364] : memref<32x400x64xbf16, #tpu.memory_space<vmem>>, vector<1x400x64xbf16>
    %get3A_366 = vector.shape_cast %get3A_365 : vector<1x400x64xbf16> to vector<400x64xbf16>
    %convert_element_type3A_367 = arith.extf %get3A_366 : vector<400x64xbf16> to vector<400x64xf32>
    %mul3A_368 = arith.mulf %get3A_361, %convert_element_type3A_367 : vector<400x64xf32>
    %get3A_369 = arith.constant 31 : index
    %get3A_370 = arith.constant 0 : index
    %get3A_371 = arith.constant 64 : index
    %get3A_372 = vector.load %arg1[%get3A_369, %get3A_370, %get3A_371] : memref<32x400x128xf32, #tpu.memory_space<vmem>>, vector<1x400x64xf32>
    %get3A_373 = vector.shape_cast %get3A_372 : vector<1x400x64xf32> to vector<400x64xf32>
    %get3A_374 = arith.constant 31 : index
    %get3A_375 = arith.constant 0 : index
    %get3A_376 = arith.constant 0 : index
    %get3A_377 = vector.load %arg2[%get3A_374, %get3A_375, %get3A_376] : memref<32x400x64xbf16, #tpu.memory_space<vmem>>, vector<1x400x64xbf16>
    %get3A_378 = vector.shape_cast %get3A_377 : vector<1x400x64xbf16> to vector<400x64xbf16>
    %convert_element_type3A_379 = arith.extf %get3A_378 : vector<400x64xbf16> to vector<400x64xf32>
    %mul3A_380 = arith.mulf %get3A_373, %convert_element_type3A_379 : vector<400x64xf32>
    %concatenate3A = tpu.concatenate %mul3A, %mul3A_20, %mul3A_32, %mul3A_44, %mul3A_56, %mul3A_68, %mul3A_80, %mul3A_92, %mul3A_104, %mul3A_116, %mul3A_128, %mul3A_140, %mul3A_152, %mul3A_164, %mul3A_176, %mul3A_188, %mul3A_200, %mul3A_212, %mul3A_224, %mul3A_236, %mul3A_248, %mul3A_260, %mul3A_272, %mul3A_284, %mul3A_296, %mul3A_308, %mul3A_320, %mul3A_332, %mul3A_344, %mul3A_356, %mul3A_368, %mul3A_380 in 0 : vector<400x64xf32>, vector<400x64xf32>, vector<400x64xf32>, vector<400x64xf32>, vector<400x64xf32>, vector<400x64xf32>, vector<400x64xf32>, vector<400x64xf32>, vector<400x64xf32>, vector<400x64xf32>, vector<400x64xf32>, vector<400x64xf32>, vector<400x64xf32>, vector<400x64xf32>, vector<400x64xf32>, vector<400x64xf32>, vector<400x64xf32>, vector<400x64xf32>, vector<400x64xf32>, vector<400x64xf32>, vector<400x64xf32>, vector<400x64xf32>, vector<400x64xf32>, vector<400x64xf32>, vector<400x64xf32>, vector<400x64xf32>, vector<400x64xf32>, vector<400x64xf32>, vector<400x64xf32>, vector<400x64xf32>, vector<400x64xf32>, vector<400x64xf32> -> vector<12800x64xf32>
    %get3A_381 = arith.constant 0 : index
    %get3A_382 = arith.constant 0 : index
    %get3A_383 = vector.load %arg4[%get3A_381, %get3A_382] : memref<1x64xf32, #tpu.memory_space<vmem>>, vector<1x64xf32>
    %mul3A_384 = vector.broadcast %get3A_383 : vector<1x64xf32> to vector<12800x64xf32>
    %mul3A_385 = arith.mulf %concatenate3A, %mul3A_384 : vector<12800x64xf32>
    %reduce_sum3A = arith.constant dense<0.000000e+00> : vector<12800xf32>
    %reduce_sum3A_386 = vector.multi_reduction <add>, %mul3A_385, %reduce_sum3A [1] : vector<12800x64xf32> to vector<12800xf32>
    %broadcast_in_dim3A = vector.shape_cast %reduce_sum3A_386 : vector<12800xf32> to vector<12800x1xf32>
    %slice3A = vector.extract_strided_slice %broadcast_in_dim3A {offsets = [0, 0], sizes = [400, 1], strides = [1, 1]} : vector<12800x1xf32> to vector<400x1xf32>
    %slice3A_387 = vector.extract_strided_slice %broadcast_in_dim3A {offsets = [400, 0], sizes = [400, 1], strides = [1, 1]} : vector<12800x1xf32> to vector<400x1xf32>
    %slice3A_388 = vector.extract_strided_slice %broadcast_in_dim3A {offsets = [800, 0], sizes = [400, 1], strides = [1, 1]} : vector<12800x1xf32> to vector<400x1xf32>
    %slice3A_389 = vector.extract_strided_slice %broadcast_in_dim3A {offsets = [1200, 0], sizes = [400, 1], strides = [1, 1]} : vector<12800x1xf32> to vector<400x1xf32>
    %slice3A_390 = vector.extract_strided_slice %broadcast_in_dim3A {offsets = [1600, 0], sizes = [400, 1], strides = [1, 1]} : vector<12800x1xf32> to vector<400x1xf32>
    %slice3A_391 = vector.extract_strided_slice %broadcast_in_dim3A {offsets = [2000, 0], sizes = [400, 1], strides = [1, 1]} : vector<12800x1xf32> to vector<400x1xf32>
    %slice3A_392 = vector.extract_strided_slice %broadcast_in_dim3A {offsets = [2400, 0], sizes = [400, 1], strides = [1, 1]} : vector<12800x1xf32> to vector<400x1xf32>
    %slice3A_393 = vector.extract_strided_slice %broadcast_in_dim3A {offsets = [2800, 0], sizes = [400, 1], strides = [1, 1]} : vector<12800x1xf32> to vector<400x1xf32>
    %slice3A_394 = vector.extract_strided_slice %broadcast_in_dim3A {offsets = [3200, 0], sizes = [400, 1], strides = [1, 1]} : vector<12800x1xf32> to vector<400x1xf32>
    %slice3A_395 = vector.extract_strided_slice %broadcast_in_dim3A {offsets = [3600, 0], sizes = [400, 1], strides = [1, 1]} : vector<12800x1xf32> to vector<400x1xf32>
    %slice3A_396 = vector.extract_strided_slice %broadcast_in_dim3A {offsets = [4000, 0], sizes = [400, 1], strides = [1, 1]} : vector<12800x1xf32> to vector<400x1xf32>
    %slice3A_397 = vector.extract_strided_slice %broadcast_in_dim3A {offsets = [4400, 0], sizes = [400, 1], strides = [1, 1]} : vector<12800x1xf32> to vector<400x1xf32>
    %slice3A_398 = vector.extract_strided_slice %broadcast_in_dim3A {offsets = [4800, 0], sizes = [400, 1], strides = [1, 1]} : vector<12800x1xf32> to vector<400x1xf32>
    %slice3A_399 = vector.extract_strided_slice %broadcast_in_dim3A {offsets = [5200, 0], sizes = [400, 1], strides = [1, 1]} : vector<12800x1xf32> to vector<400x1xf32>
    %slice3A_400 = vector.extract_strided_slice %broadcast_in_dim3A {offsets = [5600, 0], sizes = [400, 1], strides = [1, 1]} : vector<12800x1xf32> to vector<400x1xf32>
    %slice3A_401 = vector.extract_strided_slice %broadcast_in_dim3A {offsets = [6000, 0], sizes = [400, 1], strides = [1, 1]} : vector<12800x1xf32> to vector<400x1xf32>
    %concatenate3A_402 = tpu.concatenate %slice3A, %slice3A_387, %slice3A_388, %slice3A_389, %slice3A_390, %slice3A_391, %slice3A_392, %slice3A_393, %slice3A_394, %slice3A_395, %slice3A_396, %slice3A_397, %slice3A_398, %slice3A_399, %slice3A_400, %slice3A_401 in 1 : vector<400x1xf32>, vector<400x1xf32>, vector<400x1xf32>, vector<400x1xf32>, vector<400x1xf32>, vector<400x1xf32>, vector<400x1xf32>, vector<400x1xf32>, vector<400x1xf32>, vector<400x1xf32>, vector<400x1xf32>, vector<400x1xf32>, vector<400x1xf32>, vector<400x1xf32>, vector<400x1xf32>, vector<400x1xf32> -> vector<400x16xf32>
    %reduce_max3A = arith.constant dense<0xFF800000> : vector<400xf32>
    %reduce_max3A_403 = vector.multi_reduction <maximumf>, %concatenate3A_402, %reduce_max3A [1] : vector<400x16xf32> to vector<400xf32>
    %broadcast_in_dim3A_404 = vector.shape_cast %reduce_max3A_403 : vector<400xf32> to vector<400x1xf32>
    %sub3A = vector.broadcast %broadcast_in_dim3A_404 : vector<400x1xf32> to vector<400x16xf32>
    %sub3A_405 = arith.subf %concatenate3A_402, %sub3A : vector<400x16xf32>
    %exp3A = math.exp %sub3A_405 : vector<400x16xf32>
    %reduce_sum3A_406 = arith.constant dense<0.000000e+00> : vector<400xf32>
    %reduce_sum3A_407 = vector.multi_reduction <add>, %exp3A, %reduce_sum3A_406 [1] : vector<400x16xf32> to vector<400xf32>
    %broadcast_in_dim3A_408 = vector.shape_cast %reduce_sum3A_407 : vector<400xf32> to vector<400x1xf32>
    %div3A = vector.broadcast %broadcast_in_dim3A_408 : vector<400x1xf32> to vector<400x16xf32>
    %div3A_409 = arith.divf %exp3A, %div3A : vector<400x16xf32>
    %broadcast_in_dim3A_410 = arith.constant 0.000000e+00 : f32
    %broadcast_in_dim3A_411 = vector.broadcast %broadcast_in_dim3A_410 : f32 to vector<400x64xf32>
    %slice3A_412 = vector.extract_strided_slice %div3A_409 {offsets = [0, 0], sizes = [400, 1], strides = [1, 1]} : vector<400x16xf32> to vector<400x1xf32>
    %slice3A_413 = vector.extract_strided_slice %concatenate3A {offsets = [0, 0], sizes = [400, 64], strides = [1, 1]} : vector<12800x64xf32> to vector<400x64xf32>
    %mul3A_414 = vector.broadcast %slice3A_412 : vector<400x1xf32> to vector<400x64xf32>
    %mul3A_415 = arith.mulf %mul3A_414, %slice3A_413 : vector<400x64xf32>
    %add3A = arith.addf %broadcast_in_dim3A_411, %mul3A_415 : vector<400x64xf32>
    %slice3A_416 = vector.extract_strided_slice %div3A_409 {offsets = [0, 1], sizes = [400, 1], strides = [1, 1]} : vector<400x16xf32> to vector<400x1xf32>
    %slice3A_417 = vector.extract_strided_slice %concatenate3A {offsets = [400, 0], sizes = [400, 64], strides = [1, 1]} : vector<12800x64xf32> to vector<400x64xf32>
    %mul3A_418 = vector.broadcast %slice3A_416 : vector<400x1xf32> to vector<400x64xf32>
    %mul3A_419 = arith.mulf %mul3A_418, %slice3A_417 : vector<400x64xf32>
    %add3A_420 = arith.addf %add3A, %mul3A_419 : vector<400x64xf32>
    %slice3A_421 = vector.extract_strided_slice %div3A_409 {offsets = [0, 2], sizes = [400, 1], strides = [1, 1]} : vector<400x16xf32> to vector<400x1xf32>
    %slice3A_422 = vector.extract_strided_slice %concatenate3A {offsets = [800, 0], sizes = [400, 64], strides = [1, 1]} : vector<12800x64xf32> to vector<400x64xf32>
    %mul3A_423 = vector.broadcast %slice3A_421 : vector<400x1xf32> to vector<400x64xf32>
    %mul3A_424 = arith.mulf %mul3A_423, %slice3A_422 : vector<400x64xf32>
    %add3A_425 = arith.addf %add3A_420, %mul3A_424 : vector<400x64xf32>
    %slice3A_426 = vector.extract_strided_slice %div3A_409 {offsets = [0, 3], sizes = [400, 1], strides = [1, 1]} : vector<400x16xf32> to vector<400x1xf32>
    %slice3A_427 = vector.extract_strided_slice %concatenate3A {offsets = [1200, 0], sizes = [400, 64], strides = [1, 1]} : vector<12800x64xf32> to vector<400x64xf32>
    %mul3A_428 = vector.broadcast %slice3A_426 : vector<400x1xf32> to vector<400x64xf32>
    %mul3A_429 = arith.mulf %mul3A_428, %slice3A_427 : vector<400x64xf32>
    %add3A_430 = arith.addf %add3A_425, %mul3A_429 : vector<400x64xf32>
    %slice3A_431 = vector.extract_strided_slice %div3A_409 {offsets = [0, 4], sizes = [400, 1], strides = [1, 1]} : vector<400x16xf32> to vector<400x1xf32>
    %slice3A_432 = vector.extract_strided_slice %concatenate3A {offsets = [1600, 0], sizes = [400, 64], strides = [1, 1]} : vector<12800x64xf32> to vector<400x64xf32>
    %mul3A_433 = vector.broadcast %slice3A_431 : vector<400x1xf32> to vector<400x64xf32>
    %mul3A_434 = arith.mulf %mul3A_433, %slice3A_432 : vector<400x64xf32>
    %add3A_435 = arith.addf %add3A_430, %mul3A_434 : vector<400x64xf32>
    %slice3A_436 = vector.extract_strided_slice %div3A_409 {offsets = [0, 5], sizes = [400, 1], strides = [1, 1]} : vector<400x16xf32> to vector<400x1xf32>
    %slice3A_437 = vector.extract_strided_slice %concatenate3A {offsets = [2000, 0], sizes = [400, 64], strides = [1, 1]} : vector<12800x64xf32> to vector<400x64xf32>
    %mul3A_438 = vector.broadcast %slice3A_436 : vector<400x1xf32> to vector<400x64xf32>
    %mul3A_439 = arith.mulf %mul3A_438, %slice3A_437 : vector<400x64xf32>
    %add3A_440 = arith.addf %add3A_435, %mul3A_439 : vector<400x64xf32>
    %slice3A_441 = vector.extract_strided_slice %div3A_409 {offsets = [0, 6], sizes = [400, 1], strides = [1, 1]} : vector<400x16xf32> to vector<400x1xf32>
    %slice3A_442 = vector.extract_strided_slice %concatenate3A {offsets = [2400, 0], sizes = [400, 64], strides = [1, 1]} : vector<12800x64xf32> to vector<400x64xf32>
    %mul3A_443 = vector.broadcast %slice3A_441 : vector<400x1xf32> to vector<400x64xf32>
    %mul3A_444 = arith.mulf %mul3A_443, %slice3A_442 : vector<400x64xf32>
    %add3A_445 = arith.addf %add3A_440, %mul3A_444 : vector<400x64xf32>
    %slice3A_446 = vector.extract_strided_slice %div3A_409 {offsets = [0, 7], sizes = [400, 1], strides = [1, 1]} : vector<400x16xf32> to vector<400x1xf32>
    %slice3A_447 = vector.extract_strided_slice %concatenate3A {offsets = [2800, 0], sizes = [400, 64], strides = [1, 1]} : vector<12800x64xf32> to vector<400x64xf32>
    %mul3A_448 = vector.broadcast %slice3A_446 : vector<400x1xf32> to vector<400x64xf32>
    %mul3A_449 = arith.mulf %mul3A_448, %slice3A_447 : vector<400x64xf32>
    %add3A_450 = arith.addf %add3A_445, %mul3A_449 : vector<400x64xf32>
    %slice3A_451 = vector.extract_strided_slice %div3A_409 {offsets = [0, 8], sizes = [400, 1], strides = [1, 1]} : vector<400x16xf32> to vector<400x1xf32>
    %slice3A_452 = vector.extract_strided_slice %concatenate3A {offsets = [3200, 0], sizes = [400, 64], strides = [1, 1]} : vector<12800x64xf32> to vector<400x64xf32>
    %mul3A_453 = vector.broadcast %slice3A_451 : vector<400x1xf32> to vector<400x64xf32>
    %mul3A_454 = arith.mulf %mul3A_453, %slice3A_452 : vector<400x64xf32>
    %add3A_455 = arith.addf %add3A_450, %mul3A_454 : vector<400x64xf32>
    %slice3A_456 = vector.extract_strided_slice %div3A_409 {offsets = [0, 9], sizes = [400, 1], strides = [1, 1]} : vector<400x16xf32> to vector<400x1xf32>
    %slice3A_457 = vector.extract_strided_slice %concatenate3A {offsets = [3600, 0], sizes = [400, 64], strides = [1, 1]} : vector<12800x64xf32> to vector<400x64xf32>
    %mul3A_458 = vector.broadcast %slice3A_456 : vector<400x1xf32> to vector<400x64xf32>
    %mul3A_459 = arith.mulf %mul3A_458, %slice3A_457 : vector<400x64xf32>
    %add3A_460 = arith.addf %add3A_455, %mul3A_459 : vector<400x64xf32>
    %slice3A_461 = vector.extract_strided_slice %div3A_409 {offsets = [0, 10], sizes = [400, 1], strides = [1, 1]} : vector<400x16xf32> to vector<400x1xf32>
    %slice3A_462 = vector.extract_strided_slice %concatenate3A {offsets = [4000, 0], sizes = [400, 64], strides = [1, 1]} : vector<12800x64xf32> to vector<400x64xf32>
    %mul3A_463 = vector.broadcast %slice3A_461 : vector<400x1xf32> to vector<400x64xf32>
    %mul3A_464 = arith.mulf %mul3A_463, %slice3A_462 : vector<400x64xf32>
    %add3A_465 = arith.addf %add3A_460, %mul3A_464 : vector<400x64xf32>
    %slice3A_466 = vector.extract_strided_slice %div3A_409 {offsets = [0, 11], sizes = [400, 1], strides = [1, 1]} : vector<400x16xf32> to vector<400x1xf32>
    %slice3A_467 = vector.extract_strided_slice %concatenate3A {offsets = [4400, 0], sizes = [400, 64], strides = [1, 1]} : vector<12800x64xf32> to vector<400x64xf32>
    %mul3A_468 = vector.broadcast %slice3A_466 : vector<400x1xf32> to vector<400x64xf32>
    %mul3A_469 = arith.mulf %mul3A_468, %slice3A_467 : vector<400x64xf32>
    %add3A_470 = arith.addf %add3A_465, %mul3A_469 : vector<400x64xf32>
    %slice3A_471 = vector.extract_strided_slice %div3A_409 {offsets = [0, 12], sizes = [400, 1], strides = [1, 1]} : vector<400x16xf32> to vector<400x1xf32>
    %slice3A_472 = vector.extract_strided_slice %concatenate3A {offsets = [4800, 0], sizes = [400, 64], strides = [1, 1]} : vector<12800x64xf32> to vector<400x64xf32>
    %mul3A_473 = vector.broadcast %slice3A_471 : vector<400x1xf32> to vector<400x64xf32>
    %mul3A_474 = arith.mulf %mul3A_473, %slice3A_472 : vector<400x64xf32>
    %add3A_475 = arith.addf %add3A_470, %mul3A_474 : vector<400x64xf32>
    %slice3A_476 = vector.extract_strided_slice %div3A_409 {offsets = [0, 13], sizes = [400, 1], strides = [1, 1]} : vector<400x16xf32> to vector<400x1xf32>
    %slice3A_477 = vector.extract_strided_slice %concatenate3A {offsets = [5200, 0], sizes = [400, 64], strides = [1, 1]} : vector<12800x64xf32> to vector<400x64xf32>
    %mul3A_478 = vector.broadcast %slice3A_476 : vector<400x1xf32> to vector<400x64xf32>
    %mul3A_479 = arith.mulf %mul3A_478, %slice3A_477 : vector<400x64xf32>
    %add3A_480 = arith.addf %add3A_475, %mul3A_479 : vector<400x64xf32>
    %slice3A_481 = vector.extract_strided_slice %div3A_409 {offsets = [0, 14], sizes = [400, 1], strides = [1, 1]} : vector<400x16xf32> to vector<400x1xf32>
    %slice3A_482 = vector.extract_strided_slice %concatenate3A {offsets = [5600, 0], sizes = [400, 64], strides = [1, 1]} : vector<12800x64xf32> to vector<400x64xf32>
    %mul3A_483 = vector.broadcast %slice3A_481 : vector<400x1xf32> to vector<400x64xf32>
    %mul3A_484 = arith.mulf %mul3A_483, %slice3A_482 : vector<400x64xf32>
    %add3A_485 = arith.addf %add3A_480, %mul3A_484 : vector<400x64xf32>
    %slice3A_486 = vector.extract_strided_slice %div3A_409 {offsets = [0, 15], sizes = [400, 1], strides = [1, 1]} : vector<400x16xf32> to vector<400x1xf32>
    %slice3A_487 = vector.extract_strided_slice %concatenate3A {offsets = [6000, 0], sizes = [400, 64], strides = [1, 1]} : vector<12800x64xf32> to vector<400x64xf32>
    %mul3A_488 = vector.broadcast %slice3A_486 : vector<400x1xf32> to vector<400x64xf32>
    %mul3A_489 = arith.mulf %mul3A_488, %slice3A_487 : vector<400x64xf32>
    %add3A_490 = arith.addf %add3A_485, %mul3A_489 : vector<400x64xf32>
    %slice3A_491 = vector.extract_strided_slice %broadcast_in_dim3A {offsets = [6400, 0], sizes = [400, 1], strides = [1, 1]} : vector<12800x1xf32> to vector<400x1xf32>
    %slice3A_492 = vector.extract_strided_slice %broadcast_in_dim3A {offsets = [6800, 0], sizes = [400, 1], strides = [1, 1]} : vector<12800x1xf32> to vector<400x1xf32>
    %slice3A_493 = vector.extract_strided_slice %broadcast_in_dim3A {offsets = [7200, 0], sizes = [400, 1], strides = [1, 1]} : vector<12800x1xf32> to vector<400x1xf32>
    %slice3A_494 = vector.extract_strided_slice %broadcast_in_dim3A {offsets = [7600, 0], sizes = [400, 1], strides = [1, 1]} : vector<12800x1xf32> to vector<400x1xf32>
    %slice3A_495 = vector.extract_strided_slice %broadcast_in_dim3A {offsets = [8000, 0], sizes = [400, 1], strides = [1, 1]} : vector<12800x1xf32> to vector<400x1xf32>
    %slice3A_496 = vector.extract_strided_slice %broadcast_in_dim3A {offsets = [8400, 0], sizes = [400, 1], strides = [1, 1]} : vector<12800x1xf32> to vector<400x1xf32>
    %slice3A_497 = vector.extract_strided_slice %broadcast_in_dim3A {offsets = [8800, 0], sizes = [400, 1], strides = [1, 1]} : vector<12800x1xf32> to vector<400x1xf32>
    %slice3A_498 = vector.extract_strided_slice %broadcast_in_dim3A {offsets = [9200, 0], sizes = [400, 1], strides = [1, 1]} : vector<12800x1xf32> to vector<400x1xf32>
    %slice3A_499 = vector.extract_strided_slice %broadcast_in_dim3A {offsets = [9600, 0], sizes = [400, 1], strides = [1, 1]} : vector<12800x1xf32> to vector<400x1xf32>
    %slice3A_500 = vector.extract_strided_slice %broadcast_in_dim3A {offsets = [10000, 0], sizes = [400, 1], strides = [1, 1]} : vector<12800x1xf32> to vector<400x1xf32>
    %slice3A_501 = vector.extract_strided_slice %broadcast_in_dim3A {offsets = [10400, 0], sizes = [400, 1], strides = [1, 1]} : vector<12800x1xf32> to vector<400x1xf32>
    %slice3A_502 = vector.extract_strided_slice %broadcast_in_dim3A {offsets = [10800, 0], sizes = [400, 1], strides = [1, 1]} : vector<12800x1xf32> to vector<400x1xf32>
    %slice3A_503 = vector.extract_strided_slice %broadcast_in_dim3A {offsets = [11200, 0], sizes = [400, 1], strides = [1, 1]} : vector<12800x1xf32> to vector<400x1xf32>
    %slice3A_504 = vector.extract_strided_slice %broadcast_in_dim3A {offsets = [11600, 0], sizes = [400, 1], strides = [1, 1]} : vector<12800x1xf32> to vector<400x1xf32>
    %slice3A_505 = vector.extract_strided_slice %broadcast_in_dim3A {offsets = [12000, 0], sizes = [400, 1], strides = [1, 1]} : vector<12800x1xf32> to vector<400x1xf32>
    %slice3A_506 = vector.extract_strided_slice %broadcast_in_dim3A {offsets = [12400, 0], sizes = [400, 1], strides = [1, 1]} : vector<12800x1xf32> to vector<400x1xf32>
    %concatenate3A_507 = tpu.concatenate %slice3A_491, %slice3A_492, %slice3A_493, %slice3A_494, %slice3A_495, %slice3A_496, %slice3A_497, %slice3A_498, %slice3A_499, %slice3A_500, %slice3A_501, %slice3A_502, %slice3A_503, %slice3A_504, %slice3A_505, %slice3A_506 in 1 : vector<400x1xf32>, vector<400x1xf32>, vector<400x1xf32>, vector<400x1xf32>, vector<400x1xf32>, vector<400x1xf32>, vector<400x1xf32>, vector<400x1xf32>, vector<400x1xf32>, vector<400x1xf32>, vector<400x1xf32>, vector<400x1xf32>, vector<400x1xf32>, vector<400x1xf32>, vector<400x1xf32>, vector<400x1xf32> -> vector<400x16xf32>
    %reduce_max3A_508 = arith.constant dense<0xFF800000> : vector<400xf32>
    %reduce_max3A_509 = vector.multi_reduction <maximumf>, %concatenate3A_507, %reduce_max3A_508 [1] : vector<400x16xf32> to vector<400xf32>
    %broadcast_in_dim3A_510 = vector.shape_cast %reduce_max3A_509 : vector<400xf32> to vector<400x1xf32>
    %sub3A_511 = vector.broadcast %broadcast_in_dim3A_510 : vector<400x1xf32> to vector<400x16xf32>
    %sub3A_512 = arith.subf %concatenate3A_507, %sub3A_511 : vector<400x16xf32>
    %exp3A_513 = math.exp %sub3A_512 : vector<400x16xf32>
    %reduce_sum3A_514 = arith.constant dense<0.000000e+00> : vector<400xf32>
    %reduce_sum3A_515 = vector.multi_reduction <add>, %exp3A_513, %reduce_sum3A_514 [1] : vector<400x16xf32> to vector<400xf32>
    %broadcast_in_dim3A_516 = vector.shape_cast %reduce_sum3A_515 : vector<400xf32> to vector<400x1xf32>
    %div3A_517 = vector.broadcast %broadcast_in_dim3A_516 : vector<400x1xf32> to vector<400x16xf32>
    %div3A_518 = arith.divf %exp3A_513, %div3A_517 : vector<400x16xf32>
    %broadcast_in_dim3A_519 = arith.constant 0.000000e+00 : f32
    %broadcast_in_dim3A_520 = vector.broadcast %broadcast_in_dim3A_519 : f32 to vector<400x64xf32>
    %slice3A_521 = vector.extract_strided_slice %div3A_518 {offsets = [0, 0], sizes = [400, 1], strides = [1, 1]} : vector<400x16xf32> to vector<400x1xf32>
    %slice3A_522 = vector.extract_strided_slice %concatenate3A {offsets = [6400, 0], sizes = [400, 64], strides = [1, 1]} : vector<12800x64xf32> to vector<400x64xf32>
    %mul3A_523 = vector.broadcast %slice3A_521 : vector<400x1xf32> to vector<400x64xf32>
    %mul3A_524 = arith.mulf %mul3A_523, %slice3A_522 : vector<400x64xf32>
    %add3A_525 = arith.addf %broadcast_in_dim3A_520, %mul3A_524 : vector<400x64xf32>
    %slice3A_526 = vector.extract_strided_slice %div3A_518 {offsets = [0, 1], sizes = [400, 1], strides = [1, 1]} : vector<400x16xf32> to vector<400x1xf32>
    %slice3A_527 = vector.extract_strided_slice %concatenate3A {offsets = [6800, 0], sizes = [400, 64], strides = [1, 1]} : vector<12800x64xf32> to vector<400x64xf32>
    %mul3A_528 = vector.broadcast %slice3A_526 : vector<400x1xf32> to vector<400x64xf32>
    %mul3A_529 = arith.mulf %mul3A_528, %slice3A_527 : vector<400x64xf32>
    %add3A_530 = arith.addf %add3A_525, %mul3A_529 : vector<400x64xf32>
    %slice3A_531 = vector.extract_strided_slice %div3A_518 {offsets = [0, 2], sizes = [400, 1], strides = [1, 1]} : vector<400x16xf32> to vector<400x1xf32>
    %slice3A_532 = vector.extract_strided_slice %concatenate3A {offsets = [7200, 0], sizes = [400, 64], strides = [1, 1]} : vector<12800x64xf32> to vector<400x64xf32>
    %mul3A_533 = vector.broadcast %slice3A_531 : vector<400x1xf32> to vector<400x64xf32>
    %mul3A_534 = arith.mulf %mul3A_533, %slice3A_532 : vector<400x64xf32>
    %add3A_535 = arith.addf %add3A_530, %mul3A_534 : vector<400x64xf32>
    %slice3A_536 = vector.extract_strided_slice %div3A_518 {offsets = [0, 3], sizes = [400, 1], strides = [1, 1]} : vector<400x16xf32> to vector<400x1xf32>
    %slice3A_537 = vector.extract_strided_slice %concatenate3A {offsets = [7600, 0], sizes = [400, 64], strides = [1, 1]} : vector<12800x64xf32> to vector<400x64xf32>
    %mul3A_538 = vector.broadcast %slice3A_536 : vector<400x1xf32> to vector<400x64xf32>
    %mul3A_539 = arith.mulf %mul3A_538, %slice3A_537 : vector<400x64xf32>
    %add3A_540 = arith.addf %add3A_535, %mul3A_539 : vector<400x64xf32>
    %slice3A_541 = vector.extract_strided_slice %div3A_518 {offsets = [0, 4], sizes = [400, 1], strides = [1, 1]} : vector<400x16xf32> to vector<400x1xf32>
    %slice3A_542 = vector.extract_strided_slice %concatenate3A {offsets = [8000, 0], sizes = [400, 64], strides = [1, 1]} : vector<12800x64xf32> to vector<400x64xf32>
    %mul3A_543 = vector.broadcast %slice3A_541 : vector<400x1xf32> to vector<400x64xf32>
    %mul3A_544 = arith.mulf %mul3A_543, %slice3A_542 : vector<400x64xf32>
    %add3A_545 = arith.addf %add3A_540, %mul3A_544 : vector<400x64xf32>
    %slice3A_546 = vector.extract_strided_slice %div3A_518 {offsets = [0, 5], sizes = [400, 1], strides = [1, 1]} : vector<400x16xf32> to vector<400x1xf32>
    %slice3A_547 = vector.extract_strided_slice %concatenate3A {offsets = [8400, 0], sizes = [400, 64], strides = [1, 1]} : vector<12800x64xf32> to vector<400x64xf32>
    %mul3A_548 = vector.broadcast %slice3A_546 : vector<400x1xf32> to vector<400x64xf32>
    %mul3A_549 = arith.mulf %mul3A_548, %slice3A_547 : vector<400x64xf32>
    %add3A_550 = arith.addf %add3A_545, %mul3A_549 : vector<400x64xf32>
    %slice3A_551 = vector.extract_strided_slice %div3A_518 {offsets = [0, 6], sizes = [400, 1], strides = [1, 1]} : vector<400x16xf32> to vector<400x1xf32>
    %slice3A_552 = vector.extract_strided_slice %concatenate3A {offsets = [8800, 0], sizes = [400, 64], strides = [1, 1]} : vector<12800x64xf32> to vector<400x64xf32>
    %mul3A_553 = vector.broadcast %slice3A_551 : vector<400x1xf32> to vector<400x64xf32>
    %mul3A_554 = arith.mulf %mul3A_553, %slice3A_552 : vector<400x64xf32>
    %add3A_555 = arith.addf %add3A_550, %mul3A_554 : vector<400x64xf32>
    %slice3A_556 = vector.extract_strided_slice %div3A_518 {offsets = [0, 7], sizes = [400, 1], strides = [1, 1]} : vector<400x16xf32> to vector<400x1xf32>
    %slice3A_557 = vector.extract_strided_slice %concatenate3A {offsets = [9200, 0], sizes = [400, 64], strides = [1, 1]} : vector<12800x64xf32> to vector<400x64xf32>
    %mul3A_558 = vector.broadcast %slice3A_556 : vector<400x1xf32> to vector<400x64xf32>
    %mul3A_559 = arith.mulf %mul3A_558, %slice3A_557 : vector<400x64xf32>
    %add3A_560 = arith.addf %add3A_555, %mul3A_559 : vector<400x64xf32>
    %slice3A_561 = vector.extract_strided_slice %div3A_518 {offsets = [0, 8], sizes = [400, 1], strides = [1, 1]} : vector<400x16xf32> to vector<400x1xf32>
    %slice3A_562 = vector.extract_strided_slice %concatenate3A {offsets = [9600, 0], sizes = [400, 64], strides = [1, 1]} : vector<12800x64xf32> to vector<400x64xf32>
    %mul3A_563 = vector.broadcast %slice3A_561 : vector<400x1xf32> to vector<400x64xf32>
    %mul3A_564 = arith.mulf %mul3A_563, %slice3A_562 : vector<400x64xf32>
    %add3A_565 = arith.addf %add3A_560, %mul3A_564 : vector<400x64xf32>
    %slice3A_566 = vector.extract_strided_slice %div3A_518 {offsets = [0, 9], sizes = [400, 1], strides = [1, 1]} : vector<400x16xf32> to vector<400x1xf32>
    %slice3A_567 = vector.extract_strided_slice %concatenate3A {offsets = [10000, 0], sizes = [400, 64], strides = [1, 1]} : vector<12800x64xf32> to vector<400x64xf32>
    %mul3A_568 = vector.broadcast %slice3A_566 : vector<400x1xf32> to vector<400x64xf32>
    %mul3A_569 = arith.mulf %mul3A_568, %slice3A_567 : vector<400x64xf32>
    %add3A_570 = arith.addf %add3A_565, %mul3A_569 : vector<400x64xf32>
    %slice3A_571 = vector.extract_strided_slice %div3A_518 {offsets = [0, 10], sizes = [400, 1], strides = [1, 1]} : vector<400x16xf32> to vector<400x1xf32>
    %slice3A_572 = vector.extract_strided_slice %concatenate3A {offsets = [10400, 0], sizes = [400, 64], strides = [1, 1]} : vector<12800x64xf32> to vector<400x64xf32>
    %mul3A_573 = vector.broadcast %slice3A_571 : vector<400x1xf32> to vector<400x64xf32>
    %mul3A_574 = arith.mulf %mul3A_573, %slice3A_572 : vector<400x64xf32>
    %add3A_575 = arith.addf %add3A_570, %mul3A_574 : vector<400x64xf32>
    %slice3A_576 = vector.extract_strided_slice %div3A_518 {offsets = [0, 11], sizes = [400, 1], strides = [1, 1]} : vector<400x16xf32> to vector<400x1xf32>
    %slice3A_577 = vector.extract_strided_slice %concatenate3A {offsets = [10800, 0], sizes = [400, 64], strides = [1, 1]} : vector<12800x64xf32> to vector<400x64xf32>
    %mul3A_578 = vector.broadcast %slice3A_576 : vector<400x1xf32> to vector<400x64xf32>
    %mul3A_579 = arith.mulf %mul3A_578, %slice3A_577 : vector<400x64xf32>
    %add3A_580 = arith.addf %add3A_575, %mul3A_579 : vector<400x64xf32>
    %slice3A_581 = vector.extract_strided_slice %div3A_518 {offsets = [0, 12], sizes = [400, 1], strides = [1, 1]} : vector<400x16xf32> to vector<400x1xf32>
    %slice3A_582 = vector.extract_strided_slice %concatenate3A {offsets = [11200, 0], sizes = [400, 64], strides = [1, 1]} : vector<12800x64xf32> to vector<400x64xf32>
    %mul3A_583 = vector.broadcast %slice3A_581 : vector<400x1xf32> to vector<400x64xf32>
    %mul3A_584 = arith.mulf %mul3A_583, %slice3A_582 : vector<400x64xf32>
    %add3A_585 = arith.addf %add3A_580, %mul3A_584 : vector<400x64xf32>
    %slice3A_586 = vector.extract_strided_slice %div3A_518 {offsets = [0, 13], sizes = [400, 1], strides = [1, 1]} : vector<400x16xf32> to vector<400x1xf32>
    %slice3A_587 = vector.extract_strided_slice %concatenate3A {offsets = [11600, 0], sizes = [400, 64], strides = [1, 1]} : vector<12800x64xf32> to vector<400x64xf32>
    %mul3A_588 = vector.broadcast %slice3A_586 : vector<400x1xf32> to vector<400x64xf32>
    %mul3A_589 = arith.mulf %mul3A_588, %slice3A_587 : vector<400x64xf32>
    %add3A_590 = arith.addf %add3A_585, %mul3A_589 : vector<400x64xf32>
    %slice3A_591 = vector.extract_strided_slice %div3A_518 {offsets = [0, 14], sizes = [400, 1], strides = [1, 1]} : vector<400x16xf32> to vector<400x1xf32>
    %slice3A_592 = vector.extract_strided_slice %concatenate3A {offsets = [12000, 0], sizes = [400, 64], strides = [1, 1]} : vector<12800x64xf32> to vector<400x64xf32>
    %mul3A_593 = vector.broadcast %slice3A_591 : vector<400x1xf32> to vector<400x64xf32>
    %mul3A_594 = arith.mulf %mul3A_593, %slice3A_592 : vector<400x64xf32>
    %add3A_595 = arith.addf %add3A_590, %mul3A_594 : vector<400x64xf32>
    %slice3A_596 = vector.extract_strided_slice %div3A_518 {offsets = [0, 15], sizes = [400, 1], strides = [1, 1]} : vector<400x16xf32> to vector<400x1xf32>
    %slice3A_597 = vector.extract_strided_slice %concatenate3A {offsets = [12400, 0], sizes = [400, 64], strides = [1, 1]} : vector<12800x64xf32> to vector<400x64xf32>
    %mul3A_598 = vector.broadcast %slice3A_596 : vector<400x1xf32> to vector<400x64xf32>
    %mul3A_599 = arith.mulf %mul3A_598, %slice3A_597 : vector<400x64xf32>
    %add3A_600 = arith.addf %add3A_595, %mul3A_599 : vector<400x64xf32>
    %concatenate3A_601 = tpu.concatenate %add3A_490, %add3A_600 in 0 : vector<400x64xf32>, vector<400x64xf32> -> vector<800x64xf32>
    %get3A_602 = arith.constant 0 : index
    %get3A_603 = arith.constant 0 : index
    %get3A_604 = vector.load %arg5[%get3A_602, %get3A_603] : memref<64x64xf32, #tpu.memory_space<vmem>>, vector<64x64xf32>
    %dot_general3A = arith.constant dense<0.000000e+00> : vector<800x64xf32>
    %dot_general3A_605 = tpu.matmul %concatenate3A_601, %get3A_604, %dot_general3A {dimension_numbers = #tpu.dot_dimension_numbers<[1], [0], [0], [1], [0, 0, 1, 1], [], []>, transpose_lhs_hint = false} : vector<800x64xf32>, vector<64x64xf32>, vector<800x64xf32> -> vector<800x64xf32>
    %get3A_606 = arith.constant 0 : index
    %get3A_607 = arith.constant 0 : index
    %get3A_608 = vector.load %arg6[%get3A_606, %get3A_607] : memref<1x64xf32, #tpu.memory_space<vmem>>, vector<1x64xf32>
    %add3A_609 = vector.broadcast %get3A_608 : vector<1x64xf32> to vector<800x64xf32>
    %add3A_610 = arith.addf %dot_general3A_605, %add3A_609 : vector<800x64xf32>
    %tanh3A = math.tanh %add3A_610 : vector<800x64xf32>
    %get3A_611 = arith.constant 0 : index
    %get3A_612 = arith.constant 0 : index
    %get3A_613 = vector.load %arg7[%get3A_611, %get3A_612] : memref<64x64xf32, #tpu.memory_space<vmem>>, vector<64x64xf32>
    %dot_general3A_614 = arith.constant dense<0.000000e+00> : vector<800x64xf32>
    %dot_general3A_615 = tpu.matmul %tanh3A, %get3A_613, %dot_general3A_614 {dimension_numbers = #tpu.dot_dimension_numbers<[1], [0], [0], [1], [0, 0, 1, 1], [], []>, transpose_lhs_hint = false} : vector<800x64xf32>, vector<64x64xf32>, vector<800x64xf32> -> vector<800x64xf32>
    %get3A_616 = arith.constant 0 : index
    %get3A_617 = arith.constant 0 : index
    %get3A_618 = vector.load %arg8[%get3A_616, %get3A_617] : memref<1x64xf32, #tpu.memory_space<vmem>>, vector<1x64xf32>
    %add3A_619 = vector.broadcast %get3A_618 : vector<1x64xf32> to vector<800x64xf32>
    %add3A_620 = arith.addf %dot_general3A_615, %add3A_619 : vector<800x64xf32>
    %get3A_621 = arith.constant 0 : index
    %get3A_622 = arith.constant 0 : index
    %get3A_623 = vector.load %arg3[%get3A_621, %get3A_622] : memref<400x128xf32, #tpu.memory_space<vmem>>, vector<400x64xf32>
    %get3A_624 = arith.constant 0 : index
    %get3A_625 = arith.constant 64 : index
    %get3A_626 = vector.load %arg3[%get3A_624, %get3A_625] : memref<400x128xf32, #tpu.memory_space<vmem>>, vector<400x64xf32>
    %concatenate3A_627 = tpu.concatenate %get3A_623, %get3A_626 in 0 : vector<400x64xf32>, vector<400x64xf32> -> vector<800x64xf32>
    %add3A_628 = arith.addf %concatenate3A_627, %add3A_620 : vector<800x64xf32>
    %slice3A_629 = vector.extract_strided_slice %add3A_628 {offsets = [0, 0], sizes = [400, 64], strides = [1, 1]} : vector<800x64xf32> to vector<400x64xf32>
    %slice3A_630 = vector.extract_strided_slice %add3A_628 {offsets = [400, 0], sizes = [400, 64], strides = [1, 1]} : vector<800x64xf32> to vector<400x64xf32>
    %concatenate3A_631 = tpu.concatenate %slice3A_629, %slice3A_630 in 1 : vector<400x64xf32>, vector<400x64xf32> -> vector<400x128xf32>
    %swap3A = arith.constant 0 : index
    %swap3A_632 = arith.constant 0 : index
    %swap3A_633 = vector.load %arg10[%swap3A, %swap3A_632] : memref<400x128xf32, #tpu.memory_space<vmem>>, vector<400x128xf32>
    tpu.vector_store %arg10[%swap3A, %swap3A_632], %concatenate3A_631 {strides = array<i32>} : memref<400x128xf32, #tpu.memory_space<vmem>>, vector<400x128xf32>,
    %get3A_634 = arith.constant 0 : index
    %get3A_635 = arith.constant 0 : index
    %get3A_636 = vector.load %arg9[%get3A_634, %get3A_635] : memref<64x64xf32, #tpu.memory_space<vmem>>, vector<64x64xf32>
    %dot_general3A_637 = arith.constant dense<0.000000e+00> : vector<800x64xf32>
    %dot_general3A_638 = tpu.matmul %add3A_628, %get3A_636, %dot_general3A_637 {dimension_numbers = #tpu.dot_dimension_numbers<[1], [0], [0], [1], [0, 0, 1, 1], [], []>, transpose_lhs_hint = false} : vector<800x64xf32>, vector<64x64xf32>, vector<800x64xf32> -> vector<800x64xf32>
    %slice3A_639 = vector.extract_strided_slice %dot_general3A_638 {offsets = [0, 0], sizes = [400, 64], strides = [1, 1]} : vector<800x64xf32> to vector<400x64xf32>
    %slice3A_640 = vector.extract_strided_slice %dot_general3A_638 {offsets = [400, 0], sizes = [400, 64], strides = [1, 1]} : vector<800x64xf32> to vector<400x64xf32>
    %concatenate3A_641 = tpu.concatenate %slice3A_639, %slice3A_640 in 1 : vector<400x64xf32>, vector<400x64xf32> -> vector<400x128xf32>
    %swap3A_642 = arith.constant 0 : index
    %swap3A_643 = arith.constant 0 : index
    %swap3A_644 = vector.load %arg11[%swap3A_642, %swap3A_643] : memref<400x128xf32, #tpu.memory_space<vmem>>, vector<400x128xf32>
    tpu.vector_store %arg11[%swap3A_642, %swap3A_643], %concatenate3A_641 {strides = array<i32>} : memref<400x128xf32, #tpu.memory_space<vmem>>, vector<400x128xf32>,
    return
  }
  func.func @transform_0(%arg0: i32) -> (i32, i32, i32) {
    %c0_i32 = arith.constant 0 : i32
    %c0_i32_0 = arith.constant 0 : i32
    %c0_i32_1 = arith.constant 0 : i32
    return %c0_i32, %arg0, %c0_i32_0 : i32, i32, i32
  }
  func.func @transform_1(%arg0: i32) -> (i32, i32, i32) {
    %c0_i32 = arith.constant 0 : i32
    %c0_i32_0 = arith.constant 0 : i32
    %c0_i32_1 = arith.constant 0 : i32
    return %c0_i32, %arg0, %c0_i32_0 : i32, i32, i32
  }
  func.func @transform_2(%arg0: i32) -> (i32, i32) {
    %c0_i32 = arith.constant 0 : i32
    %c0_i32_0 = arith.constant 0 : i32
    return %arg0, %c0_i32 : i32, i32
  }
  func.func @transform_3(%arg0: i32) -> (i32, i32) {
    %c0_i32 = arith.constant 0 : i32
    %c0_i32_0 = arith.constant 0 : i32
    %c0_i32_1 = arith.constant 0 : i32
    return %c0_i32, %c0_i32_0 : i32, i32
  }
  func.func @transform_4(%arg0: i32) -> (i32, i32) {
    %c0_i32 = arith.constant 0 : i32
    %c0_i32_0 = arith.constant 0 : i32
    %c0_i32_1 = arith.constant 0 : i32
    return %c0_i32, %c0_i32_0 : i32, i32
  }
  func.func @transform_5(%arg0: i32) -> (i32, i32) {
    %c0_i32 = arith.constant 0 : i32
    %c0_i32_0 = arith.constant 0 : i32
    %c0_i32_1 = arith.constant 0 : i32
    return %c0_i32, %c0_i32_0 : i32, i32
  }
  func.func @transform_6(%arg0: i32) -> (i32, i32) {
    %c0_i32 = arith.constant 0 : i32
    %c0_i32_0 = arith.constant 0 : i32
    %c0_i32_1 = arith.constant 0 : i32
    return %c0_i32, %c0_i32_0 : i32, i32
  }
  func.func @transform_7(%arg0: i32) -> (i32, i32) {
    %c0_i32 = arith.constant 0 : i32
    %c0_i32_0 = arith.constant 0 : i32
    %c0_i32_1 = arith.constant 0 : i32
    return %c0_i32, %c0_i32_0 : i32, i32
  }
  func.func @transform_8(%arg0: i32) -> (i32, i32) {
    %c0_i32 = arith.constant 0 : i32
    %c0_i32_0 = arith.constant 0 : i32
    %c0_i32_1 = arith.constant 0 : i32
    return %c0_i32, %c0_i32_0 : i32, i32
  }
  func.func @transform_9(%arg0: i32) -> (i32, i32) {
    %c0_i32 = arith.constant 0 : i32
    %c0_i32_0 = arith.constant 0 : i32
    return %arg0, %c0_i32 : i32, i32
  }
  func.func @transform_10(%arg0: i32) -> (i32, i32) {
    %c0_i32 = arith.constant 0 : i32
    %c0_i32_0 = arith.constant 0 : i32
    return %arg0, %c0_i32 : i32, i32
  }
}

module attributes {stable_mosaic.version = 14 : i64} {
  func.func @_combine_body(%arg0: i32, %arg1: memref<32x400x128xf32, #tpu.memory_space<vmem>>, %arg2: memref<32x400x64xbf16, #tpu.memory_space<vmem>>, %arg3: memref<400x64xf32, #tpu.memory_space<vmem>>, %arg4: memref<1x64xf32, #tpu.memory_space<vmem>>, %arg5: memref<64x64xf32, #tpu.memory_space<vmem>>, %arg6: memref<1x64xf32, #tpu.memory_space<vmem>>, %arg7: memref<64x64xf32, #tpu.memory_space<vmem>>, %arg8: memref<1x64xf32, #tpu.memory_space<vmem>>, %arg9: memref<64x64xf32, #tpu.memory_space<vmem>>, %arg10: memref<400x128xf32, #tpu.memory_space<vmem>>, %arg11: memref<400x128xf32, #tpu.memory_space<vmem>>) attributes {dimension_semantics = [#tpu.dimension_semantics<arbitrary>], iteration_bounds = array<i64: 25>, scalar_prefetch = 0 : i64, scratch_operands = 0 : i64, tpu.core_type = #tpu.core_type<tc>, window_params = [{transform_indices = @transform_0, window_bounds = array<i64: 32, 400, 128>}, {transform_indices = @transform_1, window_bounds = array<i64: 32, 400, 64>}, {transform_indices = @transform_2, window_bounds = array<i64: 400, 64>}, {pipeline_mode = #tpu.pipeline_mode<synchronous>, transform_indices = @transform_3, window_bounds = array<i64: 1, 64>}, {pipeline_mode = #tpu.pipeline_mode<synchronous>, transform_indices = @transform_4, window_bounds = array<i64: 64, 64>}, {pipeline_mode = #tpu.pipeline_mode<synchronous>, transform_indices = @transform_5, window_bounds = array<i64: 1, 64>}, {pipeline_mode = #tpu.pipeline_mode<synchronous>, transform_indices = @transform_6, window_bounds = array<i64: 64, 64>}, {pipeline_mode = #tpu.pipeline_mode<synchronous>, transform_indices = @transform_7, window_bounds = array<i64: 1, 64>}, {pipeline_mode = #tpu.pipeline_mode<synchronous>, transform_indices = @transform_8, window_bounds = array<i64: 64, 64>}, {transform_indices = @transform_9, window_bounds = array<i64: 400, 128>}, {transform_indices = @transform_10, window_bounds = array<i64: 400, 128>}]} {
    %get3A = arith.constant 0 : index
    %get3A_0 = arith.constant 0 : index
    %get3A_1 = arith.constant 0 : index
    %get3A_2 = vector.load %arg1[%get3A, %get3A_0, %get3A_1] : memref<32x400x128xf32, #tpu.memory_space<vmem>>, vector<1x400x64xf32>
    %get3A_3 = vector.shape_cast %get3A_2 : vector<1x400x64xf32> to vector<400x64xf32>
    %get3A_4 = arith.constant 0 : index
    %get3A_5 = arith.constant 0 : index
    %get3A_6 = arith.constant 0 : index
    %get3A_7 = vector.load %arg2[%get3A_4, %get3A_5, %get3A_6] : memref<32x400x64xbf16, #tpu.memory_space<vmem>>, vector<1x400x64xbf16>
    %get3A_8 = vector.shape_cast %get3A_7 : vector<1x400x64xbf16> to vector<400x64xbf16>
    %convert_element_type3A = arith.extf %get3A_8 : vector<400x64xbf16> to vector<400x64xf32>
    %mul3A = arith.mulf %get3A_3, %convert_element_type3A : vector<400x64xf32>
    %get3A_9 = arith.constant 2 : index
    %get3A_10 = arith.constant 0 : index
    %get3A_11 = arith.constant 0 : index
    %get3A_12 = vector.load %arg1[%get3A_9, %get3A_10, %get3A_11] : memref<32x400x128xf32, #tpu.memory_space<vmem>>, vector<1x400x64xf32>
    %get3A_13 = vector.shape_cast %get3A_12 : vector<1x400x64xf32> to vector<400x64xf32>
    %get3A_14 = arith.constant 2 : index
    %get3A_15 = arith.constant 0 : index
    %get3A_16 = arith.constant 0 : index
    %get3A_17 = vector.load %arg2[%get3A_14, %get3A_15, %get3A_16] : memref<32x400x64xbf16, #tpu.memory_space<vmem>>, vector<1x400x64xbf16>
    %get3A_18 = vector.shape_cast %get3A_17 : vector<1x400x64xbf16> to vector<400x64xbf16>
    %convert_element_type3A_19 = arith.extf %get3A_18 : vector<400x64xbf16> to vector<400x64xf32>
    %mul3A_20 = arith.mulf %get3A_13, %convert_element_type3A_19 : vector<400x64xf32>
    %get3A_21 = arith.constant 4 : index
    %get3A_22 = arith.constant 0 : index
    %get3A_23 = arith.constant 0 : index
    %get3A_24 = vector.load %arg1[%get3A_21, %get3A_22, %get3A_23] : memref<32x400x128xf32, #tpu.memory_space<vmem>>, vector<1x400x64xf32>
    %get3A_25 = vector.shape_cast %get3A_24 : vector<1x400x64xf32> to vector<400x64xf32>
    %get3A_26 = arith.constant 4 : index
    %get3A_27 = arith.constant 0 : index
    %get3A_28 = arith.constant 0 : index
    %get3A_29 = vector.load %arg2[%get3A_26, %get3A_27, %get3A_28] : memref<32x400x64xbf16, #tpu.memory_space<vmem>>, vector<1x400x64xbf16>
    %get3A_30 = vector.shape_cast %get3A_29 : vector<1x400x64xbf16> to vector<400x64xbf16>
    %convert_element_type3A_31 = arith.extf %get3A_30 : vector<400x64xbf16> to vector<400x64xf32>
    %mul3A_32 = arith.mulf %get3A_25, %convert_element_type3A_31 : vector<400x64xf32>
    %get3A_33 = arith.constant 6 : index
    %get3A_34 = arith.constant 0 : index
    %get3A_35 = arith.constant 0 : index
    %get3A_36 = vector.load %arg1[%get3A_33, %get3A_34, %get3A_35] : memref<32x400x128xf32, #tpu.memory_space<vmem>>, vector<1x400x64xf32>
    %get3A_37 = vector.shape_cast %get3A_36 : vector<1x400x64xf32> to vector<400x64xf32>
    %get3A_38 = arith.constant 6 : index
    %get3A_39 = arith.constant 0 : index
    %get3A_40 = arith.constant 0 : index
    %get3A_41 = vector.load %arg2[%get3A_38, %get3A_39, %get3A_40] : memref<32x400x64xbf16, #tpu.memory_space<vmem>>, vector<1x400x64xbf16>
    %get3A_42 = vector.shape_cast %get3A_41 : vector<1x400x64xbf16> to vector<400x64xbf16>
    %convert_element_type3A_43 = arith.extf %get3A_42 : vector<400x64xbf16> to vector<400x64xf32>
    %mul3A_44 = arith.mulf %get3A_37, %convert_element_type3A_43 : vector<400x64xf32>
    %get3A_45 = arith.constant 8 : index
    %get3A_46 = arith.constant 0 : index
    %get3A_47 = arith.constant 0 : index
    %get3A_48 = vector.load %arg1[%get3A_45, %get3A_46, %get3A_47] : memref<32x400x128xf32, #tpu.memory_space<vmem>>, vector<1x400x64xf32>
    %get3A_49 = vector.shape_cast %get3A_48 : vector<1x400x64xf32> to vector<400x64xf32>
    %get3A_50 = arith.constant 8 : index
    %get3A_51 = arith.constant 0 : index
    %get3A_52 = arith.constant 0 : index
    %get3A_53 = vector.load %arg2[%get3A_50, %get3A_51, %get3A_52] : memref<32x400x64xbf16, #tpu.memory_space<vmem>>, vector<1x400x64xbf16>
    %get3A_54 = vector.shape_cast %get3A_53 : vector<1x400x64xbf16> to vector<400x64xbf16>
    %convert_element_type3A_55 = arith.extf %get3A_54 : vector<400x64xbf16> to vector<400x64xf32>
    %mul3A_56 = arith.mulf %get3A_49, %convert_element_type3A_55 : vector<400x64xf32>
    %get3A_57 = arith.constant 10 : index
    %get3A_58 = arith.constant 0 : index
    %get3A_59 = arith.constant 0 : index
    %get3A_60 = vector.load %arg1[%get3A_57, %get3A_58, %get3A_59] : memref<32x400x128xf32, #tpu.memory_space<vmem>>, vector<1x400x64xf32>
    %get3A_61 = vector.shape_cast %get3A_60 : vector<1x400x64xf32> to vector<400x64xf32>
    %get3A_62 = arith.constant 10 : index
    %get3A_63 = arith.constant 0 : index
    %get3A_64 = arith.constant 0 : index
    %get3A_65 = vector.load %arg2[%get3A_62, %get3A_63, %get3A_64] : memref<32x400x64xbf16, #tpu.memory_space<vmem>>, vector<1x400x64xbf16>
    %get3A_66 = vector.shape_cast %get3A_65 : vector<1x400x64xbf16> to vector<400x64xbf16>
    %convert_element_type3A_67 = arith.extf %get3A_66 : vector<400x64xbf16> to vector<400x64xf32>
    %mul3A_68 = arith.mulf %get3A_61, %convert_element_type3A_67 : vector<400x64xf32>
    %get3A_69 = arith.constant 12 : index
    %get3A_70 = arith.constant 0 : index
    %get3A_71 = arith.constant 0 : index
    %get3A_72 = vector.load %arg1[%get3A_69, %get3A_70, %get3A_71] : memref<32x400x128xf32, #tpu.memory_space<vmem>>, vector<1x400x64xf32>
    %get3A_73 = vector.shape_cast %get3A_72 : vector<1x400x64xf32> to vector<400x64xf32>
    %get3A_74 = arith.constant 12 : index
    %get3A_75 = arith.constant 0 : index
    %get3A_76 = arith.constant 0 : index
    %get3A_77 = vector.load %arg2[%get3A_74, %get3A_75, %get3A_76] : memref<32x400x64xbf16, #tpu.memory_space<vmem>>, vector<1x400x64xbf16>
    %get3A_78 = vector.shape_cast %get3A_77 : vector<1x400x64xbf16> to vector<400x64xbf16>
    %convert_element_type3A_79 = arith.extf %get3A_78 : vector<400x64xbf16> to vector<400x64xf32>
    %mul3A_80 = arith.mulf %get3A_73, %convert_element_type3A_79 : vector<400x64xf32>
    %get3A_81 = arith.constant 14 : index
    %get3A_82 = arith.constant 0 : index
    %get3A_83 = arith.constant 0 : index
    %get3A_84 = vector.load %arg1[%get3A_81, %get3A_82, %get3A_83] : memref<32x400x128xf32, #tpu.memory_space<vmem>>, vector<1x400x64xf32>
    %get3A_85 = vector.shape_cast %get3A_84 : vector<1x400x64xf32> to vector<400x64xf32>
    %get3A_86 = arith.constant 14 : index
    %get3A_87 = arith.constant 0 : index
    %get3A_88 = arith.constant 0 : index
    %get3A_89 = vector.load %arg2[%get3A_86, %get3A_87, %get3A_88] : memref<32x400x64xbf16, #tpu.memory_space<vmem>>, vector<1x400x64xbf16>
    %get3A_90 = vector.shape_cast %get3A_89 : vector<1x400x64xbf16> to vector<400x64xbf16>
    %convert_element_type3A_91 = arith.extf %get3A_90 : vector<400x64xbf16> to vector<400x64xf32>
    %mul3A_92 = arith.mulf %get3A_85, %convert_element_type3A_91 : vector<400x64xf32>
    %get3A_93 = arith.constant 16 : index
    %get3A_94 = arith.constant 0 : index
    %get3A_95 = arith.constant 0 : index
    %get3A_96 = vector.load %arg1[%get3A_93, %get3A_94, %get3A_95] : memref<32x400x128xf32, #tpu.memory_space<vmem>>, vector<1x400x64xf32>
    %get3A_97 = vector.shape_cast %get3A_96 : vector<1x400x64xf32> to vector<400x64xf32>
    %get3A_98 = arith.constant 16 : index
    %get3A_99 = arith.constant 0 : index
    %get3A_100 = arith.constant 0 : index
    %get3A_101 = vector.load %arg2[%get3A_98, %get3A_99, %get3A_100] : memref<32x400x64xbf16, #tpu.memory_space<vmem>>, vector<1x400x64xbf16>
    %get3A_102 = vector.shape_cast %get3A_101 : vector<1x400x64xbf16> to vector<400x64xbf16>
    %convert_element_type3A_103 = arith.extf %get3A_102 : vector<400x64xbf16> to vector<400x64xf32>
    %mul3A_104 = arith.mulf %get3A_97, %convert_element_type3A_103 : vector<400x64xf32>
    %get3A_105 = arith.constant 18 : index
    %get3A_106 = arith.constant 0 : index
    %get3A_107 = arith.constant 0 : index
    %get3A_108 = vector.load %arg1[%get3A_105, %get3A_106, %get3A_107] : memref<32x400x128xf32, #tpu.memory_space<vmem>>, vector<1x400x64xf32>
    %get3A_109 = vector.shape_cast %get3A_108 : vector<1x400x64xf32> to vector<400x64xf32>
    %get3A_110 = arith.constant 18 : index
    %get3A_111 = arith.constant 0 : index
    %get3A_112 = arith.constant 0 : index
    %get3A_113 = vector.load %arg2[%get3A_110, %get3A_111, %get3A_112] : memref<32x400x64xbf16, #tpu.memory_space<vmem>>, vector<1x400x64xbf16>
    %get3A_114 = vector.shape_cast %get3A_113 : vector<1x400x64xbf16> to vector<400x64xbf16>
    %convert_element_type3A_115 = arith.extf %get3A_114 : vector<400x64xbf16> to vector<400x64xf32>
    %mul3A_116 = arith.mulf %get3A_109, %convert_element_type3A_115 : vector<400x64xf32>
    %get3A_117 = arith.constant 20 : index
    %get3A_118 = arith.constant 0 : index
    %get3A_119 = arith.constant 0 : index
    %get3A_120 = vector.load %arg1[%get3A_117, %get3A_118, %get3A_119] : memref<32x400x128xf32, #tpu.memory_space<vmem>>, vector<1x400x64xf32>
    %get3A_121 = vector.shape_cast %get3A_120 : vector<1x400x64xf32> to vector<400x64xf32>
    %get3A_122 = arith.constant 20 : index
    %get3A_123 = arith.constant 0 : index
    %get3A_124 = arith.constant 0 : index
    %get3A_125 = vector.load %arg2[%get3A_122, %get3A_123, %get3A_124] : memref<32x400x64xbf16, #tpu.memory_space<vmem>>, vector<1x400x64xbf16>
    %get3A_126 = vector.shape_cast %get3A_125 : vector<1x400x64xbf16> to vector<400x64xbf16>
    %convert_element_type3A_127 = arith.extf %get3A_126 : vector<400x64xbf16> to vector<400x64xf32>
    %mul3A_128 = arith.mulf %get3A_121, %convert_element_type3A_127 : vector<400x64xf32>
    %get3A_129 = arith.constant 22 : index
    %get3A_130 = arith.constant 0 : index
    %get3A_131 = arith.constant 0 : index
    %get3A_132 = vector.load %arg1[%get3A_129, %get3A_130, %get3A_131] : memref<32x400x128xf32, #tpu.memory_space<vmem>>, vector<1x400x64xf32>
    %get3A_133 = vector.shape_cast %get3A_132 : vector<1x400x64xf32> to vector<400x64xf32>
    %get3A_134 = arith.constant 22 : index
    %get3A_135 = arith.constant 0 : index
    %get3A_136 = arith.constant 0 : index
    %get3A_137 = vector.load %arg2[%get3A_134, %get3A_135, %get3A_136] : memref<32x400x64xbf16, #tpu.memory_space<vmem>>, vector<1x400x64xbf16>
    %get3A_138 = vector.shape_cast %get3A_137 : vector<1x400x64xbf16> to vector<400x64xbf16>
    %convert_element_type3A_139 = arith.extf %get3A_138 : vector<400x64xbf16> to vector<400x64xf32>
    %mul3A_140 = arith.mulf %get3A_133, %convert_element_type3A_139 : vector<400x64xf32>
    %get3A_141 = arith.constant 24 : index
    %get3A_142 = arith.constant 0 : index
    %get3A_143 = arith.constant 0 : index
    %get3A_144 = vector.load %arg1[%get3A_141, %get3A_142, %get3A_143] : memref<32x400x128xf32, #tpu.memory_space<vmem>>, vector<1x400x64xf32>
    %get3A_145 = vector.shape_cast %get3A_144 : vector<1x400x64xf32> to vector<400x64xf32>
    %get3A_146 = arith.constant 24 : index
    %get3A_147 = arith.constant 0 : index
    %get3A_148 = arith.constant 0 : index
    %get3A_149 = vector.load %arg2[%get3A_146, %get3A_147, %get3A_148] : memref<32x400x64xbf16, #tpu.memory_space<vmem>>, vector<1x400x64xbf16>
    %get3A_150 = vector.shape_cast %get3A_149 : vector<1x400x64xbf16> to vector<400x64xbf16>
    %convert_element_type3A_151 = arith.extf %get3A_150 : vector<400x64xbf16> to vector<400x64xf32>
    %mul3A_152 = arith.mulf %get3A_145, %convert_element_type3A_151 : vector<400x64xf32>
    %get3A_153 = arith.constant 26 : index
    %get3A_154 = arith.constant 0 : index
    %get3A_155 = arith.constant 0 : index
    %get3A_156 = vector.load %arg1[%get3A_153, %get3A_154, %get3A_155] : memref<32x400x128xf32, #tpu.memory_space<vmem>>, vector<1x400x64xf32>
    %get3A_157 = vector.shape_cast %get3A_156 : vector<1x400x64xf32> to vector<400x64xf32>
    %get3A_158 = arith.constant 26 : index
    %get3A_159 = arith.constant 0 : index
    %get3A_160 = arith.constant 0 : index
    %get3A_161 = vector.load %arg2[%get3A_158, %get3A_159, %get3A_160] : memref<32x400x64xbf16, #tpu.memory_space<vmem>>, vector<1x400x64xbf16>
    %get3A_162 = vector.shape_cast %get3A_161 : vector<1x400x64xbf16> to vector<400x64xbf16>
    %convert_element_type3A_163 = arith.extf %get3A_162 : vector<400x64xbf16> to vector<400x64xf32>
    %mul3A_164 = arith.mulf %get3A_157, %convert_element_type3A_163 : vector<400x64xf32>
    %get3A_165 = arith.constant 28 : index
    %get3A_166 = arith.constant 0 : index
    %get3A_167 = arith.constant 0 : index
    %get3A_168 = vector.load %arg1[%get3A_165, %get3A_166, %get3A_167] : memref<32x400x128xf32, #tpu.memory_space<vmem>>, vector<1x400x64xf32>
    %get3A_169 = vector.shape_cast %get3A_168 : vector<1x400x64xf32> to vector<400x64xf32>
    %get3A_170 = arith.constant 28 : index
    %get3A_171 = arith.constant 0 : index
    %get3A_172 = arith.constant 0 : index
    %get3A_173 = vector.load %arg2[%get3A_170, %get3A_171, %get3A_172] : memref<32x400x64xbf16, #tpu.memory_space<vmem>>, vector<1x400x64xbf16>
    %get3A_174 = vector.shape_cast %get3A_173 : vector<1x400x64xbf16> to vector<400x64xbf16>
    %convert_element_type3A_175 = arith.extf %get3A_174 : vector<400x64xbf16> to vector<400x64xf32>
    %mul3A_176 = arith.mulf %get3A_169, %convert_element_type3A_175 : vector<400x64xf32>
    %get3A_177 = arith.constant 30 : index
    %get3A_178 = arith.constant 0 : index
    %get3A_179 = arith.constant 0 : index
    %get3A_180 = vector.load %arg1[%get3A_177, %get3A_178, %get3A_179] : memref<32x400x128xf32, #tpu.memory_space<vmem>>, vector<1x400x64xf32>
    %get3A_181 = vector.shape_cast %get3A_180 : vector<1x400x64xf32> to vector<400x64xf32>
    %get3A_182 = arith.constant 30 : index
    %get3A_183 = arith.constant 0 : index
    %get3A_184 = arith.constant 0 : index
    %get3A_185 = vector.load %arg2[%get3A_182, %get3A_183, %get3A_184] : memref<32x400x64xbf16, #tpu.memory_space<vmem>>, vector<1x400x64xbf16>
    %get3A_186 = vector.shape_cast %get3A_185 : vector<1x400x64xbf16> to vector<400x64xbf16>
    %convert_element_type3A_187 = arith.extf %get3A_186 : vector<400x64xbf16> to vector<400x64xf32>
    %mul3A_188 = arith.mulf %get3A_181, %convert_element_type3A_187 : vector<400x64xf32>
    %get3A_189 = arith.constant 1 : index
    %get3A_190 = arith.constant 0 : index
    %get3A_191 = arith.constant 64 : index
    %get3A_192 = vector.load %arg1[%get3A_189, %get3A_190, %get3A_191] : memref<32x400x128xf32, #tpu.memory_space<vmem>>, vector<1x400x64xf32>
    %get3A_193 = vector.shape_cast %get3A_192 : vector<1x400x64xf32> to vector<400x64xf32>
    %get3A_194 = arith.constant 1 : index
    %get3A_195 = arith.constant 0 : index
    %get3A_196 = arith.constant 0 : index
    %get3A_197 = vector.load %arg2[%get3A_194, %get3A_195, %get3A_196] : memref<32x400x64xbf16, #tpu.memory_space<vmem>>, vector<1x400x64xbf16>
    %get3A_198 = vector.shape_cast %get3A_197 : vector<1x400x64xbf16> to vector<400x64xbf16>
    %convert_element_type3A_199 = arith.extf %get3A_198 : vector<400x64xbf16> to vector<400x64xf32>
    %mul3A_200 = arith.mulf %get3A_193, %convert_element_type3A_199 : vector<400x64xf32>
    %get3A_201 = arith.constant 3 : index
    %get3A_202 = arith.constant 0 : index
    %get3A_203 = arith.constant 64 : index
    %get3A_204 = vector.load %arg1[%get3A_201, %get3A_202, %get3A_203] : memref<32x400x128xf32, #tpu.memory_space<vmem>>, vector<1x400x64xf32>
    %get3A_205 = vector.shape_cast %get3A_204 : vector<1x400x64xf32> to vector<400x64xf32>
    %get3A_206 = arith.constant 3 : index
    %get3A_207 = arith.constant 0 : index
    %get3A_208 = arith.constant 0 : index
    %get3A_209 = vector.load %arg2[%get3A_206, %get3A_207, %get3A_208] : memref<32x400x64xbf16, #tpu.memory_space<vmem>>, vector<1x400x64xbf16>
    %get3A_210 = vector.shape_cast %get3A_209 : vector<1x400x64xbf16> to vector<400x64xbf16>
    %convert_element_type3A_211 = arith.extf %get3A_210 : vector<400x64xbf16> to vector<400x64xf32>
    %mul3A_212 = arith.mulf %get3A_205, %convert_element_type3A_211 : vector<400x64xf32>
    %get3A_213 = arith.constant 5 : index
    %get3A_214 = arith.constant 0 : index
    %get3A_215 = arith.constant 64 : index
    %get3A_216 = vector.load %arg1[%get3A_213, %get3A_214, %get3A_215] : memref<32x400x128xf32, #tpu.memory_space<vmem>>, vector<1x400x64xf32>
    %get3A_217 = vector.shape_cast %get3A_216 : vector<1x400x64xf32> to vector<400x64xf32>
    %get3A_218 = arith.constant 5 : index
    %get3A_219 = arith.constant 0 : index
    %get3A_220 = arith.constant 0 : index
    %get3A_221 = vector.load %arg2[%get3A_218, %get3A_219, %get3A_220] : memref<32x400x64xbf16, #tpu.memory_space<vmem>>, vector<1x400x64xbf16>
    %get3A_222 = vector.shape_cast %get3A_221 : vector<1x400x64xbf16> to vector<400x64xbf16>
    %convert_element_type3A_223 = arith.extf %get3A_222 : vector<400x64xbf16> to vector<400x64xf32>
    %mul3A_224 = arith.mulf %get3A_217, %convert_element_type3A_223 : vector<400x64xf32>
    %get3A_225 = arith.constant 7 : index
    %get3A_226 = arith.constant 0 : index
    %get3A_227 = arith.constant 64 : index
    %get3A_228 = vector.load %arg1[%get3A_225, %get3A_226, %get3A_227] : memref<32x400x128xf32, #tpu.memory_space<vmem>>, vector<1x400x64xf32>
    %get3A_229 = vector.shape_cast %get3A_228 : vector<1x400x64xf32> to vector<400x64xf32>
    %get3A_230 = arith.constant 7 : index
    %get3A_231 = arith.constant 0 : index
    %get3A_232 = arith.constant 0 : index
    %get3A_233 = vector.load %arg2[%get3A_230, %get3A_231, %get3A_232] : memref<32x400x64xbf16, #tpu.memory_space<vmem>>, vector<1x400x64xbf16>
    %get3A_234 = vector.shape_cast %get3A_233 : vector<1x400x64xbf16> to vector<400x64xbf16>
    %convert_element_type3A_235 = arith.extf %get3A_234 : vector<400x64xbf16> to vector<400x64xf32>
    %mul3A_236 = arith.mulf %get3A_229, %convert_element_type3A_235 : vector<400x64xf32>
    %get3A_237 = arith.constant 9 : index
    %get3A_238 = arith.constant 0 : index
    %get3A_239 = arith.constant 64 : index
    %get3A_240 = vector.load %arg1[%get3A_237, %get3A_238, %get3A_239] : memref<32x400x128xf32, #tpu.memory_space<vmem>>, vector<1x400x64xf32>
    %get3A_241 = vector.shape_cast %get3A_240 : vector<1x400x64xf32> to vector<400x64xf32>
    %get3A_242 = arith.constant 9 : index
    %get3A_243 = arith.constant 0 : index
    %get3A_244 = arith.constant 0 : index
    %get3A_245 = vector.load %arg2[%get3A_242, %get3A_243, %get3A_244] : memref<32x400x64xbf16, #tpu.memory_space<vmem>>, vector<1x400x64xbf16>
    %get3A_246 = vector.shape_cast %get3A_245 : vector<1x400x64xbf16> to vector<400x64xbf16>
    %convert_element_type3A_247 = arith.extf %get3A_246 : vector<400x64xbf16> to vector<400x64xf32>
    %mul3A_248 = arith.mulf %get3A_241, %convert_element_type3A_247 : vector<400x64xf32>
    %get3A_249 = arith.constant 11 : index
    %get3A_250 = arith.constant 0 : index
    %get3A_251 = arith.constant 64 : index
    %get3A_252 = vector.load %arg1[%get3A_249, %get3A_250, %get3A_251] : memref<32x400x128xf32, #tpu.memory_space<vmem>>, vector<1x400x64xf32>
    %get3A_253 = vector.shape_cast %get3A_252 : vector<1x400x64xf32> to vector<400x64xf32>
    %get3A_254 = arith.constant 11 : index
    %get3A_255 = arith.constant 0 : index
    %get3A_256 = arith.constant 0 : index
    %get3A_257 = vector.load %arg2[%get3A_254, %get3A_255, %get3A_256] : memref<32x400x64xbf16, #tpu.memory_space<vmem>>, vector<1x400x64xbf16>
    %get3A_258 = vector.shape_cast %get3A_257 : vector<1x400x64xbf16> to vector<400x64xbf16>
    %convert_element_type3A_259 = arith.extf %get3A_258 : vector<400x64xbf16> to vector<400x64xf32>
    %mul3A_260 = arith.mulf %get3A_253, %convert_element_type3A_259 : vector<400x64xf32>
    %get3A_261 = arith.constant 13 : index
    %get3A_262 = arith.constant 0 : index
    %get3A_263 = arith.constant 64 : index
    %get3A_264 = vector.load %arg1[%get3A_261, %get3A_262, %get3A_263] : memref<32x400x128xf32, #tpu.memory_space<vmem>>, vector<1x400x64xf32>
    %get3A_265 = vector.shape_cast %get3A_264 : vector<1x400x64xf32> to vector<400x64xf32>
    %get3A_266 = arith.constant 13 : index
    %get3A_267 = arith.constant 0 : index
    %get3A_268 = arith.constant 0 : index
    %get3A_269 = vector.load %arg2[%get3A_266, %get3A_267, %get3A_268] : memref<32x400x64xbf16, #tpu.memory_space<vmem>>, vector<1x400x64xbf16>
    %get3A_270 = vector.shape_cast %get3A_269 : vector<1x400x64xbf16> to vector<400x64xbf16>
    %convert_element_type3A_271 = arith.extf %get3A_270 : vector<400x64xbf16> to vector<400x64xf32>
    %mul3A_272 = arith.mulf %get3A_265, %convert_element_type3A_271 : vector<400x64xf32>
    %get3A_273 = arith.constant 15 : index
    %get3A_274 = arith.constant 0 : index
    %get3A_275 = arith.constant 64 : index
    %get3A_276 = vector.load %arg1[%get3A_273, %get3A_274, %get3A_275] : memref<32x400x128xf32, #tpu.memory_space<vmem>>, vector<1x400x64xf32>
    %get3A_277 = vector.shape_cast %get3A_276 : vector<1x400x64xf32> to vector<400x64xf32>
    %get3A_278 = arith.constant 15 : index
    %get3A_279 = arith.constant 0 : index
    %get3A_280 = arith.constant 0 : index
    %get3A_281 = vector.load %arg2[%get3A_278, %get3A_279, %get3A_280] : memref<32x400x64xbf16, #tpu.memory_space<vmem>>, vector<1x400x64xbf16>
    %get3A_282 = vector.shape_cast %get3A_281 : vector<1x400x64xbf16> to vector<400x64xbf16>
    %convert_element_type3A_283 = arith.extf %get3A_282 : vector<400x64xbf16> to vector<400x64xf32>
    %mul3A_284 = arith.mulf %get3A_277, %convert_element_type3A_283 : vector<400x64xf32>
    %get3A_285 = arith.constant 17 : index
    %get3A_286 = arith.constant 0 : index
    %get3A_287 = arith.constant 64 : index
    %get3A_288 = vector.load %arg1[%get3A_285, %get3A_286, %get3A_287] : memref<32x400x128xf32, #tpu.memory_space<vmem>>, vector<1x400x64xf32>
    %get3A_289 = vector.shape_cast %get3A_288 : vector<1x400x64xf32> to vector<400x64xf32>
    %get3A_290 = arith.constant 17 : index
    %get3A_291 = arith.constant 0 : index
    %get3A_292 = arith.constant 0 : index
    %get3A_293 = vector.load %arg2[%get3A_290, %get3A_291, %get3A_292] : memref<32x400x64xbf16, #tpu.memory_space<vmem>>, vector<1x400x64xbf16>
    %get3A_294 = vector.shape_cast %get3A_293 : vector<1x400x64xbf16> to vector<400x64xbf16>
    %convert_element_type3A_295 = arith.extf %get3A_294 : vector<400x64xbf16> to vector<400x64xf32>
    %mul3A_296 = arith.mulf %get3A_289, %convert_element_type3A_295 : vector<400x64xf32>
    %get3A_297 = arith.constant 19 : index
    %get3A_298 = arith.constant 0 : index
    %get3A_299 = arith.constant 64 : index
    %get3A_300 = vector.load %arg1[%get3A_297, %get3A_298, %get3A_299] : memref<32x400x128xf32, #tpu.memory_space<vmem>>, vector<1x400x64xf32>
    %get3A_301 = vector.shape_cast %get3A_300 : vector<1x400x64xf32> to vector<400x64xf32>
    %get3A_302 = arith.constant 19 : index
    %get3A_303 = arith.constant 0 : index
    %get3A_304 = arith.constant 0 : index
    %get3A_305 = vector.load %arg2[%get3A_302, %get3A_303, %get3A_304] : memref<32x400x64xbf16, #tpu.memory_space<vmem>>, vector<1x400x64xbf16>
    %get3A_306 = vector.shape_cast %get3A_305 : vector<1x400x64xbf16> to vector<400x64xbf16>
    %convert_element_type3A_307 = arith.extf %get3A_306 : vector<400x64xbf16> to vector<400x64xf32>
    %mul3A_308 = arith.mulf %get3A_301, %convert_element_type3A_307 : vector<400x64xf32>
    %get3A_309 = arith.constant 21 : index
    %get3A_310 = arith.constant 0 : index
    %get3A_311 = arith.constant 64 : index
    %get3A_312 = vector.load %arg1[%get3A_309, %get3A_310, %get3A_311] : memref<32x400x128xf32, #tpu.memory_space<vmem>>, vector<1x400x64xf32>
    %get3A_313 = vector.shape_cast %get3A_312 : vector<1x400x64xf32> to vector<400x64xf32>
    %get3A_314 = arith.constant 21 : index
    %get3A_315 = arith.constant 0 : index
    %get3A_316 = arith.constant 0 : index
    %get3A_317 = vector.load %arg2[%get3A_314, %get3A_315, %get3A_316] : memref<32x400x64xbf16, #tpu.memory_space<vmem>>, vector<1x400x64xbf16>
    %get3A_318 = vector.shape_cast %get3A_317 : vector<1x400x64xbf16> to vector<400x64xbf16>
    %convert_element_type3A_319 = arith.extf %get3A_318 : vector<400x64xbf16> to vector<400x64xf32>
    %mul3A_320 = arith.mulf %get3A_313, %convert_element_type3A_319 : vector<400x64xf32>
    %get3A_321 = arith.constant 23 : index
    %get3A_322 = arith.constant 0 : index
    %get3A_323 = arith.constant 64 : index
    %get3A_324 = vector.load %arg1[%get3A_321, %get3A_322, %get3A_323] : memref<32x400x128xf32, #tpu.memory_space<vmem>>, vector<1x400x64xf32>
    %get3A_325 = vector.shape_cast %get3A_324 : vector<1x400x64xf32> to vector<400x64xf32>
    %get3A_326 = arith.constant 23 : index
    %get3A_327 = arith.constant 0 : index
    %get3A_328 = arith.constant 0 : index
    %get3A_329 = vector.load %arg2[%get3A_326, %get3A_327, %get3A_328] : memref<32x400x64xbf16, #tpu.memory_space<vmem>>, vector<1x400x64xbf16>
    %get3A_330 = vector.shape_cast %get3A_329 : vector<1x400x64xbf16> to vector<400x64xbf16>
    %convert_element_type3A_331 = arith.extf %get3A_330 : vector<400x64xbf16> to vector<400x64xf32>
    %mul3A_332 = arith.mulf %get3A_325, %convert_element_type3A_331 : vector<400x64xf32>
    %get3A_333 = arith.constant 25 : index
    %get3A_334 = arith.constant 0 : index
    %get3A_335 = arith.constant 64 : index
    %get3A_336 = vector.load %arg1[%get3A_333, %get3A_334, %get3A_335] : memref<32x400x128xf32, #tpu.memory_space<vmem>>, vector<1x400x64xf32>
    %get3A_337 = vector.shape_cast %get3A_336 : vector<1x400x64xf32> to vector<400x64xf32>
    %get3A_338 = arith.constant 25 : index
    %get3A_339 = arith.constant 0 : index
    %get3A_340 = arith.constant 0 : index
    %get3A_341 = vector.load %arg2[%get3A_338, %get3A_339, %get3A_340] : memref<32x400x64xbf16, #tpu.memory_space<vmem>>, vector<1x400x64xbf16>
    %get3A_342 = vector.shape_cast %get3A_341 : vector<1x400x64xbf16> to vector<400x64xbf16>
    %convert_element_type3A_343 = arith.extf %get3A_342 : vector<400x64xbf16> to vector<400x64xf32>
    %mul3A_344 = arith.mulf %get3A_337, %convert_element_type3A_343 : vector<400x64xf32>
    %get3A_345 = arith.constant 27 : index
    %get3A_346 = arith.constant 0 : index
    %get3A_347 = arith.constant 64 : index
    %get3A_348 = vector.load %arg1[%get3A_345, %get3A_346, %get3A_347] : memref<32x400x128xf32, #tpu.memory_space<vmem>>, vector<1x400x64xf32>
    %get3A_349 = vector.shape_cast %get3A_348 : vector<1x400x64xf32> to vector<400x64xf32>
    %get3A_350 = arith.constant 27 : index
    %get3A_351 = arith.constant 0 : index
    %get3A_352 = arith.constant 0 : index
    %get3A_353 = vector.load %arg2[%get3A_350, %get3A_351, %get3A_352] : memref<32x400x64xbf16, #tpu.memory_space<vmem>>, vector<1x400x64xbf16>
    %get3A_354 = vector.shape_cast %get3A_353 : vector<1x400x64xbf16> to vector<400x64xbf16>
    %convert_element_type3A_355 = arith.extf %get3A_354 : vector<400x64xbf16> to vector<400x64xf32>
    %mul3A_356 = arith.mulf %get3A_349, %convert_element_type3A_355 : vector<400x64xf32>
    %get3A_357 = arith.constant 29 : index
    %get3A_358 = arith.constant 0 : index
    %get3A_359 = arith.constant 64 : index
    %get3A_360 = vector.load %arg1[%get3A_357, %get3A_358, %get3A_359] : memref<32x400x128xf32, #tpu.memory_space<vmem>>, vector<1x400x64xf32>
    %get3A_361 = vector.shape_cast %get3A_360 : vector<1x400x64xf32> to vector<400x64xf32>
    %get3A_362 = arith.constant 29 : index
    %get3A_363 = arith.constant 0 : index
    %get3A_364 = arith.constant 0 : index
    %get3A_365 = vector.load %arg2[%get3A_362, %get3A_363, %get3A_364] : memref<32x400x64xbf16, #tpu.memory_space<vmem>>, vector<1x400x64xbf16>
    %get3A_366 = vector.shape_cast %get3A_365 : vector<1x400x64xbf16> to vector<400x64xbf16>
    %convert_element_type3A_367 = arith.extf %get3A_366 : vector<400x64xbf16> to vector<400x64xf32>
    %mul3A_368 = arith.mulf %get3A_361, %convert_element_type3A_367 : vector<400x64xf32>
    %get3A_369 = arith.constant 31 : index
    %get3A_370 = arith.constant 0 : index
    %get3A_371 = arith.constant 64 : index
    %get3A_372 = vector.load %arg1[%get3A_369, %get3A_370, %get3A_371] : memref<32x400x128xf32, #tpu.memory_space<vmem>>, vector<1x400x64xf32>
    %get3A_373 = vector.shape_cast %get3A_372 : vector<1x400x64xf32> to vector<400x64xf32>
    %get3A_374 = arith.constant 31 : index
    %get3A_375 = arith.constant 0 : index
    %get3A_376 = arith.constant 0 : index
    %get3A_377 = vector.load %arg2[%get3A_374, %get3A_375, %get3A_376] : memref<32x400x64xbf16, #tpu.memory_space<vmem>>, vector<1x400x64xbf16>
    %get3A_378 = vector.shape_cast %get3A_377 : vector<1x400x64xbf16> to vector<400x64xbf16>
    %convert_element_type3A_379 = arith.extf %get3A_378 : vector<400x64xbf16> to vector<400x64xf32>
    %mul3A_380 = arith.mulf %get3A_373, %convert_element_type3A_379 : vector<400x64xf32>
    %concatenate3A = tpu.concatenate %mul3A, %mul3A_20, %mul3A_32, %mul3A_44, %mul3A_56, %mul3A_68, %mul3A_80, %mul3A_92, %mul3A_104, %mul3A_116, %mul3A_128, %mul3A_140, %mul3A_152, %mul3A_164, %mul3A_176, %mul3A_188, %mul3A_200, %mul3A_212, %mul3A_224, %mul3A_236, %mul3A_248, %mul3A_260, %mul3A_272, %mul3A_284, %mul3A_296, %mul3A_308, %mul3A_320, %mul3A_332, %mul3A_344, %mul3A_356, %mul3A_368, %mul3A_380 in 0 : vector<400x64xf32>, vector<400x64xf32>, vector<400x64xf32>, vector<400x64xf32>, vector<400x64xf32>, vector<400x64xf32>, vector<400x64xf32>, vector<400x64xf32>, vector<400x64xf32>, vector<400x64xf32>, vector<400x64xf32>, vector<400x64xf32>, vector<400x64xf32>, vector<400x64xf32>, vector<400x64xf32>, vector<400x64xf32>, vector<400x64xf32>, vector<400x64xf32>, vector<400x64xf32>, vector<400x64xf32>, vector<400x64xf32>, vector<400x64xf32>, vector<400x64xf32>, vector<400x64xf32>, vector<400x64xf32>, vector<400x64xf32>, vector<400x64xf32>, vector<400x64xf32>, vector<400x64xf32>, vector<400x64xf32>, vector<400x64xf32>, vector<400x64xf32> -> vector<12800x64xf32>
    %get3A_381 = arith.constant 0 : index
    %get3A_382 = arith.constant 0 : index
    %get3A_383 = vector.load %arg4[%get3A_381, %get3A_382] : memref<1x64xf32, #tpu.memory_space<vmem>>, vector<1x64xf32>
    %mul3A_384 = vector.broadcast %get3A_383 : vector<1x64xf32> to vector<12800x64xf32>
    %mul3A_385 = arith.mulf %concatenate3A, %mul3A_384 : vector<12800x64xf32>
    %reduce_sum3A = arith.constant dense<0.000000e+00> : vector<12800xf32>
    %reduce_sum3A_386 = vector.multi_reduction <add>, %mul3A_385, %reduce_sum3A [1] : vector<12800x64xf32> to vector<12800xf32>
    %broadcast_in_dim3A = vector.shape_cast %reduce_sum3A_386 : vector<12800xf32> to vector<12800x1xf32>
    %slice3A = vector.extract_strided_slice %broadcast_in_dim3A {offsets = [0, 0], sizes = [400, 1], strides = [1, 1]} : vector<12800x1xf32> to vector<400x1xf32>
    %slice3A_387 = vector.extract_strided_slice %broadcast_in_dim3A {offsets = [400, 0], sizes = [400, 1], strides = [1, 1]} : vector<12800x1xf32> to vector<400x1xf32>
    %slice3A_388 = vector.extract_strided_slice %broadcast_in_dim3A {offsets = [800, 0], sizes = [400, 1], strides = [1, 1]} : vector<12800x1xf32> to vector<400x1xf32>
    %slice3A_389 = vector.extract_strided_slice %broadcast_in_dim3A {offsets = [1200, 0], sizes = [400, 1], strides = [1, 1]} : vector<12800x1xf32> to vector<400x1xf32>
    %slice3A_390 = vector.extract_strided_slice %broadcast_in_dim3A {offsets = [1600, 0], sizes = [400, 1], strides = [1, 1]} : vector<12800x1xf32> to vector<400x1xf32>
    %slice3A_391 = vector.extract_strided_slice %broadcast_in_dim3A {offsets = [2000, 0], sizes = [400, 1], strides = [1, 1]} : vector<12800x1xf32> to vector<400x1xf32>
    %slice3A_392 = vector.extract_strided_slice %broadcast_in_dim3A {offsets = [2400, 0], sizes = [400, 1], strides = [1, 1]} : vector<12800x1xf32> to vector<400x1xf32>
    %slice3A_393 = vector.extract_strided_slice %broadcast_in_dim3A {offsets = [2800, 0], sizes = [400, 1], strides = [1, 1]} : vector<12800x1xf32> to vector<400x1xf32>
    %slice3A_394 = vector.extract_strided_slice %broadcast_in_dim3A {offsets = [3200, 0], sizes = [400, 1], strides = [1, 1]} : vector<12800x1xf32> to vector<400x1xf32>
    %slice3A_395 = vector.extract_strided_slice %broadcast_in_dim3A {offsets = [3600, 0], sizes = [400, 1], strides = [1, 1]} : vector<12800x1xf32> to vector<400x1xf32>
    %slice3A_396 = vector.extract_strided_slice %broadcast_in_dim3A {offsets = [4000, 0], sizes = [400, 1], strides = [1, 1]} : vector<12800x1xf32> to vector<400x1xf32>
    %slice3A_397 = vector.extract_strided_slice %broadcast_in_dim3A {offsets = [4400, 0], sizes = [400, 1], strides = [1, 1]} : vector<12800x1xf32> to vector<400x1xf32>
    %slice3A_398 = vector.extract_strided_slice %broadcast_in_dim3A {offsets = [4800, 0], sizes = [400, 1], strides = [1, 1]} : vector<12800x1xf32> to vector<400x1xf32>
    %slice3A_399 = vector.extract_strided_slice %broadcast_in_dim3A {offsets = [5200, 0], sizes = [400, 1], strides = [1, 1]} : vector<12800x1xf32> to vector<400x1xf32>
    %slice3A_400 = vector.extract_strided_slice %broadcast_in_dim3A {offsets = [5600, 0], sizes = [400, 1], strides = [1, 1]} : vector<12800x1xf32> to vector<400x1xf32>
    %slice3A_401 = vector.extract_strided_slice %broadcast_in_dim3A {offsets = [6000, 0], sizes = [400, 1], strides = [1, 1]} : vector<12800x1xf32> to vector<400x1xf32>
    %concatenate3A_402 = tpu.concatenate %slice3A, %slice3A_387, %slice3A_388, %slice3A_389, %slice3A_390, %slice3A_391, %slice3A_392, %slice3A_393, %slice3A_394, %slice3A_395, %slice3A_396, %slice3A_397, %slice3A_398, %slice3A_399, %slice3A_400, %slice3A_401 in 1 : vector<400x1xf32>, vector<400x1xf32>, vector<400x1xf32>, vector<400x1xf32>, vector<400x1xf32>, vector<400x1xf32>, vector<400x1xf32>, vector<400x1xf32>, vector<400x1xf32>, vector<400x1xf32>, vector<400x1xf32>, vector<400x1xf32>, vector<400x1xf32>, vector<400x1xf32>, vector<400x1xf32>, vector<400x1xf32> -> vector<400x16xf32>
    %reduce_max3A = arith.constant dense<0xFF800000> : vector<400xf32>
    %reduce_max3A_403 = vector.multi_reduction <maximumf>, %concatenate3A_402, %reduce_max3A [1] : vector<400x16xf32> to vector<400xf32>
    %broadcast_in_dim3A_404 = vector.shape_cast %reduce_max3A_403 : vector<400xf32> to vector<400x1xf32>
    %sub3A = vector.broadcast %broadcast_in_dim3A_404 : vector<400x1xf32> to vector<400x16xf32>
    %sub3A_405 = arith.subf %concatenate3A_402, %sub3A : vector<400x16xf32>
    %exp3A = math.exp %sub3A_405 : vector<400x16xf32>
    %reduce_sum3A_406 = arith.constant dense<0.000000e+00> : vector<400xf32>
    %reduce_sum3A_407 = vector.multi_reduction <add>, %exp3A, %reduce_sum3A_406 [1] : vector<400x16xf32> to vector<400xf32>
    %broadcast_in_dim3A_408 = vector.shape_cast %reduce_sum3A_407 : vector<400xf32> to vector<400x1xf32>
    %div3A = vector.broadcast %broadcast_in_dim3A_408 : vector<400x1xf32> to vector<400x16xf32>
    %div3A_409 = arith.divf %exp3A, %div3A : vector<400x16xf32>
    %broadcast_in_dim3A_410 = arith.constant 0.000000e+00 : f32
    %broadcast_in_dim3A_411 = vector.broadcast %broadcast_in_dim3A_410 : f32 to vector<400x64xf32>
    %slice3A_412 = vector.extract_strided_slice %div3A_409 {offsets = [0, 0], sizes = [400, 1], strides = [1, 1]} : vector<400x16xf32> to vector<400x1xf32>
    %slice3A_413 = vector.extract_strided_slice %concatenate3A {offsets = [0, 0], sizes = [400, 64], strides = [1, 1]} : vector<12800x64xf32> to vector<400x64xf32>
    %mul3A_414 = vector.broadcast %slice3A_412 : vector<400x1xf32> to vector<400x64xf32>
    %mul3A_415 = arith.mulf %mul3A_414, %slice3A_413 : vector<400x64xf32>
    %add3A = arith.addf %broadcast_in_dim3A_411, %mul3A_415 : vector<400x64xf32>
    %slice3A_416 = vector.extract_strided_slice %div3A_409 {offsets = [0, 1], sizes = [400, 1], strides = [1, 1]} : vector<400x16xf32> to vector<400x1xf32>
    %slice3A_417 = vector.extract_strided_slice %concatenate3A {offsets = [400, 0], sizes = [400, 64], strides = [1, 1]} : vector<12800x64xf32> to vector<400x64xf32>
    %mul3A_418 = vector.broadcast %slice3A_416 : vector<400x1xf32> to vector<400x64xf32>
    %mul3A_419 = arith.mulf %mul3A_418, %slice3A_417 : vector<400x64xf32>
    %add3A_420 = arith.addf %add3A, %mul3A_419 : vector<400x64xf32>
    %slice3A_421 = vector.extract_strided_slice %div3A_409 {offsets = [0, 2], sizes = [400, 1], strides = [1, 1]} : vector<400x16xf32> to vector<400x1xf32>
    %slice3A_422 = vector.extract_strided_slice %concatenate3A {offsets = [800, 0], sizes = [400, 64], strides = [1, 1]} : vector<12800x64xf32> to vector<400x64xf32>
    %mul3A_423 = vector.broadcast %slice3A_421 : vector<400x1xf32> to vector<400x64xf32>
    %mul3A_424 = arith.mulf %mul3A_423, %slice3A_422 : vector<400x64xf32>
    %add3A_425 = arith.addf %add3A_420, %mul3A_424 : vector<400x64xf32>
    %slice3A_426 = vector.extract_strided_slice %div3A_409 {offsets = [0, 3], sizes = [400, 1], strides = [1, 1]} : vector<400x16xf32> to vector<400x1xf32>
    %slice3A_427 = vector.extract_strided_slice %concatenate3A {offsets = [1200, 0], sizes = [400, 64], strides = [1, 1]} : vector<12800x64xf32> to vector<400x64xf32>
    %mul3A_428 = vector.broadcast %slice3A_426 : vector<400x1xf32> to vector<400x64xf32>
    %mul3A_429 = arith.mulf %mul3A_428, %slice3A_427 : vector<400x64xf32>
    %add3A_430 = arith.addf %add3A_425, %mul3A_429 : vector<400x64xf32>
    %slice3A_431 = vector.extract_strided_slice %div3A_409 {offsets = [0, 4], sizes = [400, 1], strides = [1, 1]} : vector<400x16xf32> to vector<400x1xf32>
    %slice3A_432 = vector.extract_strided_slice %concatenate3A {offsets = [1600, 0], sizes = [400, 64], strides = [1, 1]} : vector<12800x64xf32> to vector<400x64xf32>
    %mul3A_433 = vector.broadcast %slice3A_431 : vector<400x1xf32> to vector<400x64xf32>
    %mul3A_434 = arith.mulf %mul3A_433, %slice3A_432 : vector<400x64xf32>
    %add3A_435 = arith.addf %add3A_430, %mul3A_434 : vector<400x64xf32>
    %slice3A_436 = vector.extract_strided_slice %div3A_409 {offsets = [0, 5], sizes = [400, 1], strides = [1, 1]} : vector<400x16xf32> to vector<400x1xf32>
    %slice3A_437 = vector.extract_strided_slice %concatenate3A {offsets = [2000, 0], sizes = [400, 64], strides = [1, 1]} : vector<12800x64xf32> to vector<400x64xf32>
    %mul3A_438 = vector.broadcast %slice3A_436 : vector<400x1xf32> to vector<400x64xf32>
    %mul3A_439 = arith.mulf %mul3A_438, %slice3A_437 : vector<400x64xf32>
    %add3A_440 = arith.addf %add3A_435, %mul3A_439 : vector<400x64xf32>
    %slice3A_441 = vector.extract_strided_slice %div3A_409 {offsets = [0, 6], sizes = [400, 1], strides = [1, 1]} : vector<400x16xf32> to vector<400x1xf32>
    %slice3A_442 = vector.extract_strided_slice %concatenate3A {offsets = [2400, 0], sizes = [400, 64], strides = [1, 1]} : vector<12800x64xf32> to vector<400x64xf32>
    %mul3A_443 = vector.broadcast %slice3A_441 : vector<400x1xf32> to vector<400x64xf32>
    %mul3A_444 = arith.mulf %mul3A_443, %slice3A_442 : vector<400x64xf32>
    %add3A_445 = arith.addf %add3A_440, %mul3A_444 : vector<400x64xf32>
    %slice3A_446 = vector.extract_strided_slice %div3A_409 {offsets = [0, 7], sizes = [400, 1], strides = [1, 1]} : vector<400x16xf32> to vector<400x1xf32>
    %slice3A_447 = vector.extract_strided_slice %concatenate3A {offsets = [2800, 0], sizes = [400, 64], strides = [1, 1]} : vector<12800x64xf32> to vector<400x64xf32>
    %mul3A_448 = vector.broadcast %slice3A_446 : vector<400x1xf32> to vector<400x64xf32>
    %mul3A_449 = arith.mulf %mul3A_448, %slice3A_447 : vector<400x64xf32>
    %add3A_450 = arith.addf %add3A_445, %mul3A_449 : vector<400x64xf32>
    %slice3A_451 = vector.extract_strided_slice %div3A_409 {offsets = [0, 8], sizes = [400, 1], strides = [1, 1]} : vector<400x16xf32> to vector<400x1xf32>
    %slice3A_452 = vector.extract_strided_slice %concatenate3A {offsets = [3200, 0], sizes = [400, 64], strides = [1, 1]} : vector<12800x64xf32> to vector<400x64xf32>
    %mul3A_453 = vector.broadcast %slice3A_451 : vector<400x1xf32> to vector<400x64xf32>
    %mul3A_454 = arith.mulf %mul3A_453, %slice3A_452 : vector<400x64xf32>
    %add3A_455 = arith.addf %add3A_450, %mul3A_454 : vector<400x64xf32>
    %slice3A_456 = vector.extract_strided_slice %div3A_409 {offsets = [0, 9], sizes = [400, 1], strides = [1, 1]} : vector<400x16xf32> to vector<400x1xf32>
    %slice3A_457 = vector.extract_strided_slice %concatenate3A {offsets = [3600, 0], sizes = [400, 64], strides = [1, 1]} : vector<12800x64xf32> to vector<400x64xf32>
    %mul3A_458 = vector.broadcast %slice3A_456 : vector<400x1xf32> to vector<400x64xf32>
    %mul3A_459 = arith.mulf %mul3A_458, %slice3A_457 : vector<400x64xf32>
    %add3A_460 = arith.addf %add3A_455, %mul3A_459 : vector<400x64xf32>
    %slice3A_461 = vector.extract_strided_slice %div3A_409 {offsets = [0, 10], sizes = [400, 1], strides = [1, 1]} : vector<400x16xf32> to vector<400x1xf32>
    %slice3A_462 = vector.extract_strided_slice %concatenate3A {offsets = [4000, 0], sizes = [400, 64], strides = [1, 1]} : vector<12800x64xf32> to vector<400x64xf32>
    %mul3A_463 = vector.broadcast %slice3A_461 : vector<400x1xf32> to vector<400x64xf32>
    %mul3A_464 = arith.mulf %mul3A_463, %slice3A_462 : vector<400x64xf32>
    %add3A_465 = arith.addf %add3A_460, %mul3A_464 : vector<400x64xf32>
    %slice3A_466 = vector.extract_strided_slice %div3A_409 {offsets = [0, 11], sizes = [400, 1], strides = [1, 1]} : vector<400x16xf32> to vector<400x1xf32>
    %slice3A_467 = vector.extract_strided_slice %concatenate3A {offsets = [4400, 0], sizes = [400, 64], strides = [1, 1]} : vector<12800x64xf32> to vector<400x64xf32>
    %mul3A_468 = vector.broadcast %slice3A_466 : vector<400x1xf32> to vector<400x64xf32>
    %mul3A_469 = arith.mulf %mul3A_468, %slice3A_467 : vector<400x64xf32>
    %add3A_470 = arith.addf %add3A_465, %mul3A_469 : vector<400x64xf32>
    %slice3A_471 = vector.extract_strided_slice %div3A_409 {offsets = [0, 12], sizes = [400, 1], strides = [1, 1]} : vector<400x16xf32> to vector<400x1xf32>
    %slice3A_472 = vector.extract_strided_slice %concatenate3A {offsets = [4800, 0], sizes = [400, 64], strides = [1, 1]} : vector<12800x64xf32> to vector<400x64xf32>
    %mul3A_473 = vector.broadcast %slice3A_471 : vector<400x1xf32> to vector<400x64xf32>
    %mul3A_474 = arith.mulf %mul3A_473, %slice3A_472 : vector<400x64xf32>
    %add3A_475 = arith.addf %add3A_470, %mul3A_474 : vector<400x64xf32>
    %slice3A_476 = vector.extract_strided_slice %div3A_409 {offsets = [0, 13], sizes = [400, 1], strides = [1, 1]} : vector<400x16xf32> to vector<400x1xf32>
    %slice3A_477 = vector.extract_strided_slice %concatenate3A {offsets = [5200, 0], sizes = [400, 64], strides = [1, 1]} : vector<12800x64xf32> to vector<400x64xf32>
    %mul3A_478 = vector.broadcast %slice3A_476 : vector<400x1xf32> to vector<400x64xf32>
    %mul3A_479 = arith.mulf %mul3A_478, %slice3A_477 : vector<400x64xf32>
    %add3A_480 = arith.addf %add3A_475, %mul3A_479 : vector<400x64xf32>
    %slice3A_481 = vector.extract_strided_slice %div3A_409 {offsets = [0, 14], sizes = [400, 1], strides = [1, 1]} : vector<400x16xf32> to vector<400x1xf32>
    %slice3A_482 = vector.extract_strided_slice %concatenate3A {offsets = [5600, 0], sizes = [400, 64], strides = [1, 1]} : vector<12800x64xf32> to vector<400x64xf32>
    %mul3A_483 = vector.broadcast %slice3A_481 : vector<400x1xf32> to vector<400x64xf32>
    %mul3A_484 = arith.mulf %mul3A_483, %slice3A_482 : vector<400x64xf32>
    %add3A_485 = arith.addf %add3A_480, %mul3A_484 : vector<400x64xf32>
    %slice3A_486 = vector.extract_strided_slice %div3A_409 {offsets = [0, 15], sizes = [400, 1], strides = [1, 1]} : vector<400x16xf32> to vector<400x1xf32>
    %slice3A_487 = vector.extract_strided_slice %concatenate3A {offsets = [6000, 0], sizes = [400, 64], strides = [1, 1]} : vector<12800x64xf32> to vector<400x64xf32>
    %mul3A_488 = vector.broadcast %slice3A_486 : vector<400x1xf32> to vector<400x64xf32>
    %mul3A_489 = arith.mulf %mul3A_488, %slice3A_487 : vector<400x64xf32>
    %add3A_490 = arith.addf %add3A_485, %mul3A_489 : vector<400x64xf32>
    %slice3A_491 = vector.extract_strided_slice %broadcast_in_dim3A {offsets = [6400, 0], sizes = [400, 1], strides = [1, 1]} : vector<12800x1xf32> to vector<400x1xf32>
    %slice3A_492 = vector.extract_strided_slice %broadcast_in_dim3A {offsets = [6800, 0], sizes = [400, 1], strides = [1, 1]} : vector<12800x1xf32> to vector<400x1xf32>
    %slice3A_493 = vector.extract_strided_slice %broadcast_in_dim3A {offsets = [7200, 0], sizes = [400, 1], strides = [1, 1]} : vector<12800x1xf32> to vector<400x1xf32>
    %slice3A_494 = vector.extract_strided_slice %broadcast_in_dim3A {offsets = [7600, 0], sizes = [400, 1], strides = [1, 1]} : vector<12800x1xf32> to vector<400x1xf32>
    %slice3A_495 = vector.extract_strided_slice %broadcast_in_dim3A {offsets = [8000, 0], sizes = [400, 1], strides = [1, 1]} : vector<12800x1xf32> to vector<400x1xf32>
    %slice3A_496 = vector.extract_strided_slice %broadcast_in_dim3A {offsets = [8400, 0], sizes = [400, 1], strides = [1, 1]} : vector<12800x1xf32> to vector<400x1xf32>
    %slice3A_497 = vector.extract_strided_slice %broadcast_in_dim3A {offsets = [8800, 0], sizes = [400, 1], strides = [1, 1]} : vector<12800x1xf32> to vector<400x1xf32>
    %slice3A_498 = vector.extract_strided_slice %broadcast_in_dim3A {offsets = [9200, 0], sizes = [400, 1], strides = [1, 1]} : vector<12800x1xf32> to vector<400x1xf32>
    %slice3A_499 = vector.extract_strided_slice %broadcast_in_dim3A {offsets = [9600, 0], sizes = [400, 1], strides = [1, 1]} : vector<12800x1xf32> to vector<400x1xf32>
    %slice3A_500 = vector.extract_strided_slice %broadcast_in_dim3A {offsets = [10000, 0], sizes = [400, 1], strides = [1, 1]} : vector<12800x1xf32> to vector<400x1xf32>
    %slice3A_501 = vector.extract_strided_slice %broadcast_in_dim3A {offsets = [10400, 0], sizes = [400, 1], strides = [1, 1]} : vector<12800x1xf32> to vector<400x1xf32>
    %slice3A_502 = vector.extract_strided_slice %broadcast_in_dim3A {offsets = [10800, 0], sizes = [400, 1], strides = [1, 1]} : vector<12800x1xf32> to vector<400x1xf32>
    %slice3A_503 = vector.extract_strided_slice %broadcast_in_dim3A {offsets = [11200, 0], sizes = [400, 1], strides = [1, 1]} : vector<12800x1xf32> to vector<400x1xf32>
    %slice3A_504 = vector.extract_strided_slice %broadcast_in_dim3A {offsets = [11600, 0], sizes = [400, 1], strides = [1, 1]} : vector<12800x1xf32> to vector<400x1xf32>
    %slice3A_505 = vector.extract_strided_slice %broadcast_in_dim3A {offsets = [12000, 0], sizes = [400, 1], strides = [1, 1]} : vector<12800x1xf32> to vector<400x1xf32>
    %slice3A_506 = vector.extract_strided_slice %broadcast_in_dim3A {offsets = [12400, 0], sizes = [400, 1], strides = [1, 1]} : vector<12800x1xf32> to vector<400x1xf32>
    %concatenate3A_507 = tpu.concatenate %slice3A_491, %slice3A_492, %slice3A_493, %slice3A_494, %slice3A_495, %slice3A_496, %slice3A_497, %slice3A_498, %slice3A_499, %slice3A_500, %slice3A_501, %slice3A_502, %slice3A_503, %slice3A_504, %slice3A_505, %slice3A_506 in 1 : vector<400x1xf32>, vector<400x1xf32>, vector<400x1xf32>, vector<400x1xf32>, vector<400x1xf32>, vector<400x1xf32>, vector<400x1xf32>, vector<400x1xf32>, vector<400x1xf32>, vector<400x1xf32>, vector<400x1xf32>, vector<400x1xf32>, vector<400x1xf32>, vector<400x1xf32>, vector<400x1xf32>, vector<400x1xf32> -> vector<400x16xf32>
    %reduce_max3A_508 = arith.constant dense<0xFF800000> : vector<400xf32>
    %reduce_max3A_509 = vector.multi_reduction <maximumf>, %concatenate3A_507, %reduce_max3A_508 [1] : vector<400x16xf32> to vector<400xf32>
    %broadcast_in_dim3A_510 = vector.shape_cast %reduce_max3A_509 : vector<400xf32> to vector<400x1xf32>
    %sub3A_511 = vector.broadcast %broadcast_in_dim3A_510 : vector<400x1xf32> to vector<400x16xf32>
    %sub3A_512 = arith.subf %concatenate3A_507, %sub3A_511 : vector<400x16xf32>
    %exp3A_513 = math.exp %sub3A_512 : vector<400x16xf32>
    %reduce_sum3A_514 = arith.constant dense<0.000000e+00> : vector<400xf32>
    %reduce_sum3A_515 = vector.multi_reduction <add>, %exp3A_513, %reduce_sum3A_514 [1] : vector<400x16xf32> to vector<400xf32>
    %broadcast_in_dim3A_516 = vector.shape_cast %reduce_sum3A_515 : vector<400xf32> to vector<400x1xf32>
    %div3A_517 = vector.broadcast %broadcast_in_dim3A_516 : vector<400x1xf32> to vector<400x16xf32>
    %div3A_518 = arith.divf %exp3A_513, %div3A_517 : vector<400x16xf32>
    %broadcast_in_dim3A_519 = arith.constant 0.000000e+00 : f32
    %broadcast_in_dim3A_520 = vector.broadcast %broadcast_in_dim3A_519 : f32 to vector<400x64xf32>
    %slice3A_521 = vector.extract_strided_slice %div3A_518 {offsets = [0, 0], sizes = [400, 1], strides = [1, 1]} : vector<400x16xf32> to vector<400x1xf32>
    %slice3A_522 = vector.extract_strided_slice %concatenate3A {offsets = [6400, 0], sizes = [400, 64], strides = [1, 1]} : vector<12800x64xf32> to vector<400x64xf32>
    %mul3A_523 = vector.broadcast %slice3A_521 : vector<400x1xf32> to vector<400x64xf32>
    %mul3A_524 = arith.mulf %mul3A_523, %slice3A_522 : vector<400x64xf32>
    %add3A_525 = arith.addf %broadcast_in_dim3A_520, %mul3A_524 : vector<400x64xf32>
    %slice3A_526 = vector.extract_strided_slice %div3A_518 {offsets = [0, 1], sizes = [400, 1], strides = [1, 1]} : vector<400x16xf32> to vector<400x1xf32>
    %slice3A_527 = vector.extract_strided_slice %concatenate3A {offsets = [6800, 0], sizes = [400, 64], strides = [1, 1]} : vector<12800x64xf32> to vector<400x64xf32>
    %mul3A_528 = vector.broadcast %slice3A_526 : vector<400x1xf32> to vector<400x64xf32>
    %mul3A_529 = arith.mulf %mul3A_528, %slice3A_527 : vector<400x64xf32>
    %add3A_530 = arith.addf %add3A_525, %mul3A_529 : vector<400x64xf32>
    %slice3A_531 = vector.extract_strided_slice %div3A_518 {offsets = [0, 2], sizes = [400, 1], strides = [1, 1]} : vector<400x16xf32> to vector<400x1xf32>
    %slice3A_532 = vector.extract_strided_slice %concatenate3A {offsets = [7200, 0], sizes = [400, 64], strides = [1, 1]} : vector<12800x64xf32> to vector<400x64xf32>
    %mul3A_533 = vector.broadcast %slice3A_531 : vector<400x1xf32> to vector<400x64xf32>
    %mul3A_534 = arith.mulf %mul3A_533, %slice3A_532 : vector<400x64xf32>
    %add3A_535 = arith.addf %add3A_530, %mul3A_534 : vector<400x64xf32>
    %slice3A_536 = vector.extract_strided_slice %div3A_518 {offsets = [0, 3], sizes = [400, 1], strides = [1, 1]} : vector<400x16xf32> to vector<400x1xf32>
    %slice3A_537 = vector.extract_strided_slice %concatenate3A {offsets = [7600, 0], sizes = [400, 64], strides = [1, 1]} : vector<12800x64xf32> to vector<400x64xf32>
    %mul3A_538 = vector.broadcast %slice3A_536 : vector<400x1xf32> to vector<400x64xf32>
    %mul3A_539 = arith.mulf %mul3A_538, %slice3A_537 : vector<400x64xf32>
    %add3A_540 = arith.addf %add3A_535, %mul3A_539 : vector<400x64xf32>
    %slice3A_541 = vector.extract_strided_slice %div3A_518 {offsets = [0, 4], sizes = [400, 1], strides = [1, 1]} : vector<400x16xf32> to vector<400x1xf32>
    %slice3A_542 = vector.extract_strided_slice %concatenate3A {offsets = [8000, 0], sizes = [400, 64], strides = [1, 1]} : vector<12800x64xf32> to vector<400x64xf32>
    %mul3A_543 = vector.broadcast %slice3A_541 : vector<400x1xf32> to vector<400x64xf32>
    %mul3A_544 = arith.mulf %mul3A_543, %slice3A_542 : vector<400x64xf32>
    %add3A_545 = arith.addf %add3A_540, %mul3A_544 : vector<400x64xf32>
    %slice3A_546 = vector.extract_strided_slice %div3A_518 {offsets = [0, 5], sizes = [400, 1], strides = [1, 1]} : vector<400x16xf32> to vector<400x1xf32>
    %slice3A_547 = vector.extract_strided_slice %concatenate3A {offsets = [8400, 0], sizes = [400, 64], strides = [1, 1]} : vector<12800x64xf32> to vector<400x64xf32>
    %mul3A_548 = vector.broadcast %slice3A_546 : vector<400x1xf32> to vector<400x64xf32>
    %mul3A_549 = arith.mulf %mul3A_548, %slice3A_547 : vector<400x64xf32>
    %add3A_550 = arith.addf %add3A_545, %mul3A_549 : vector<400x64xf32>
    %slice3A_551 = vector.extract_strided_slice %div3A_518 {offsets = [0, 6], sizes = [400, 1], strides = [1, 1]} : vector<400x16xf32> to vector<400x1xf32>
    %slice3A_552 = vector.extract_strided_slice %concatenate3A {offsets = [8800, 0], sizes = [400, 64], strides = [1, 1]} : vector<12800x64xf32> to vector<400x64xf32>
    %mul3A_553 = vector.broadcast %slice3A_551 : vector<400x1xf32> to vector<400x64xf32>
    %mul3A_554 = arith.mulf %mul3A_553, %slice3A_552 : vector<400x64xf32>
    %add3A_555 = arith.addf %add3A_550, %mul3A_554 : vector<400x64xf32>
    %slice3A_556 = vector.extract_strided_slice %div3A_518 {offsets = [0, 7], sizes = [400, 1], strides = [1, 1]} : vector<400x16xf32> to vector<400x1xf32>
    %slice3A_557 = vector.extract_strided_slice %concatenate3A {offsets = [9200, 0], sizes = [400, 64], strides = [1, 1]} : vector<12800x64xf32> to vector<400x64xf32>
    %mul3A_558 = vector.broadcast %slice3A_556 : vector<400x1xf32> to vector<400x64xf32>
    %mul3A_559 = arith.mulf %mul3A_558, %slice3A_557 : vector<400x64xf32>
    %add3A_560 = arith.addf %add3A_555, %mul3A_559 : vector<400x64xf32>
    %slice3A_561 = vector.extract_strided_slice %div3A_518 {offsets = [0, 8], sizes = [400, 1], strides = [1, 1]} : vector<400x16xf32> to vector<400x1xf32>
    %slice3A_562 = vector.extract_strided_slice %concatenate3A {offsets = [9600, 0], sizes = [400, 64], strides = [1, 1]} : vector<12800x64xf32> to vector<400x64xf32>
    %mul3A_563 = vector.broadcast %slice3A_561 : vector<400x1xf32> to vector<400x64xf32>
    %mul3A_564 = arith.mulf %mul3A_563, %slice3A_562 : vector<400x64xf32>
    %add3A_565 = arith.addf %add3A_560, %mul3A_564 : vector<400x64xf32>
    %slice3A_566 = vector.extract_strided_slice %div3A_518 {offsets = [0, 9], sizes = [400, 1], strides = [1, 1]} : vector<400x16xf32> to vector<400x1xf32>
    %slice3A_567 = vector.extract_strided_slice %concatenate3A {offsets = [10000, 0], sizes = [400, 64], strides = [1, 1]} : vector<12800x64xf32> to vector<400x64xf32>
    %mul3A_568 = vector.broadcast %slice3A_566 : vector<400x1xf32> to vector<400x64xf32>
    %mul3A_569 = arith.mulf %mul3A_568, %slice3A_567 : vector<400x64xf32>
    %add3A_570 = arith.addf %add3A_565, %mul3A_569 : vector<400x64xf32>
    %slice3A_571 = vector.extract_strided_slice %div3A_518 {offsets = [0, 10], sizes = [400, 1], strides = [1, 1]} : vector<400x16xf32> to vector<400x1xf32>
    %slice3A_572 = vector.extract_strided_slice %concatenate3A {offsets = [10400, 0], sizes = [400, 64], strides = [1, 1]} : vector<12800x64xf32> to vector<400x64xf32>
    %mul3A_573 = vector.broadcast %slice3A_571 : vector<400x1xf32> to vector<400x64xf32>
    %mul3A_574 = arith.mulf %mul3A_573, %slice3A_572 : vector<400x64xf32>
    %add3A_575 = arith.addf %add3A_570, %mul3A_574 : vector<400x64xf32>
    %slice3A_576 = vector.extract_strided_slice %div3A_518 {offsets = [0, 11], sizes = [400, 1], strides = [1, 1]} : vector<400x16xf32> to vector<400x1xf32>
    %slice3A_577 = vector.extract_strided_slice %concatenate3A {offsets = [10800, 0], sizes = [400, 64], strides = [1, 1]} : vector<12800x64xf32> to vector<400x64xf32>
    %mul3A_578 = vector.broadcast %slice3A_576 : vector<400x1xf32> to vector<400x64xf32>
    %mul3A_579 = arith.mulf %mul3A_578, %slice3A_577 : vector<400x64xf32>
    %add3A_580 = arith.addf %add3A_575, %mul3A_579 : vector<400x64xf32>
    %slice3A_581 = vector.extract_strided_slice %div3A_518 {offsets = [0, 12], sizes = [400, 1], strides = [1, 1]} : vector<400x16xf32> to vector<400x1xf32>
    %slice3A_582 = vector.extract_strided_slice %concatenate3A {offsets = [11200, 0], sizes = [400, 64], strides = [1, 1]} : vector<12800x64xf32> to vector<400x64xf32>
    %mul3A_583 = vector.broadcast %slice3A_581 : vector<400x1xf32> to vector<400x64xf32>
    %mul3A_584 = arith.mulf %mul3A_583, %slice3A_582 : vector<400x64xf32>
    %add3A_585 = arith.addf %add3A_580, %mul3A_584 : vector<400x64xf32>
    %slice3A_586 = vector.extract_strided_slice %div3A_518 {offsets = [0, 13], sizes = [400, 1], strides = [1, 1]} : vector<400x16xf32> to vector<400x1xf32>
    %slice3A_587 = vector.extract_strided_slice %concatenate3A {offsets = [11600, 0], sizes = [400, 64], strides = [1, 1]} : vector<12800x64xf32> to vector<400x64xf32>
    %mul3A_588 = vector.broadcast %slice3A_586 : vector<400x1xf32> to vector<400x64xf32>
    %mul3A_589 = arith.mulf %mul3A_588, %slice3A_587 : vector<400x64xf32>
    %add3A_590 = arith.addf %add3A_585, %mul3A_589 : vector<400x64xf32>
    %slice3A_591 = vector.extract_strided_slice %div3A_518 {offsets = [0, 14], sizes = [400, 1], strides = [1, 1]} : vector<400x16xf32> to vector<400x1xf32>
    %slice3A_592 = vector.extract_strided_slice %concatenate3A {offsets = [12000, 0], sizes = [400, 64], strides = [1, 1]} : vector<12800x64xf32> to vector<400x64xf32>
    %mul3A_593 = vector.broadcast %slice3A_591 : vector<400x1xf32> to vector<400x64xf32>
    %mul3A_594 = arith.mulf %mul3A_593, %slice3A_592 : vector<400x64xf32>
    %add3A_595 = arith.addf %add3A_590, %mul3A_594 : vector<400x64xf32>
    %slice3A_596 = vector.extract_strided_slice %div3A_518 {offsets = [0, 15], sizes = [400, 1], strides = [1, 1]} : vector<400x16xf32> to vector<400x1xf32>
    %slice3A_597 = vector.extract_strided_slice %concatenate3A {offsets = [12400, 0], sizes = [400, 64], strides = [1, 1]} : vector<12800x64xf32> to vector<400x64xf32>
    %mul3A_598 = vector.broadcast %slice3A_596 : vector<400x1xf32> to vector<400x64xf32>
    %mul3A_599 = arith.mulf %mul3A_598, %slice3A_597 : vector<400x64xf32>
    %add3A_600 = arith.addf %add3A_595, %mul3A_599 : vector<400x64xf32>
    %concatenate3A_601 = tpu.concatenate %add3A_490, %add3A_600 in 0 : vector<400x64xf32>, vector<400x64xf32> -> vector<800x64xf32>
    %get3A_602 = arith.constant 0 : index
    %get3A_603 = arith.constant 0 : index
    %get3A_604 = vector.load %arg5[%get3A_602, %get3A_603] : memref<64x64xf32, #tpu.memory_space<vmem>>, vector<64x64xf32>
    %dot_general3A = arith.constant dense<0.000000e+00> : vector<800x64xf32>
    %dot_general3A_605 = tpu.matmul %concatenate3A_601, %get3A_604, %dot_general3A {dimension_numbers = #tpu.dot_dimension_numbers<[1], [0], [0], [1], [0, 0, 1, 1], [], []>, transpose_lhs_hint = false} : vector<800x64xf32>, vector<64x64xf32>, vector<800x64xf32> -> vector<800x64xf32>
    %get3A_606 = arith.constant 0 : index
    %get3A_607 = arith.constant 0 : index
    %get3A_608 = vector.load %arg6[%get3A_606, %get3A_607] : memref<1x64xf32, #tpu.memory_space<vmem>>, vector<1x64xf32>
    %add3A_609 = vector.broadcast %get3A_608 : vector<1x64xf32> to vector<800x64xf32>
    %add3A_610 = arith.addf %dot_general3A_605, %add3A_609 : vector<800x64xf32>
    %tanh3A = math.tanh %add3A_610 : vector<800x64xf32>
    %get3A_611 = arith.constant 0 : index
    %get3A_612 = arith.constant 0 : index
    %get3A_613 = vector.load %arg7[%get3A_611, %get3A_612] : memref<64x64xf32, #tpu.memory_space<vmem>>, vector<64x64xf32>
    %dot_general3A_614 = arith.constant dense<0.000000e+00> : vector<800x64xf32>
    %dot_general3A_615 = tpu.matmul %tanh3A, %get3A_613, %dot_general3A_614 {dimension_numbers = #tpu.dot_dimension_numbers<[1], [0], [0], [1], [0, 0, 1, 1], [], []>, transpose_lhs_hint = false} : vector<800x64xf32>, vector<64x64xf32>, vector<800x64xf32> -> vector<800x64xf32>
    %get3A_616 = arith.constant 0 : index
    %get3A_617 = arith.constant 0 : index
    %get3A_618 = vector.load %arg8[%get3A_616, %get3A_617] : memref<1x64xf32, #tpu.memory_space<vmem>>, vector<1x64xf32>
    %add3A_619 = vector.broadcast %get3A_618 : vector<1x64xf32> to vector<800x64xf32>
    %add3A_620 = arith.addf %dot_general3A_615, %add3A_619 : vector<800x64xf32>
    %get3A_621 = arith.constant 0 : index
    %get3A_622 = arith.constant 0 : index
    %get3A_623 = vector.load %arg3[%get3A_621, %get3A_622] : memref<400x64xf32, #tpu.memory_space<vmem>>, vector<400x64xf32>
    %concatenate3A_624 = tpu.concatenate %get3A_623, %get3A_623 in 0 : vector<400x64xf32>, vector<400x64xf32> -> vector<800x64xf32>
    %add3A_625 = arith.addf %concatenate3A_624, %add3A_620 : vector<800x64xf32>
    %slice3A_626 = vector.extract_strided_slice %add3A_625 {offsets = [0, 0], sizes = [400, 64], strides = [1, 1]} : vector<800x64xf32> to vector<400x64xf32>
    %slice3A_627 = vector.extract_strided_slice %add3A_625 {offsets = [400, 0], sizes = [400, 64], strides = [1, 1]} : vector<800x64xf32> to vector<400x64xf32>
    %concatenate3A_628 = tpu.concatenate %slice3A_626, %slice3A_627 in 1 : vector<400x64xf32>, vector<400x64xf32> -> vector<400x128xf32>
    %swap3A = arith.constant 0 : index
    %swap3A_629 = arith.constant 0 : index
    %swap3A_630 = vector.load %arg10[%swap3A, %swap3A_629] : memref<400x128xf32, #tpu.memory_space<vmem>>, vector<400x128xf32>
    tpu.vector_store %arg10[%swap3A, %swap3A_629], %concatenate3A_628 {strides = array<i32>} : memref<400x128xf32, #tpu.memory_space<vmem>>, vector<400x128xf32>,
    %get3A_631 = arith.constant 0 : index
    %get3A_632 = arith.constant 0 : index
    %get3A_633 = vector.load %arg9[%get3A_631, %get3A_632] : memref<64x64xf32, #tpu.memory_space<vmem>>, vector<64x64xf32>
    %dot_general3A_634 = arith.constant dense<0.000000e+00> : vector<800x64xf32>
    %dot_general3A_635 = tpu.matmul %add3A_625, %get3A_633, %dot_general3A_634 {dimension_numbers = #tpu.dot_dimension_numbers<[1], [0], [0], [1], [0, 0, 1, 1], [], []>, transpose_lhs_hint = false} : vector<800x64xf32>, vector<64x64xf32>, vector<800x64xf32> -> vector<800x64xf32>
    %slice3A_636 = vector.extract_strided_slice %dot_general3A_635 {offsets = [0, 0], sizes = [400, 64], strides = [1, 1]} : vector<800x64xf32> to vector<400x64xf32>
    %slice3A_637 = vector.extract_strided_slice %dot_general3A_635 {offsets = [400, 0], sizes = [400, 64], strides = [1, 1]} : vector<800x64xf32> to vector<400x64xf32>
    %concatenate3A_638 = tpu.concatenate %slice3A_636, %slice3A_637 in 1 : vector<400x64xf32>, vector<400x64xf32> -> vector<400x128xf32>
    %swap3A_639 = arith.constant 0 : index
    %swap3A_640 = arith.constant 0 : index
    %swap3A_641 = vector.load %arg11[%swap3A_639, %swap3A_640] : memref<400x128xf32, #tpu.memory_space<vmem>>, vector<400x128xf32>
    tpu.vector_store %arg11[%swap3A_639, %swap3A_640], %concatenate3A_638 {strides = array<i32>} : memref<400x128xf32, #tpu.memory_space<vmem>>, vector<400x128xf32>,
    return
  }
  func.func @transform_0(%arg0: i32) -> (i32, i32, i32) {
    %c0_i32 = arith.constant 0 : i32
    %c0_i32_0 = arith.constant 0 : i32
    %c0_i32_1 = arith.constant 0 : i32
    return %c0_i32, %arg0, %c0_i32_0 : i32, i32, i32
  }
  func.func @transform_1(%arg0: i32) -> (i32, i32, i32) {
    %c0_i32 = arith.constant 0 : i32
    %c0_i32_0 = arith.constant 0 : i32
    %c0_i32_1 = arith.constant 0 : i32
    return %c0_i32, %arg0, %c0_i32_0 : i32, i32, i32
  }
  func.func @transform_2(%arg0: i32) -> (i32, i32) {
    %c0_i32 = arith.constant 0 : i32
    %c0_i32_0 = arith.constant 0 : i32
    return %arg0, %c0_i32 : i32, i32
  }
  func.func @transform_3(%arg0: i32) -> (i32, i32) {
    %c0_i32 = arith.constant 0 : i32
    %c0_i32_0 = arith.constant 0 : i32
    %c0_i32_1 = arith.constant 0 : i32
    return %c0_i32, %c0_i32_0 : i32, i32
  }
  func.func @transform_4(%arg0: i32) -> (i32, i32) {
    %c0_i32 = arith.constant 0 : i32
    %c0_i32_0 = arith.constant 0 : i32
    %c0_i32_1 = arith.constant 0 : i32
    return %c0_i32, %c0_i32_0 : i32, i32
  }
  func.func @transform_5(%arg0: i32) -> (i32, i32) {
    %c0_i32 = arith.constant 0 : i32
    %c0_i32_0 = arith.constant 0 : i32
    %c0_i32_1 = arith.constant 0 : i32
    return %c0_i32, %c0_i32_0 : i32, i32
  }
  func.func @transform_6(%arg0: i32) -> (i32, i32) {
    %c0_i32 = arith.constant 0 : i32
    %c0_i32_0 = arith.constant 0 : i32
    %c0_i32_1 = arith.constant 0 : i32
    return %c0_i32, %c0_i32_0 : i32, i32
  }
  func.func @transform_7(%arg0: i32) -> (i32, i32) {
    %c0_i32 = arith.constant 0 : i32
    %c0_i32_0 = arith.constant 0 : i32
    %c0_i32_1 = arith.constant 0 : i32
    return %c0_i32, %c0_i32_0 : i32, i32
  }
  func.func @transform_8(%arg0: i32) -> (i32, i32) {
    %c0_i32 = arith.constant 0 : i32
    %c0_i32_0 = arith.constant 0 : i32
    %c0_i32_1 = arith.constant 0 : i32
    return %c0_i32, %c0_i32_0 : i32, i32
  }
  func.func @transform_9(%arg0: i32) -> (i32, i32) {
    %c0_i32 = arith.constant 0 : i32
    %c0_i32_0 = arith.constant 0 : i32
    return %arg0, %c0_i32 : i32, i32
  }
  func.func @transform_10(%arg0: i32) -> (i32, i32) {
    %c0_i32 = arith.constant 0 : i32
    %c0_i32_0 = arith.constant 0 : i32
    return %arg0, %c0_i32 : i32, i32
  }
}

module attributes {stable_mosaic.version = 14 : i64} {
  func.func @_combine_body(%arg0: i32, %arg1: memref<32x400x128xf32, #tpu.memory_space<vmem>>, %arg2: memref<32x400x64xbf16, #tpu.memory_space<vmem>>, %arg3: memref<400x128xf32, #tpu.memory_space<vmem>>, %arg4: memref<1x64xf32, #tpu.memory_space<vmem>>, %arg5: memref<64x64xf32, #tpu.memory_space<vmem>>, %arg6: memref<1x64xf32, #tpu.memory_space<vmem>>, %arg7: memref<64x64xf32, #tpu.memory_space<vmem>>, %arg8: memref<1x64xf32, #tpu.memory_space<vmem>>, %arg9: memref<400x128xf32, #tpu.memory_space<vmem>>) attributes {dimension_semantics = [#tpu.dimension_semantics<arbitrary>], iteration_bounds = array<i64: 25>, scalar_prefetch = 0 : i64, scratch_operands = 0 : i64, tpu.core_type = #tpu.core_type<tc>, window_params = [{transform_indices = @transform_0, window_bounds = array<i64: 32, 400, 128>}, {transform_indices = @transform_1, window_bounds = array<i64: 32, 400, 64>}, {transform_indices = @transform_2, window_bounds = array<i64: 400, 128>}, {pipeline_mode = #tpu.pipeline_mode<synchronous>, transform_indices = @transform_3, window_bounds = array<i64: 1, 64>}, {pipeline_mode = #tpu.pipeline_mode<synchronous>, transform_indices = @transform_4, window_bounds = array<i64: 64, 64>}, {pipeline_mode = #tpu.pipeline_mode<synchronous>, transform_indices = @transform_5, window_bounds = array<i64: 1, 64>}, {pipeline_mode = #tpu.pipeline_mode<synchronous>, transform_indices = @transform_6, window_bounds = array<i64: 64, 64>}, {pipeline_mode = #tpu.pipeline_mode<synchronous>, transform_indices = @transform_7, window_bounds = array<i64: 1, 64>}, {transform_indices = @transform_8, window_bounds = array<i64: 400, 128>}]} {
    %get3A = arith.constant 0 : index
    %get3A_0 = arith.constant 0 : index
    %get3A_1 = arith.constant 0 : index
    %get3A_2 = vector.load %arg1[%get3A, %get3A_0, %get3A_1] : memref<32x400x128xf32, #tpu.memory_space<vmem>>, vector<1x400x64xf32>
    %get3A_3 = vector.shape_cast %get3A_2 : vector<1x400x64xf32> to vector<400x64xf32>
    %get3A_4 = arith.constant 0 : index
    %get3A_5 = arith.constant 0 : index
    %get3A_6 = arith.constant 0 : index
    %get3A_7 = vector.load %arg2[%get3A_4, %get3A_5, %get3A_6] : memref<32x400x64xbf16, #tpu.memory_space<vmem>>, vector<1x400x64xbf16>
    %get3A_8 = vector.shape_cast %get3A_7 : vector<1x400x64xbf16> to vector<400x64xbf16>
    %convert_element_type3A = arith.extf %get3A_8 : vector<400x64xbf16> to vector<400x64xf32>
    %mul3A = arith.mulf %get3A_3, %convert_element_type3A : vector<400x64xf32>
    %get3A_9 = arith.constant 2 : index
    %get3A_10 = arith.constant 0 : index
    %get3A_11 = arith.constant 0 : index
    %get3A_12 = vector.load %arg1[%get3A_9, %get3A_10, %get3A_11] : memref<32x400x128xf32, #tpu.memory_space<vmem>>, vector<1x400x64xf32>
    %get3A_13 = vector.shape_cast %get3A_12 : vector<1x400x64xf32> to vector<400x64xf32>
    %get3A_14 = arith.constant 2 : index
    %get3A_15 = arith.constant 0 : index
    %get3A_16 = arith.constant 0 : index
    %get3A_17 = vector.load %arg2[%get3A_14, %get3A_15, %get3A_16] : memref<32x400x64xbf16, #tpu.memory_space<vmem>>, vector<1x400x64xbf16>
    %get3A_18 = vector.shape_cast %get3A_17 : vector<1x400x64xbf16> to vector<400x64xbf16>
    %convert_element_type3A_19 = arith.extf %get3A_18 : vector<400x64xbf16> to vector<400x64xf32>
    %mul3A_20 = arith.mulf %get3A_13, %convert_element_type3A_19 : vector<400x64xf32>
    %get3A_21 = arith.constant 4 : index
    %get3A_22 = arith.constant 0 : index
    %get3A_23 = arith.constant 0 : index
    %get3A_24 = vector.load %arg1[%get3A_21, %get3A_22, %get3A_23] : memref<32x400x128xf32, #tpu.memory_space<vmem>>, vector<1x400x64xf32>
    %get3A_25 = vector.shape_cast %get3A_24 : vector<1x400x64xf32> to vector<400x64xf32>
    %get3A_26 = arith.constant 4 : index
    %get3A_27 = arith.constant 0 : index
    %get3A_28 = arith.constant 0 : index
    %get3A_29 = vector.load %arg2[%get3A_26, %get3A_27, %get3A_28] : memref<32x400x64xbf16, #tpu.memory_space<vmem>>, vector<1x400x64xbf16>
    %get3A_30 = vector.shape_cast %get3A_29 : vector<1x400x64xbf16> to vector<400x64xbf16>
    %convert_element_type3A_31 = arith.extf %get3A_30 : vector<400x64xbf16> to vector<400x64xf32>
    %mul3A_32 = arith.mulf %get3A_25, %convert_element_type3A_31 : vector<400x64xf32>
    %get3A_33 = arith.constant 6 : index
    %get3A_34 = arith.constant 0 : index
    %get3A_35 = arith.constant 0 : index
    %get3A_36 = vector.load %arg1[%get3A_33, %get3A_34, %get3A_35] : memref<32x400x128xf32, #tpu.memory_space<vmem>>, vector<1x400x64xf32>
    %get3A_37 = vector.shape_cast %get3A_36 : vector<1x400x64xf32> to vector<400x64xf32>
    %get3A_38 = arith.constant 6 : index
    %get3A_39 = arith.constant 0 : index
    %get3A_40 = arith.constant 0 : index
    %get3A_41 = vector.load %arg2[%get3A_38, %get3A_39, %get3A_40] : memref<32x400x64xbf16, #tpu.memory_space<vmem>>, vector<1x400x64xbf16>
    %get3A_42 = vector.shape_cast %get3A_41 : vector<1x400x64xbf16> to vector<400x64xbf16>
    %convert_element_type3A_43 = arith.extf %get3A_42 : vector<400x64xbf16> to vector<400x64xf32>
    %mul3A_44 = arith.mulf %get3A_37, %convert_element_type3A_43 : vector<400x64xf32>
    %get3A_45 = arith.constant 8 : index
    %get3A_46 = arith.constant 0 : index
    %get3A_47 = arith.constant 0 : index
    %get3A_48 = vector.load %arg1[%get3A_45, %get3A_46, %get3A_47] : memref<32x400x128xf32, #tpu.memory_space<vmem>>, vector<1x400x64xf32>
    %get3A_49 = vector.shape_cast %get3A_48 : vector<1x400x64xf32> to vector<400x64xf32>
    %get3A_50 = arith.constant 8 : index
    %get3A_51 = arith.constant 0 : index
    %get3A_52 = arith.constant 0 : index
    %get3A_53 = vector.load %arg2[%get3A_50, %get3A_51, %get3A_52] : memref<32x400x64xbf16, #tpu.memory_space<vmem>>, vector<1x400x64xbf16>
    %get3A_54 = vector.shape_cast %get3A_53 : vector<1x400x64xbf16> to vector<400x64xbf16>
    %convert_element_type3A_55 = arith.extf %get3A_54 : vector<400x64xbf16> to vector<400x64xf32>
    %mul3A_56 = arith.mulf %get3A_49, %convert_element_type3A_55 : vector<400x64xf32>
    %get3A_57 = arith.constant 10 : index
    %get3A_58 = arith.constant 0 : index
    %get3A_59 = arith.constant 0 : index
    %get3A_60 = vector.load %arg1[%get3A_57, %get3A_58, %get3A_59] : memref<32x400x128xf32, #tpu.memory_space<vmem>>, vector<1x400x64xf32>
    %get3A_61 = vector.shape_cast %get3A_60 : vector<1x400x64xf32> to vector<400x64xf32>
    %get3A_62 = arith.constant 10 : index
    %get3A_63 = arith.constant 0 : index
    %get3A_64 = arith.constant 0 : index
    %get3A_65 = vector.load %arg2[%get3A_62, %get3A_63, %get3A_64] : memref<32x400x64xbf16, #tpu.memory_space<vmem>>, vector<1x400x64xbf16>
    %get3A_66 = vector.shape_cast %get3A_65 : vector<1x400x64xbf16> to vector<400x64xbf16>
    %convert_element_type3A_67 = arith.extf %get3A_66 : vector<400x64xbf16> to vector<400x64xf32>
    %mul3A_68 = arith.mulf %get3A_61, %convert_element_type3A_67 : vector<400x64xf32>
    %get3A_69 = arith.constant 12 : index
    %get3A_70 = arith.constant 0 : index
    %get3A_71 = arith.constant 0 : index
    %get3A_72 = vector.load %arg1[%get3A_69, %get3A_70, %get3A_71] : memref<32x400x128xf32, #tpu.memory_space<vmem>>, vector<1x400x64xf32>
    %get3A_73 = vector.shape_cast %get3A_72 : vector<1x400x64xf32> to vector<400x64xf32>
    %get3A_74 = arith.constant 12 : index
    %get3A_75 = arith.constant 0 : index
    %get3A_76 = arith.constant 0 : index
    %get3A_77 = vector.load %arg2[%get3A_74, %get3A_75, %get3A_76] : memref<32x400x64xbf16, #tpu.memory_space<vmem>>, vector<1x400x64xbf16>
    %get3A_78 = vector.shape_cast %get3A_77 : vector<1x400x64xbf16> to vector<400x64xbf16>
    %convert_element_type3A_79 = arith.extf %get3A_78 : vector<400x64xbf16> to vector<400x64xf32>
    %mul3A_80 = arith.mulf %get3A_73, %convert_element_type3A_79 : vector<400x64xf32>
    %get3A_81 = arith.constant 14 : index
    %get3A_82 = arith.constant 0 : index
    %get3A_83 = arith.constant 0 : index
    %get3A_84 = vector.load %arg1[%get3A_81, %get3A_82, %get3A_83] : memref<32x400x128xf32, #tpu.memory_space<vmem>>, vector<1x400x64xf32>
    %get3A_85 = vector.shape_cast %get3A_84 : vector<1x400x64xf32> to vector<400x64xf32>
    %get3A_86 = arith.constant 14 : index
    %get3A_87 = arith.constant 0 : index
    %get3A_88 = arith.constant 0 : index
    %get3A_89 = vector.load %arg2[%get3A_86, %get3A_87, %get3A_88] : memref<32x400x64xbf16, #tpu.memory_space<vmem>>, vector<1x400x64xbf16>
    %get3A_90 = vector.shape_cast %get3A_89 : vector<1x400x64xbf16> to vector<400x64xbf16>
    %convert_element_type3A_91 = arith.extf %get3A_90 : vector<400x64xbf16> to vector<400x64xf32>
    %mul3A_92 = arith.mulf %get3A_85, %convert_element_type3A_91 : vector<400x64xf32>
    %get3A_93 = arith.constant 16 : index
    %get3A_94 = arith.constant 0 : index
    %get3A_95 = arith.constant 0 : index
    %get3A_96 = vector.load %arg1[%get3A_93, %get3A_94, %get3A_95] : memref<32x400x128xf32, #tpu.memory_space<vmem>>, vector<1x400x64xf32>
    %get3A_97 = vector.shape_cast %get3A_96 : vector<1x400x64xf32> to vector<400x64xf32>
    %get3A_98 = arith.constant 16 : index
    %get3A_99 = arith.constant 0 : index
    %get3A_100 = arith.constant 0 : index
    %get3A_101 = vector.load %arg2[%get3A_98, %get3A_99, %get3A_100] : memref<32x400x64xbf16, #tpu.memory_space<vmem>>, vector<1x400x64xbf16>
    %get3A_102 = vector.shape_cast %get3A_101 : vector<1x400x64xbf16> to vector<400x64xbf16>
    %convert_element_type3A_103 = arith.extf %get3A_102 : vector<400x64xbf16> to vector<400x64xf32>
    %mul3A_104 = arith.mulf %get3A_97, %convert_element_type3A_103 : vector<400x64xf32>
    %get3A_105 = arith.constant 18 : index
    %get3A_106 = arith.constant 0 : index
    %get3A_107 = arith.constant 0 : index
    %get3A_108 = vector.load %arg1[%get3A_105, %get3A_106, %get3A_107] : memref<32x400x128xf32, #tpu.memory_space<vmem>>, vector<1x400x64xf32>
    %get3A_109 = vector.shape_cast %get3A_108 : vector<1x400x64xf32> to vector<400x64xf32>
    %get3A_110 = arith.constant 18 : index
    %get3A_111 = arith.constant 0 : index
    %get3A_112 = arith.constant 0 : index
    %get3A_113 = vector.load %arg2[%get3A_110, %get3A_111, %get3A_112] : memref<32x400x64xbf16, #tpu.memory_space<vmem>>, vector<1x400x64xbf16>
    %get3A_114 = vector.shape_cast %get3A_113 : vector<1x400x64xbf16> to vector<400x64xbf16>
    %convert_element_type3A_115 = arith.extf %get3A_114 : vector<400x64xbf16> to vector<400x64xf32>
    %mul3A_116 = arith.mulf %get3A_109, %convert_element_type3A_115 : vector<400x64xf32>
    %get3A_117 = arith.constant 20 : index
    %get3A_118 = arith.constant 0 : index
    %get3A_119 = arith.constant 0 : index
    %get3A_120 = vector.load %arg1[%get3A_117, %get3A_118, %get3A_119] : memref<32x400x128xf32, #tpu.memory_space<vmem>>, vector<1x400x64xf32>
    %get3A_121 = vector.shape_cast %get3A_120 : vector<1x400x64xf32> to vector<400x64xf32>
    %get3A_122 = arith.constant 20 : index
    %get3A_123 = arith.constant 0 : index
    %get3A_124 = arith.constant 0 : index
    %get3A_125 = vector.load %arg2[%get3A_122, %get3A_123, %get3A_124] : memref<32x400x64xbf16, #tpu.memory_space<vmem>>, vector<1x400x64xbf16>
    %get3A_126 = vector.shape_cast %get3A_125 : vector<1x400x64xbf16> to vector<400x64xbf16>
    %convert_element_type3A_127 = arith.extf %get3A_126 : vector<400x64xbf16> to vector<400x64xf32>
    %mul3A_128 = arith.mulf %get3A_121, %convert_element_type3A_127 : vector<400x64xf32>
    %get3A_129 = arith.constant 22 : index
    %get3A_130 = arith.constant 0 : index
    %get3A_131 = arith.constant 0 : index
    %get3A_132 = vector.load %arg1[%get3A_129, %get3A_130, %get3A_131] : memref<32x400x128xf32, #tpu.memory_space<vmem>>, vector<1x400x64xf32>
    %get3A_133 = vector.shape_cast %get3A_132 : vector<1x400x64xf32> to vector<400x64xf32>
    %get3A_134 = arith.constant 22 : index
    %get3A_135 = arith.constant 0 : index
    %get3A_136 = arith.constant 0 : index
    %get3A_137 = vector.load %arg2[%get3A_134, %get3A_135, %get3A_136] : memref<32x400x64xbf16, #tpu.memory_space<vmem>>, vector<1x400x64xbf16>
    %get3A_138 = vector.shape_cast %get3A_137 : vector<1x400x64xbf16> to vector<400x64xbf16>
    %convert_element_type3A_139 = arith.extf %get3A_138 : vector<400x64xbf16> to vector<400x64xf32>
    %mul3A_140 = arith.mulf %get3A_133, %convert_element_type3A_139 : vector<400x64xf32>
    %get3A_141 = arith.constant 24 : index
    %get3A_142 = arith.constant 0 : index
    %get3A_143 = arith.constant 0 : index
    %get3A_144 = vector.load %arg1[%get3A_141, %get3A_142, %get3A_143] : memref<32x400x128xf32, #tpu.memory_space<vmem>>, vector<1x400x64xf32>
    %get3A_145 = vector.shape_cast %get3A_144 : vector<1x400x64xf32> to vector<400x64xf32>
    %get3A_146 = arith.constant 24 : index
    %get3A_147 = arith.constant 0 : index
    %get3A_148 = arith.constant 0 : index
    %get3A_149 = vector.load %arg2[%get3A_146, %get3A_147, %get3A_148] : memref<32x400x64xbf16, #tpu.memory_space<vmem>>, vector<1x400x64xbf16>
    %get3A_150 = vector.shape_cast %get3A_149 : vector<1x400x64xbf16> to vector<400x64xbf16>
    %convert_element_type3A_151 = arith.extf %get3A_150 : vector<400x64xbf16> to vector<400x64xf32>
    %mul3A_152 = arith.mulf %get3A_145, %convert_element_type3A_151 : vector<400x64xf32>
    %get3A_153 = arith.constant 26 : index
    %get3A_154 = arith.constant 0 : index
    %get3A_155 = arith.constant 0 : index
    %get3A_156 = vector.load %arg1[%get3A_153, %get3A_154, %get3A_155] : memref<32x400x128xf32, #tpu.memory_space<vmem>>, vector<1x400x64xf32>
    %get3A_157 = vector.shape_cast %get3A_156 : vector<1x400x64xf32> to vector<400x64xf32>
    %get3A_158 = arith.constant 26 : index
    %get3A_159 = arith.constant 0 : index
    %get3A_160 = arith.constant 0 : index
    %get3A_161 = vector.load %arg2[%get3A_158, %get3A_159, %get3A_160] : memref<32x400x64xbf16, #tpu.memory_space<vmem>>, vector<1x400x64xbf16>
    %get3A_162 = vector.shape_cast %get3A_161 : vector<1x400x64xbf16> to vector<400x64xbf16>
    %convert_element_type3A_163 = arith.extf %get3A_162 : vector<400x64xbf16> to vector<400x64xf32>
    %mul3A_164 = arith.mulf %get3A_157, %convert_element_type3A_163 : vector<400x64xf32>
    %get3A_165 = arith.constant 28 : index
    %get3A_166 = arith.constant 0 : index
    %get3A_167 = arith.constant 0 : index
    %get3A_168 = vector.load %arg1[%get3A_165, %get3A_166, %get3A_167] : memref<32x400x128xf32, #tpu.memory_space<vmem>>, vector<1x400x64xf32>
    %get3A_169 = vector.shape_cast %get3A_168 : vector<1x400x64xf32> to vector<400x64xf32>
    %get3A_170 = arith.constant 28 : index
    %get3A_171 = arith.constant 0 : index
    %get3A_172 = arith.constant 0 : index
    %get3A_173 = vector.load %arg2[%get3A_170, %get3A_171, %get3A_172] : memref<32x400x64xbf16, #tpu.memory_space<vmem>>, vector<1x400x64xbf16>
    %get3A_174 = vector.shape_cast %get3A_173 : vector<1x400x64xbf16> to vector<400x64xbf16>
    %convert_element_type3A_175 = arith.extf %get3A_174 : vector<400x64xbf16> to vector<400x64xf32>
    %mul3A_176 = arith.mulf %get3A_169, %convert_element_type3A_175 : vector<400x64xf32>
    %get3A_177 = arith.constant 30 : index
    %get3A_178 = arith.constant 0 : index
    %get3A_179 = arith.constant 0 : index
    %get3A_180 = vector.load %arg1[%get3A_177, %get3A_178, %get3A_179] : memref<32x400x128xf32, #tpu.memory_space<vmem>>, vector<1x400x64xf32>
    %get3A_181 = vector.shape_cast %get3A_180 : vector<1x400x64xf32> to vector<400x64xf32>
    %get3A_182 = arith.constant 30 : index
    %get3A_183 = arith.constant 0 : index
    %get3A_184 = arith.constant 0 : index
    %get3A_185 = vector.load %arg2[%get3A_182, %get3A_183, %get3A_184] : memref<32x400x64xbf16, #tpu.memory_space<vmem>>, vector<1x400x64xbf16>
    %get3A_186 = vector.shape_cast %get3A_185 : vector<1x400x64xbf16> to vector<400x64xbf16>
    %convert_element_type3A_187 = arith.extf %get3A_186 : vector<400x64xbf16> to vector<400x64xf32>
    %mul3A_188 = arith.mulf %get3A_181, %convert_element_type3A_187 : vector<400x64xf32>
    %get3A_189 = arith.constant 1 : index
    %get3A_190 = arith.constant 0 : index
    %get3A_191 = arith.constant 64 : index
    %get3A_192 = vector.load %arg1[%get3A_189, %get3A_190, %get3A_191] : memref<32x400x128xf32, #tpu.memory_space<vmem>>, vector<1x400x64xf32>
    %get3A_193 = vector.shape_cast %get3A_192 : vector<1x400x64xf32> to vector<400x64xf32>
    %get3A_194 = arith.constant 1 : index
    %get3A_195 = arith.constant 0 : index
    %get3A_196 = arith.constant 0 : index
    %get3A_197 = vector.load %arg2[%get3A_194, %get3A_195, %get3A_196] : memref<32x400x64xbf16, #tpu.memory_space<vmem>>, vector<1x400x64xbf16>
    %get3A_198 = vector.shape_cast %get3A_197 : vector<1x400x64xbf16> to vector<400x64xbf16>
    %convert_element_type3A_199 = arith.extf %get3A_198 : vector<400x64xbf16> to vector<400x64xf32>
    %mul3A_200 = arith.mulf %get3A_193, %convert_element_type3A_199 : vector<400x64xf32>
    %get3A_201 = arith.constant 3 : index
    %get3A_202 = arith.constant 0 : index
    %get3A_203 = arith.constant 64 : index
    %get3A_204 = vector.load %arg1[%get3A_201, %get3A_202, %get3A_203] : memref<32x400x128xf32, #tpu.memory_space<vmem>>, vector<1x400x64xf32>
    %get3A_205 = vector.shape_cast %get3A_204 : vector<1x400x64xf32> to vector<400x64xf32>
    %get3A_206 = arith.constant 3 : index
    %get3A_207 = arith.constant 0 : index
    %get3A_208 = arith.constant 0 : index
    %get3A_209 = vector.load %arg2[%get3A_206, %get3A_207, %get3A_208] : memref<32x400x64xbf16, #tpu.memory_space<vmem>>, vector<1x400x64xbf16>
    %get3A_210 = vector.shape_cast %get3A_209 : vector<1x400x64xbf16> to vector<400x64xbf16>
    %convert_element_type3A_211 = arith.extf %get3A_210 : vector<400x64xbf16> to vector<400x64xf32>
    %mul3A_212 = arith.mulf %get3A_205, %convert_element_type3A_211 : vector<400x64xf32>
    %get3A_213 = arith.constant 5 : index
    %get3A_214 = arith.constant 0 : index
    %get3A_215 = arith.constant 64 : index
    %get3A_216 = vector.load %arg1[%get3A_213, %get3A_214, %get3A_215] : memref<32x400x128xf32, #tpu.memory_space<vmem>>, vector<1x400x64xf32>
    %get3A_217 = vector.shape_cast %get3A_216 : vector<1x400x64xf32> to vector<400x64xf32>
    %get3A_218 = arith.constant 5 : index
    %get3A_219 = arith.constant 0 : index
    %get3A_220 = arith.constant 0 : index
    %get3A_221 = vector.load %arg2[%get3A_218, %get3A_219, %get3A_220] : memref<32x400x64xbf16, #tpu.memory_space<vmem>>, vector<1x400x64xbf16>
    %get3A_222 = vector.shape_cast %get3A_221 : vector<1x400x64xbf16> to vector<400x64xbf16>
    %convert_element_type3A_223 = arith.extf %get3A_222 : vector<400x64xbf16> to vector<400x64xf32>
    %mul3A_224 = arith.mulf %get3A_217, %convert_element_type3A_223 : vector<400x64xf32>
    %get3A_225 = arith.constant 7 : index
    %get3A_226 = arith.constant 0 : index
    %get3A_227 = arith.constant 64 : index
    %get3A_228 = vector.load %arg1[%get3A_225, %get3A_226, %get3A_227] : memref<32x400x128xf32, #tpu.memory_space<vmem>>, vector<1x400x64xf32>
    %get3A_229 = vector.shape_cast %get3A_228 : vector<1x400x64xf32> to vector<400x64xf32>
    %get3A_230 = arith.constant 7 : index
    %get3A_231 = arith.constant 0 : index
    %get3A_232 = arith.constant 0 : index
    %get3A_233 = vector.load %arg2[%get3A_230, %get3A_231, %get3A_232] : memref<32x400x64xbf16, #tpu.memory_space<vmem>>, vector<1x400x64xbf16>
    %get3A_234 = vector.shape_cast %get3A_233 : vector<1x400x64xbf16> to vector<400x64xbf16>
    %convert_element_type3A_235 = arith.extf %get3A_234 : vector<400x64xbf16> to vector<400x64xf32>
    %mul3A_236 = arith.mulf %get3A_229, %convert_element_type3A_235 : vector<400x64xf32>
    %get3A_237 = arith.constant 9 : index
    %get3A_238 = arith.constant 0 : index
    %get3A_239 = arith.constant 64 : index
    %get3A_240 = vector.load %arg1[%get3A_237, %get3A_238, %get3A_239] : memref<32x400x128xf32, #tpu.memory_space<vmem>>, vector<1x400x64xf32>
    %get3A_241 = vector.shape_cast %get3A_240 : vector<1x400x64xf32> to vector<400x64xf32>
    %get3A_242 = arith.constant 9 : index
    %get3A_243 = arith.constant 0 : index
    %get3A_244 = arith.constant 0 : index
    %get3A_245 = vector.load %arg2[%get3A_242, %get3A_243, %get3A_244] : memref<32x400x64xbf16, #tpu.memory_space<vmem>>, vector<1x400x64xbf16>
    %get3A_246 = vector.shape_cast %get3A_245 : vector<1x400x64xbf16> to vector<400x64xbf16>
    %convert_element_type3A_247 = arith.extf %get3A_246 : vector<400x64xbf16> to vector<400x64xf32>
    %mul3A_248 = arith.mulf %get3A_241, %convert_element_type3A_247 : vector<400x64xf32>
    %get3A_249 = arith.constant 11 : index
    %get3A_250 = arith.constant 0 : index
    %get3A_251 = arith.constant 64 : index
    %get3A_252 = vector.load %arg1[%get3A_249, %get3A_250, %get3A_251] : memref<32x400x128xf32, #tpu.memory_space<vmem>>, vector<1x400x64xf32>
    %get3A_253 = vector.shape_cast %get3A_252 : vector<1x400x64xf32> to vector<400x64xf32>
    %get3A_254 = arith.constant 11 : index
    %get3A_255 = arith.constant 0 : index
    %get3A_256 = arith.constant 0 : index
    %get3A_257 = vector.load %arg2[%get3A_254, %get3A_255, %get3A_256] : memref<32x400x64xbf16, #tpu.memory_space<vmem>>, vector<1x400x64xbf16>
    %get3A_258 = vector.shape_cast %get3A_257 : vector<1x400x64xbf16> to vector<400x64xbf16>
    %convert_element_type3A_259 = arith.extf %get3A_258 : vector<400x64xbf16> to vector<400x64xf32>
    %mul3A_260 = arith.mulf %get3A_253, %convert_element_type3A_259 : vector<400x64xf32>
    %get3A_261 = arith.constant 13 : index
    %get3A_262 = arith.constant 0 : index
    %get3A_263 = arith.constant 64 : index
    %get3A_264 = vector.load %arg1[%get3A_261, %get3A_262, %get3A_263] : memref<32x400x128xf32, #tpu.memory_space<vmem>>, vector<1x400x64xf32>
    %get3A_265 = vector.shape_cast %get3A_264 : vector<1x400x64xf32> to vector<400x64xf32>
    %get3A_266 = arith.constant 13 : index
    %get3A_267 = arith.constant 0 : index
    %get3A_268 = arith.constant 0 : index
    %get3A_269 = vector.load %arg2[%get3A_266, %get3A_267, %get3A_268] : memref<32x400x64xbf16, #tpu.memory_space<vmem>>, vector<1x400x64xbf16>
    %get3A_270 = vector.shape_cast %get3A_269 : vector<1x400x64xbf16> to vector<400x64xbf16>
    %convert_element_type3A_271 = arith.extf %get3A_270 : vector<400x64xbf16> to vector<400x64xf32>
    %mul3A_272 = arith.mulf %get3A_265, %convert_element_type3A_271 : vector<400x64xf32>
    %get3A_273 = arith.constant 15 : index
    %get3A_274 = arith.constant 0 : index
    %get3A_275 = arith.constant 64 : index
    %get3A_276 = vector.load %arg1[%get3A_273, %get3A_274, %get3A_275] : memref<32x400x128xf32, #tpu.memory_space<vmem>>, vector<1x400x64xf32>
    %get3A_277 = vector.shape_cast %get3A_276 : vector<1x400x64xf32> to vector<400x64xf32>
    %get3A_278 = arith.constant 15 : index
    %get3A_279 = arith.constant 0 : index
    %get3A_280 = arith.constant 0 : index
    %get3A_281 = vector.load %arg2[%get3A_278, %get3A_279, %get3A_280] : memref<32x400x64xbf16, #tpu.memory_space<vmem>>, vector<1x400x64xbf16>
    %get3A_282 = vector.shape_cast %get3A_281 : vector<1x400x64xbf16> to vector<400x64xbf16>
    %convert_element_type3A_283 = arith.extf %get3A_282 : vector<400x64xbf16> to vector<400x64xf32>
    %mul3A_284 = arith.mulf %get3A_277, %convert_element_type3A_283 : vector<400x64xf32>
    %get3A_285 = arith.constant 17 : index
    %get3A_286 = arith.constant 0 : index
    %get3A_287 = arith.constant 64 : index
    %get3A_288 = vector.load %arg1[%get3A_285, %get3A_286, %get3A_287] : memref<32x400x128xf32, #tpu.memory_space<vmem>>, vector<1x400x64xf32>
    %get3A_289 = vector.shape_cast %get3A_288 : vector<1x400x64xf32> to vector<400x64xf32>
    %get3A_290 = arith.constant 17 : index
    %get3A_291 = arith.constant 0 : index
    %get3A_292 = arith.constant 0 : index
    %get3A_293 = vector.load %arg2[%get3A_290, %get3A_291, %get3A_292] : memref<32x400x64xbf16, #tpu.memory_space<vmem>>, vector<1x400x64xbf16>
    %get3A_294 = vector.shape_cast %get3A_293 : vector<1x400x64xbf16> to vector<400x64xbf16>
    %convert_element_type3A_295 = arith.extf %get3A_294 : vector<400x64xbf16> to vector<400x64xf32>
    %mul3A_296 = arith.mulf %get3A_289, %convert_element_type3A_295 : vector<400x64xf32>
    %get3A_297 = arith.constant 19 : index
    %get3A_298 = arith.constant 0 : index
    %get3A_299 = arith.constant 64 : index
    %get3A_300 = vector.load %arg1[%get3A_297, %get3A_298, %get3A_299] : memref<32x400x128xf32, #tpu.memory_space<vmem>>, vector<1x400x64xf32>
    %get3A_301 = vector.shape_cast %get3A_300 : vector<1x400x64xf32> to vector<400x64xf32>
    %get3A_302 = arith.constant 19 : index
    %get3A_303 = arith.constant 0 : index
    %get3A_304 = arith.constant 0 : index
    %get3A_305 = vector.load %arg2[%get3A_302, %get3A_303, %get3A_304] : memref<32x400x64xbf16, #tpu.memory_space<vmem>>, vector<1x400x64xbf16>
    %get3A_306 = vector.shape_cast %get3A_305 : vector<1x400x64xbf16> to vector<400x64xbf16>
    %convert_element_type3A_307 = arith.extf %get3A_306 : vector<400x64xbf16> to vector<400x64xf32>
    %mul3A_308 = arith.mulf %get3A_301, %convert_element_type3A_307 : vector<400x64xf32>
    %get3A_309 = arith.constant 21 : index
    %get3A_310 = arith.constant 0 : index
    %get3A_311 = arith.constant 64 : index
    %get3A_312 = vector.load %arg1[%get3A_309, %get3A_310, %get3A_311] : memref<32x400x128xf32, #tpu.memory_space<vmem>>, vector<1x400x64xf32>
    %get3A_313 = vector.shape_cast %get3A_312 : vector<1x400x64xf32> to vector<400x64xf32>
    %get3A_314 = arith.constant 21 : index
    %get3A_315 = arith.constant 0 : index
    %get3A_316 = arith.constant 0 : index
    %get3A_317 = vector.load %arg2[%get3A_314, %get3A_315, %get3A_316] : memref<32x400x64xbf16, #tpu.memory_space<vmem>>, vector<1x400x64xbf16>
    %get3A_318 = vector.shape_cast %get3A_317 : vector<1x400x64xbf16> to vector<400x64xbf16>
    %convert_element_type3A_319 = arith.extf %get3A_318 : vector<400x64xbf16> to vector<400x64xf32>
    %mul3A_320 = arith.mulf %get3A_313, %convert_element_type3A_319 : vector<400x64xf32>
    %get3A_321 = arith.constant 23 : index
    %get3A_322 = arith.constant 0 : index
    %get3A_323 = arith.constant 64 : index
    %get3A_324 = vector.load %arg1[%get3A_321, %get3A_322, %get3A_323] : memref<32x400x128xf32, #tpu.memory_space<vmem>>, vector<1x400x64xf32>
    %get3A_325 = vector.shape_cast %get3A_324 : vector<1x400x64xf32> to vector<400x64xf32>
    %get3A_326 = arith.constant 23 : index
    %get3A_327 = arith.constant 0 : index
    %get3A_328 = arith.constant 0 : index
    %get3A_329 = vector.load %arg2[%get3A_326, %get3A_327, %get3A_328] : memref<32x400x64xbf16, #tpu.memory_space<vmem>>, vector<1x400x64xbf16>
    %get3A_330 = vector.shape_cast %get3A_329 : vector<1x400x64xbf16> to vector<400x64xbf16>
    %convert_element_type3A_331 = arith.extf %get3A_330 : vector<400x64xbf16> to vector<400x64xf32>
    %mul3A_332 = arith.mulf %get3A_325, %convert_element_type3A_331 : vector<400x64xf32>
    %get3A_333 = arith.constant 25 : index
    %get3A_334 = arith.constant 0 : index
    %get3A_335 = arith.constant 64 : index
    %get3A_336 = vector.load %arg1[%get3A_333, %get3A_334, %get3A_335] : memref<32x400x128xf32, #tpu.memory_space<vmem>>, vector<1x400x64xf32>
    %get3A_337 = vector.shape_cast %get3A_336 : vector<1x400x64xf32> to vector<400x64xf32>
    %get3A_338 = arith.constant 25 : index
    %get3A_339 = arith.constant 0 : index
    %get3A_340 = arith.constant 0 : index
    %get3A_341 = vector.load %arg2[%get3A_338, %get3A_339, %get3A_340] : memref<32x400x64xbf16, #tpu.memory_space<vmem>>, vector<1x400x64xbf16>
    %get3A_342 = vector.shape_cast %get3A_341 : vector<1x400x64xbf16> to vector<400x64xbf16>
    %convert_element_type3A_343 = arith.extf %get3A_342 : vector<400x64xbf16> to vector<400x64xf32>
    %mul3A_344 = arith.mulf %get3A_337, %convert_element_type3A_343 : vector<400x64xf32>
    %get3A_345 = arith.constant 27 : index
    %get3A_346 = arith.constant 0 : index
    %get3A_347 = arith.constant 64 : index
    %get3A_348 = vector.load %arg1[%get3A_345, %get3A_346, %get3A_347] : memref<32x400x128xf32, #tpu.memory_space<vmem>>, vector<1x400x64xf32>
    %get3A_349 = vector.shape_cast %get3A_348 : vector<1x400x64xf32> to vector<400x64xf32>
    %get3A_350 = arith.constant 27 : index
    %get3A_351 = arith.constant 0 : index
    %get3A_352 = arith.constant 0 : index
    %get3A_353 = vector.load %arg2[%get3A_350, %get3A_351, %get3A_352] : memref<32x400x64xbf16, #tpu.memory_space<vmem>>, vector<1x400x64xbf16>
    %get3A_354 = vector.shape_cast %get3A_353 : vector<1x400x64xbf16> to vector<400x64xbf16>
    %convert_element_type3A_355 = arith.extf %get3A_354 : vector<400x64xbf16> to vector<400x64xf32>
    %mul3A_356 = arith.mulf %get3A_349, %convert_element_type3A_355 : vector<400x64xf32>
    %get3A_357 = arith.constant 29 : index
    %get3A_358 = arith.constant 0 : index
    %get3A_359 = arith.constant 64 : index
    %get3A_360 = vector.load %arg1[%get3A_357, %get3A_358, %get3A_359] : memref<32x400x128xf32, #tpu.memory_space<vmem>>, vector<1x400x64xf32>
    %get3A_361 = vector.shape_cast %get3A_360 : vector<1x400x64xf32> to vector<400x64xf32>
    %get3A_362 = arith.constant 29 : index
    %get3A_363 = arith.constant 0 : index
    %get3A_364 = arith.constant 0 : index
    %get3A_365 = vector.load %arg2[%get3A_362, %get3A_363, %get3A_364] : memref<32x400x64xbf16, #tpu.memory_space<vmem>>, vector<1x400x64xbf16>
    %get3A_366 = vector.shape_cast %get3A_365 : vector<1x400x64xbf16> to vector<400x64xbf16>
    %convert_element_type3A_367 = arith.extf %get3A_366 : vector<400x64xbf16> to vector<400x64xf32>
    %mul3A_368 = arith.mulf %get3A_361, %convert_element_type3A_367 : vector<400x64xf32>
    %get3A_369 = arith.constant 31 : index
    %get3A_370 = arith.constant 0 : index
    %get3A_371 = arith.constant 64 : index
    %get3A_372 = vector.load %arg1[%get3A_369, %get3A_370, %get3A_371] : memref<32x400x128xf32, #tpu.memory_space<vmem>>, vector<1x400x64xf32>
    %get3A_373 = vector.shape_cast %get3A_372 : vector<1x400x64xf32> to vector<400x64xf32>
    %get3A_374 = arith.constant 31 : index
    %get3A_375 = arith.constant 0 : index
    %get3A_376 = arith.constant 0 : index
    %get3A_377 = vector.load %arg2[%get3A_374, %get3A_375, %get3A_376] : memref<32x400x64xbf16, #tpu.memory_space<vmem>>, vector<1x400x64xbf16>
    %get3A_378 = vector.shape_cast %get3A_377 : vector<1x400x64xbf16> to vector<400x64xbf16>
    %convert_element_type3A_379 = arith.extf %get3A_378 : vector<400x64xbf16> to vector<400x64xf32>
    %mul3A_380 = arith.mulf %get3A_373, %convert_element_type3A_379 : vector<400x64xf32>
    %concatenate3A = tpu.concatenate %mul3A, %mul3A_20, %mul3A_32, %mul3A_44, %mul3A_56, %mul3A_68, %mul3A_80, %mul3A_92, %mul3A_104, %mul3A_116, %mul3A_128, %mul3A_140, %mul3A_152, %mul3A_164, %mul3A_176, %mul3A_188, %mul3A_200, %mul3A_212, %mul3A_224, %mul3A_236, %mul3A_248, %mul3A_260, %mul3A_272, %mul3A_284, %mul3A_296, %mul3A_308, %mul3A_320, %mul3A_332, %mul3A_344, %mul3A_356, %mul3A_368, %mul3A_380 in 0 : vector<400x64xf32>, vector<400x64xf32>, vector<400x64xf32>, vector<400x64xf32>, vector<400x64xf32>, vector<400x64xf32>, vector<400x64xf32>, vector<400x64xf32>, vector<400x64xf32>, vector<400x64xf32>, vector<400x64xf32>, vector<400x64xf32>, vector<400x64xf32>, vector<400x64xf32>, vector<400x64xf32>, vector<400x64xf32>, vector<400x64xf32>, vector<400x64xf32>, vector<400x64xf32>, vector<400x64xf32>, vector<400x64xf32>, vector<400x64xf32>, vector<400x64xf32>, vector<400x64xf32>, vector<400x64xf32>, vector<400x64xf32>, vector<400x64xf32>, vector<400x64xf32>, vector<400x64xf32>, vector<400x64xf32>, vector<400x64xf32>, vector<400x64xf32> -> vector<12800x64xf32>
    %get3A_381 = arith.constant 0 : index
    %get3A_382 = arith.constant 0 : index
    %get3A_383 = vector.load %arg4[%get3A_381, %get3A_382] : memref<1x64xf32, #tpu.memory_space<vmem>>, vector<1x64xf32>
    %mul3A_384 = vector.broadcast %get3A_383 : vector<1x64xf32> to vector<12800x64xf32>
    %mul3A_385 = arith.mulf %concatenate3A, %mul3A_384 : vector<12800x64xf32>
    %reduce_sum3A = arith.constant dense<0.000000e+00> : vector<12800xf32>
    %reduce_sum3A_386 = vector.multi_reduction <add>, %mul3A_385, %reduce_sum3A [1] : vector<12800x64xf32> to vector<12800xf32>
    %broadcast_in_dim3A = vector.shape_cast %reduce_sum3A_386 : vector<12800xf32> to vector<12800x1xf32>
    %slice3A = vector.extract_strided_slice %broadcast_in_dim3A {offsets = [0, 0], sizes = [400, 1], strides = [1, 1]} : vector<12800x1xf32> to vector<400x1xf32>
    %slice3A_387 = vector.extract_strided_slice %broadcast_in_dim3A {offsets = [400, 0], sizes = [400, 1], strides = [1, 1]} : vector<12800x1xf32> to vector<400x1xf32>
    %slice3A_388 = vector.extract_strided_slice %broadcast_in_dim3A {offsets = [800, 0], sizes = [400, 1], strides = [1, 1]} : vector<12800x1xf32> to vector<400x1xf32>
    %slice3A_389 = vector.extract_strided_slice %broadcast_in_dim3A {offsets = [1200, 0], sizes = [400, 1], strides = [1, 1]} : vector<12800x1xf32> to vector<400x1xf32>
    %slice3A_390 = vector.extract_strided_slice %broadcast_in_dim3A {offsets = [1600, 0], sizes = [400, 1], strides = [1, 1]} : vector<12800x1xf32> to vector<400x1xf32>
    %slice3A_391 = vector.extract_strided_slice %broadcast_in_dim3A {offsets = [2000, 0], sizes = [400, 1], strides = [1, 1]} : vector<12800x1xf32> to vector<400x1xf32>
    %slice3A_392 = vector.extract_strided_slice %broadcast_in_dim3A {offsets = [2400, 0], sizes = [400, 1], strides = [1, 1]} : vector<12800x1xf32> to vector<400x1xf32>
    %slice3A_393 = vector.extract_strided_slice %broadcast_in_dim3A {offsets = [2800, 0], sizes = [400, 1], strides = [1, 1]} : vector<12800x1xf32> to vector<400x1xf32>
    %slice3A_394 = vector.extract_strided_slice %broadcast_in_dim3A {offsets = [3200, 0], sizes = [400, 1], strides = [1, 1]} : vector<12800x1xf32> to vector<400x1xf32>
    %slice3A_395 = vector.extract_strided_slice %broadcast_in_dim3A {offsets = [3600, 0], sizes = [400, 1], strides = [1, 1]} : vector<12800x1xf32> to vector<400x1xf32>
    %slice3A_396 = vector.extract_strided_slice %broadcast_in_dim3A {offsets = [4000, 0], sizes = [400, 1], strides = [1, 1]} : vector<12800x1xf32> to vector<400x1xf32>
    %slice3A_397 = vector.extract_strided_slice %broadcast_in_dim3A {offsets = [4400, 0], sizes = [400, 1], strides = [1, 1]} : vector<12800x1xf32> to vector<400x1xf32>
    %slice3A_398 = vector.extract_strided_slice %broadcast_in_dim3A {offsets = [4800, 0], sizes = [400, 1], strides = [1, 1]} : vector<12800x1xf32> to vector<400x1xf32>
    %slice3A_399 = vector.extract_strided_slice %broadcast_in_dim3A {offsets = [5200, 0], sizes = [400, 1], strides = [1, 1]} : vector<12800x1xf32> to vector<400x1xf32>
    %slice3A_400 = vector.extract_strided_slice %broadcast_in_dim3A {offsets = [5600, 0], sizes = [400, 1], strides = [1, 1]} : vector<12800x1xf32> to vector<400x1xf32>
    %slice3A_401 = vector.extract_strided_slice %broadcast_in_dim3A {offsets = [6000, 0], sizes = [400, 1], strides = [1, 1]} : vector<12800x1xf32> to vector<400x1xf32>
    %concatenate3A_402 = tpu.concatenate %slice3A, %slice3A_387, %slice3A_388, %slice3A_389, %slice3A_390, %slice3A_391, %slice3A_392, %slice3A_393, %slice3A_394, %slice3A_395, %slice3A_396, %slice3A_397, %slice3A_398, %slice3A_399, %slice3A_400, %slice3A_401 in 1 : vector<400x1xf32>, vector<400x1xf32>, vector<400x1xf32>, vector<400x1xf32>, vector<400x1xf32>, vector<400x1xf32>, vector<400x1xf32>, vector<400x1xf32>, vector<400x1xf32>, vector<400x1xf32>, vector<400x1xf32>, vector<400x1xf32>, vector<400x1xf32>, vector<400x1xf32>, vector<400x1xf32>, vector<400x1xf32> -> vector<400x16xf32>
    %reduce_max3A = arith.constant dense<0xFF800000> : vector<400xf32>
    %reduce_max3A_403 = vector.multi_reduction <maximumf>, %concatenate3A_402, %reduce_max3A [1] : vector<400x16xf32> to vector<400xf32>
    %broadcast_in_dim3A_404 = vector.shape_cast %reduce_max3A_403 : vector<400xf32> to vector<400x1xf32>
    %sub3A = vector.broadcast %broadcast_in_dim3A_404 : vector<400x1xf32> to vector<400x16xf32>
    %sub3A_405 = arith.subf %concatenate3A_402, %sub3A : vector<400x16xf32>
    %exp3A = math.exp %sub3A_405 : vector<400x16xf32>
    %reduce_sum3A_406 = arith.constant dense<0.000000e+00> : vector<400xf32>
    %reduce_sum3A_407 = vector.multi_reduction <add>, %exp3A, %reduce_sum3A_406 [1] : vector<400x16xf32> to vector<400xf32>
    %broadcast_in_dim3A_408 = vector.shape_cast %reduce_sum3A_407 : vector<400xf32> to vector<400x1xf32>
    %div3A = vector.broadcast %broadcast_in_dim3A_408 : vector<400x1xf32> to vector<400x16xf32>
    %div3A_409 = arith.divf %exp3A, %div3A : vector<400x16xf32>
    %broadcast_in_dim3A_410 = arith.constant 0.000000e+00 : f32
    %broadcast_in_dim3A_411 = vector.broadcast %broadcast_in_dim3A_410 : f32 to vector<400x64xf32>
    %slice3A_412 = vector.extract_strided_slice %div3A_409 {offsets = [0, 0], sizes = [400, 1], strides = [1, 1]} : vector<400x16xf32> to vector<400x1xf32>
    %slice3A_413 = vector.extract_strided_slice %concatenate3A {offsets = [0, 0], sizes = [400, 64], strides = [1, 1]} : vector<12800x64xf32> to vector<400x64xf32>
    %mul3A_414 = vector.broadcast %slice3A_412 : vector<400x1xf32> to vector<400x64xf32>
    %mul3A_415 = arith.mulf %mul3A_414, %slice3A_413 : vector<400x64xf32>
    %add3A = arith.addf %broadcast_in_dim3A_411, %mul3A_415 : vector<400x64xf32>
    %slice3A_416 = vector.extract_strided_slice %div3A_409 {offsets = [0, 1], sizes = [400, 1], strides = [1, 1]} : vector<400x16xf32> to vector<400x1xf32>
    %slice3A_417 = vector.extract_strided_slice %concatenate3A {offsets = [400, 0], sizes = [400, 64], strides = [1, 1]} : vector<12800x64xf32> to vector<400x64xf32>
    %mul3A_418 = vector.broadcast %slice3A_416 : vector<400x1xf32> to vector<400x64xf32>
    %mul3A_419 = arith.mulf %mul3A_418, %slice3A_417 : vector<400x64xf32>
    %add3A_420 = arith.addf %add3A, %mul3A_419 : vector<400x64xf32>
    %slice3A_421 = vector.extract_strided_slice %div3A_409 {offsets = [0, 2], sizes = [400, 1], strides = [1, 1]} : vector<400x16xf32> to vector<400x1xf32>
    %slice3A_422 = vector.extract_strided_slice %concatenate3A {offsets = [800, 0], sizes = [400, 64], strides = [1, 1]} : vector<12800x64xf32> to vector<400x64xf32>
    %mul3A_423 = vector.broadcast %slice3A_421 : vector<400x1xf32> to vector<400x64xf32>
    %mul3A_424 = arith.mulf %mul3A_423, %slice3A_422 : vector<400x64xf32>
    %add3A_425 = arith.addf %add3A_420, %mul3A_424 : vector<400x64xf32>
    %slice3A_426 = vector.extract_strided_slice %div3A_409 {offsets = [0, 3], sizes = [400, 1], strides = [1, 1]} : vector<400x16xf32> to vector<400x1xf32>
    %slice3A_427 = vector.extract_strided_slice %concatenate3A {offsets = [1200, 0], sizes = [400, 64], strides = [1, 1]} : vector<12800x64xf32> to vector<400x64xf32>
    %mul3A_428 = vector.broadcast %slice3A_426 : vector<400x1xf32> to vector<400x64xf32>
    %mul3A_429 = arith.mulf %mul3A_428, %slice3A_427 : vector<400x64xf32>
    %add3A_430 = arith.addf %add3A_425, %mul3A_429 : vector<400x64xf32>
    %slice3A_431 = vector.extract_strided_slice %div3A_409 {offsets = [0, 4], sizes = [400, 1], strides = [1, 1]} : vector<400x16xf32> to vector<400x1xf32>
    %slice3A_432 = vector.extract_strided_slice %concatenate3A {offsets = [1600, 0], sizes = [400, 64], strides = [1, 1]} : vector<12800x64xf32> to vector<400x64xf32>
    %mul3A_433 = vector.broadcast %slice3A_431 : vector<400x1xf32> to vector<400x64xf32>
    %mul3A_434 = arith.mulf %mul3A_433, %slice3A_432 : vector<400x64xf32>
    %add3A_435 = arith.addf %add3A_430, %mul3A_434 : vector<400x64xf32>
    %slice3A_436 = vector.extract_strided_slice %div3A_409 {offsets = [0, 5], sizes = [400, 1], strides = [1, 1]} : vector<400x16xf32> to vector<400x1xf32>
    %slice3A_437 = vector.extract_strided_slice %concatenate3A {offsets = [2000, 0], sizes = [400, 64], strides = [1, 1]} : vector<12800x64xf32> to vector<400x64xf32>
    %mul3A_438 = vector.broadcast %slice3A_436 : vector<400x1xf32> to vector<400x64xf32>
    %mul3A_439 = arith.mulf %mul3A_438, %slice3A_437 : vector<400x64xf32>
    %add3A_440 = arith.addf %add3A_435, %mul3A_439 : vector<400x64xf32>
    %slice3A_441 = vector.extract_strided_slice %div3A_409 {offsets = [0, 6], sizes = [400, 1], strides = [1, 1]} : vector<400x16xf32> to vector<400x1xf32>
    %slice3A_442 = vector.extract_strided_slice %concatenate3A {offsets = [2400, 0], sizes = [400, 64], strides = [1, 1]} : vector<12800x64xf32> to vector<400x64xf32>
    %mul3A_443 = vector.broadcast %slice3A_441 : vector<400x1xf32> to vector<400x64xf32>
    %mul3A_444 = arith.mulf %mul3A_443, %slice3A_442 : vector<400x64xf32>
    %add3A_445 = arith.addf %add3A_440, %mul3A_444 : vector<400x64xf32>
    %slice3A_446 = vector.extract_strided_slice %div3A_409 {offsets = [0, 7], sizes = [400, 1], strides = [1, 1]} : vector<400x16xf32> to vector<400x1xf32>
    %slice3A_447 = vector.extract_strided_slice %concatenate3A {offsets = [2800, 0], sizes = [400, 64], strides = [1, 1]} : vector<12800x64xf32> to vector<400x64xf32>
    %mul3A_448 = vector.broadcast %slice3A_446 : vector<400x1xf32> to vector<400x64xf32>
    %mul3A_449 = arith.mulf %mul3A_448, %slice3A_447 : vector<400x64xf32>
    %add3A_450 = arith.addf %add3A_445, %mul3A_449 : vector<400x64xf32>
    %slice3A_451 = vector.extract_strided_slice %div3A_409 {offsets = [0, 8], sizes = [400, 1], strides = [1, 1]} : vector<400x16xf32> to vector<400x1xf32>
    %slice3A_452 = vector.extract_strided_slice %concatenate3A {offsets = [3200, 0], sizes = [400, 64], strides = [1, 1]} : vector<12800x64xf32> to vector<400x64xf32>
    %mul3A_453 = vector.broadcast %slice3A_451 : vector<400x1xf32> to vector<400x64xf32>
    %mul3A_454 = arith.mulf %mul3A_453, %slice3A_452 : vector<400x64xf32>
    %add3A_455 = arith.addf %add3A_450, %mul3A_454 : vector<400x64xf32>
    %slice3A_456 = vector.extract_strided_slice %div3A_409 {offsets = [0, 9], sizes = [400, 1], strides = [1, 1]} : vector<400x16xf32> to vector<400x1xf32>
    %slice3A_457 = vector.extract_strided_slice %concatenate3A {offsets = [3600, 0], sizes = [400, 64], strides = [1, 1]} : vector<12800x64xf32> to vector<400x64xf32>
    %mul3A_458 = vector.broadcast %slice3A_456 : vector<400x1xf32> to vector<400x64xf32>
    %mul3A_459 = arith.mulf %mul3A_458, %slice3A_457 : vector<400x64xf32>
    %add3A_460 = arith.addf %add3A_455, %mul3A_459 : vector<400x64xf32>
    %slice3A_461 = vector.extract_strided_slice %div3A_409 {offsets = [0, 10], sizes = [400, 1], strides = [1, 1]} : vector<400x16xf32> to vector<400x1xf32>
    %slice3A_462 = vector.extract_strided_slice %concatenate3A {offsets = [4000, 0], sizes = [400, 64], strides = [1, 1]} : vector<12800x64xf32> to vector<400x64xf32>
    %mul3A_463 = vector.broadcast %slice3A_461 : vector<400x1xf32> to vector<400x64xf32>
    %mul3A_464 = arith.mulf %mul3A_463, %slice3A_462 : vector<400x64xf32>
    %add3A_465 = arith.addf %add3A_460, %mul3A_464 : vector<400x64xf32>
    %slice3A_466 = vector.extract_strided_slice %div3A_409 {offsets = [0, 11], sizes = [400, 1], strides = [1, 1]} : vector<400x16xf32> to vector<400x1xf32>
    %slice3A_467 = vector.extract_strided_slice %concatenate3A {offsets = [4400, 0], sizes = [400, 64], strides = [1, 1]} : vector<12800x64xf32> to vector<400x64xf32>
    %mul3A_468 = vector.broadcast %slice3A_466 : vector<400x1xf32> to vector<400x64xf32>
    %mul3A_469 = arith.mulf %mul3A_468, %slice3A_467 : vector<400x64xf32>
    %add3A_470 = arith.addf %add3A_465, %mul3A_469 : vector<400x64xf32>
    %slice3A_471 = vector.extract_strided_slice %div3A_409 {offsets = [0, 12], sizes = [400, 1], strides = [1, 1]} : vector<400x16xf32> to vector<400x1xf32>
    %slice3A_472 = vector.extract_strided_slice %concatenate3A {offsets = [4800, 0], sizes = [400, 64], strides = [1, 1]} : vector<12800x64xf32> to vector<400x64xf32>
    %mul3A_473 = vector.broadcast %slice3A_471 : vector<400x1xf32> to vector<400x64xf32>
    %mul3A_474 = arith.mulf %mul3A_473, %slice3A_472 : vector<400x64xf32>
    %add3A_475 = arith.addf %add3A_470, %mul3A_474 : vector<400x64xf32>
    %slice3A_476 = vector.extract_strided_slice %div3A_409 {offsets = [0, 13], sizes = [400, 1], strides = [1, 1]} : vector<400x16xf32> to vector<400x1xf32>
    %slice3A_477 = vector.extract_strided_slice %concatenate3A {offsets = [5200, 0], sizes = [400, 64], strides = [1, 1]} : vector<12800x64xf32> to vector<400x64xf32>
    %mul3A_478 = vector.broadcast %slice3A_476 : vector<400x1xf32> to vector<400x64xf32>
    %mul3A_479 = arith.mulf %mul3A_478, %slice3A_477 : vector<400x64xf32>
    %add3A_480 = arith.addf %add3A_475, %mul3A_479 : vector<400x64xf32>
    %slice3A_481 = vector.extract_strided_slice %div3A_409 {offsets = [0, 14], sizes = [400, 1], strides = [1, 1]} : vector<400x16xf32> to vector<400x1xf32>
    %slice3A_482 = vector.extract_strided_slice %concatenate3A {offsets = [5600, 0], sizes = [400, 64], strides = [1, 1]} : vector<12800x64xf32> to vector<400x64xf32>
    %mul3A_483 = vector.broadcast %slice3A_481 : vector<400x1xf32> to vector<400x64xf32>
    %mul3A_484 = arith.mulf %mul3A_483, %slice3A_482 : vector<400x64xf32>
    %add3A_485 = arith.addf %add3A_480, %mul3A_484 : vector<400x64xf32>
    %slice3A_486 = vector.extract_strided_slice %div3A_409 {offsets = [0, 15], sizes = [400, 1], strides = [1, 1]} : vector<400x16xf32> to vector<400x1xf32>
    %slice3A_487 = vector.extract_strided_slice %concatenate3A {offsets = [6000, 0], sizes = [400, 64], strides = [1, 1]} : vector<12800x64xf32> to vector<400x64xf32>
    %mul3A_488 = vector.broadcast %slice3A_486 : vector<400x1xf32> to vector<400x64xf32>
    %mul3A_489 = arith.mulf %mul3A_488, %slice3A_487 : vector<400x64xf32>
    %add3A_490 = arith.addf %add3A_485, %mul3A_489 : vector<400x64xf32>
    %slice3A_491 = vector.extract_strided_slice %broadcast_in_dim3A {offsets = [6400, 0], sizes = [400, 1], strides = [1, 1]} : vector<12800x1xf32> to vector<400x1xf32>
    %slice3A_492 = vector.extract_strided_slice %broadcast_in_dim3A {offsets = [6800, 0], sizes = [400, 1], strides = [1, 1]} : vector<12800x1xf32> to vector<400x1xf32>
    %slice3A_493 = vector.extract_strided_slice %broadcast_in_dim3A {offsets = [7200, 0], sizes = [400, 1], strides = [1, 1]} : vector<12800x1xf32> to vector<400x1xf32>
    %slice3A_494 = vector.extract_strided_slice %broadcast_in_dim3A {offsets = [7600, 0], sizes = [400, 1], strides = [1, 1]} : vector<12800x1xf32> to vector<400x1xf32>
    %slice3A_495 = vector.extract_strided_slice %broadcast_in_dim3A {offsets = [8000, 0], sizes = [400, 1], strides = [1, 1]} : vector<12800x1xf32> to vector<400x1xf32>
    %slice3A_496 = vector.extract_strided_slice %broadcast_in_dim3A {offsets = [8400, 0], sizes = [400, 1], strides = [1, 1]} : vector<12800x1xf32> to vector<400x1xf32>
    %slice3A_497 = vector.extract_strided_slice %broadcast_in_dim3A {offsets = [8800, 0], sizes = [400, 1], strides = [1, 1]} : vector<12800x1xf32> to vector<400x1xf32>
    %slice3A_498 = vector.extract_strided_slice %broadcast_in_dim3A {offsets = [9200, 0], sizes = [400, 1], strides = [1, 1]} : vector<12800x1xf32> to vector<400x1xf32>
    %slice3A_499 = vector.extract_strided_slice %broadcast_in_dim3A {offsets = [9600, 0], sizes = [400, 1], strides = [1, 1]} : vector<12800x1xf32> to vector<400x1xf32>
    %slice3A_500 = vector.extract_strided_slice %broadcast_in_dim3A {offsets = [10000, 0], sizes = [400, 1], strides = [1, 1]} : vector<12800x1xf32> to vector<400x1xf32>
    %slice3A_501 = vector.extract_strided_slice %broadcast_in_dim3A {offsets = [10400, 0], sizes = [400, 1], strides = [1, 1]} : vector<12800x1xf32> to vector<400x1xf32>
    %slice3A_502 = vector.extract_strided_slice %broadcast_in_dim3A {offsets = [10800, 0], sizes = [400, 1], strides = [1, 1]} : vector<12800x1xf32> to vector<400x1xf32>
    %slice3A_503 = vector.extract_strided_slice %broadcast_in_dim3A {offsets = [11200, 0], sizes = [400, 1], strides = [1, 1]} : vector<12800x1xf32> to vector<400x1xf32>
    %slice3A_504 = vector.extract_strided_slice %broadcast_in_dim3A {offsets = [11600, 0], sizes = [400, 1], strides = [1, 1]} : vector<12800x1xf32> to vector<400x1xf32>
    %slice3A_505 = vector.extract_strided_slice %broadcast_in_dim3A {offsets = [12000, 0], sizes = [400, 1], strides = [1, 1]} : vector<12800x1xf32> to vector<400x1xf32>
    %slice3A_506 = vector.extract_strided_slice %broadcast_in_dim3A {offsets = [12400, 0], sizes = [400, 1], strides = [1, 1]} : vector<12800x1xf32> to vector<400x1xf32>
    %concatenate3A_507 = tpu.concatenate %slice3A_491, %slice3A_492, %slice3A_493, %slice3A_494, %slice3A_495, %slice3A_496, %slice3A_497, %slice3A_498, %slice3A_499, %slice3A_500, %slice3A_501, %slice3A_502, %slice3A_503, %slice3A_504, %slice3A_505, %slice3A_506 in 1 : vector<400x1xf32>, vector<400x1xf32>, vector<400x1xf32>, vector<400x1xf32>, vector<400x1xf32>, vector<400x1xf32>, vector<400x1xf32>, vector<400x1xf32>, vector<400x1xf32>, vector<400x1xf32>, vector<400x1xf32>, vector<400x1xf32>, vector<400x1xf32>, vector<400x1xf32>, vector<400x1xf32>, vector<400x1xf32> -> vector<400x16xf32>
    %reduce_max3A_508 = arith.constant dense<0xFF800000> : vector<400xf32>
    %reduce_max3A_509 = vector.multi_reduction <maximumf>, %concatenate3A_507, %reduce_max3A_508 [1] : vector<400x16xf32> to vector<400xf32>
    %broadcast_in_dim3A_510 = vector.shape_cast %reduce_max3A_509 : vector<400xf32> to vector<400x1xf32>
    %sub3A_511 = vector.broadcast %broadcast_in_dim3A_510 : vector<400x1xf32> to vector<400x16xf32>
    %sub3A_512 = arith.subf %concatenate3A_507, %sub3A_511 : vector<400x16xf32>
    %exp3A_513 = math.exp %sub3A_512 : vector<400x16xf32>
    %reduce_sum3A_514 = arith.constant dense<0.000000e+00> : vector<400xf32>
    %reduce_sum3A_515 = vector.multi_reduction <add>, %exp3A_513, %reduce_sum3A_514 [1] : vector<400x16xf32> to vector<400xf32>
    %broadcast_in_dim3A_516 = vector.shape_cast %reduce_sum3A_515 : vector<400xf32> to vector<400x1xf32>
    %div3A_517 = vector.broadcast %broadcast_in_dim3A_516 : vector<400x1xf32> to vector<400x16xf32>
    %div3A_518 = arith.divf %exp3A_513, %div3A_517 : vector<400x16xf32>
    %broadcast_in_dim3A_519 = arith.constant 0.000000e+00 : f32
    %broadcast_in_dim3A_520 = vector.broadcast %broadcast_in_dim3A_519 : f32 to vector<400x64xf32>
    %slice3A_521 = vector.extract_strided_slice %div3A_518 {offsets = [0, 0], sizes = [400, 1], strides = [1, 1]} : vector<400x16xf32> to vector<400x1xf32>
    %slice3A_522 = vector.extract_strided_slice %concatenate3A {offsets = [6400, 0], sizes = [400, 64], strides = [1, 1]} : vector<12800x64xf32> to vector<400x64xf32>
    %mul3A_523 = vector.broadcast %slice3A_521 : vector<400x1xf32> to vector<400x64xf32>
    %mul3A_524 = arith.mulf %mul3A_523, %slice3A_522 : vector<400x64xf32>
    %add3A_525 = arith.addf %broadcast_in_dim3A_520, %mul3A_524 : vector<400x64xf32>
    %slice3A_526 = vector.extract_strided_slice %div3A_518 {offsets = [0, 1], sizes = [400, 1], strides = [1, 1]} : vector<400x16xf32> to vector<400x1xf32>
    %slice3A_527 = vector.extract_strided_slice %concatenate3A {offsets = [6800, 0], sizes = [400, 64], strides = [1, 1]} : vector<12800x64xf32> to vector<400x64xf32>
    %mul3A_528 = vector.broadcast %slice3A_526 : vector<400x1xf32> to vector<400x64xf32>
    %mul3A_529 = arith.mulf %mul3A_528, %slice3A_527 : vector<400x64xf32>
    %add3A_530 = arith.addf %add3A_525, %mul3A_529 : vector<400x64xf32>
    %slice3A_531 = vector.extract_strided_slice %div3A_518 {offsets = [0, 2], sizes = [400, 1], strides = [1, 1]} : vector<400x16xf32> to vector<400x1xf32>
    %slice3A_532 = vector.extract_strided_slice %concatenate3A {offsets = [7200, 0], sizes = [400, 64], strides = [1, 1]} : vector<12800x64xf32> to vector<400x64xf32>
    %mul3A_533 = vector.broadcast %slice3A_531 : vector<400x1xf32> to vector<400x64xf32>
    %mul3A_534 = arith.mulf %mul3A_533, %slice3A_532 : vector<400x64xf32>
    %add3A_535 = arith.addf %add3A_530, %mul3A_534 : vector<400x64xf32>
    %slice3A_536 = vector.extract_strided_slice %div3A_518 {offsets = [0, 3], sizes = [400, 1], strides = [1, 1]} : vector<400x16xf32> to vector<400x1xf32>
    %slice3A_537 = vector.extract_strided_slice %concatenate3A {offsets = [7600, 0], sizes = [400, 64], strides = [1, 1]} : vector<12800x64xf32> to vector<400x64xf32>
    %mul3A_538 = vector.broadcast %slice3A_536 : vector<400x1xf32> to vector<400x64xf32>
    %mul3A_539 = arith.mulf %mul3A_538, %slice3A_537 : vector<400x64xf32>
    %add3A_540 = arith.addf %add3A_535, %mul3A_539 : vector<400x64xf32>
    %slice3A_541 = vector.extract_strided_slice %div3A_518 {offsets = [0, 4], sizes = [400, 1], strides = [1, 1]} : vector<400x16xf32> to vector<400x1xf32>
    %slice3A_542 = vector.extract_strided_slice %concatenate3A {offsets = [8000, 0], sizes = [400, 64], strides = [1, 1]} : vector<12800x64xf32> to vector<400x64xf32>
    %mul3A_543 = vector.broadcast %slice3A_541 : vector<400x1xf32> to vector<400x64xf32>
    %mul3A_544 = arith.mulf %mul3A_543, %slice3A_542 : vector<400x64xf32>
    %add3A_545 = arith.addf %add3A_540, %mul3A_544 : vector<400x64xf32>
    %slice3A_546 = vector.extract_strided_slice %div3A_518 {offsets = [0, 5], sizes = [400, 1], strides = [1, 1]} : vector<400x16xf32> to vector<400x1xf32>
    %slice3A_547 = vector.extract_strided_slice %concatenate3A {offsets = [8400, 0], sizes = [400, 64], strides = [1, 1]} : vector<12800x64xf32> to vector<400x64xf32>
    %mul3A_548 = vector.broadcast %slice3A_546 : vector<400x1xf32> to vector<400x64xf32>
    %mul3A_549 = arith.mulf %mul3A_548, %slice3A_547 : vector<400x64xf32>
    %add3A_550 = arith.addf %add3A_545, %mul3A_549 : vector<400x64xf32>
    %slice3A_551 = vector.extract_strided_slice %div3A_518 {offsets = [0, 6], sizes = [400, 1], strides = [1, 1]} : vector<400x16xf32> to vector<400x1xf32>
    %slice3A_552 = vector.extract_strided_slice %concatenate3A {offsets = [8800, 0], sizes = [400, 64], strides = [1, 1]} : vector<12800x64xf32> to vector<400x64xf32>
    %mul3A_553 = vector.broadcast %slice3A_551 : vector<400x1xf32> to vector<400x64xf32>
    %mul3A_554 = arith.mulf %mul3A_553, %slice3A_552 : vector<400x64xf32>
    %add3A_555 = arith.addf %add3A_550, %mul3A_554 : vector<400x64xf32>
    %slice3A_556 = vector.extract_strided_slice %div3A_518 {offsets = [0, 7], sizes = [400, 1], strides = [1, 1]} : vector<400x16xf32> to vector<400x1xf32>
    %slice3A_557 = vector.extract_strided_slice %concatenate3A {offsets = [9200, 0], sizes = [400, 64], strides = [1, 1]} : vector<12800x64xf32> to vector<400x64xf32>
    %mul3A_558 = vector.broadcast %slice3A_556 : vector<400x1xf32> to vector<400x64xf32>
    %mul3A_559 = arith.mulf %mul3A_558, %slice3A_557 : vector<400x64xf32>
    %add3A_560 = arith.addf %add3A_555, %mul3A_559 : vector<400x64xf32>
    %slice3A_561 = vector.extract_strided_slice %div3A_518 {offsets = [0, 8], sizes = [400, 1], strides = [1, 1]} : vector<400x16xf32> to vector<400x1xf32>
    %slice3A_562 = vector.extract_strided_slice %concatenate3A {offsets = [9600, 0], sizes = [400, 64], strides = [1, 1]} : vector<12800x64xf32> to vector<400x64xf32>
    %mul3A_563 = vector.broadcast %slice3A_561 : vector<400x1xf32> to vector<400x64xf32>
    %mul3A_564 = arith.mulf %mul3A_563, %slice3A_562 : vector<400x64xf32>
    %add3A_565 = arith.addf %add3A_560, %mul3A_564 : vector<400x64xf32>
    %slice3A_566 = vector.extract_strided_slice %div3A_518 {offsets = [0, 9], sizes = [400, 1], strides = [1, 1]} : vector<400x16xf32> to vector<400x1xf32>
    %slice3A_567 = vector.extract_strided_slice %concatenate3A {offsets = [10000, 0], sizes = [400, 64], strides = [1, 1]} : vector<12800x64xf32> to vector<400x64xf32>
    %mul3A_568 = vector.broadcast %slice3A_566 : vector<400x1xf32> to vector<400x64xf32>
    %mul3A_569 = arith.mulf %mul3A_568, %slice3A_567 : vector<400x64xf32>
    %add3A_570 = arith.addf %add3A_565, %mul3A_569 : vector<400x64xf32>
    %slice3A_571 = vector.extract_strided_slice %div3A_518 {offsets = [0, 10], sizes = [400, 1], strides = [1, 1]} : vector<400x16xf32> to vector<400x1xf32>
    %slice3A_572 = vector.extract_strided_slice %concatenate3A {offsets = [10400, 0], sizes = [400, 64], strides = [1, 1]} : vector<12800x64xf32> to vector<400x64xf32>
    %mul3A_573 = vector.broadcast %slice3A_571 : vector<400x1xf32> to vector<400x64xf32>
    %mul3A_574 = arith.mulf %mul3A_573, %slice3A_572 : vector<400x64xf32>
    %add3A_575 = arith.addf %add3A_570, %mul3A_574 : vector<400x64xf32>
    %slice3A_576 = vector.extract_strided_slice %div3A_518 {offsets = [0, 11], sizes = [400, 1], strides = [1, 1]} : vector<400x16xf32> to vector<400x1xf32>
    %slice3A_577 = vector.extract_strided_slice %concatenate3A {offsets = [10800, 0], sizes = [400, 64], strides = [1, 1]} : vector<12800x64xf32> to vector<400x64xf32>
    %mul3A_578 = vector.broadcast %slice3A_576 : vector<400x1xf32> to vector<400x64xf32>
    %mul3A_579 = arith.mulf %mul3A_578, %slice3A_577 : vector<400x64xf32>
    %add3A_580 = arith.addf %add3A_575, %mul3A_579 : vector<400x64xf32>
    %slice3A_581 = vector.extract_strided_slice %div3A_518 {offsets = [0, 12], sizes = [400, 1], strides = [1, 1]} : vector<400x16xf32> to vector<400x1xf32>
    %slice3A_582 = vector.extract_strided_slice %concatenate3A {offsets = [11200, 0], sizes = [400, 64], strides = [1, 1]} : vector<12800x64xf32> to vector<400x64xf32>
    %mul3A_583 = vector.broadcast %slice3A_581 : vector<400x1xf32> to vector<400x64xf32>
    %mul3A_584 = arith.mulf %mul3A_583, %slice3A_582 : vector<400x64xf32>
    %add3A_585 = arith.addf %add3A_580, %mul3A_584 : vector<400x64xf32>
    %slice3A_586 = vector.extract_strided_slice %div3A_518 {offsets = [0, 13], sizes = [400, 1], strides = [1, 1]} : vector<400x16xf32> to vector<400x1xf32>
    %slice3A_587 = vector.extract_strided_slice %concatenate3A {offsets = [11600, 0], sizes = [400, 64], strides = [1, 1]} : vector<12800x64xf32> to vector<400x64xf32>
    %mul3A_588 = vector.broadcast %slice3A_586 : vector<400x1xf32> to vector<400x64xf32>
    %mul3A_589 = arith.mulf %mul3A_588, %slice3A_587 : vector<400x64xf32>
    %add3A_590 = arith.addf %add3A_585, %mul3A_589 : vector<400x64xf32>
    %slice3A_591 = vector.extract_strided_slice %div3A_518 {offsets = [0, 14], sizes = [400, 1], strides = [1, 1]} : vector<400x16xf32> to vector<400x1xf32>
    %slice3A_592 = vector.extract_strided_slice %concatenate3A {offsets = [12000, 0], sizes = [400, 64], strides = [1, 1]} : vector<12800x64xf32> to vector<400x64xf32>
    %mul3A_593 = vector.broadcast %slice3A_591 : vector<400x1xf32> to vector<400x64xf32>
    %mul3A_594 = arith.mulf %mul3A_593, %slice3A_592 : vector<400x64xf32>
    %add3A_595 = arith.addf %add3A_590, %mul3A_594 : vector<400x64xf32>
    %slice3A_596 = vector.extract_strided_slice %div3A_518 {offsets = [0, 15], sizes = [400, 1], strides = [1, 1]} : vector<400x16xf32> to vector<400x1xf32>
    %slice3A_597 = vector.extract_strided_slice %concatenate3A {offsets = [12400, 0], sizes = [400, 64], strides = [1, 1]} : vector<12800x64xf32> to vector<400x64xf32>
    %mul3A_598 = vector.broadcast %slice3A_596 : vector<400x1xf32> to vector<400x64xf32>
    %mul3A_599 = arith.mulf %mul3A_598, %slice3A_597 : vector<400x64xf32>
    %add3A_600 = arith.addf %add3A_595, %mul3A_599 : vector<400x64xf32>
    %concatenate3A_601 = tpu.concatenate %add3A_490, %add3A_600 in 0 : vector<400x64xf32>, vector<400x64xf32> -> vector<800x64xf32>
    %get3A_602 = arith.constant 0 : index
    %get3A_603 = arith.constant 0 : index
    %get3A_604 = vector.load %arg5[%get3A_602, %get3A_603] : memref<64x64xf32, #tpu.memory_space<vmem>>, vector<64x64xf32>
    %dot_general3A = arith.constant dense<0.000000e+00> : vector<800x64xf32>
    %dot_general3A_605 = tpu.matmul %concatenate3A_601, %get3A_604, %dot_general3A {dimension_numbers = #tpu.dot_dimension_numbers<[1], [0], [0], [1], [0, 0, 1, 1], [], []>, transpose_lhs_hint = false} : vector<800x64xf32>, vector<64x64xf32>, vector<800x64xf32> -> vector<800x64xf32>
    %get3A_606 = arith.constant 0 : index
    %get3A_607 = arith.constant 0 : index
    %get3A_608 = vector.load %arg6[%get3A_606, %get3A_607] : memref<1x64xf32, #tpu.memory_space<vmem>>, vector<1x64xf32>
    %add3A_609 = vector.broadcast %get3A_608 : vector<1x64xf32> to vector<800x64xf32>
    %add3A_610 = arith.addf %dot_general3A_605, %add3A_609 : vector<800x64xf32>
    %tanh3A = math.tanh %add3A_610 : vector<800x64xf32>
    %get3A_611 = arith.constant 0 : index
    %get3A_612 = arith.constant 0 : index
    %get3A_613 = vector.load %arg7[%get3A_611, %get3A_612] : memref<64x64xf32, #tpu.memory_space<vmem>>, vector<64x64xf32>
    %dot_general3A_614 = arith.constant dense<0.000000e+00> : vector<800x64xf32>
    %dot_general3A_615 = tpu.matmul %tanh3A, %get3A_613, %dot_general3A_614 {dimension_numbers = #tpu.dot_dimension_numbers<[1], [0], [0], [1], [0, 0, 1, 1], [], []>, transpose_lhs_hint = false} : vector<800x64xf32>, vector<64x64xf32>, vector<800x64xf32> -> vector<800x64xf32>
    %get3A_616 = arith.constant 0 : index
    %get3A_617 = arith.constant 0 : index
    %get3A_618 = vector.load %arg8[%get3A_616, %get3A_617] : memref<1x64xf32, #tpu.memory_space<vmem>>, vector<1x64xf32>
    %add3A_619 = vector.broadcast %get3A_618 : vector<1x64xf32> to vector<800x64xf32>
    %add3A_620 = arith.addf %dot_general3A_615, %add3A_619 : vector<800x64xf32>
    %get3A_621 = arith.constant 0 : index
    %get3A_622 = arith.constant 0 : index
    %get3A_623 = vector.load %arg3[%get3A_621, %get3A_622] : memref<400x128xf32, #tpu.memory_space<vmem>>, vector<400x64xf32>
    %get3A_624 = arith.constant 0 : index
    %get3A_625 = arith.constant 64 : index
    %get3A_626 = vector.load %arg3[%get3A_624, %get3A_625] : memref<400x128xf32, #tpu.memory_space<vmem>>, vector<400x64xf32>
    %concatenate3A_627 = tpu.concatenate %get3A_623, %get3A_626 in 0 : vector<400x64xf32>, vector<400x64xf32> -> vector<800x64xf32>
    %add3A_628 = arith.addf %concatenate3A_627, %add3A_620 : vector<800x64xf32>
    %slice3A_629 = vector.extract_strided_slice %add3A_628 {offsets = [0, 0], sizes = [400, 64], strides = [1, 1]} : vector<800x64xf32> to vector<400x64xf32>
    %slice3A_630 = vector.extract_strided_slice %add3A_628 {offsets = [400, 0], sizes = [400, 64], strides = [1, 1]} : vector<800x64xf32> to vector<400x64xf32>
    %concatenate3A_631 = tpu.concatenate %slice3A_629, %slice3A_630 in 1 : vector<400x64xf32>, vector<400x64xf32> -> vector<400x128xf32>
    %swap3A = arith.constant 0 : index
    %swap3A_632 = arith.constant 0 : index
    %swap3A_633 = vector.load %arg9[%swap3A, %swap3A_632] : memref<400x128xf32, #tpu.memory_space<vmem>>, vector<400x128xf32>
    tpu.vector_store %arg9[%swap3A, %swap3A_632], %concatenate3A_631 {strides = array<i32>} : memref<400x128xf32, #tpu.memory_space<vmem>>, vector<400x128xf32>,
    return
  }
  func.func @transform_0(%arg0: i32) -> (i32, i32, i32) {
    %c0_i32 = arith.constant 0 : i32
    %c0_i32_0 = arith.constant 0 : i32
    %c0_i32_1 = arith.constant 0 : i32
    return %c0_i32, %arg0, %c0_i32_0 : i32, i32, i32
  }
  func.func @transform_1(%arg0: i32) -> (i32, i32, i32) {
    %c0_i32 = arith.constant 0 : i32
    %c0_i32_0 = arith.constant 0 : i32
    %c0_i32_1 = arith.constant 0 : i32
    return %c0_i32, %arg0, %c0_i32_0 : i32, i32, i32
  }
  func.func @transform_2(%arg0: i32) -> (i32, i32) {
    %c0_i32 = arith.constant 0 : i32
    %c0_i32_0 = arith.constant 0 : i32
    return %arg0, %c0_i32 : i32, i32
  }
  func.func @transform_3(%arg0: i32) -> (i32, i32) {
    %c0_i32 = arith.constant 0 : i32
    %c0_i32_0 = arith.constant 0 : i32
    %c0_i32_1 = arith.constant 0 : i32
    return %c0_i32, %c0_i32_0 : i32, i32
  }
  func.func @transform_4(%arg0: i32) -> (i32, i32) {
    %c0_i32 = arith.constant 0 : i32
    %c0_i32_0 = arith.constant 0 : i32
    %c0_i32_1 = arith.constant 0 : i32
    return %c0_i32, %c0_i32_0 : i32, i32
  }
  func.func @transform_5(%arg0: i32) -> (i32, i32) {
    %c0_i32 = arith.constant 0 : i32
    %c0_i32_0 = arith.constant 0 : i32
    %c0_i32_1 = arith.constant 0 : i32
    return %c0_i32, %c0_i32_0 : i32, i32
  }
  func.func @transform_6(%arg0: i32) -> (i32, i32) {
    %c0_i32 = arith.constant 0 : i32
    %c0_i32_0 = arith.constant 0 : i32
    %c0_i32_1 = arith.constant 0 : i32
    return %c0_i32, %c0_i32_0 : i32, i32
  }
  func.func @transform_7(%arg0: i32) -> (i32, i32) {
    %c0_i32 = arith.constant 0 : i32
    %c0_i32_0 = arith.constant 0 : i32
    %c0_i32_1 = arith.constant 0 : i32
    return %c0_i32, %c0_i32_0 : i32, i32
  }
  func.func @transform_8(%arg0: i32) -> (i32, i32) {
    %c0_i32 = arith.constant 0 : i32
    %c0_i32_0 = arith.constant 0 : i32
    return %arg0, %c0_i32 : i32, i32
  }
}

module attributes {stable_mosaic.version = 14 : i64} {
  func.func @_head_body(%arg0: i32, %arg1: memref<400x128xf32, #tpu.memory_space<vmem>>, %arg2: memref<64x32xf32, #tpu.memory_space<vmem>>, %arg3: memref<1x32xf32, #tpu.memory_space<vmem>>, %arg4: memref<32x5xf32, #tpu.memory_space<vmem>>, %arg5: memref<1x5xf32, #tpu.memory_space<vmem>>, %arg6: memref<2x5xf32, #tpu.memory_space<vmem>>, %arg7: memref<1x128xf32, #tpu.memory_space<vmem>>) attributes {dimension_semantics = [#tpu.dimension_semantics<arbitrary>], iteration_bounds = array<i64: 25>, scalar_prefetch = 0 : i64, scratch_operands = 1 : i64, tpu.core_type = #tpu.core_type<tc>, window_params = [{transform_indices = @transform_0, window_bounds = array<i64: 400, 128>}, {pipeline_mode = #tpu.pipeline_mode<synchronous>, transform_indices = @transform_1, window_bounds = array<i64: 64, 32>}, {pipeline_mode = #tpu.pipeline_mode<synchronous>, transform_indices = @transform_2, window_bounds = array<i64: 1, 32>}, {pipeline_mode = #tpu.pipeline_mode<synchronous>, transform_indices = @transform_3, window_bounds = array<i64: 32, 5>}, {pipeline_mode = #tpu.pipeline_mode<synchronous>, transform_indices = @transform_4, window_bounds = array<i64: 1, 5>}, {pipeline_mode = #tpu.pipeline_mode<synchronous>, transform_indices = @transform_5, window_bounds = array<i64: 2, 5>}]} {
    %eq3A = arith.constant 0 : i32
    %eq3A_0 = arith.cmpi eq, %arg0, %eq3A : i32
    %convert_element_type3A = arith.extui %eq3A_0 : i1 to i32
    %cond3A = arith.constant 0 : i32
    %cond3A_1 = arith.cmpi ne, %convert_element_type3A, %cond3A : i32
    scf.if %cond3A_1 {
      %broadcast_in_dim3A_15 = arith.constant 0.000000e+00 : f32
      %broadcast_in_dim3A_16 = vector.broadcast %broadcast_in_dim3A_15 : f32 to vector<1x128xf32>
      %swap3A_17 = arith.constant 0 : index
      %swap3A_18 = arith.constant 0 : index
      %swap3A_19 = vector.load %arg7[%swap3A_17, %swap3A_18] : memref<1x128xf32, #tpu.memory_space<vmem>>, vector<1x128xf32>
      tpu.vector_store %arg7[%swap3A_17, %swap3A_18], %broadcast_in_dim3A_16 {strides = array<i32>} : memref<1x128xf32, #tpu.memory_space<vmem>>, vector<1x128xf32>,
    } else {
    }
    %get3A = arith.constant 0 : index
    %get3A_2 = arith.constant 0 : index
    %get3A_3 = vector.load %arg7[%get3A, %get3A_2] : memref<1x128xf32, #tpu.memory_space<vmem>>, vector<1x128xf32>
    %get3A_4 = arith.constant 0 : index
    %get3A_5 = arith.constant 0 : index
    %get3A_6 = vector.load %arg1[%get3A_4, %get3A_5] : memref<400x128xf32, #tpu.memory_space<vmem>>, vector<400x128xf32>
    %reduce_sum3A = arith.constant dense<0.000000e+00> : vector<128xf32>
    %reduce_sum3A_7 = vector.multi_reduction <add>, %get3A_6, %reduce_sum3A [0] : vector<400x128xf32> to vector<128xf32>
    %broadcast_in_dim3A = vector.shape_cast %reduce_sum3A_7 : vector<128xf32> to vector<1x128xf32>
    %add3A = arith.addf %get3A_3, %broadcast_in_dim3A : vector<1x128xf32>
    %swap3A = arith.constant 0 : index
    %swap3A_8 = arith.constant 0 : index
    %swap3A_9 = vector.load %arg7[%swap3A, %swap3A_8] : memref<1x128xf32, #tpu.memory_space<vmem>>, vector<1x128xf32>
    tpu.vector_store %arg7[%swap3A, %swap3A_8], %add3A {strides = array<i32>} : memref<1x128xf32, #tpu.memory_space<vmem>>, vector<1x128xf32>,
    %eq3A_10 = arith.constant 24 : i32
    %eq3A_11 = arith.cmpi eq, %arg0, %eq3A_10 : i32
    %convert_element_type3A_12 = arith.extui %eq3A_11 : i1 to i32
    %cond3A_13 = arith.constant 0 : i32
    %cond3A_14 = arith.cmpi ne, %convert_element_type3A_12, %cond3A_13 : i32
    scf.if %cond3A_14 {
      %get3A_15 = arith.constant 0 : index
      %get3A_16 = arith.constant 0 : index
      %get3A_17 = vector.load %arg7[%get3A_15, %get3A_16] : memref<1x128xf32, #tpu.memory_space<vmem>>, vector<1x128xf32>
      %mul3A = arith.constant 9.99999974E-5 : f32
      %mul3A_18 = vector.broadcast %mul3A : f32 to vector<1x128xf32>
      %mul3A_19 = arith.mulf %get3A_17, %mul3A_18 : vector<1x128xf32>
      %slice3A = vector.extract_strided_slice %mul3A_19 {offsets = [0, 0], sizes = [1, 64], strides = [1, 1]} : vector<1x128xf32> to vector<1x64xf32>
      %slice3A_20 = vector.extract_strided_slice %mul3A_19 {offsets = [0, 64], sizes = [1, 64], strides = [1, 1]} : vector<1x128xf32> to vector<1x64xf32>
      %concatenate3A = tpu.concatenate %slice3A, %slice3A_20 in 0 : vector<1x64xf32>, vector<1x64xf32> -> vector<2x64xf32>
      %get3A_21 = arith.constant 0 : index
      %get3A_22 = arith.constant 0 : index
      %get3A_23 = vector.load %arg2[%get3A_21, %get3A_22] : memref<64x32xf32, #tpu.memory_space<vmem>>, vector<64x32xf32>
      %dot_general3A = arith.constant dense<0.000000e+00> : vector<2x32xf32>
      %dot_general3A_24 = tpu.matmul %concatenate3A, %get3A_23, %dot_general3A {dimension_numbers = #tpu.dot_dimension_numbers<[1], [0], [0], [1], [0, 0, 1, 1], [], []>, transpose_lhs_hint = false} : vector<2x64xf32>, vector<64x32xf32>, vector<2x32xf32> -> vector<2x32xf32>
      %get3A_25 = arith.constant 0 : index
      %get3A_26 = arith.constant 0 : index
      %get3A_27 = vector.load %arg3[%get3A_25, %get3A_26] : memref<1x32xf32, #tpu.memory_space<vmem>>, vector<1x32xf32>
      %add3A_28 = vector.broadcast %get3A_27 : vector<1x32xf32> to vector<2x32xf32>
      %add3A_29 = arith.addf %dot_general3A_24, %add3A_28 : vector<2x32xf32>
      %get3A_30 = arith.constant 0 : index
      %get3A_31 = arith.constant 0 : index
      %get3A_32 = vector.load %arg4[%get3A_30, %get3A_31] : memref<32x5xf32, #tpu.memory_space<vmem>>, vector<32x5xf32>
      %dot_general3A_33 = arith.constant dense<0.000000e+00> : vector<2x5xf32>
      %dot_general3A_34 = tpu.matmul %add3A_29, %get3A_32, %dot_general3A_33 {dimension_numbers = #tpu.dot_dimension_numbers<[1], [0], [0], [1], [0, 0, 1, 1], [], []>, transpose_lhs_hint = false} : vector<2x32xf32>, vector<32x5xf32>, vector<2x5xf32> -> vector<2x5xf32>
      %get3A_35 = arith.constant 0 : index
      %get3A_36 = arith.constant 0 : index
      %get3A_37 = vector.load %arg5[%get3A_35, %get3A_36] : memref<1x5xf32, #tpu.memory_space<vmem>>, vector<1x5xf32>
      %add3A_38 = vector.broadcast %get3A_37 : vector<1x5xf32> to vector<2x5xf32>
      %add3A_39 = arith.addf %dot_general3A_34, %add3A_38 : vector<2x5xf32>
      %reduce_max3A = arith.constant dense<0xFF800000> : vector<2xf32>
      %reduce_max3A_40 = vector.multi_reduction <maximumf>, %add3A_39, %reduce_max3A [1] : vector<2x5xf32> to vector<2xf32>
      %broadcast_in_dim3A_41 = vector.shape_cast %reduce_max3A_40 : vector<2xf32> to vector<2x1xf32>
      %sub3A = vector.broadcast %broadcast_in_dim3A_41 : vector<2x1xf32> to vector<2x5xf32>
      %sub3A_42 = arith.subf %add3A_39, %sub3A : vector<2x5xf32>
      %exp3A = math.exp %sub3A_42 : vector<2x5xf32>
      %reduce_sum3A_43 = arith.constant dense<0.000000e+00> : vector<2xf32>
      %reduce_sum3A_44 = vector.multi_reduction <add>, %exp3A, %reduce_sum3A_43 [1] : vector<2x5xf32> to vector<2xf32>
      %broadcast_in_dim3A_45 = vector.shape_cast %reduce_sum3A_44 : vector<2xf32> to vector<2x1xf32>
      %div3A = vector.broadcast %broadcast_in_dim3A_45 : vector<2x1xf32> to vector<2x5xf32>
      %div3A_46 = arith.divf %exp3A, %div3A : vector<2x5xf32>
      %swap3A_47 = arith.constant 0 : index
      %swap3A_48 = arith.constant 0 : index
      %swap3A_49 = vector.load %arg6[%swap3A_47, %swap3A_48] : memref<2x5xf32, #tpu.memory_space<vmem>>, vector<2x5xf32>
      tpu.vector_store %arg6[%swap3A_47, %swap3A_48], %div3A_46 {strides = array<i32>} : memref<2x5xf32, #tpu.memory_space<vmem>>, vector<2x5xf32>,
    } else {
    }
    return
  }
  func.func @transform_0(%arg0: i32) -> (i32, i32) {
    %c0_i32 = arith.constant 0 : i32
    %c0_i32_0 = arith.constant 0 : i32
    return %arg0, %c0_i32 : i32, i32
  }
  func.func @transform_1(%arg0: i32) -> (i32, i32) {
    %c0_i32 = arith.constant 0 : i32
    %c0_i32_0 = arith.constant 0 : i32
    %c0_i32_1 = arith.constant 0 : i32
    return %c0_i32, %c0_i32_0 : i32, i32
  }
  func.func @transform_2(%arg0: i32) -> (i32, i32) {
    %c0_i32 = arith.constant 0 : i32
    %c0_i32_0 = arith.constant 0 : i32
    %c0_i32_1 = arith.constant 0 : i32
    return %c0_i32, %c0_i32_0 : i32, i32
  }
  func.func @transform_3(%arg0: i32) -> (i32, i32) {
    %c0_i32 = arith.constant 0 : i32
    %c0_i32_0 = arith.constant 0 : i32
    %c0_i32_1 = arith.constant 0 : i32
    return %c0_i32, %c0_i32_0 : i32, i32
  }
  func.func @transform_4(%arg0: i32) -> (i32, i32) {
    %c0_i32 = arith.constant 0 : i32
    %c0_i32_0 = arith.constant 0 : i32
    %c0_i32_1 = arith.constant 0 : i32
    return %c0_i32, %c0_i32_0 : i32, i32
  }
  func.func @transform_5(%arg0: i32) -> (i32, i32) {
    %c0_i32 = arith.constant 0 : i32
    %c0_i32_0 = arith.constant 0 : i32
    %c0_i32_1 = arith.constant 0 : i32
    return %c0_i32, %c0_i32_0 : i32, i32
  }
}

</mosaic_0001>

<sc_bundles>
// kernel: kernel.13.cloned.1.call-start
scs
__scs_entry_jumppad:
0x0: {  	(pc) =	sbr.rel $0x88, $3  }
0x1: {  	(tag) =	ssettag $0x0;
	lr =	simm.s32 $0x1  }
0x2: {  	[smem:$0x3F7D] =	sst lr;
	_ =	strace $0xD0000000  }
0x3: {  	_ = 	snop  }
0x4: {  	_ = 	snop  }
0x5: {  	_ = 	snop  }
0x6: {  	_ = 	snop  }
0x7: {  	_ = 	snop  }
__scs_overlays_trampoline_lowered:
0x8: {  	[smem:$0x3F8C] =	sst s0  }
0x9: {  	[smem:$0x3F8D] =	sst s1  }
0xa: {  	[smem:$0x3F8E] =	sst s2  }
0xb: {  	[smem:$0x3F8F] =	sst s3  }
0xc: {  	[smem:$0x3F90] =	sst s4  }
0xd: {  	[smem:$0x3F91] =	sst s5  }
0xe: {  	[smem:$0x3F92] =	sst s6  }
0xf: {  	[smem:$0x3F93] =	sst s7  }
0x10: {  	[smem:$0x3F94] =	sst s8  }
0x11: {  	[smem:$0x3F95] =	sst s9;
	s0 =	simm.s32 @!p0 $0x0  }
0x12: {  	s1 =	sld [smem:$0x3F7B];
	s0 =	simm.s32 @p0 $0x1  }
0x13: {  	[smem:$0x3F96] =	sst s0;
	s0 =	simm.s32 @!p1 $0x0  }
0x14: {  	s2 =	sld [smem:$0x3F7A];
	s0 =	simm.s32 @p1 $0x1  }
0x15: {  	[smem:$0x3F97] =	sst s0;
	s0 =	simm.s32 @!p2 $0x0  }
0x16: {  	s3 =	sld [smem:$0x3FDB];
	s0 =	simm.s32 @p2 $0x1  }
0x17: {  	s4 =	simm.s32 $0x1BF5;
	[smem:$0x3F99] =	sst s0  }
0x18: {  	s0 =	sld [smem:$0x3F7C];
	_ =	swait.ge [sflag:s4], $0x0  }
0x19: {  	s7 =	sld [smem:$0x3F7D]  }
0x1a: {  	s8 =	sadd.s32 $0xFFFFE003, lr  }
0x1b: {  	s9 =	sadd.s32 $0xFFFFFEF7, lr;
	s5 =	simm.s32 $0xFFFFFFFF;
	p2 =	slt.u32 s8, $0xFFFFF086  }
0x1c: {  	p1 =	slt.u32 s9, $0xF7A;
	s5 =	simm.s32 @!p2 $0x0  }
0x1d: {  	s5 =	simm.s32 @p1 $0x1;
	p0 =	seq.s32 s7, s2  }
0x1e: {  	s7 =	smul.u32 @!p0 $0xF7A, s2;
	p2 =	seq.s32 @!p0 s5, $0x0  }
0x1f: {  	s9 =	smul.u32 $0xF7A, s1;
	s8 =	simm.s32 @!p0 $0x1BF5;
	p2 =	por !p2, p0  }
0x20: {  	[sflag:s8] =	ssyncset.s32 @!p0 $0xFFFFF086;
	s6 =	sadd.s32 @!p0 s3, s7;
	s7 =	simm.s32 @!p0 $0x108  }
0x21: {  	s3 =	sadd.s32 s3, s9;
	s6 =	sadd.s32 @!p0 $0x88, s6;
	s7 =	simm.s32 @p2 $0x1082  }
0x22: {  	[simem:s7], [sflag:s8] =	dma.local @!p0 [hbm:s6], $0xF7A  }
0x23: {  	s9 =	sor.u32 $0xD0000000, s2;
	s6 =	simm.s32 $0x108;
	_ =	swait.ge @!p0 [sflag:s8], $0x0  }
0x24: {  	s3 =	sadd.s32 $0x88, s3;
	s6 =	simm.s32 @!p1 $0x1082;
	[sflag:s4] =	ssyncset.s32 $0xFFFFF086  }
0x25: {  	[simem:s6], [sflag:s4] =	dma.local [hbm:s3], $0xF7A  }
0x26: {  	[smem:$0x3F7D] =	sst s1;
	(tag) =	ssettag s2;
	_ =	strace s9  }
0x27: {  	s1 =	sld [smem:$0x3F8D]  }
0x28: {  	s2 =	sld [smem:$0x3F8E]  }
0x29: {  	s4 =	sld [smem:$0x3F90]  }
0x2a: {  	p0 =	seq.s32 s5, $0x0;
	s5 =	sld [smem:$0x3F91]  }
0x2b: {  	s6 =	sld [smem:$0x3F92]  }
0x2c: {  	s7 =	sld [smem:$0x3F93]  }
0x2d: {  	s3 =	simm.s32 $0x108;
	s8 =	sld [smem:$0x3F94]  }
0x2e: {  	s3 =	simm.s32 @!p0 $0x1082;
	s9 =	sld [smem:$0x3F95]  }
0x2f: {  	lr =	sadd.s32 s0, s3;
	s0 =	sld [smem:$0x3F8C]  }
0x30: {  	s3 =	sld [smem:$0x3F8F]  }
0x31: {  	[smem:$0x3F98] =	sst s10  }
0x32: {  	s10 =	sld [smem:$0x3F96];
	_ =	sdelay $0x3  }
0x33: {  	p0 =	seq.s32 s10, $0x1;
	s10 =	sld [smem:$0x3F98];
	_ =	sdelay $0x3  }
0x34: {  	[smem:$0x3F98] =	sst s10  }
0x35: {  	s10 =	sld [smem:$0x3F97];
	_ =	sdelay $0x3  }
0x36: {  	p1 =	seq.s32 s10, $0x1;
	s10 =	sld [smem:$0x3F98];
	_ =	sdelay $0x3  }
0x37: {  	[smem:$0x3F98] =	sst s10  }
0x38: {  	s10 =	sld [smem:$0x3F99]  }
0x39: {  	_ = 	snop;
	(pc) =	sbr.ind lr, $3  }
0x3a: {  	_ = 	snop  }
0x3b: {  	_ = 	snop  }
0x3c: {  	p2 =	seq.s32 s10, $0x1;
	s10 =	sld [smem:$0x3F98]  }
0x3d: {  	_ =	shalt  }
0x3e: {  	_ =	shalt  }
0x3f: {  	_ =	shalt  }
0x40: {  	_ =	shalt  }
0x41: {  	_ =	shalt  }
0x42: {  	_ =	shalt  }
0x43: {  	_ =	shalt  }
0x44: {  	_ =	shalt  }
0x45: {  	_ =	shalt  }
0x46: {  	_ =	shalt  }
0x47: {  	_ =	shalt  }
0x48: {  	_ =	shalt  }
0x49: {  	_ =	shalt  }
0x4a: {  	_ =	shalt  }
0x4b: {  	_ =	shalt  }
0x4c: {  	_ =	shalt  }
0x4d: {  	_ =	shalt  }
0x4e: {  	_ =	shalt  }
0x4f: {  	_ =	shalt  }
0x50: {  	_ =	shalt  }
0x51: {  	_ =	shalt  }
0x52: {  	_ =	shalt  }
0x53: {  	_ =	shalt  }
0x54: {  	_ =	shalt  }
0x55: {  	_ =	shalt  }
0x56: {  	_ =	shalt  }
0x57: {  	_ =	shalt  }
0x58: {  	_ =	shalt  }
0x59: {  	_ =	shalt  }
0x5a: {  	_ =	shalt  }
0x5b: {  	_ =	shalt  }
0x5c: {  	_ =	shalt  }
0x5d: {  	_ =	shalt  }
0x5e: {  	_ =	shalt  }
0x5f: {  	_ =	shalt  }
0x60: {  	_ =	shalt  }
0x61: {  	_ =	shalt  }
0x62: {  	_ =	shalt  }
0x63: {  	_ =	shalt  }
0x64: {  	_ =	shalt  }
0x65: {  	_ =	shalt  }
0x66: {  	_ =	shalt  }
0x67: {  	_ =	shalt  }
0x68: {  	_ =	shalt  }
0x69: {  	_ =	shalt  }
0x6a: {  	_ =	shalt  }
0x6b: {  	_ =	shalt  }
0x6c: {  	_ =	shalt  }
0x6d: {  	_ =	shalt  }
0x6e: {  	_ =	shalt  }
0x6f: {  	_ =	shalt  }
0x70: {  	_ =	shalt  }
0x71: {  	_ =	shalt  }
0x72: {  	_ =	shalt  }
0x73: {  	_ =	shalt  }
0x74: {  	_ =	shalt  }
0x75: {  	_ =	shalt  }
0x76: {  	_ =	shalt  }
0x77: {  	_ =	shalt  }
0x78: {  	_ =	shalt  }
0x79: {  	_ =	shalt  }
0x7a: {  	_ =	shalt  }
0x7b: {  	_ =	shalt  }
0x7c: {  	_ =	shalt  }
0x7d: {  	_ =	shalt  }
0x7e: {  	_ =	shalt  }
0x7f: {  	_ =	shalt  }
0x80: {  	_ =	shalt  }
0x81: {  	_ =	shalt  }
0x82: {  	_ =	shalt  }
0x83: {  	_ =	shalt  }
0x84: {  	_ =	shalt  }
0x85: {  	_ =	shalt  }
0x86: {  	_ =	shalt  }
0x87: {  	_ =	shalt  }
.Lfunc_end0:
.L_simem_size_0:
called_computation_lowered:
.L_overlay_start_0:
0x88: {  	s2 =	sld [smem:$0x3FD9]  }
0x89: {  	s3 =	sld [smem:$0x3FFE];
	_ =	sdelay $0x1  }
0x8a: {  	s1 =	srdreg.scid  }
0x8b: {  	s0 =	sand.u32 $0x1, s1  }
0x8c: {  	s16 =	sshll.u32 s0, $0xA;
	s2 =	sadd.s32 s3, s2  }
0x8d: {  	s2 =	sadd.s32 s2, s16  }
0x8e: {  	[smem:$0x3FA4] =	sst s2  }
0x8f: {  	_ = 	snop  }
0x90: {  	(tm) =	ssettm $0x1  }
0x91: {  	s17 =	sld [smem:$0x3FFB];
	_ =	sdelay $0x3  }
0x92: {  	_ =	strace s17  }
0x93: {  	s2 =	sld [smem:$0x3FFC];
	_ =	sdelay $0x3  }
0x94: {  	_ =	strace s2  }
0x95: {  	s2 =	sld [smem:$0x3FFD];
	_ =	sdelay $0x3  }
0x96: {  	_ =	strace s2  }
0x97: {  	_ =	strace $0x8FFFFFFF  }
0x98: {  	s18 =	sld [smem:$0x3FDB];
	_ =	sdelay $0x1  }
0x99: {  	s19 =	simm.s32 $_scs_section_size  }
0x9a: {  	s4 =	simm.s32 $_size__tile_overlayer_lowered;
	s5 =	simm.s32 $_tile_overlayer_lowered  }
0x9b: {  	s22 =	simm.s32 $0x1BFF;
	s21 =	sshll.u32 s5, $0x1;
	s2 =	sadd.s32 s19, s18  }
0x9c: {  	s6 =	simm.s32 $0x0;
	s20 =	sshll.u32 s4, $0x1;
	s4 =	sadd.s32 s21, s2  }
0x9d: {  	[timem:s6], [sflag:s22] =	dma.local [hbm:s4], s20  }
0x9e: {  	_ =	swait.ge [sflag:s22], s20  }
0x9f: {  	s3 =	ssub.s32 $0x0, s20;
	[sflag:s22] =	ssyncset.done $0x0  }
0xa0: {  	[sflag:s22] =	ssyncadd.s32 s3;
	_ =	sdelay $0x1  }
0xa1: {  	s23 =	simm.s32 $0x1B8B  }
0xa2: {  	_ =	swait.ge [sflag:s23], $0x1  }
0xa3: {  	[sflag:s23] =	ssyncset.done $0x0  }
0xa4: {  	s25 =	simm.s32 $0x1B8E;
	s24 =	sld [smem:$0x3FFE];
	[sflag:s23] =	ssyncadd.s32 $0xFFFFFFFF  }
0xa5: {  	s26 =	simm.s32 $execute0_lowered;
	[smem:$0x3FD2] =	sst s25  }
0xa6: {  	s4 =	sshll.u32 s26, $0x1;
	_ =	strace $0x80000046;
	[dreg:$0x1] =	wrdreg $0xFFFFFFFF  }
0xa7: {  	s28 =	simm.s32 $_size_execute0_lowered;
	s2 =	sadd.s32 s2, s4;
	[dreg:$0x0] =	wrdreg $0x0  }
0xa8: {  	s4 =	sshll.u32 s28, $0x1;
	[dreg:$0x2] =	wrdreg s2  }
0xa9: {  	[dreg:$0x3] =	wrdreg s4  }
0xaa: {  	[dreg:$0x4] =	wrdreg $0xC0  }
0xab: {  	_ =	task [dreg:s6], $0x5FFFF  }
0xac: {  	[dreg:$0x1] =	wrdreg $0xFFFFFFFF  }
0xad: {  	[dreg:$0x0] =	wrdreg $0x60  }
0xae: {  	[dreg:$0x2] =	wrdreg s24  }
0xaf: {  	[dreg:$0x3] =	wrdreg $0x9  }
0xb0: {  	_ =	task.clear_ibuf [dreg:s6], $0x4FFFF;
	_ =	strace $0x90000046  }
0xb1: {  	s29 =	simm.s32 $0x9;
	_ =	strace $0x80000048  }
0xb2: {  	_ =	swait.ge [sflag:s29], $0x1  }
0xb3: {  	[sflag:s29] =	ssyncadd.s32 $0xFFFFFFFF  }
0xb4: {  	_ =	strace $0x90000048  }
0xb5: {  	_ =	sfence  }
0xb6: {  	s30 =	sld [smem:$0x0];
	_ =	sdelay $0x2  }
0xb7: {  	s31 =	sshll.u32 s1, $0xD;
	s1 =	sshrl.u32 s1, $0x2  }
0xb8: {  	s3 =	sand.u32 $0x4000, s31;
	s1 =	sadd.s32 s1, s30  }
0xb9: {  	s0 =	sor.u32 s3, s0;
	s1 =	sshll.u32 s1, $0x11  }
0xba: {  	s0 =	sor.u32 s1, s0  }
0xbb: {  	s0 =	sadd.s32 $0x8F2B, s0  }
0xbc: {  	[sflag:s0] =	ssyncadd.remote.s32 $0x1  }
0xbd: {  	_ =	sfence.sel $0xFFFF  }
0xbe: {  	[dreg:$0x0] =	wrdreg $0xFFFFFFFF;
	(pc) =	sbr.abs _section_cstart, $3  }
0xbf: {  	[dreg:$0x1] =	wrdreg $0xFFFFFFFF  }
0xc0: {  	_ =	task.clear_ibuf [dreg:s6], $0x2FFFF;
	_ =	strace $0x9FFFFFFF  }
0xc1: {  	(tm) =	ssettm $0x7FFFFFFF  }
tec
execute0_lowered:
.L_overlay_start_1:
0x0: {  	(tag) =	ssettag $0x1  }
0x1: {  	s4 =	rddreg [dreg:$0x0]  }
0x2: {  	s0 =	rddreg [dreg:$0x1];
	s2 =	simm.s32 $0x0  }
0x3: {  	s3 =	srdreg.scid;
	s1 =	stileid.u32;
	s20 =	simm.s32 $0x2  }
0x4: {  	s21 =	simm.s32 $0x2900;
	s22 =	simm.s32 $0x3;
	s16 =	smul.u32 $0x4E20, s1  }
0x5: {  	s23 =	simm.s32 $0x4;
	s13 =	sand.u32 $0x1, s3;
	s30 =	smul.u32 $0x4E200, s1  }
0x6: {  	[smem:$0x7FF] =	sst s2;
	s5 =	sshll.u32 s1, $0x1;
	s17 =	smul.u32 $0x2710, s13  }
0x7: {  	s3 =	sadd.s32 $0x42600, s4;
	s6 =	sor.u32 s13, s5;
	s19 =	smul.u32 $0x27100, s13  }
0x8: {  	s14 =	sadd.s32 $0x11600, s4;
	s24 =	ssub.s32 $0x2, s13;
	s7 =	smul.u32 $0x2710, s6  }
0x9: {  	s15 =	sadd.s32 $0x69800, s4;
	s25 =	sshrl.u32 s24, $0x1;
	s8 =	smul.u32 $0x138800, s6  }
0xa: {  	_ =	strace $0x80000047;
	s11 =	smul.u32 $0x27100, s6;
	s9 =	ssub.s32 s24, s25  }
0xb: {  	s16 =	sadd.s32 s17, s16;
	s17 =	simm.s32 $0x1;
	s24 =	simm.s32 $0x5  }
0xc: {  	s25 =	simm.s32 $0x6;
	s26 =	sshrl.u32 s7, $0x3;
	s10 =	sadd.s32 $0x50, s7  }
0xd: {  	s29 =	sshrl.u32 s8, $0x3;
	s8 =	smax.u32 s9, $0x1;
	s9 =	sadd.s32 s15, s11  }
0xe: {  	s18 =	sadd.s32 $0x190, s16;
	s16 =	sadd.s32 $0x140, s16;
	s4 =	sadd.s32 s14, s26  }
0xf: {  	s28 =	sshrl.u32 s10, $0x3;
	s7 =	sadd.s32 s15, s29;
	s10 =	sshll.u32 s10, $0x4  }
0x10: {  	s31 =	sshrl.u32 s18, $0x3;
	s16 =	sshrl.u32 s16, $0x3;
	s18 =	simm.s32 $0x50  }
.Ltmp0:
0x11: {  	s26 =	simm.s32 $0x0;
	s5 =	sadd.s32 s14, s28;
	(pc) =	sbr.rel .LBB2_1-.Ltmp0, $4  }
0x12: {  	s6 =	sadd.s32 $0x4D8, s4;
	s7 =	sadd.s32 $0x26C00, s7;
	s10 =	sadd.s32 s15, s10  }
0x13: {  	s11 =	sadd.s32 $0x14, s4;
	s12 =	sadd.s32 $0x1E, s4;
	s15 =	sadd.s32 s30, s15  }
0x14: {  	s13 =	sadd.s32 s31, s14;
	s14 =	sadd.s32 s16, s14;
	s15 =	sadd.s32 s19, s15  }
0x15: {  	s16 =	simm.s32 $0x80;
	s19 =	simm.s32 $0x100;
	s15 =	sadd.s32 $0xF00, s15  }
.LBB2_4:
0x16: {  	[tilespmem:s2], [sflag:$0x1] =	stream.linear.gather [hbm4b:s6+s2], $0x50, $0x38;
	[tilespmem:$0x5100] =	vst v63  }
0x17: {  	_ =	swait.ge [sflag:s24], $0x2800  }
0x18: {  	[sflag:s24] =	ssyncset.done $0x0  }
0x19: {  	[sflag:s24] =	ssyncadd.s32 $0xFFFFD800  }
0x1a: {  	_ =	swait.ge [sflag:s17], $0x50  }
0x1b: {  	[sflag:s17] =	ssyncset.done $0x0  }
0x1c: {  	[sflag:s17] =	ssyncadd.s32 $0xFFFFFFB0  }
0x1d: {  	[tilespmem:s19], [sflag:$0x3] =	stream.indirect.gather [hbm4b:s3+s18], $0x80, s2, s18, $0xb8;
	[tilespmem:$0x5100] =	vst v63  }
0x1e: {  	_ =	swait.ge [sflag:s22], $0x2800  }
0x1f: {  	[sflag:s22] =	ssyncset.done $0x0  }
0x20: {  	s26 =	sadd.s32 $0x1, s26;
	[sflag:s22] =	ssyncadd.s32 $0xFFFFD800  }
0x21: {  	[hbm4b:s7+s2] =	stream.linear.scatter [tilespmem:s19], [sflag:$0x5], $0x2800, $0x38;
	[tilespmem:$0x5100] =	vst v63  }
0x22: {  	p0 =	sne.s32 s26, s8;
	_ =	swait.ge [sflag:s24], $0x2800  }
.Ltmp1:
0x23: {  	[sflag:s24] =	ssyncset.done $0x0;
	(pc) =	sbr.rel @!p0 .LBB2_5-.Ltmp1, $4  }
0x24: {  	[sflag:s24] =	ssyncadd.s32 $0xFFFFD800  }
0x25: {  	_ =	swait.ge [sflag:s25], $0x2800  }
0x26: {  	[sflag:s25] =	ssyncset.done $0x0  }
0x27: {  	[sflag:s25] =	ssyncadd.s32 $0xFFFFD800  }
.LBB2_1:
0x28: {  	[tilespmem:s2], [sflag:$0x1] =	stream.linear.gather [hbm4b:s4+s2], $0x50, $0x38;
	[tilespmem:$0x5100] =	vst v63  }
0x29: {  	_ = 	snop  }
0x2a: {  	[tilespmem:s16], [sflag:$0x2] =	stream.linear.gather [hbm4b:s5+s2], $0x50, $0x38;
	[tilespmem:$0x5100] =	vst v63  }
0x2b: {  	_ =	swait.ge [sflag:s17], $0x50  }
0x2c: {  	[sflag:s17] =	ssyncset.done $0x0  }
0x2d: {  	[sflag:s17] =	ssyncadd.s32 $0xFFFFFFB0  }
0x2e: {  	[tilespmem:s19], [sflag:$0x3] =	stream.indirect.gather [hbm4b:s3+s18], $0x80, s2, s18, $0xb8;
	[tilespmem:$0x5100] =	vst v63  }
0x2f: {  	_ =	swait.ge [sflag:s20], $0x50  }
0x30: {  	[sflag:s20] =	ssyncset.done $0x0  }
0x31: {  	[sflag:s20] =	ssyncadd.s32 $0xFFFFFFB0  }
0x32: {  	[tilespmem:s21], [sflag:$0x4] =	stream.indirect.gather [hbm4b:s3+s18], $0x80, s16, s18, $0xb8;
	[tilespmem:$0x5100] =	vst v63  }
0x33: {  	_ =	swait.ge [sflag:s22], $0x2800  }
0x34: {  	[sflag:s22] =	ssyncset.done $0x0  }
0x35: {  	[sflag:s22] =	ssyncadd.s32 $0xFFFFD800  }
0x36: {  	[hbm4b:s9+s2] =	stream.linear.scatter [tilespmem:s19], [sflag:$0x5], $0x2800, $0x38;
	[tilespmem:$0x5100] =	vst v63  }
0x37: {  	_ =	swait.ge [sflag:s23], $0x2800  }
0x38: {  	[sflag:s23] =	ssyncset.done $0x0  }
0x39: {  	[sflag:s23] =	ssyncadd.s32 $0xFFFFD800  }
0x3a: {  	[hbm4b:s10+s2] =	stream.linear.scatter [tilespmem:s21], [sflag:$0x6], $0x2800, $0x38;
	[tilespmem:$0x5100] =	vst v63  }
0x3b: {  	_ = 	snop  }
0x3c: {  	[tilespmem:s2], [sflag:$0x1] =	stream.linear.gather [hbm4b:s11+s2], $0x50, $0x38;
	[tilespmem:$0x5100] =	vst v63  }
0x3d: {  	s28 =	smov.u32 s15;
	s29 =	simm.s32 $0x0  }
0x3e: {  	[tilespmem:s16], [sflag:$0x2] =	stream.linear.gather [hbm4b:s12+s2], $0x50, $0x38;
	[tilespmem:$0x5100] =	vst v63  }
.LBB2_2:
0x3f: {  	_ =	swait.ge [sflag:s24], $0x2800  }
0x40: {  	[sflag:s24] =	ssyncset.done $0x0  }
0x41: {  	[sflag:s24] =	ssyncadd.s32 $0xFFFFD800  }
0x42: {  	_ =	swait.ge [sflag:s25], $0x2800  }
0x43: {  	[sflag:s25] =	ssyncset.done $0x0  }
0x44: {  	[sflag:s25] =	ssyncadd.s32 $0xFFFFD800  }
0x45: {  	_ =	swait.ge [sflag:s17], $0x50  }
0x46: {  	[sflag:s17] =	ssyncset.done $0x0  }
0x47: {  	[sflag:s17] =	ssyncadd.s32 $0xFFFFFFB0  }
0x48: {  	[tilespmem:s19], [sflag:$0x3] =	stream.indirect.gather [hbm4b:s3+s18], $0x80, s2, s18, $0xb8;
	[tilespmem:$0x5100] =	vst v63  }
0x49: {  	_ =	swait.ge [sflag:s20], $0x50  }
0x4a: {  	[sflag:s20] =	ssyncset.done $0x0  }
0x4b: {  	[sflag:s20] =	ssyncadd.s32 $0xFFFFFFB0  }
0x4c: {  	[tilespmem:s21], [sflag:$0x4] =	stream.indirect.gather [hbm4b:s3+s18], $0x80, s16, s18, $0xb8;
	[tilespmem:$0x5100] =	vst v63  }
0x4d: {  	_ =	swait.ge [sflag:s22], $0x2800  }
0x4e: {  	[sflag:s22] =	ssyncset.done $0x0  }
0x4f: {  	s30 =	sadd.s32 $0xFFFFFB00, s28;
	p0 =	seq.s32 s29, $0x4B0;
	[sflag:s22] =	ssyncadd.s32 $0xFFFFD800  }
0x50: {  	[hbm4b:s30+s2] =	stream.linear.scatter [tilespmem:s19], [sflag:$0x5], $0x2800, $0x38;
	[tilespmem:$0x5100] =	vst v63  }
.Ltmp2:
0x51: {  	_ = 	snop;
	(pc) =	sbr.rel @p0 .LBB2_4-.Ltmp2, $4  }
0x52: {  	_ =	swait.ge [sflag:s23], $0x2800  }
0x53: {  	[sflag:s23] =	ssyncset.done $0x0  }
0x54: {  	[sflag:s23] =	ssyncadd.s32 $0xFFFFD800  }
0x55: {  	[hbm4b:s28+s2] =	stream.linear.scatter [tilespmem:s21], [sflag:$0x6], $0x2800, $0x38;
	[tilespmem:$0x5100] =	vst v63  }
.Ltmp3:
0x56: {  	(pc) =	sbr.rel .LBB2_2-.Ltmp3, $4  }
0x57: {  	s30 =	sadd.s32 s29, s14  }
0x58: {  	[tilespmem:s2], [sflag:$0x1] =	stream.linear.gather [hbm4b:s30+s2], $0x50, $0x38;
	[tilespmem:$0x5100] =	vst v63  }
0x59: {  	s31 =	sadd.s32 s29, s13;
	s29 =	sadd.s32 $0x14, s29;
	s28 =	sadd.s32 $0xA00, s28  }
0x5a: {  	[tilespmem:s16], [sflag:$0x2] =	stream.linear.gather [hbm4b:s31+s2], $0x50, $0x38;
	[tilespmem:$0x5100] =	vst v63  }
.LBB2_5:
0x5b: {  	_ =	sfence.sel $0x180000  }
0x5c: {  	[bflag:$0x0] =	sbarrier.arrive $0xFFFF  }
0x5d: {  	p0 =	sne.s32 s1, $0x0;
	_ =	strace $0x90000047  }
0x5e: {  	s0 =	sadd.s32 @!p0 $0x100000, s0;
	[bflag:$0x2] =	sbarrier.arrive $0xFFFF  }
0x5f: {  	[sflag:s0] =	ssyncadd.tile.s32 @!p0 $0x1;
	_ =	shalt  }
.Lfunc_end2:
_tile_overlayer_lowered:
.L_overlay_start_2:
0x60: {  	(tag) =	ssettag $0x2  }
0x61: {  	s0 =	rddreg [dreg:$0x0];
	s2 =	stileid.u32  }
0x62: {  	s1 =	rddreg [dreg:$0x1];
	p0 =	sne.s32 s2, $0x0  }
0x63: {  	s3 =	rddreg [dreg:$0x2];
	[bflag:$0x3] =	sbarrier.arrive $0xFFFF;
	s2 =	simm.s32 @!p0 $0x1C07  }
0x64: {  	[timem:s3], [sflag:s2] =	dma.local @!p0 [hbm:s0], s1  }
0x65: {  	s0 =	simm.s32 @!p0 $0x7  }
0x66: {  	_ =	swait.ge @!p0 [sflag:s0], s1  }
0x67: {  	s1 =	ssub.s32 @!p0 $0x0, s1;
	[sflag:s0] =	ssyncset.done @!p0 $0x0  }
0x68: {  	[sflag:s0] =	ssyncadd.s32 @!p0 s1  }
0x69: {  	[bflag:$0x3] =	sbarrier.arrive $0xFFFF  }
0x6a: {  	_ =	shalt  }

// kernel: kernel.16.cloned.1.call-start
scs
__scs_entry_jumppad:
0x0: {  	(pc) =	sbr.rel $0x88, $3  }
0x1: {  	(tag) =	ssettag $0x0;
	lr =	simm.s32 $0x1  }
0x2: {  	[smem:$0x3F7D] =	sst lr;
	_ =	strace $0xD0000000  }
0x3: {  	_ = 	snop  }
0x4: {  	_ = 	snop  }
0x5: {  	_ = 	snop  }
0x6: {  	_ = 	snop  }
0x7: {  	_ = 	snop  }
__scs_overlays_trampoline_lowered:
0x8: {  	[smem:$0x3F8C] =	sst s0  }
0x9: {  	[smem:$0x3F8D] =	sst s1  }
0xa: {  	[smem:$0x3F8E] =	sst s2  }
0xb: {  	[smem:$0x3F8F] =	sst s3  }
0xc: {  	[smem:$0x3F90] =	sst s4  }
0xd: {  	[smem:$0x3F91] =	sst s5  }
0xe: {  	[smem:$0x3F92] =	sst s6  }
0xf: {  	[smem:$0x3F93] =	sst s7  }
0x10: {  	[smem:$0x3F94] =	sst s8  }
0x11: {  	[smem:$0x3F95] =	sst s9;
	s0 =	simm.s32 @!p0 $0x0  }
0x12: {  	s1 =	sld [smem:$0x3F7B];
	s0 =	simm.s32 @p0 $0x1  }
0x13: {  	[smem:$0x3F96] =	sst s0;
	s0 =	simm.s32 @!p1 $0x0  }
0x14: {  	s2 =	sld [smem:$0x3F7A];
	s0 =	simm.s32 @p1 $0x1  }
0x15: {  	[smem:$0x3F97] =	sst s0;
	s0 =	simm.s32 @!p2 $0x0  }
0x16: {  	s3 =	sld [smem:$0x3FDB];
	s0 =	simm.s32 @p2 $0x1  }
0x17: {  	s4 =	simm.s32 $0x1BF5;
	[smem:$0x3F99] =	sst s0  }
0x18: {  	s0 =	sld [smem:$0x3F7C];
	_ =	swait.ge [sflag:s4], $0x0  }
0x19: {  	s7 =	sld [smem:$0x3F7D]  }
0x1a: {  	s8 =	sadd.s32 $0xFFFFE003, lr  }
0x1b: {  	s9 =	sadd.s32 $0xFFFFFEF7, lr;
	s5 =	simm.s32 $0xFFFFFFFF;
	p2 =	slt.u32 s8, $0xFFFFF086  }
0x1c: {  	p1 =	slt.u32 s9, $0xF7A;
	s5 =	simm.s32 @!p2 $0x0  }
0x1d: {  	s5 =	simm.s32 @p1 $0x1;
	p0 =	seq.s32 s7, s2  }
0x1e: {  	s7 =	smul.u32 @!p0 $0xF7A, s2;
	p2 =	seq.s32 @!p0 s5, $0x0  }
0x1f: {  	s9 =	smul.u32 $0xF7A, s1;
	s8 =	simm.s32 @!p0 $0x1BF5;
	p2 =	por !p2, p0  }
0x20: {  	[sflag:s8] =	ssyncset.s32 @!p0 $0xFFFFF086;
	s6 =	sadd.s32 @!p0 s3, s7;
	s7 =	simm.s32 @!p0 $0x108  }
0x21: {  	s3 =	sadd.s32 s3, s9;
	s6 =	sadd.s32 @!p0 $0x88, s6;
	s7 =	simm.s32 @p2 $0x1082  }
0x22: {  	[simem:s7], [sflag:s8] =	dma.local @!p0 [hbm:s6], $0xF7A  }
0x23: {  	s9 =	sor.u32 $0xD0000000, s2;
	s6 =	simm.s32 $0x108;
	_ =	swait.ge @!p0 [sflag:s8], $0x0  }
0x24: {  	s3 =	sadd.s32 $0x88, s3;
	s6 =	simm.s32 @!p1 $0x1082;
	[sflag:s4] =	ssyncset.s32 $0xFFFFF086  }
0x25: {  	[simem:s6], [sflag:s4] =	dma.local [hbm:s3], $0xF7A  }
0x26: {  	[smem:$0x3F7D] =	sst s1;
	(tag) =	ssettag s2;
	_ =	strace s9  }
0x27: {  	s1 =	sld [smem:$0x3F8D]  }
0x28: {  	s2 =	sld [smem:$0x3F8E]  }
0x29: {  	s4 =	sld [smem:$0x3F90]  }
0x2a: {  	p0 =	seq.s32 s5, $0x0;
	s5 =	sld [smem:$0x3F91]  }
0x2b: {  	s6 =	sld [smem:$0x3F92]  }
0x2c: {  	s7 =	sld [smem:$0x3F93]  }
0x2d: {  	s3 =	simm.s32 $0x108;
	s8 =	sld [smem:$0x3F94]  }
0x2e: {  	s3 =	simm.s32 @!p0 $0x1082;
	s9 =	sld [smem:$0x3F95]  }
0x2f: {  	lr =	sadd.s32 s0, s3;
	s0 =	sld [smem:$0x3F8C]  }
0x30: {  	s3 =	sld [smem:$0x3F8F]  }
0x31: {  	[smem:$0x3F98] =	sst s10  }
0x32: {  	s10 =	sld [smem:$0x3F96];
	_ =	sdelay $0x3  }
0x33: {  	p0 =	seq.s32 s10, $0x1;
	s10 =	sld [smem:$0x3F98];
	_ =	sdelay $0x3  }
0x34: {  	[smem:$0x3F98] =	sst s10  }
0x35: {  	s10 =	sld [smem:$0x3F97];
	_ =	sdelay $0x3  }
0x36: {  	p1 =	seq.s32 s10, $0x1;
	s10 =	sld [smem:$0x3F98];
	_ =	sdelay $0x3  }
0x37: {  	[smem:$0x3F98] =	sst s10  }
0x38: {  	s10 =	sld [smem:$0x3F99]  }
0x39: {  	_ = 	snop;
	(pc) =	sbr.ind lr, $3  }
0x3a: {  	_ = 	snop  }
0x3b: {  	_ = 	snop  }
0x3c: {  	p2 =	seq.s32 s10, $0x1;
	s10 =	sld [smem:$0x3F98]  }
0x3d: {  	_ =	shalt  }
0x3e: {  	_ =	shalt  }
0x3f: {  	_ =	shalt  }
0x40: {  	_ =	shalt  }
0x41: {  	_ =	shalt  }
0x42: {  	_ =	shalt  }
0x43: {  	_ =	shalt  }
0x44: {  	_ =	shalt  }
0x45: {  	_ =	shalt  }
0x46: {  	_ =	shalt  }
0x47: {  	_ =	shalt  }
0x48: {  	_ =	shalt  }
0x49: {  	_ =	shalt  }
0x4a: {  	_ =	shalt  }
0x4b: {  	_ =	shalt  }
0x4c: {  	_ =	shalt  }
0x4d: {  	_ =	shalt  }
0x4e: {  	_ =	shalt  }
0x4f: {  	_ =	shalt  }
0x50: {  	_ =	shalt  }
0x51: {  	_ =	shalt  }
0x52: {  	_ =	shalt  }
0x53: {  	_ =	shalt  }
0x54: {  	_ =	shalt  }
0x55: {  	_ =	shalt  }
0x56: {  	_ =	shalt  }
0x57: {  	_ =	shalt  }
0x58: {  	_ =	shalt  }
0x59: {  	_ =	shalt  }
0x5a: {  	_ =	shalt  }
0x5b: {  	_ =	shalt  }
0x5c: {  	_ =	shalt  }
0x5d: {  	_ =	shalt  }
0x5e: {  	_ =	shalt  }
0x5f: {  	_ =	shalt  }
0x60: {  	_ =	shalt  }
0x61: {  	_ =	shalt  }
0x62: {  	_ =	shalt  }
0x63: {  	_ =	shalt  }
0x64: {  	_ =	shalt  }
0x65: {  	_ =	shalt  }
0x66: {  	_ =	shalt  }
0x67: {  	_ =	shalt  }
0x68: {  	_ =	shalt  }
0x69: {  	_ =	shalt  }
0x6a: {  	_ =	shalt  }
0x6b: {  	_ =	shalt  }
0x6c: {  	_ =	shalt  }
0x6d: {  	_ =	shalt  }
0x6e: {  	_ =	shalt  }
0x6f: {  	_ =	shalt  }
0x70: {  	_ =	shalt  }
0x71: {  	_ =	shalt  }
0x72: {  	_ =	shalt  }
0x73: {  	_ =	shalt  }
0x74: {  	_ =	shalt  }
0x75: {  	_ =	shalt  }
0x76: {  	_ =	shalt  }
0x77: {  	_ =	shalt  }
0x78: {  	_ =	shalt  }
0x79: {  	_ =	shalt  }
0x7a: {  	_ =	shalt  }
0x7b: {  	_ =	shalt  }
0x7c: {  	_ =	shalt  }
0x7d: {  	_ =	shalt  }
0x7e: {  	_ =	shalt  }
0x7f: {  	_ =	shalt  }
0x80: {  	_ =	shalt  }
0x81: {  	_ =	shalt  }
0x82: {  	_ =	shalt  }
0x83: {  	_ =	shalt  }
0x84: {  	_ =	shalt  }
0x85: {  	_ =	shalt  }
0x86: {  	_ =	shalt  }
0x87: {  	_ =	shalt  }
.Lfunc_end0:
.L_simem_size_0:
called_computation.1_lowered:
.L_overlay_start_0:
0x88: {  	s2 =	sld [smem:$0x3FD9]  }
0x89: {  	s3 =	sld [smem:$0x3FFE];
	_ =	sdelay $0x1  }
0x8a: {  	s1 =	srdreg.scid  }
0x8b: {  	s0 =	sand.u32 $0x1, s1  }
0x8c: {  	s16 =	sshll.u32 s0, $0xA;
	s2 =	sadd.s32 s3, s2  }
0x8d: {  	s2 =	sadd.s32 s2, s16  }
0x8e: {  	[smem:$0x3FA4] =	sst s2  }
0x8f: {  	_ = 	snop  }
0x90: {  	(tm) =	ssettm $0x1  }
0x91: {  	s17 =	sld [smem:$0x3FFB];
	_ =	sdelay $0x3  }
0x92: {  	_ =	strace s17  }
0x93: {  	s2 =	sld [smem:$0x3FFC];
	_ =	sdelay $0x3  }
0x94: {  	_ =	strace s2  }
0x95: {  	s2 =	sld [smem:$0x3FFD];
	_ =	sdelay $0x3  }
0x96: {  	_ =	strace s2  }
0x97: {  	_ =	strace $0x8FFFFFFF  }
0x98: {  	s18 =	sld [smem:$0x3FDB];
	_ =	sdelay $0x1  }
0x99: {  	s19 =	simm.s32 $_scs_section_size  }
0x9a: {  	s4 =	simm.s32 $_size__tile_overlayer_lowered;
	s5 =	simm.s32 $_tile_overlayer_lowered  }
0x9b: {  	s22 =	simm.s32 $0x1BFF;
	s21 =	sshll.u32 s5, $0x1;
	s2 =	sadd.s32 s19, s18  }
0x9c: {  	s6 =	simm.s32 $0x0;
	s20 =	sshll.u32 s4, $0x1;
	s4 =	sadd.s32 s21, s2  }
0x9d: {  	[timem:s6], [sflag:s22] =	dma.local [hbm:s4], s20  }
0x9e: {  	_ =	swait.ge [sflag:s22], s20  }
0x9f: {  	s3 =	ssub.s32 $0x0, s20;
	[sflag:s22] =	ssyncset.done $0x0  }
0xa0: {  	[sflag:s22] =	ssyncadd.s32 s3;
	_ =	sdelay $0x1  }
0xa1: {  	s23 =	simm.s32 $0x1B8B  }
0xa2: {  	_ =	swait.ge [sflag:s23], $0x1  }
0xa3: {  	[sflag:s23] =	ssyncset.done $0x0  }
0xa4: {  	s25 =	simm.s32 $0x1B8E;
	s24 =	sld [smem:$0x3FFE];
	[sflag:s23] =	ssyncadd.s32 $0xFFFFFFFF  }
0xa5: {  	s26 =	simm.s32 $execute0_lowered;
	[smem:$0x3FD2] =	sst s25  }
0xa6: {  	s4 =	sshll.u32 s26, $0x1;
	_ =	strace $0x80000049;
	[dreg:$0x1] =	wrdreg $0xFFFFFFFF  }
0xa7: {  	s28 =	simm.s32 $_size_execute0_lowered;
	s2 =	sadd.s32 s2, s4;
	[dreg:$0x0] =	wrdreg $0x0  }
0xa8: {  	s4 =	sshll.u32 s28, $0x1;
	[dreg:$0x2] =	wrdreg s2  }
0xa9: {  	[dreg:$0x3] =	wrdreg s4  }
0xaa: {  	[dreg:$0x4] =	wrdreg $0xC0  }
0xab: {  	_ =	task [dreg:s6], $0x5FFFF  }
0xac: {  	[dreg:$0x1] =	wrdreg $0xFFFFFFFF  }
0xad: {  	[dreg:$0x0] =	wrdreg $0x60  }
0xae: {  	[dreg:$0x2] =	wrdreg s24  }
0xaf: {  	[dreg:$0x3] =	wrdreg $0x9  }
0xb0: {  	_ =	task.clear_ibuf [dreg:s6], $0x4FFFF;
	_ =	strace $0x90000049  }
0xb1: {  	s29 =	simm.s32 $0x9;
	_ =	strace $0x8000004B  }
0xb2: {  	_ =	swait.ge [sflag:s29], $0x1  }
0xb3: {  	[sflag:s29] =	ssyncadd.s32 $0xFFFFFFFF  }
0xb4: {  	_ =	strace $0x9000004B  }
0xb5: {  	_ =	sfence  }
0xb6: {  	s30 =	sld [smem:$0x0];
	_ =	sdelay $0x2  }
0xb7: {  	s31 =	sshll.u32 s1, $0xD;
	s1 =	sshrl.u32 s1, $0x2  }
0xb8: {  	s3 =	sand.u32 $0x4000, s31;
	s1 =	sadd.s32 s1, s30  }
0xb9: {  	s0 =	sor.u32 s3, s0;
	s1 =	sshll.u32 s1, $0x11  }
0xba: {  	s0 =	sor.u32 s1, s0  }
0xbb: {  	s0 =	sadd.s32 $0x8F2B, s0  }
0xbc: {  	[sflag:s0] =	ssyncadd.remote.s32 $0x1  }
0xbd: {  	_ =	sfence.sel $0xFFFF  }
0xbe: {  	[dreg:$0x0] =	wrdreg $0xFFFFFFFF;
	(pc) =	sbr.abs _section_cstart, $3  }
0xbf: {  	[dreg:$0x1] =	wrdreg $0xFFFFFFFF  }
0xc0: {  	_ =	task.clear_ibuf [dreg:s6], $0x2FFFF;
	_ =	strace $0x9FFFFFFF  }
0xc1: {  	(tm) =	ssettm $0x7FFFFFFF  }
tec
execute0_lowered:
.L_overlay_start_1:
0x0: {  	(tag) =	ssettag $0x1  }
0x1: {  	s4 =	rddreg [dreg:$0x0]  }
0x2: {  	s0 =	rddreg [dreg:$0x1];
	s2 =	simm.s32 $0x0  }
0x3: {  	s3 =	srdreg.scid;
	s1 =	stileid.u32;
	s20 =	simm.s32 $0x2  }
0x4: {  	s21 =	simm.s32 $0x2900;
	s22 =	simm.s32 $0x3;
	s16 =	smul.u32 $0x4E20, s1  }
0x5: {  	s23 =	simm.s32 $0x4;
	s13 =	sand.u32 $0x1, s3;
	s30 =	smul.u32 $0x4E200, s1  }
0x6: {  	[smem:$0x7FF] =	sst s2;
	s5 =	sshll.u32 s1, $0x1;
	s17 =	smul.u32 $0x2710, s13  }
0x7: {  	s3 =	sadd.s32 $0x1B400, s4;
	s6 =	sor.u32 s13, s5;
	s19 =	smul.u32 $0x27100, s13  }
0x8: {  	s14 =	sadd.s32 $0x11600, s4;
	s24 =	ssub.s32 $0x2, s13;
	s7 =	smul.u32 $0x2710, s6  }
0x9: {  	s15 =	sadd.s32 $0x69800, s4;
	s25 =	sshrl.u32 s24, $0x1;
	s8 =	smul.u32 $0x138800, s6  }
0xa: {  	_ =	strace $0x8000004A;
	s11 =	smul.u32 $0x27100, s6;
	s9 =	ssub.s32 s24, s25  }
0xb: {  	s16 =	sadd.s32 s17, s16;
	s17 =	simm.s32 $0x1;
	s24 =	simm.s32 $0x5  }
0xc: {  	s25 =	simm.s32 $0x6;
	s26 =	sshrl.u32 s7, $0x3;
	s10 =	sadd.s32 $0x50, s7  }
0xd: {  	s29 =	sshrl.u32 s8, $0x3;
	s8 =	smax.u32 s9, $0x1;
	s9 =	sadd.s32 s15, s11  }
0xe: {  	s18 =	sadd.s32 $0x190, s16;
	s16 =	sadd.s32 $0x140, s16;
	s4 =	sadd.s32 s14, s26  }
0xf: {  	s28 =	sshrl.u32 s10, $0x3;
	s7 =	sadd.s32 s15, s29;
	s10 =	sshll.u32 s10, $0x4  }
0x10: {  	s31 =	sshrl.u32 s18, $0x3;
	s16 =	sshrl.u32 s16, $0x3;
	s18 =	simm.s32 $0x50  }
.Ltmp0:
0x11: {  	s26 =	simm.s32 $0x0;
	s5 =	sadd.s32 s14, s28;
	(pc) =	sbr.rel .LBB2_1-.Ltmp0, $4  }
0x12: {  	s6 =	sadd.s32 $0x4D8, s4;
	s7 =	sadd.s32 $0x26C00, s7;
	s10 =	sadd.s32 s15, s10  }
0x13: {  	s11 =	sadd.s32 $0x14, s4;
	s12 =	sadd.s32 $0x1E, s4;
	s15 =	sadd.s32 s30, s15  }
0x14: {  	s13 =	sadd.s32 s31, s14;
	s14 =	sadd.s32 s16, s14;
	s15 =	sadd.s32 s19, s15  }
0x15: {  	s16 =	simm.s32 $0x80;
	s19 =	simm.s32 $0x100;
	s15 =	sadd.s32 $0xF00, s15  }
.LBB2_4:
0x16: {  	[tilespmem:s2], [sflag:$0x1] =	stream.linear.gather [hbm4b:s6+s2], $0x50, $0x38;
	[tilespmem:$0x5100] =	vst v63  }
0x17: {  	_ =	swait.ge [sflag:s24], $0x2800  }
0x18: {  	[sflag:s24] =	ssyncset.done $0x0  }
0x19: {  	[sflag:s24] =	ssyncadd.s32 $0xFFFFD800  }
0x1a: {  	_ =	swait.ge [sflag:s17], $0x50  }
0x1b: {  	[sflag:s17] =	ssyncset.done $0x0  }
0x1c: {  	[sflag:s17] =	ssyncadd.s32 $0xFFFFFFB0  }
0x1d: {  	[tilespmem:s19], [sflag:$0x3] =	stream.indirect.gather [hbm4b:s3+s18], $0x80, s2, s18, $0xb8;
	[tilespmem:$0x5100] =	vst v63  }
0x1e: {  	_ =	swait.ge [sflag:s22], $0x2800  }
0x1f: {  	[sflag:s22] =	ssyncset.done $0x0  }
0x20: {  	s26 =	sadd.s32 $0x1, s26;
	[sflag:s22] =	ssyncadd.s32 $0xFFFFD800  }
0x21: {  	[hbm4b:s7+s2] =	stream.linear.scatter [tilespmem:s19], [sflag:$0x5], $0x2800, $0x38;
	[tilespmem:$0x5100] =	vst v63  }
0x22: {  	p0 =	sne.s32 s26, s8;
	_ =	swait.ge [sflag:s24], $0x2800  }
.Ltmp1:
0x23: {  	[sflag:s24] =	ssyncset.done $0x0;
	(pc) =	sbr.rel @!p0 .LBB2_5-.Ltmp1, $4  }
0x24: {  	[sflag:s24] =	ssyncadd.s32 $0xFFFFD800  }
0x25: {  	_ =	swait.ge [sflag:s25], $0x2800  }
0x26: {  	[sflag:s25] =	ssyncset.done $0x0  }
0x27: {  	[sflag:s25] =	ssyncadd.s32 $0xFFFFD800  }
.LBB2_1:
0x28: {  	[tilespmem:s2], [sflag:$0x1] =	stream.linear.gather [hbm4b:s4+s2], $0x50, $0x38;
	[tilespmem:$0x5100] =	vst v63  }
0x29: {  	_ = 	snop  }
0x2a: {  	[tilespmem:s16], [sflag:$0x2] =	stream.linear.gather [hbm4b:s5+s2], $0x50, $0x38;
	[tilespmem:$0x5100] =	vst v63  }
0x2b: {  	_ =	swait.ge [sflag:s17], $0x50  }
0x2c: {  	[sflag:s17] =	ssyncset.done $0x0  }
0x2d: {  	[sflag:s17] =	ssyncadd.s32 $0xFFFFFFB0  }
0x2e: {  	[tilespmem:s19], [sflag:$0x3] =	stream.indirect.gather [hbm4b:s3+s18], $0x80, s2, s18, $0xb8;
	[tilespmem:$0x5100] =	vst v63  }
0x2f: {  	_ =	swait.ge [sflag:s20], $0x50  }
0x30: {  	[sflag:s20] =	ssyncset.done $0x0  }
0x31: {  	[sflag:s20] =	ssyncadd.s32 $0xFFFFFFB0  }
0x32: {  	[tilespmem:s21], [sflag:$0x4] =	stream.indirect.gather [hbm4b:s3+s18], $0x80, s16, s18, $0xb8;
	[tilespmem:$0x5100] =	vst v63  }
0x33: {  	_ =	swait.ge [sflag:s22], $0x2800  }
0x34: {  	[sflag:s22] =	ssyncset.done $0x0  }
0x35: {  	[sflag:s22] =	ssyncadd.s32 $0xFFFFD800  }
0x36: {  	[hbm4b:s9+s2] =	stream.linear.scatter [tilespmem:s19], [sflag:$0x5], $0x2800, $0x38;
	[tilespmem:$0x5100] =	vst v63  }
0x37: {  	_ =	swait.ge [sflag:s23], $0x2800  }
0x38: {  	[sflag:s23] =	ssyncset.done $0x0  }
0x39: {  	[sflag:s23] =	ssyncadd.s32 $0xFFFFD800  }
0x3a: {  	[hbm4b:s10+s2] =	stream.linear.scatter [tilespmem:s21], [sflag:$0x6], $0x2800, $0x38;
	[tilespmem:$0x5100] =	vst v63  }
0x3b: {  	_ = 	snop  }
0x3c: {  	[tilespmem:s2], [sflag:$0x1] =	stream.linear.gather [hbm4b:s11+s2], $0x50, $0x38;
	[tilespmem:$0x5100] =	vst v63  }
0x3d: {  	s28 =	smov.u32 s15;
	s29 =	simm.s32 $0x0  }
0x3e: {  	[tilespmem:s16], [sflag:$0x2] =	stream.linear.gather [hbm4b:s12+s2], $0x50, $0x38;
	[tilespmem:$0x5100] =	vst v63  }
.LBB2_2:
0x3f: {  	_ =	swait.ge [sflag:s24], $0x2800  }
0x40: {  	[sflag:s24] =	ssyncset.done $0x0  }
0x41: {  	[sflag:s24] =	ssyncadd.s32 $0xFFFFD800  }
0x42: {  	_ =	swait.ge [sflag:s25], $0x2800  }
0x43: {  	[sflag:s25] =	ssyncset.done $0x0  }
0x44: {  	[sflag:s25] =	ssyncadd.s32 $0xFFFFD800  }
0x45: {  	_ =	swait.ge [sflag:s17], $0x50  }
0x46: {  	[sflag:s17] =	ssyncset.done $0x0  }
0x47: {  	[sflag:s17] =	ssyncadd.s32 $0xFFFFFFB0  }
0x48: {  	[tilespmem:s19], [sflag:$0x3] =	stream.indirect.gather [hbm4b:s3+s18], $0x80, s2, s18, $0xb8;
	[tilespmem:$0x5100] =	vst v63  }
0x49: {  	_ =	swait.ge [sflag:s20], $0x50  }
0x4a: {  	[sflag:s20] =	ssyncset.done $0x0  }
0x4b: {  	[sflag:s20] =	ssyncadd.s32 $0xFFFFFFB0  }
0x4c: {  	[tilespmem:s21], [sflag:$0x4] =	stream.indirect.gather [hbm4b:s3+s18], $0x80, s16, s18, $0xb8;
	[tilespmem:$0x5100] =	vst v63  }
0x4d: {  	_ =	swait.ge [sflag:s22], $0x2800  }
0x4e: {  	[sflag:s22] =	ssyncset.done $0x0  }
0x4f: {  	s30 =	sadd.s32 $0xFFFFFB00, s28;
	p0 =	seq.s32 s29, $0x4B0;
	[sflag:s22] =	ssyncadd.s32 $0xFFFFD800  }
0x50: {  	[hbm4b:s30+s2] =	stream.linear.scatter [tilespmem:s19], [sflag:$0x5], $0x2800, $0x38;
	[tilespmem:$0x5100] =	vst v63  }
.Ltmp2:
0x51: {  	_ = 	snop;
	(pc) =	sbr.rel @p0 .LBB2_4-.Ltmp2, $4  }
0x52: {  	_ =	swait.ge [sflag:s23], $0x2800  }
0x53: {  	[sflag:s23] =	ssyncset.done $0x0  }
0x54: {  	[sflag:s23] =	ssyncadd.s32 $0xFFFFD800  }
0x55: {  	[hbm4b:s28+s2] =	stream.linear.scatter [tilespmem:s21], [sflag:$0x6], $0x2800, $0x38;
	[tilespmem:$0x5100] =	vst v63  }
.Ltmp3:
0x56: {  	(pc) =	sbr.rel .LBB2_2-.Ltmp3, $4  }
0x57: {  	s30 =	sadd.s32 s29, s14  }
0x58: {  	[tilespmem:s2], [sflag:$0x1] =	stream.linear.gather [hbm4b:s30+s2], $0x50, $0x38;
	[tilespmem:$0x5100] =	vst v63  }
0x59: {  	s31 =	sadd.s32 s29, s13;
	s29 =	sadd.s32 $0x14, s29;
	s28 =	sadd.s32 $0xA00, s28  }
0x5a: {  	[tilespmem:s16], [sflag:$0x2] =	stream.linear.gather [hbm4b:s31+s2], $0x50, $0x38;
	[tilespmem:$0x5100] =	vst v63  }
.LBB2_5:
0x5b: {  	_ =	sfence.sel $0x180000  }
0x5c: {  	[bflag:$0x0] =	sbarrier.arrive $0xFFFF  }
0x5d: {  	p0 =	sne.s32 s1, $0x0;
	_ =	strace $0x9000004A  }
0x5e: {  	s0 =	sadd.s32 @!p0 $0x100000, s0;
	[bflag:$0x2] =	sbarrier.arrive $0xFFFF  }
0x5f: {  	[sflag:s0] =	ssyncadd.tile.s32 @!p0 $0x1;
	_ =	shalt  }
.Lfunc_end2:
_tile_overlayer_lowered:
.L_overlay_start_2:
0x60: {  	(tag) =	ssettag $0x2  }
0x61: {  	s0 =	rddreg [dreg:$0x0];
	s2 =	stileid.u32  }
0x62: {  	s1 =	rddreg [dreg:$0x1];
	p0 =	sne.s32 s2, $0x0  }
0x63: {  	s3 =	rddreg [dreg:$0x2];
	[bflag:$0x3] =	sbarrier.arrive $0xFFFF;
	s2 =	simm.s32 @!p0 $0x1C07  }
0x64: {  	[timem:s3], [sflag:s2] =	dma.local @!p0 [hbm:s0], s1  }
0x65: {  	s0 =	simm.s32 @!p0 $0x7  }
0x66: {  	_ =	swait.ge @!p0 [sflag:s0], s1  }
0x67: {  	s1 =	ssub.s32 @!p0 $0x0, s1;
	[sflag:s0] =	ssyncset.done @!p0 $0x0  }
0x68: {  	[sflag:s0] =	ssyncadd.s32 @!p0 s1  }
0x69: {  	[bflag:$0x3] =	sbarrier.arrive $0xFFFF  }
0x6a: {  	_ =	shalt  }

// kernel: kernel.19.cloned.1.call-start
scs
__scs_entry_jumppad:
0x0: {  	(pc) =	sbr.rel $0x88, $3  }
0x1: {  	(tag) =	ssettag $0x0;
	lr =	simm.s32 $0x1  }
0x2: {  	[smem:$0x3F7D] =	sst lr;
	_ =	strace $0xD0000000  }
0x3: {  	_ = 	snop  }
0x4: {  	_ = 	snop  }
0x5: {  	_ = 	snop  }
0x6: {  	_ = 	snop  }
0x7: {  	_ = 	snop  }
__scs_overlays_trampoline_lowered:
0x8: {  	[smem:$0x3F8C] =	sst s0  }
0x9: {  	[smem:$0x3F8D] =	sst s1  }
0xa: {  	[smem:$0x3F8E] =	sst s2  }
0xb: {  	[smem:$0x3F8F] =	sst s3  }
0xc: {  	[smem:$0x3F90] =	sst s4  }
0xd: {  	[smem:$0x3F91] =	sst s5  }
0xe: {  	[smem:$0x3F92] =	sst s6  }
0xf: {  	[smem:$0x3F93] =	sst s7  }
0x10: {  	[smem:$0x3F94] =	sst s8  }
0x11: {  	[smem:$0x3F95] =	sst s9;
	s0 =	simm.s32 @!p0 $0x0  }
0x12: {  	s1 =	sld [smem:$0x3F7B];
	s0 =	simm.s32 @p0 $0x1  }
0x13: {  	[smem:$0x3F96] =	sst s0;
	s0 =	simm.s32 @!p1 $0x0  }
0x14: {  	s2 =	sld [smem:$0x3F7A];
	s0 =	simm.s32 @p1 $0x1  }
0x15: {  	[smem:$0x3F97] =	sst s0;
	s0 =	simm.s32 @!p2 $0x0  }
0x16: {  	s3 =	sld [smem:$0x3FDB];
	s0 =	simm.s32 @p2 $0x1  }
0x17: {  	s4 =	simm.s32 $0x1BF5;
	[smem:$0x3F99] =	sst s0  }
0x18: {  	s0 =	sld [smem:$0x3F7C];
	_ =	swait.ge [sflag:s4], $0x0  }
0x19: {  	s7 =	sld [smem:$0x3F7D]  }
0x1a: {  	s8 =	sadd.s32 $0xFFFFE003, lr  }
0x1b: {  	s9 =	sadd.s32 $0xFFFFFEF7, lr;
	s5 =	simm.s32 $0xFFFFFFFF;
	p2 =	slt.u32 s8, $0xFFFFF086  }
0x1c: {  	p1 =	slt.u32 s9, $0xF7A;
	s5 =	simm.s32 @!p2 $0x0  }
0x1d: {  	s5 =	simm.s32 @p1 $0x1;
	p0 =	seq.s32 s7, s2  }
0x1e: {  	s7 =	smul.u32 @!p0 $0xF7A, s2;
	p2 =	seq.s32 @!p0 s5, $0x0  }
0x1f: {  	s9 =	smul.u32 $0xF7A, s1;
	s8 =	simm.s32 @!p0 $0x1BF5;
	p2 =	por !p2, p0  }
0x20: {  	[sflag:s8] =	ssyncset.s32 @!p0 $0xFFFFF086;
	s6 =	sadd.s32 @!p0 s3, s7;
	s7 =	simm.s32 @!p0 $0x108  }
0x21: {  	s3 =	sadd.s32 s3, s9;
	s6 =	sadd.s32 @!p0 $0x88, s6;
	s7 =	simm.s32 @p2 $0x1082  }
0x22: {  	[simem:s7], [sflag:s8] =	dma.local @!p0 [hbm:s6], $0xF7A  }
0x23: {  	s9 =	sor.u32 $0xD0000000, s2;
	s6 =	simm.s32 $0x108;
	_ =	swait.ge @!p0 [sflag:s8], $0x0  }
0x24: {  	s3 =	sadd.s32 $0x88, s3;
	s6 =	simm.s32 @!p1 $0x1082;
	[sflag:s4] =	ssyncset.s32 $0xFFFFF086  }
0x25: {  	[simem:s6], [sflag:s4] =	dma.local [hbm:s3], $0xF7A  }
0x26: {  	[smem:$0x3F7D] =	sst s1;
	(tag) =	ssettag s2;
	_ =	strace s9  }
0x27: {  	s1 =	sld [smem:$0x3F8D]  }
0x28: {  	s2 =	sld [smem:$0x3F8E]  }
0x29: {  	s4 =	sld [smem:$0x3F90]  }
0x2a: {  	p0 =	seq.s32 s5, $0x0;
	s5 =	sld [smem:$0x3F91]  }
0x2b: {  	s6 =	sld [smem:$0x3F92]  }
0x2c: {  	s7 =	sld [smem:$0x3F93]  }
0x2d: {  	s3 =	simm.s32 $0x108;
	s8 =	sld [smem:$0x3F94]  }
0x2e: {  	s3 =	simm.s32 @!p0 $0x1082;
	s9 =	sld [smem:$0x3F95]  }
0x2f: {  	lr =	sadd.s32 s0, s3;
	s0 =	sld [smem:$0x3F8C]  }
0x30: {  	s3 =	sld [smem:$0x3F8F]  }
0x31: {  	[smem:$0x3F98] =	sst s10  }
0x32: {  	s10 =	sld [smem:$0x3F96];
	_ =	sdelay $0x3  }
0x33: {  	p0 =	seq.s32 s10, $0x1;
	s10 =	sld [smem:$0x3F98];
	_ =	sdelay $0x3  }
0x34: {  	[smem:$0x3F98] =	sst s10  }
0x35: {  	s10 =	sld [smem:$0x3F97];
	_ =	sdelay $0x3  }
0x36: {  	p1 =	seq.s32 s10, $0x1;
	s10 =	sld [smem:$0x3F98];
	_ =	sdelay $0x3  }
0x37: {  	[smem:$0x3F98] =	sst s10  }
0x38: {  	s10 =	sld [smem:$0x3F99]  }
0x39: {  	_ = 	snop;
	(pc) =	sbr.ind lr, $3  }
0x3a: {  	_ = 	snop  }
0x3b: {  	_ = 	snop  }
0x3c: {  	p2 =	seq.s32 s10, $0x1;
	s10 =	sld [smem:$0x3F98]  }
0x3d: {  	_ =	shalt  }
0x3e: {  	_ =	shalt  }
0x3f: {  	_ =	shalt  }
0x40: {  	_ =	shalt  }
0x41: {  	_ =	shalt  }
0x42: {  	_ =	shalt  }
0x43: {  	_ =	shalt  }
0x44: {  	_ =	shalt  }
0x45: {  	_ =	shalt  }
0x46: {  	_ =	shalt  }
0x47: {  	_ =	shalt  }
0x48: {  	_ =	shalt  }
0x49: {  	_ =	shalt  }
0x4a: {  	_ =	shalt  }
0x4b: {  	_ =	shalt  }
0x4c: {  	_ =	shalt  }
0x4d: {  	_ =	shalt  }
0x4e: {  	_ =	shalt  }
0x4f: {  	_ =	shalt  }
0x50: {  	_ =	shalt  }
0x51: {  	_ =	shalt  }
0x52: {  	_ =	shalt  }
0x53: {  	_ =	shalt  }
0x54: {  	_ =	shalt  }
0x55: {  	_ =	shalt  }
0x56: {  	_ =	shalt  }
0x57: {  	_ =	shalt  }
0x58: {  	_ =	shalt  }
0x59: {  	_ =	shalt  }
0x5a: {  	_ =	shalt  }
0x5b: {  	_ =	shalt  }
0x5c: {  	_ =	shalt  }
0x5d: {  	_ =	shalt  }
0x5e: {  	_ =	shalt  }
0x5f: {  	_ =	shalt  }
0x60: {  	_ =	shalt  }
0x61: {  	_ =	shalt  }
0x62: {  	_ =	shalt  }
0x63: {  	_ =	shalt  }
0x64: {  	_ =	shalt  }
0x65: {  	_ =	shalt  }
0x66: {  	_ =	shalt  }
0x67: {  	_ =	shalt  }
0x68: {  	_ =	shalt  }
0x69: {  	_ =	shalt  }
0x6a: {  	_ =	shalt  }
0x6b: {  	_ =	shalt  }
0x6c: {  	_ =	shalt  }
0x6d: {  	_ =	shalt  }
0x6e: {  	_ =	shalt  }
0x6f: {  	_ =	shalt  }
0x70: {  	_ =	shalt  }
0x71: {  	_ =	shalt  }
0x72: {  	_ =	shalt  }
0x73: {  	_ =	shalt  }
0x74: {  	_ =	shalt  }
0x75: {  	_ =	shalt  }
0x76: {  	_ =	shalt  }
0x77: {  	_ =	shalt  }
0x78: {  	_ =	shalt  }
0x79: {  	_ =	shalt  }
0x7a: {  	_ =	shalt  }
0x7b: {  	_ =	shalt  }
0x7c: {  	_ =	shalt  }
0x7d: {  	_ =	shalt  }
0x7e: {  	_ =	shalt  }
0x7f: {  	_ =	shalt  }
0x80: {  	_ =	shalt  }
0x81: {  	_ =	shalt  }
0x82: {  	_ =	shalt  }
0x83: {  	_ =	shalt  }
0x84: {  	_ =	shalt  }
0x85: {  	_ =	shalt  }
0x86: {  	_ =	shalt  }
0x87: {  	_ =	shalt  }
.Lfunc_end0:
.L_simem_size_0:
called_computation.2_lowered:
.L_overlay_start_0:
0x88: {  	s2 =	sld [smem:$0x3FD9]  }
0x89: {  	s3 =	sld [smem:$0x3FFE];
	_ =	sdelay $0x1  }
0x8a: {  	s1 =	srdreg.scid  }
0x8b: {  	s0 =	sand.u32 $0x1, s1  }
0x8c: {  	s16 =	sshll.u32 s0, $0xA;
	s2 =	sadd.s32 s3, s2  }
0x8d: {  	s2 =	sadd.s32 s2, s16  }
0x8e: {  	[smem:$0x3FA4] =	sst s2  }
0x8f: {  	_ = 	snop  }
0x90: {  	(tm) =	ssettm $0x1  }
0x91: {  	s17 =	sld [smem:$0x3FFB];
	_ =	sdelay $0x3  }
0x92: {  	_ =	strace s17  }
0x93: {  	s2 =	sld [smem:$0x3FFC];
	_ =	sdelay $0x3  }
0x94: {  	_ =	strace s2  }
0x95: {  	s2 =	sld [smem:$0x3FFD];
	_ =	sdelay $0x3  }
0x96: {  	_ =	strace s2  }
0x97: {  	_ =	strace $0x8FFFFFFF  }
0x98: {  	s18 =	sld [smem:$0x3FDB];
	_ =	sdelay $0x1  }
0x99: {  	s19 =	simm.s32 $_scs_section_size  }
0x9a: {  	s4 =	simm.s32 $_size__tile_overlayer_lowered;
	s5 =	simm.s32 $_tile_overlayer_lowered  }
0x9b: {  	s22 =	simm.s32 $0x1BFF;
	s21 =	sshll.u32 s5, $0x1;
	s2 =	sadd.s32 s19, s18  }
0x9c: {  	s6 =	simm.s32 $0x0;
	s20 =	sshll.u32 s4, $0x1;
	s4 =	sadd.s32 s21, s2  }
0x9d: {  	[timem:s6], [sflag:s22] =	dma.local [hbm:s4], s20  }
0x9e: {  	_ =	swait.ge [sflag:s22], s20  }
0x9f: {  	s3 =	ssub.s32 $0x0, s20;
	[sflag:s22] =	ssyncset.done $0x0  }
0xa0: {  	[sflag:s22] =	ssyncadd.s32 s3;
	_ =	sdelay $0x1  }
0xa1: {  	s23 =	simm.s32 $0x1B8B  }
0xa2: {  	_ =	swait.ge [sflag:s23], $0x1  }
0xa3: {  	[sflag:s23] =	ssyncset.done $0x0  }
0xa4: {  	s25 =	simm.s32 $0x1B8E;
	s24 =	sld [smem:$0x3FFE];
	[sflag:s23] =	ssyncadd.s32 $0xFFFFFFFF  }
0xa5: {  	s26 =	simm.s32 $execute0_lowered;
	[smem:$0x3FD2] =	sst s25  }
0xa6: {  	s4 =	sshll.u32 s26, $0x1;
	_ =	strace $0x8000004C;
	[dreg:$0x1] =	wrdreg $0xFFFFFFFF  }
0xa7: {  	s28 =	simm.s32 $_size_execute0_lowered;
	s2 =	sadd.s32 s2, s4;
	[dreg:$0x0] =	wrdreg $0x0  }
0xa8: {  	s4 =	sshll.u32 s28, $0x1;
	[dreg:$0x2] =	wrdreg s2  }
0xa9: {  	[dreg:$0x3] =	wrdreg s4  }
0xaa: {  	[dreg:$0x4] =	wrdreg $0xC0  }
0xab: {  	_ =	task [dreg:s6], $0x5FFFF  }
0xac: {  	[dreg:$0x1] =	wrdreg $0xFFFFFFFF  }
0xad: {  	[dreg:$0x0] =	wrdreg $0x60  }
0xae: {  	[dreg:$0x2] =	wrdreg s24  }
0xaf: {  	[dreg:$0x3] =	wrdreg $0x9  }
0xb0: {  	_ =	task.clear_ibuf [dreg:s6], $0x4FFFF;
	_ =	strace $0x9000004C  }
0xb1: {  	s29 =	simm.s32 $0x9;
	_ =	strace $0x8000004E  }
0xb2: {  	_ =	swait.ge [sflag:s29], $0x1  }
0xb3: {  	[sflag:s29] =	ssyncadd.s32 $0xFFFFFFFF  }
0xb4: {  	_ =	strace $0x9000004E  }
0xb5: {  	_ =	sfence  }
0xb6: {  	s30 =	sld [smem:$0x0];
	_ =	sdelay $0x2  }
0xb7: {  	s31 =	sshll.u32 s1, $0xD;
	s1 =	sshrl.u32 s1, $0x2  }
0xb8: {  	s3 =	sand.u32 $0x4000, s31;
	s1 =	sadd.s32 s1, s30  }
0xb9: {  	s0 =	sor.u32 s3, s0;
	s1 =	sshll.u32 s1, $0x11  }
0xba: {  	s0 =	sor.u32 s1, s0  }
0xbb: {  	s0 =	sadd.s32 $0x8F2B, s0  }
0xbc: {  	[sflag:s0] =	ssyncadd.remote.s32 $0x1  }
0xbd: {  	_ =	sfence.sel $0xFFFF  }
0xbe: {  	[dreg:$0x0] =	wrdreg $0xFFFFFFFF;
	(pc) =	sbr.abs _section_cstart, $3  }
0xbf: {  	[dreg:$0x1] =	wrdreg $0xFFFFFFFF  }
0xc0: {  	_ =	task.clear_ibuf [dreg:s6], $0x2FFFF;
	_ =	strace $0x9FFFFFFF  }
0xc1: {  	(tm) =	ssettm $0x7FFFFFFF  }
tec
execute0_lowered:
.L_overlay_start_1:
0x0: {  	(tag) =	ssettag $0x1  }
0x1: {  	s4 =	rddreg [dreg:$0x0]  }
0x2: {  	s0 =	rddreg [dreg:$0x1];
	s2 =	simm.s32 $0x0  }
0x3: {  	s3 =	srdreg.scid;
	s1 =	stileid.u32;
	s20 =	simm.s32 $0x2  }
0x4: {  	s21 =	simm.s32 $0x2900;
	s22 =	simm.s32 $0x3;
	s16 =	smul.u32 $0x4E20, s1  }
0x5: {  	s23 =	simm.s32 $0x4;
	s13 =	sand.u32 $0x1, s3;
	s30 =	smul.u32 $0x4E200, s1  }
0x6: {  	[smem:$0x7FF] =	sst s2;
	s5 =	sshll.u32 s1, $0x1;
	s17 =	smul.u32 $0x2710, s13  }
0x7: {  	s3 =	sadd.s32 $0x1B400, s4;
	s6 =	sor.u32 s13, s5;
	s19 =	smul.u32 $0x27100, s13  }
0x8: {  	s14 =	sadd.s32 $0x11600, s4;
	s24 =	ssub.s32 $0x2, s13;
	s7 =	smul.u32 $0x2710, s6  }
0x9: {  	s15 =	sadd.s32 $0x69800, s4;
	s25 =	sshrl.u32 s24, $0x1;
	s8 =	smul.u32 $0x138800, s6  }
0xa: {  	_ =	strace $0x8000004D;
	s11 =	smul.u32 $0x27100, s6;
	s9 =	ssub.s32 s24, s25  }
0xb: {  	s16 =	sadd.s32 s17, s16;
	s17 =	simm.s32 $0x1;
	s24 =	simm.s32 $0x5  }
0xc: {  	s25 =	simm.s32 $0x6;
	s26 =	sshrl.u32 s7, $0x3;
	s10 =	sadd.s32 $0x50, s7  }
0xd: {  	s29 =	sshrl.u32 s8, $0x3;
	s8 =	smax.u32 s9, $0x1;
	s9 =	sadd.s32 s15, s11  }
0xe: {  	s18 =	sadd.s32 $0x190, s16;
	s16 =	sadd.s32 $0x140, s16;
	s4 =	sadd.s32 s14, s26  }
0xf: {  	s28 =	sshrl.u32 s10, $0x3;
	s7 =	sadd.s32 s15, s29;
	s10 =	sshll.u32 s10, $0x4  }
0x10: {  	s31 =	sshrl.u32 s18, $0x3;
	s16 =	sshrl.u32 s16, $0x3;
	s18 =	simm.s32 $0x50  }
.Ltmp0:
0x11: {  	s26 =	simm.s32 $0x0;
	s5 =	sadd.s32 s14, s28;
	(pc) =	sbr.rel .LBB2_1-.Ltmp0, $4  }
0x12: {  	s6 =	sadd.s32 $0x4D8, s4;
	s7 =	sadd.s32 $0x26C00, s7;
	s10 =	sadd.s32 s15, s10  }
0x13: {  	s11 =	sadd.s32 $0x14, s4;
	s12 =	sadd.s32 $0x1E, s4;
	s15 =	sadd.s32 s30, s15  }
0x14: {  	s13 =	sadd.s32 s31, s14;
	s14 =	sadd.s32 s16, s14;
	s15 =	sadd.s32 s19, s15  }
0x15: {  	s16 =	simm.s32 $0x80;
	s19 =	simm.s32 $0x100;
	s15 =	sadd.s32 $0xF00, s15  }
.LBB2_4:
0x16: {  	[tilespmem:s2], [sflag:$0x1] =	stream.linear.gather [hbm4b:s6+s2], $0x50, $0x38;
	[tilespmem:$0x5100] =	vst v63  }
0x17: {  	_ =	swait.ge [sflag:s24], $0x2800  }
0x18: {  	[sflag:s24] =	ssyncset.done $0x0  }
0x19: {  	[sflag:s24] =	ssyncadd.s32 $0xFFFFD800  }
0x1a: {  	_ =	swait.ge [sflag:s17], $0x50  }
0x1b: {  	[sflag:s17] =	ssyncset.done $0x0  }
0x1c: {  	[sflag:s17] =	ssyncadd.s32 $0xFFFFFFB0  }
0x1d: {  	[tilespmem:s19], [sflag:$0x3] =	stream.indirect.gather [hbm4b:s3+s18], $0x80, s2, s18, $0xb8;
	[tilespmem:$0x5100] =	vst v63  }
0x1e: {  	_ =	swait.ge [sflag:s22], $0x2800  }
0x1f: {  	[sflag:s22] =	ssyncset.done $0x0  }
0x20: {  	s26 =	sadd.s32 $0x1, s26;
	[sflag:s22] =	ssyncadd.s32 $0xFFFFD800  }
0x21: {  	[hbm4b:s7+s2] =	stream.linear.scatter [tilespmem:s19], [sflag:$0x5], $0x2800, $0x38;
	[tilespmem:$0x5100] =	vst v63  }
0x22: {  	p0 =	sne.s32 s26, s8;
	_ =	swait.ge [sflag:s24], $0x2800  }
.Ltmp1:
0x23: {  	[sflag:s24] =	ssyncset.done $0x0;
	(pc) =	sbr.rel @!p0 .LBB2_5-.Ltmp1, $4  }
0x24: {  	[sflag:s24] =	ssyncadd.s32 $0xFFFFD800  }
0x25: {  	_ =	swait.ge [sflag:s25], $0x2800  }
0x26: {  	[sflag:s25] =	ssyncset.done $0x0  }
0x27: {  	[sflag:s25] =	ssyncadd.s32 $0xFFFFD800  }
.LBB2_1:
0x28: {  	[tilespmem:s2], [sflag:$0x1] =	stream.linear.gather [hbm4b:s4+s2], $0x50, $0x38;
	[tilespmem:$0x5100] =	vst v63  }
0x29: {  	_ = 	snop  }
0x2a: {  	[tilespmem:s16], [sflag:$0x2] =	stream.linear.gather [hbm4b:s5+s2], $0x50, $0x38;
	[tilespmem:$0x5100] =	vst v63  }
0x2b: {  	_ =	swait.ge [sflag:s17], $0x50  }
0x2c: {  	[sflag:s17] =	ssyncset.done $0x0  }
0x2d: {  	[sflag:s17] =	ssyncadd.s32 $0xFFFFFFB0  }
0x2e: {  	[tilespmem:s19], [sflag:$0x3] =	stream.indirect.gather [hbm4b:s3+s18], $0x80, s2, s18, $0xb8;
	[tilespmem:$0x5100] =	vst v63  }
0x2f: {  	_ =	swait.ge [sflag:s20], $0x50  }
0x30: {  	[sflag:s20] =	ssyncset.done $0x0  }
0x31: {  	[sflag:s20] =	ssyncadd.s32 $0xFFFFFFB0  }
0x32: {  	[tilespmem:s21], [sflag:$0x4] =	stream.indirect.gather [hbm4b:s3+s18], $0x80, s16, s18, $0xb8;
	[tilespmem:$0x5100] =	vst v63  }
0x33: {  	_ =	swait.ge [sflag:s22], $0x2800  }
0x34: {  	[sflag:s22] =	ssyncset.done $0x0  }
0x35: {  	[sflag:s22] =	ssyncadd.s32 $0xFFFFD800  }
0x36: {  	[hbm4b:s9+s2] =	stream.linear.scatter [tilespmem:s19], [sflag:$0x5], $0x2800, $0x38;
	[tilespmem:$0x5100] =	vst v63  }
0x37: {  	_ =	swait.ge [sflag:s23], $0x2800  }
0x38: {  	[sflag:s23] =	ssyncset.done $0x0  }
0x39: {  	[sflag:s23] =	ssyncadd.s32 $0xFFFFD800  }
0x3a: {  	[hbm4b:s10+s2] =	stream.linear.scatter [tilespmem:s21], [sflag:$0x6], $0x2800, $0x38;
	[tilespmem:$0x5100] =	vst v63  }
0x3b: {  	_ = 	snop  }
0x3c: {  	[tilespmem:s2], [sflag:$0x1] =	stream.linear.gather [hbm4b:s11+s2], $0x50, $0x38;
	[tilespmem:$0x5100] =	vst v63  }
0x3d: {  	s28 =	smov.u32 s15;
	s29 =	simm.s32 $0x0  }
0x3e: {  	[tilespmem:s16], [sflag:$0x2] =	stream.linear.gather [hbm4b:s12+s2], $0x50, $0x38;
	[tilespmem:$0x5100] =	vst v63  }
.LBB2_2:
0x3f: {  	_ =	swait.ge [sflag:s24], $0x2800  }
0x40: {  	[sflag:s24] =	ssyncset.done $0x0  }
0x41: {  	[sflag:s24] =	ssyncadd.s32 $0xFFFFD800  }
0x42: {  	_ =	swait.ge [sflag:s25], $0x2800  }
0x43: {  	[sflag:s25] =	ssyncset.done $0x0  }
0x44: {  	[sflag:s25] =	ssyncadd.s32 $0xFFFFD800  }
0x45: {  	_ =	swait.ge [sflag:s17], $0x50  }
0x46: {  	[sflag:s17] =	ssyncset.done $0x0  }
0x47: {  	[sflag:s17] =	ssyncadd.s32 $0xFFFFFFB0  }
0x48: {  	[tilespmem:s19], [sflag:$0x3] =	stream.indirect.gather [hbm4b:s3+s18], $0x80, s2, s18, $0xb8;
	[tilespmem:$0x5100] =	vst v63  }
0x49: {  	_ =	swait.ge [sflag:s20], $0x50  }
0x4a: {  	[sflag:s20] =	ssyncset.done $0x0  }
0x4b: {  	[sflag:s20] =	ssyncadd.s32 $0xFFFFFFB0  }
0x4c: {  	[tilespmem:s21], [sflag:$0x4] =	stream.indirect.gather [hbm4b:s3+s18], $0x80, s16, s18, $0xb8;
	[tilespmem:$0x5100] =	vst v63  }
0x4d: {  	_ =	swait.ge [sflag:s22], $0x2800  }
0x4e: {  	[sflag:s22] =	ssyncset.done $0x0  }
0x4f: {  	s30 =	sadd.s32 $0xFFFFFB00, s28;
	p0 =	seq.s32 s29, $0x4B0;
	[sflag:s22] =	ssyncadd.s32 $0xFFFFD800  }
0x50: {  	[hbm4b:s30+s2] =	stream.linear.scatter [tilespmem:s19], [sflag:$0x5], $0x2800, $0x38;
	[tilespmem:$0x5100] =	vst v63  }
.Ltmp2:
0x51: {  	_ = 	snop;
	(pc) =	sbr.rel @p0 .LBB2_4-.Ltmp2, $4  }
0x52: {  	_ =	swait.ge [sflag:s23], $0x2800  }
0x53: {  	[sflag:s23] =	ssyncset.done $0x0  }
0x54: {  	[sflag:s23] =	ssyncadd.s32 $0xFFFFD800  }
0x55: {  	[hbm4b:s28+s2] =	stream.linear.scatter [tilespmem:s21], [sflag:$0x6], $0x2800, $0x38;
	[tilespmem:$0x5100] =	vst v63  }
.Ltmp3:
0x56: {  	(pc) =	sbr.rel .LBB2_2-.Ltmp3, $4  }
0x57: {  	s30 =	sadd.s32 s29, s14  }
0x58: {  	[tilespmem:s2], [sflag:$0x1] =	stream.linear.gather [hbm4b:s30+s2], $0x50, $0x38;
	[tilespmem:$0x5100] =	vst v63  }
0x59: {  	s31 =	sadd.s32 s29, s13;
	s29 =	sadd.s32 $0x14, s29;
	s28 =	sadd.s32 $0xA00, s28  }
0x5a: {  	[tilespmem:s16], [sflag:$0x2] =	stream.linear.gather [hbm4b:s31+s2], $0x50, $0x38;
	[tilespmem:$0x5100] =	vst v63  }
.LBB2_5:
0x5b: {  	_ =	sfence.sel $0x180000  }
0x5c: {  	[bflag:$0x0] =	sbarrier.arrive $0xFFFF  }
0x5d: {  	p0 =	sne.s32 s1, $0x0;
	_ =	strace $0x9000004D  }
0x5e: {  	s0 =	sadd.s32 @!p0 $0x100000, s0;
	[bflag:$0x2] =	sbarrier.arrive $0xFFFF  }
0x5f: {  	[sflag:s0] =	ssyncadd.tile.s32 @!p0 $0x1;
	_ =	shalt  }
.Lfunc_end2:
_tile_overlayer_lowered:
.L_overlay_start_2:
0x60: {  	(tag) =	ssettag $0x2  }
0x61: {  	s0 =	rddreg [dreg:$0x0];
	s2 =	stileid.u32  }
0x62: {  	s1 =	rddreg [dreg:$0x1];
	p0 =	sne.s32 s2, $0x0  }
0x63: {  	s3 =	rddreg [dreg:$0x2];
	[bflag:$0x3] =	sbarrier.arrive $0xFFFF;
	s2 =	simm.s32 @!p0 $0x1C07  }
0x64: {  	[timem:s3], [sflag:s2] =	dma.local @!p0 [hbm:s0], s1  }
0x65: {  	s0 =	simm.s32 @!p0 $0x7  }
0x66: {  	_ =	swait.ge @!p0 [sflag:s0], s1  }
0x67: {  	s1 =	ssub.s32 @!p0 $0x0, s1;
	[sflag:s0] =	ssyncset.done @!p0 $0x0  }
0x68: {  	[sflag:s0] =	ssyncadd.s32 @!p0 s1  }
0x69: {  	[bflag:$0x3] =	sbarrier.arrive $0xFFFF  }
0x6a: {  	_ =	shalt  }

</sc_bundles>
